<compile_context>
chip_gen: v7x
topology: tpu7x:2x2x1
jax: 0.10.2.dev20260603
libtpu: 0.0.44.dev20260713+nightly
codegen_flags: <defaults>
</compile_context>

<pallas_src>
import functools

import jax
import jax.numpy as jnp
from jax import lax
from jax.experimental import pallas as pl
from jax.experimental.pallas import tpu as pltpu
from jax.experimental.pallas import tpu_sc as plsc

N = 10000
E = 320000
D_IN = 128
H = 256
D_EMB = 128

NPAD = 10240
NC, NS = 2, 16
NW = NC * NS
CH = 128
NCH = 80
EPW = NCH * CH
EP = NW * EPW
DUMMY = 10200
RPT = NPAD // NS
BS = 1024
GRID = NPAD // BS
BSN = 1000
GRIDN = N // BSN


def _sc_prop(D, gather, NPH=1):
    mesh = plsc.VectorSubcoreMesh(core_axis_name="c", subcore_axis_name="s")
    out_type = jax.ShapeDtypeStruct((NPH, NC, NPAD, D), jnp.float32)
    cparams = pltpu.CompilerParams(use_tc_tiling_on_sc=False)

    if gather:
        scratch = [
            pltpu.VMEM((NCH, CH), jnp.int32),
            [pltpu.VMEM((CH,), jnp.int32) for _ in range(4)],
            pltpu.VMEM((2, CH, D), jnp.float32),
            [pltpu.SemaphoreType.DMA for _ in range(4)],
            pltpu.VMEM_SHARED((NPAD, D), jnp.float32),
            pltpu.VMEM_SHARED((NPAD, D), jnp.float32),
        ]
        NIT = NCH // 4

        @functools.partial(pl.kernel, out_type=out_type, mesh=mesh,
                           scratch_types=scratch, compiler_params=cparams)
        def k(pk_h, tab_h, z_h, out_h, pk_l, slots, rows, sems, tabs, acc):
            cid = lax.axis_index("c")
            sid = lax.axis_index("s")
            wid = sid * NC + cid
            r0 = sid * RPT
            s0s, s0d, s1s, s1d = slots
            sg0, sg1, ss0, ss1 = sems
            pltpu.sync_copy(pk_h.at[wid], pk_l)

            def unpack(c, ssrc, sdst):
                for j in range(CH // 16):
                    v = pk_l[c, pl.ds(j * 16, 16)]
                    ssrc[pl.ds(j * 16, 16)] = lax.shift_right_logical(v, 16)
                    sdst[pl.ds(j * 16, 16)] = lax.bitwise_and(v, 0xFFFF)

            def g_start(ssrc, b, sem):
                pltpu.async_copy(tabs.at[ssrc], rows.at[b], sem)

            def g_wait(ssrc, b, sem):
                pltpu.make_async_copy(tabs.at[ssrc], rows.at[b], sem).wait()

            def s_start(sdst, b, sem):
                pltpu.async_copy(rows.at[b], acc.at[sdst], sem, add=True)

            def s_wait(sdst, b, sem):
                pltpu.make_async_copy(rows.at[b], acc.at[sdst], sem).wait()

            for p in range(NPH):
                pltpu.sync_copy(z_h, acc.at[pl.ds(r0, RPT)])
                pltpu.sync_copy(tab_h.at[p, pl.ds(r0, RPT)],
                                tabs.at[pl.ds(r0, RPT)])
                plsc.subcore_barrier()

                unpack(0, s0s, s0d)
                unpack(1, s1s, s1d)
                g_start(s0s, 0, sg0)
                g_start(s1s, 1, sg1)

                def step(g, carry):
                    c0 = g * 4
                    g_wait(s0s, 0, sg0)
                    s_start(s0d, 0, ss0)
                    g_wait(s1s, 1, sg1)
                    s_start(s1d, 1, ss1)
                    s_wait(s0d, 0, ss0)
                    unpack(c0 + 2, s0s, s0d)
                    g_start(s0s, 0, sg0)
                    s_wait(s1d, 1, ss1)
                    unpack(c0 + 3, s1s, s1d)
                    g_start(s1s, 1, sg1)
                    g_wait(s0s, 0, sg0)
                    s_start(s0d, 0, ss0)
                    g_wait(s1s, 1, sg1)
                    s_start(s1d, 1, ss1)

                    @pl.when(g < NIT - 1)
                    def _():
                        s_wait(s0d, 0, ss0)
                        unpack(c0 + 4, s0s, s0d)
                        g_start(s0s, 0, sg0)
                        s_wait(s1d, 1, ss1)
                        unpack(c0 + 5, s1s, s1d)
                        g_start(s1s, 1, sg1)

                    @pl.when(g == NIT - 1)
                    def _():
                        s_wait(s0d, 0, ss0)
                        s_wait(s1d, 1, ss1)

                    return carry

                lax.fori_loop(0, NIT, step, 0)
                plsc.subcore_barrier()
                pltpu.sync_copy(acc.at[pl.ds(r0, RPT)],
                                out_h.at[p, cid, pl.ds(r0, RPT)])

        return k

    PDG = 8
    scratch = [
        pltpu.VMEM((NCH, CH), jnp.int32),
        pltpu.VMEM((CH, D), jnp.float32),
        pltpu.SemaphoreType.DMA,
        pltpu.VMEM_SHARED((NPAD, D), jnp.float32),
    ]

    @functools.partial(pl.kernel, out_type=out_type, mesh=mesh,
                       scratch_types=scratch, compiler_params=cparams)
    def k(dst_h, ones_h, z_h, out_h, dst_l, ones_v, sem_s, acc):
        cid = lax.axis_index("c")
        sid = lax.axis_index("s")
        wid = sid * NC + cid
        r0 = sid * RPT
        pltpu.sync_copy(z_h, acc.at[pl.ds(r0, RPT)])
        pltpu.sync_copy(ones_h, ones_v)
        pltpu.sync_copy(dst_h.at[wid], dst_l)
        plsc.subcore_barrier()

        def step(g, carry):
            c0 = g * PDG
            sd = [pltpu.async_copy(ones_v, acc.at[dst_l.at[c0 + b]],
                                   sem_s, add=True)
                  for b in range(PDG)]
            for b in range(PDG):
                sd[b].wait()
            return carry

        lax.fori_loop(0, NCH // PDG, step, 0)
        plsc.subcore_barrier()
        pltpu.sync_copy(acc.at[pl.ds(r0, RPT)],
                        out_h.at[0, cid, pl.ds(r0, RPT)])

    return k


_sc_deg = _sc_prop(8, gather=False)
_sc_prop64 = _sc_prop(64, gather=True, NPH=2)
_sc_prop8 = _sc_prop(8, gather=True, NPH=1)


def _tc_scale_body(deg_ref, x_ref, dis_ref, xs_ref):
    deg = deg_ref[0, 0][:, :1] + deg_ref[0, 1][:, :1] + 1.0
    dis = lax.rsqrt(deg)
    dis_ref[...] = dis
    xs = x_ref[...] * dis
    xs_ref[0] = xs[:, :64]
    xs_ref[1] = xs[:, 64:]


def _tc_scale(deg2, x):
    return pl.pallas_call(
        _tc_scale_body,
        grid=(GRIDN,),
        in_specs=[
            pl.BlockSpec((1, NC, BSN, 8), lambda i: (0, 0, i, 0)),
            pl.BlockSpec((BSN, D_IN), lambda i: (i, 0)),
        ],
        out_specs=[
            pl.BlockSpec((BSN, 1), lambda i: (i, 0)),
            pl.BlockSpec((2, BSN, 64), lambda i: (0, i, 0)),
        ],
        out_shape=[
            jax.ShapeDtypeStruct((NPAD, 1), jnp.float32),
            jax.ShapeDtypeStruct((2, NPAD, 64), jnp.float32),
        ],
    )(deg2, x)


def _tc_mlp_body(y2_ref, xs_ref, dis_ref, w1_ref, b1_ref, w2_ref, wo_ref,
                 qs_ref):
    dis = dis_ref[...]
    ya = y2_ref[0, 0] + y2_ref[0, 1] + xs_ref[0]
    yb = y2_ref[1, 0] + y2_ref[1, 1] + xs_ref[1]
    y = dis * jnp.concatenate([ya, yb], axis=1)
    h = jnp.dot(y, w1_ref[...], preferred_element_type=jnp.float32)
    h = jnp.maximum(h + b1_ref[...], 0.0)
    v = jnp.dot(w2_ref[...], wo_ref[...], preferred_element_type=jnp.float32)
    q = jnp.dot(h, v, preferred_element_type=jnp.float32)
    qs_ref[0] = jnp.broadcast_to(dis * q, (BS, 8))


def _tc_mlp(y2, xs, dis, W1, b1, W2, Wo):
    return pl.pallas_call(
        _tc_mlp_body,
        grid=(GRID,),
        in_specs=[
            pl.BlockSpec((2, NC, BS, 64), lambda i: (0, 0, i, 0)),
            pl.BlockSpec((2, BS, 64), lambda i: (0, i, 0)),
            pl.BlockSpec((BS, 1), lambda i: (i, 0)),
            pl.BlockSpec((D_IN, H), lambda i: (0, 0)),
            pl.BlockSpec((1, H), lambda i: (0, 0)),
            pl.BlockSpec((H, D_EMB), lambda i: (0, 0)),
            pl.BlockSpec((D_EMB, 1), lambda i: (0, 0)),
        ],
        out_specs=pl.BlockSpec((1, BS, 8), lambda i: (0, i, 0)),
        out_shape=jax.ShapeDtypeStruct((1, NPAD, 8), jnp.float32),
    )(y2, xs, dis, W1, b1, W2, Wo)


def _tc_loss_body(p2_ref, qs_ref, dis_ref, lab_ref, mask_ref, b2_ref, wo_ref,
                  bo_ref, out_ref, acc_ref):
    i = pl.program_id(0)
    c = jnp.dot(b2_ref[...], wo_ref[...],
                preferred_element_type=jnp.float32) + bo_ref[...]
    pred = dis_ref[...] * (p2_ref[0, 0][:, :1] + p2_ref[0, 1][:, :1]
                           + qs_ref[0][:, :1]) + c
    t = lab_ref[...]
    per = jnp.maximum(pred, 0.0) - pred * t + jnp.log1p(jnp.exp(-jnp.abs(pred)))
    m = mask_ref[...]
    bnum = jnp.sum(jnp.where(m > 0, per, 0.0))
    bden = jnp.sum(m)

    @pl.when(i == 0)
    def _():
        acc_ref[0] = bnum
        acc_ref[1] = bden

    @pl.when(i > 0)
    def _():
        acc_ref[0] = acc_ref[0] + bnum
        acc_ref[1] = acc_ref[1] + bden

    @pl.when(i == pl.num_programs(0) - 1)
    def _():
        out_ref[...] = (acc_ref[0] / acc_ref[1]).reshape(1, 1)


def _tc_loss(p2, qs, dis, lab, maskf, b2, Wo, bo):
    return pl.pallas_call(
        _tc_loss_body,
        grid=(GRIDN,),
        in_specs=[
            pl.BlockSpec((1, NC, BSN, 8), lambda i: (0, 0, i, 0)),
            pl.BlockSpec((1, BSN, 8), lambda i: (0, i, 0)),
            pl.BlockSpec((BSN, 1), lambda i: (i, 0)),
            pl.BlockSpec((BSN, 1), lambda i: (i, 0)),
            pl.BlockSpec((BSN, 1), lambda i: (i, 0)),
            pl.BlockSpec((1, D_EMB), lambda i: (0, 0)),
            pl.BlockSpec((D_EMB, 1), lambda i: (0, 0)),
            pl.BlockSpec((1, 1), lambda i: (0, 0)),
        ],
        out_specs=pl.BlockSpec((1, 1), lambda i: (0, 0)),
        out_shape=jax.ShapeDtypeStruct((1, 1), jnp.float32),
        scratch_shapes=[pltpu.SMEM((2,), jnp.float32)],
    )(p2, qs, dis, lab, maskf, b2, Wo, bo)


def kernel(x, edge_index, mask, labels, W1, b1, W2, b2, Wo, bo):
    src = edge_index[0]
    dst = edge_index[1]
    pad = EP - E
    src_p = jnp.concatenate([src, jnp.zeros((pad,), jnp.int32)])
    dst_p = jnp.concatenate([dst, jnp.full((pad,), DUMMY, jnp.int32)])
    pk3 = ((src_p << 16) | dst_p).reshape(NW, NCH, CH)
    dst3 = dst_p.reshape(NW, NCH, CH)
    ones8 = jnp.ones((CH, 8), jnp.float32)
    z8 = jnp.zeros((RPT, 8), jnp.float32)
    z64 = jnp.zeros((RPT, 64), jnp.float32)

    deg2 = _sc_deg(dst3, ones8, z8)
    dis, xs2 = _tc_scale(deg2, x)
    y2 = _sc_prop64(pk3, xs2, z64)
    qs = _tc_mlp(y2, xs2, dis, W1, b1.reshape(1, H), W2, Wo)
    p2 = _sc_prop8(pk3, qs, z8)

    mf = mask.astype(jnp.float32).reshape(N, 1)
    loss = _tc_loss(p2, qs, dis, labels, mf, b2.reshape(1, D_EMB), Wo,
                    bo.reshape(1, 1))
    return loss.reshape(())

# --- scband reference (transcript-rebuilt; emitter-appended) ---
"""Pipeline reference for scband-clsembedder-75685913690634 (READ-ONLY COPY).

The authoritative reference and input builder live on the scoring server;
editing this copy changes nothing except your own understanding.
"""

import jax, jax.numpy as jnp
import numpy as np

N = 10000
E = 320000
D_IN = 128
H = 256
D_EMB = 128


def setup_inputs(seed: int = 0) -> dict:
    key = jax.random.key(seed)
    ks = jax.random.split(key, 10)
    x = jax.random.normal(ks[0], (N, D_IN), dtype=jnp.float32)
    edge_index = jax.random.randint(ks[1], (2, E), 0, N, dtype=jnp.int32)
    mask = jax.random.randint(ks[2], (N,), 0, 2, dtype=jnp.int32) == 1
    labels = jax.random.uniform(ks[3], (N, 1), dtype=jnp.float32)
    W1 = jax.random.normal(ks[4], (D_IN, H), dtype=jnp.float32) * (1.0 / np.sqrt(D_IN))
    b1 = jnp.zeros((H,), dtype=jnp.float32)
    W2 = jax.random.normal(ks[5], (H, D_EMB), dtype=jnp.float32) * (1.0 / np.sqrt(H))
    b2 = jnp.zeros((D_EMB,), dtype=jnp.float32)
    Wo = jax.random.normal(ks[6], (D_EMB, 1), dtype=jnp.float32) * (1.0 / np.sqrt(D_EMB))
    bo = jnp.zeros((1,), dtype=jnp.float32)
    return {"x": x, "edge_index": edge_index, "mask": mask, "labels": labels,
            "W1": W1, "b1": b1, "W2": W2, "b2": b2, "Wo": Wo, "bo": bo}


def reference(x, edge_index, mask, labels, W1, b1, W2, b2, Wo, bo):
    # GCN (2 layers) with symmetric normalization and self-loops, as in PyG GCNConv
    src = edge_index[0]
    dst = edge_index[1]
    loops = jnp.arange(N, dtype=src.dtype)
    src2 = jnp.concatenate([src, loops])
    dst2 = jnp.concatenate([dst, loops])
    deg = jax.ops.segment_sum(jnp.ones(src2.shape[0], dtype=x.dtype), dst2, num_segments=N)
    dis = jnp.where(deg > 0, jax.lax.rsqrt(jnp.maximum(deg, 1e-12)), 0.0)
    norm = dis[src2] * dis[dst2]

    def gcn_conv(h, W, b):
        h = h @ W
        msgs = h[src2] * norm[:, None]
        agg = jax.ops.segment_sum(msgs, dst2, num_segments=N)
        return agg + b

    h = jax.nn.relu(gcn_conv(x, W1, b1))
    z = gcn_conv(h, W2, b2)
    pred = z @ Wo + bo  # [N, 1] logits

    p = pred
    t = labels
    # BCEWithLogitsLoss (pos_weight=1), numerically-stable formulation, mean reduction
    per_elem = jnp.maximum(p, 0.0) - p * t + jnp.log1p(jnp.exp(-jnp.abs(p)))
    masked = jnp.where(mask[:, None], per_elem, 0.0)
    count = jnp.sum(mask).astype(per_elem.dtype)
    loss = jnp.sum(masked) / count
    return loss

if __name__ == "__main__":
    import jax
    _d = setup_inputs()
    print(jax.jit(kernel)(*tuple(_d.values())))

</pallas_src>

<mosaic_0001>
#map = affine_map<(d0, d1) -> (0, 0, 0)>
#map1 = affine_map<(d0, d1) -> (0, 0)>
#map2 = affine_map<(d0, d1) -> (0, 0, 0, 0)>
module attributes {stable_mosaic.version = 14 : i64} {
  func.func @k(%arg0: i32, %arg1: i32, %arg2: memref<32x80x128xi32, #tpu.memory_space<hbm>>, %arg3: memref<128x8xf32, #tpu.memory_space<hbm>>, %arg4: memref<640x8xf32, #tpu.memory_space<hbm>>, %arg5: memref<1x2x10240x8xf32, #tpu.memory_space<hbm>>, %arg6: memref<80x128xi32, #tpu.memory_space<vmem>>, %arg7: memref<128x8xf32, #tpu.memory_space<vmem>>, %arg8: memref<!tpu.dma_semaphore, #tpu.memory_space<semaphore_mem>>, %arg9: memref<10240x8xf32, #tpu.memory_space<vmem_shared>>) attributes {dimension_semantics = [#tpu.dimension_semantics<core_parallel>, #tpu.dimension_semantics<subcore_parallel>], iteration_bounds = array<i64: 2, 16>, scalar_prefetch = 0 : i64, scratch_operands = 4 : i64, tpu.core_type = #tpu.core_type<sc_vector_subcore>, window_params = [{transform_indices = #map}, {transform_indices = #map1}, {transform_indices = #map1}, {transform_indices = #map2}]} {
    %mul3A = arith.constant 2 : i32
    %mul3A_0 = arith.muli %arg1, %mul3A : i32
    %add3A = arith.addi %mul3A_0, %arg0 : i32
    %mul3A_1 = arith.constant 640 : i32
    %mul3A_2 = arith.muli %arg1, %mul3A_1 : i32
    "tpu.region"() ({
      %run_scoped3A_9 = tpu.sem_alloc : memref<!tpu.dma_semaphore, #tpu.memory_space<semaphore_mem>>
      %dma_start3A = arith.constant 0 : i32
      %dma_start3A_10 = tpu.memref_slice %arg9[%mul3A_2, %dma_start3A] : memref<10240x8xf32, #tpu.memory_space<vmem_shared>> -> memref<640x8xf32, #tpu.memory_space<vmem_shared>>
      tpu.enqueue_dma source(%arg4 : memref<640x8xf32, #tpu.memory_space<hbm>>) target(%dma_start3A_10 : memref<640x8xf32, #tpu.memory_space<vmem_shared>>) target_semaphore(%run_scoped3A_9 : memref<!tpu.dma_semaphore, #tpu.memory_space<semaphore_mem>>)
      %dma_wait3A = arith.constant 0 : i32
      %dma_wait3A_11 = tpu.memref_slice %arg9[%mul3A_2, %dma_wait3A] : memref<10240x8xf32, #tpu.memory_space<vmem_shared>> -> memref<640x8xf32, #tpu.memory_space<vmem_shared>>
      tpu.wait_dma2 semaphore(%run_scoped3A_9 : memref<!tpu.dma_semaphore, #tpu.memory_space<semaphore_mem>>) src(%arg4 : memref<640x8xf32, #tpu.memory_space<hbm>>) dst(%dma_wait3A_11 : memref<640x8xf32, #tpu.memory_space<vmem_shared>>)
      tpu.yield
    }) : () -> ()
    "tpu.region"() ({
      %run_scoped3A_9 = tpu.sem_alloc : memref<!tpu.dma_semaphore, #tpu.memory_space<semaphore_mem>>
      tpu.enqueue_dma source(%arg3 : memref<128x8xf32, #tpu.memory_space<hbm>>) target(%arg7 : memref<128x8xf32, #tpu.memory_space<vmem>>) target_semaphore(%run_scoped3A_9 : memref<!tpu.dma_semaphore, #tpu.memory_space<semaphore_mem>>)
      tpu.wait_dma2 semaphore(%run_scoped3A_9 : memref<!tpu.dma_semaphore, #tpu.memory_space<semaphore_mem>>) src(%arg3 : memref<128x8xf32, #tpu.memory_space<hbm>>) dst(%arg7 : memref<128x8xf32, #tpu.memory_space<vmem>>)
      tpu.yield
    }) : () -> ()
    "tpu.region"() ({
      %run_scoped3A_9 = tpu.sem_alloc : memref<!tpu.dma_semaphore, #tpu.memory_space<semaphore_mem>>
      %dma_start3A = arith.constant 0 : i32
      %dma_start3A_10 = arith.constant 0 : i32
      %dma_start3A_11 = tpu.memref_slice %arg2[%add3A, %dma_start3A, %dma_start3A_10] : memref<32x80x128xi32, #tpu.memory_space<hbm>> -> memref<1x80x128xi32, #tpu.memory_space<hbm>>
      %dma_start3A_12 = tpu.memref_squeeze %dma_start3A_11 : memref<1x80x128xi32, #tpu.memory_space<hbm>> -> memref<80x128xi32, #tpu.memory_space<hbm>>
      %dma_start3A_13 = arith.constant 0 : i32
      %dma_start3A_14 = arith.constant 0 : i32
      %dma_start3A_15 = tpu.memref_slice %arg2[%add3A, %dma_start3A_13, %dma_start3A_14] : memref<32x80x128xi32, #tpu.memory_space<hbm>> -> memref<1x80x128xi32, #tpu.memory_space<hbm>>
      %dma_start3A_16 = tpu.memref_squeeze %dma_start3A_15 : memref<1x80x128xi32, #tpu.memory_space<hbm>> -> memref<80x128xi32, #tpu.memory_space<hbm>>
      tpu.enqueue_dma source(%dma_start3A_16 : memref<80x128xi32, #tpu.memory_space<hbm>>) target(%arg6 : memref<80x128xi32, #tpu.memory_space<vmem>>) target_semaphore(%run_scoped3A_9 : memref<!tpu.dma_semaphore, #tpu.memory_space<semaphore_mem>>)
      %dma_wait3A = arith.constant 0 : i32
      %dma_wait3A_17 = arith.constant 0 : i32
      %dma_wait3A_18 = tpu.memref_slice %arg2[%add3A, %dma_wait3A, %dma_wait3A_17] : memref<32x80x128xi32, #tpu.memory_space<hbm>> -> memref<1x80x128xi32, #tpu.memory_space<hbm>>
      %dma_wait3A_19 = tpu.memref_squeeze %dma_wait3A_18 : memref<1x80x128xi32, #tpu.memory_space<hbm>> -> memref<80x128xi32, #tpu.memory_space<hbm>>
      %dma_wait3A_20 = arith.constant 0 : i32
      %dma_wait3A_21 = arith.constant 0 : i32
      %dma_wait3A_22 = tpu.memref_slice %arg2[%add3A, %dma_wait3A_20, %dma_wait3A_21] : memref<32x80x128xi32, #tpu.memory_space<hbm>> -> memref<1x80x128xi32, #tpu.memory_space<hbm>>
      %dma_wait3A_23 = tpu.memref_squeeze %dma_wait3A_22 : memref<1x80x128xi32, #tpu.memory_space<hbm>> -> memref<80x128xi32, #tpu.memory_space<hbm>>
      tpu.wait_dma2 semaphore(%run_scoped3A_9 : memref<!tpu.dma_semaphore, #tpu.memory_space<semaphore_mem>>) src(%dma_wait3A_23 : memref<80x128xi32, #tpu.memory_space<hbm>>) dst(%arg6 : memref<80x128xi32, #tpu.memory_space<vmem>>)
      tpu.yield
    }) : () -> ()
    %barrier3A = arith.constant 0 : index
    tpu.barrier barrier_id(%barrier3A)
    %scan3A = arith.constant 0 : i32
    %scan3A_3 = arith.constant 0 : i32
    %scan3A_4 = arith.constant 10 : i32
    %scan3A_5 = arith.addi %scan3A_3, %scan3A_4 : i32
    %scan3A_6 = arith.constant 1 : i32
    scf.for %scan3A_9 = %scan3A_3 to %scan3A_5 step %scan3A_6  : i32 {
      %mul3A_10 = arith.constant 8 : i32
      %mul3A_11 = arith.muli %scan3A_9, %mul3A_10 : i32
      %add3A_12 = arith.constant 0 : i32
      %add3A_13 = arith.addi %mul3A_11, %add3A_12 : i32
      %dma_start3A = arith.constant 0 : i32
      %dma_start3A_14 = tpu.memref_slice %arg6[%add3A_13, %dma_start3A] : memref<80x128xi32, #tpu.memory_space<vmem>> -> memref<1x128xi32, #tpu.memory_space<vmem>>
      %dma_start3A_15 = tpu.memref_squeeze %dma_start3A_14 : memref<1x128xi32, #tpu.memory_space<vmem>> -> memref<128xi32, #tpu.memory_space<vmem>>
      %dma_start3A_16 = arith.constant 0 : i32
      %dma_start3A_17 = arith.constant 0 : i32
      %dma_start3A_18 = tpu.memref_slice %arg9[%dma_start3A_16, %dma_start3A_17] : memref<10240x8xf32, #tpu.memory_space<vmem_shared>> -> memref<10240x8xf32, #tpu.memory_space<vmem_shared>>
      tpu.enqueue_indirect_dma source(%arg7 : memref<128x8xf32, #tpu.memory_space<vmem>>) target(%dma_start3A_18 : memref<10240x8xf32, #tpu.memory_space<vmem_shared>>) offsets(%dma_start3A_15 : memref<128xi32, #tpu.memory_space<vmem>>) semaphore(%arg8 : memref<!tpu.dma_semaphore, #tpu.memory_space<semaphore_mem>>) {add = true}
      %add3A_19 = arith.constant 1 : i32
      %add3A_20 = arith.addi %mul3A_11, %add3A_19 : i32
      %dma_start3A_21 = arith.constant 0 : i32
      %dma_start3A_22 = tpu.memref_slice %arg6[%add3A_20, %dma_start3A_21] : memref<80x128xi32, #tpu.memory_space<vmem>> -> memref<1x128xi32, #tpu.memory_space<vmem>>
      %dma_start3A_23 = tpu.memref_squeeze %dma_start3A_22 : memref<1x128xi32, #tpu.memory_space<vmem>> -> memref<128xi32, #tpu.memory_space<vmem>>
      %dma_start3A_24 = arith.constant 0 : i32
      %dma_start3A_25 = arith.constant 0 : i32
      %dma_start3A_26 = tpu.memref_slice %arg9[%dma_start3A_24, %dma_start3A_25] : memref<10240x8xf32, #tpu.memory_space<vmem_shared>> -> memref<10240x8xf32, #tpu.memory_space<vmem_shared>>
      tpu.enqueue_indirect_dma source(%arg7 : memref<128x8xf32, #tpu.memory_space<vmem>>) target(%dma_start3A_26 : memref<10240x8xf32, #tpu.memory_space<vmem_shared>>) offsets(%dma_start3A_23 : memref<128xi32, #tpu.memory_space<vmem>>) semaphore(%arg8 : memref<!tpu.dma_semaphore, #tpu.memory_space<semaphore_mem>>) {add = true}
      %add3A_27 = arith.constant 2 : i32
      %add3A_28 = arith.addi %mul3A_11, %add3A_27 : i32
      %dma_start3A_29 = arith.constant 0 : i32
      %dma_start3A_30 = tpu.memref_slice %arg6[%add3A_28, %dma_start3A_29] : memref<80x128xi32, #tpu.memory_space<vmem>> -> memref<1x128xi32, #tpu.memory_space<vmem>>
      %dma_start3A_31 = tpu.memref_squeeze %dma_start3A_30 : memref<1x128xi32, #tpu.memory_space<vmem>> -> memref<128xi32, #tpu.memory_space<vmem>>
      %dma_start3A_32 = arith.constant 0 : i32
      %dma_start3A_33 = arith.constant 0 : i32
      %dma_start3A_34 = tpu.memref_slice %arg9[%dma_start3A_32, %dma_start3A_33] : memref<10240x8xf32, #tpu.memory_space<vmem_shared>> -> memref<10240x8xf32, #tpu.memory_space<vmem_shared>>
      tpu.enqueue_indirect_dma source(%arg7 : memref<128x8xf32, #tpu.memory_space<vmem>>) target(%dma_start3A_34 : memref<10240x8xf32, #tpu.memory_space<vmem_shared>>) offsets(%dma_start3A_31 : memref<128xi32, #tpu.memory_space<vmem>>) semaphore(%arg8 : memref<!tpu.dma_semaphore, #tpu.memory_space<semaphore_mem>>) {add = true}
      %add3A_35 = arith.constant 3 : i32
      %add3A_36 = arith.addi %mul3A_11, %add3A_35 : i32
      %dma_start3A_37 = arith.constant 0 : i32
      %dma_start3A_38 = tpu.memref_slice %arg6[%add3A_36, %dma_start3A_37] : memref<80x128xi32, #tpu.memory_space<vmem>> -> memref<1x128xi32, #tpu.memory_space<vmem>>
      %dma_start3A_39 = tpu.memref_squeeze %dma_start3A_38 : memref<1x128xi32, #tpu.memory_space<vmem>> -> memref<128xi32, #tpu.memory_space<vmem>>
      %dma_start3A_40 = arith.constant 0 : i32
      %dma_start3A_41 = arith.constant 0 : i32
      %dma_start3A_42 = tpu.memref_slice %arg9[%dma_start3A_40, %dma_start3A_41] : memref<10240x8xf32, #tpu.memory_space<vmem_shared>> -> memref<10240x8xf32, #tpu.memory_space<vmem_shared>>
      tpu.enqueue_indirect_dma source(%arg7 : memref<128x8xf32, #tpu.memory_space<vmem>>) target(%dma_start3A_42 : memref<10240x8xf32, #tpu.memory_space<vmem_shared>>) offsets(%dma_start3A_39 : memref<128xi32, #tpu.memory_space<vmem>>) semaphore(%arg8 : memref<!tpu.dma_semaphore, #tpu.memory_space<semaphore_mem>>) {add = true}
      %add3A_43 = arith.constant 4 : i32
      %add3A_44 = arith.addi %mul3A_11, %add3A_43 : i32
      %dma_start3A_45 = arith.constant 0 : i32
      %dma_start3A_46 = tpu.memref_slice %arg6[%add3A_44, %dma_start3A_45] : memref<80x128xi32, #tpu.memory_space<vmem>> -> memref<1x128xi32, #tpu.memory_space<vmem>>
      %dma_start3A_47 = tpu.memref_squeeze %dma_start3A_46 : memref<1x128xi32, #tpu.memory_space<vmem>> -> memref<128xi32, #tpu.memory_space<vmem>>
      %dma_start3A_48 = arith.constant 0 : i32
      %dma_start3A_49 = arith.constant 0 : i32
      %dma_start3A_50 = tpu.memref_slice %arg9[%dma_start3A_48, %dma_start3A_49] : memref<10240x8xf32, #tpu.memory_space<vmem_shared>> -> memref<10240x8xf32, #tpu.memory_space<vmem_shared>>
      tpu.enqueue_indirect_dma source(%arg7 : memref<128x8xf32, #tpu.memory_space<vmem>>) target(%dma_start3A_50 : memref<10240x8xf32, #tpu.memory_space<vmem_shared>>) offsets(%dma_start3A_47 : memref<128xi32, #tpu.memory_space<vmem>>) semaphore(%arg8 : memref<!tpu.dma_semaphore, #tpu.memory_space<semaphore_mem>>) {add = true}
      %add3A_51 = arith.constant 5 : i32
      %add3A_52 = arith.addi %mul3A_11, %add3A_51 : i32
      %dma_start3A_53 = arith.constant 0 : i32
      %dma_start3A_54 = tpu.memref_slice %arg6[%add3A_52, %dma_start3A_53] : memref<80x128xi32, #tpu.memory_space<vmem>> -> memref<1x128xi32, #tpu.memory_space<vmem>>
      %dma_start3A_55 = tpu.memref_squeeze %dma_start3A_54 : memref<1x128xi32, #tpu.memory_space<vmem>> -> memref<128xi32, #tpu.memory_space<vmem>>
      %dma_start3A_56 = arith.constant 0 : i32
      %dma_start3A_57 = arith.constant 0 : i32
      %dma_start3A_58 = tpu.memref_slice %arg9[%dma_start3A_56, %dma_start3A_57] : memref<10240x8xf32, #tpu.memory_space<vmem_shared>> -> memref<10240x8xf32, #tpu.memory_space<vmem_shared>>
      tpu.enqueue_indirect_dma source(%arg7 : memref<128x8xf32, #tpu.memory_space<vmem>>) target(%dma_start3A_58 : memref<10240x8xf32, #tpu.memory_space<vmem_shared>>) offsets(%dma_start3A_55 : memref<128xi32, #tpu.memory_space<vmem>>) semaphore(%arg8 : memref<!tpu.dma_semaphore, #tpu.memory_space<semaphore_mem>>) {add = true}
      %add3A_59 = arith.constant 6 : i32
      %add3A_60 = arith.addi %mul3A_11, %add3A_59 : i32
      %dma_start3A_61 = arith.constant 0 : i32
      %dma_start3A_62 = tpu.memref_slice %arg6[%add3A_60, %dma_start3A_61] : memref<80x128xi32, #tpu.memory_space<vmem>> -> memref<1x128xi32, #tpu.memory_space<vmem>>
      %dma_start3A_63 = tpu.memref_squeeze %dma_start3A_62 : memref<1x128xi32, #tpu.memory_space<vmem>> -> memref<128xi32, #tpu.memory_space<vmem>>
      %dma_start3A_64 = arith.constant 0 : i32
      %dma_start3A_65 = arith.constant 0 : i32
      %dma_start3A_66 = tpu.memref_slice %arg9[%dma_start3A_64, %dma_start3A_65] : memref<10240x8xf32, #tpu.memory_space<vmem_shared>> -> memref<10240x8xf32, #tpu.memory_space<vmem_shared>>
      tpu.enqueue_indirect_dma source(%arg7 : memref<128x8xf32, #tpu.memory_space<vmem>>) target(%dma_start3A_66 : memref<10240x8xf32, #tpu.memory_space<vmem_shared>>) offsets(%dma_start3A_63 : memref<128xi32, #tpu.memory_space<vmem>>) semaphore(%arg8 : memref<!tpu.dma_semaphore, #tpu.memory_space<semaphore_mem>>) {add = true}
      %add3A_67 = arith.constant 7 : i32
      %add3A_68 = arith.addi %mul3A_11, %add3A_67 : i32
      %dma_start3A_69 = arith.constant 0 : i32
      %dma_start3A_70 = tpu.memref_slice %arg6[%add3A_68, %dma_start3A_69] : memref<80x128xi32, #tpu.memory_space<vmem>> -> memref<1x128xi32, #tpu.memory_space<vmem>>
      %dma_start3A_71 = tpu.memref_squeeze %dma_start3A_70 : memref<1x128xi32, #tpu.memory_space<vmem>> -> memref<128xi32, #tpu.memory_space<vmem>>
      %dma_start3A_72 = arith.constant 0 : i32
      %dma_start3A_73 = arith.constant 0 : i32
      %dma_start3A_74 = tpu.memref_slice %arg9[%dma_start3A_72, %dma_start3A_73] : memref<10240x8xf32, #tpu.memory_space<vmem_shared>> -> memref<10240x8xf32, #tpu.memory_space<vmem_shared>>
      tpu.enqueue_indirect_dma source(%arg7 : memref<128x8xf32, #tpu.memory_space<vmem>>) target(%dma_start3A_74 : memref<10240x8xf32, #tpu.memory_space<vmem_shared>>) offsets(%dma_start3A_71 : memref<128xi32, #tpu.memory_space<vmem>>) semaphore(%arg8 : memref<!tpu.dma_semaphore, #tpu.memory_space<semaphore_mem>>) {add = true}
      %dma_wait3A = arith.constant 0 : i32
      %dma_wait3A_75 = tpu.memref_slice %arg6[%add3A_13, %dma_wait3A] : memref<80x128xi32, #tpu.memory_space<vmem>> -> memref<1x128xi32, #tpu.memory_space<vmem>>
      %dma_wait3A_76 = tpu.memref_squeeze %dma_wait3A_75 : memref<1x128xi32, #tpu.memory_space<vmem>> -> memref<128xi32, #tpu.memory_space<vmem>>
      %dma_wait3A_77 = arith.constant 0 : i32
      %dma_wait3A_78 = arith.constant 0 : i32
      %dma_wait3A_79 = tpu.memref_slice %arg9[%dma_wait3A_77, %dma_wait3A_78] : memref<10240x8xf32, #tpu.memory_space<vmem_shared>> -> memref<10240x8xf32, #tpu.memory_space<vmem_shared>>
      tpu.wait_indirect_dma semaphore(%arg8 : memref<!tpu.dma_semaphore, #tpu.memory_space<semaphore_mem>>) src(%arg7 : memref<128x8xf32, #tpu.memory_space<vmem>>) dst(%dma_wait3A_79 : memref<10240x8xf32, #tpu.memory_space<vmem_shared>>)
      %dma_wait3A_80 = arith.constant 0 : i32
      %dma_wait3A_81 = tpu.memref_slice %arg6[%add3A_20, %dma_wait3A_80] : memref<80x128xi32, #tpu.memory_space<vmem>> -> memref<1x128xi32, #tpu.memory_space<vmem>>
      %dma_wait3A_82 = tpu.memref_squeeze %dma_wait3A_81 : memref<1x128xi32, #tpu.memory_space<vmem>> -> memref<128xi32, #tpu.memory_space<vmem>>
      %dma_wait3A_83 = arith.constant 0 : i32
      %dma_wait3A_84 = arith.constant 0 : i32
      %dma_wait3A_85 = tpu.memref_slice %arg9[%dma_wait3A_83, %dma_wait3A_84] : memref<10240x8xf32, #tpu.memory_space<vmem_shared>> -> memref<10240x8xf32, #tpu.memory_space<vmem_shared>>
      tpu.wait_indirect_dma semaphore(%arg8 : memref<!tpu.dma_semaphore, #tpu.memory_space<semaphore_mem>>) src(%arg7 : memref<128x8xf32, #tpu.memory_space<vmem>>) dst(%dma_wait3A_85 : memref<10240x8xf32, #tpu.memory_space<vmem_shared>>)
      %dma_wait3A_86 = arith.constant 0 : i32
      %dma_wait3A_87 = tpu.memref_slice %arg6[%add3A_28, %dma_wait3A_86] : memref<80x128xi32, #tpu.memory_space<vmem>> -> memref<1x128xi32, #tpu.memory_space<vmem>>
      %dma_wait3A_88 = tpu.memref_squeeze %dma_wait3A_87 : memref<1x128xi32, #tpu.memory_space<vmem>> -> memref<128xi32, #tpu.memory_space<vmem>>
      %dma_wait3A_89 = arith.constant 0 : i32
      %dma_wait3A_90 = arith.constant 0 : i32
      %dma_wait3A_91 = tpu.memref_slice %arg9[%dma_wait3A_89, %dma_wait3A_90] : memref<10240x8xf32, #tpu.memory_space<vmem_shared>> -> memref<10240x8xf32, #tpu.memory_space<vmem_shared>>
      tpu.wait_indirect_dma semaphore(%arg8 : memref<!tpu.dma_semaphore, #tpu.memory_space<semaphore_mem>>) src(%arg7 : memref<128x8xf32, #tpu.memory_space<vmem>>) dst(%dma_wait3A_91 : memref<10240x8xf32, #tpu.memory_space<vmem_shared>>)
      %dma_wait3A_92 = arith.constant 0 : i32
      %dma_wait3A_93 = tpu.memref_slice %arg6[%add3A_36, %dma_wait3A_92] : memref<80x128xi32, #tpu.memory_space<vmem>> -> memref<1x128xi32, #tpu.memory_space<vmem>>
      %dma_wait3A_94 = tpu.memref_squeeze %dma_wait3A_93 : memref<1x128xi32, #tpu.memory_space<vmem>> -> memref<128xi32, #tpu.memory_space<vmem>>
      %dma_wait3A_95 = arith.constant 0 : i32
      %dma_wait3A_96 = arith.constant 0 : i32
      %dma_wait3A_97 = tpu.memref_slice %arg9[%dma_wait3A_95, %dma_wait3A_96] : memref<10240x8xf32, #tpu.memory_space<vmem_shared>> -> memref<10240x8xf32, #tpu.memory_space<vmem_shared>>
      tpu.wait_indirect_dma semaphore(%arg8 : memref<!tpu.dma_semaphore, #tpu.memory_space<semaphore_mem>>) src(%arg7 : memref<128x8xf32, #tpu.memory_space<vmem>>) dst(%dma_wait3A_97 : memref<10240x8xf32, #tpu.memory_space<vmem_shared>>)
      %dma_wait3A_98 = arith.constant 0 : i32
      %dma_wait3A_99 = tpu.memref_slice %arg6[%add3A_44, %dma_wait3A_98] : memref<80x128xi32, #tpu.memory_space<vmem>> -> memref<1x128xi32, #tpu.memory_space<vmem>>
      %dma_wait3A_100 = tpu.memref_squeeze %dma_wait3A_99 : memref<1x128xi32, #tpu.memory_space<vmem>> -> memref<128xi32, #tpu.memory_space<vmem>>
      %dma_wait3A_101 = arith.constant 0 : i32
      %dma_wait3A_102 = arith.constant 0 : i32
      %dma_wait3A_103 = tpu.memref_slice %arg9[%dma_wait3A_101, %dma_wait3A_102] : memref<10240x8xf32, #tpu.memory_space<vmem_shared>> -> memref<10240x8xf32, #tpu.memory_space<vmem_shared>>
      tpu.wait_indirect_dma semaphore(%arg8 : memref<!tpu.dma_semaphore, #tpu.memory_space<semaphore_mem>>) src(%arg7 : memref<128x8xf32, #tpu.memory_space<vmem>>) dst(%dma_wait3A_103 : memref<10240x8xf32, #tpu.memory_space<vmem_shared>>)
      %dma_wait3A_104 = arith.constant 0 : i32
      %dma_wait3A_105 = tpu.memref_slice %arg6[%add3A_52, %dma_wait3A_104] : memref<80x128xi32, #tpu.memory_space<vmem>> -> memref<1x128xi32, #tpu.memory_space<vmem>>
      %dma_wait3A_106 = tpu.memref_squeeze %dma_wait3A_105 : memref<1x128xi32, #tpu.memory_space<vmem>> -> memref<128xi32, #tpu.memory_space<vmem>>
      %dma_wait3A_107 = arith.constant 0 : i32
      %dma_wait3A_108 = arith.constant 0 : i32
      %dma_wait3A_109 = tpu.memref_slice %arg9[%dma_wait3A_107, %dma_wait3A_108] : memref<10240x8xf32, #tpu.memory_space<vmem_shared>> -> memref<10240x8xf32, #tpu.memory_space<vmem_shared>>
      tpu.wait_indirect_dma semaphore(%arg8 : memref<!tpu.dma_semaphore, #tpu.memory_space<semaphore_mem>>) src(%arg7 : memref<128x8xf32, #tpu.memory_space<vmem>>) dst(%dma_wait3A_109 : memref<10240x8xf32, #tpu.memory_space<vmem_shared>>)
      %dma_wait3A_110 = arith.constant 0 : i32
      %dma_wait3A_111 = tpu.memref_slice %arg6[%add3A_60, %dma_wait3A_110] : memref<80x128xi32, #tpu.memory_space<vmem>> -> memref<1x128xi32, #tpu.memory_space<vmem>>
      %dma_wait3A_112 = tpu.memref_squeeze %dma_wait3A_111 : memref<1x128xi32, #tpu.memory_space<vmem>> -> memref<128xi32, #tpu.memory_space<vmem>>
      %dma_wait3A_113 = arith.constant 0 : i32
      %dma_wait3A_114 = arith.constant 0 : i32
      %dma_wait3A_115 = tpu.memref_slice %arg9[%dma_wait3A_113, %dma_wait3A_114] : memref<10240x8xf32, #tpu.memory_space<vmem_shared>> -> memref<10240x8xf32, #tpu.memory_space<vmem_shared>>
      tpu.wait_indirect_dma semaphore(%arg8 : memref<!tpu.dma_semaphore, #tpu.memory_space<semaphore_mem>>) src(%arg7 : memref<128x8xf32, #tpu.memory_space<vmem>>) dst(%dma_wait3A_115 : memref<10240x8xf32, #tpu.memory_space<vmem_shared>>)
      %dma_wait3A_116 = arith.constant 0 : i32
      %dma_wait3A_117 = tpu.memref_slice %arg6[%add3A_68, %dma_wait3A_116] : memref<80x128xi32, #tpu.memory_space<vmem>> -> memref<1x128xi32, #tpu.memory_space<vmem>>
      %dma_wait3A_118 = tpu.memref_squeeze %dma_wait3A_117 : memref<1x128xi32, #tpu.memory_space<vmem>> -> memref<128xi32, #tpu.memory_space<vmem>>
      %dma_wait3A_119 = arith.constant 0 : i32
      %dma_wait3A_120 = arith.constant 0 : i32
      %dma_wait3A_121 = tpu.memref_slice %arg9[%dma_wait3A_119, %dma_wait3A_120] : memref<10240x8xf32, #tpu.memory_space<vmem_shared>> -> memref<10240x8xf32, #tpu.memory_space<vmem_shared>>
      tpu.wait_indirect_dma semaphore(%arg8 : memref<!tpu.dma_semaphore, #tpu.memory_space<semaphore_mem>>) src(%arg7 : memref<128x8xf32, #tpu.memory_space<vmem>>) dst(%dma_wait3A_121 : memref<10240x8xf32, #tpu.memory_space<vmem_shared>>)
    }
    %scan3A_7 = arith.constant 10 : i32
    %barrier3A_8 = arith.constant 0 : index
    tpu.barrier barrier_id(%barrier3A_8)
    %run_scoped3A = arith.constant 0 : i32
    "tpu.region"() ({
      %run_scoped3A_9 = tpu.sem_alloc : memref<!tpu.dma_semaphore, #tpu.memory_space<semaphore_mem>>
      %dma_start3A = arith.constant 0 : i32
      %dma_start3A_10 = tpu.memref_slice %arg5[%run_scoped3A, %arg0, %mul3A_2, %dma_start3A] : memref<1x2x10240x8xf32, #tpu.memory_space<hbm>> -> memref<1x1x640x8xf32, #tpu.memory_space<hbm>>
      %dma_start3A_11 = tpu.memref_squeeze %dma_start3A_10 : memref<1x1x640x8xf32, #tpu.memory_space<hbm>> -> memref<640x8xf32, #tpu.memory_space<hbm>>
      %dma_start3A_12 = arith.constant 0 : i32
      %dma_start3A_13 = tpu.memref_slice %arg9[%mul3A_2, %dma_start3A_12] : memref<10240x8xf32, #tpu.memory_space<vmem_shared>> -> memref<640x8xf32, #tpu.memory_space<vmem_shared>>
      tpu.enqueue_dma source(%dma_start3A_13 : memref<640x8xf32, #tpu.memory_space<vmem_shared>>) target(%dma_start3A_11 : memref<640x8xf32, #tpu.memory_space<hbm>>) target_semaphore(%run_scoped3A_9 : memref<!tpu.dma_semaphore, #tpu.memory_space<semaphore_mem>>)
      %dma_wait3A = arith.constant 0 : i32
      %dma_wait3A_14 = tpu.memref_slice %arg5[%run_scoped3A, %arg0, %mul3A_2, %dma_wait3A] : memref<1x2x10240x8xf32, #tpu.memory_space<hbm>> -> memref<1x1x640x8xf32, #tpu.memory_space<hbm>>
      %dma_wait3A_15 = tpu.memref_squeeze %dma_wait3A_14 : memref<1x1x640x8xf32, #tpu.memory_space<hbm>> -> memref<640x8xf32, #tpu.memory_space<hbm>>
      %dma_wait3A_16 = arith.constant 0 : i32
      %dma_wait3A_17 = tpu.memref_slice %arg9[%mul3A_2, %dma_wait3A_16] : memref<10240x8xf32, #tpu.memory_space<vmem_shared>> -> memref<640x8xf32, #tpu.memory_space<vmem_shared>>
      tpu.wait_dma2 semaphore(%run_scoped3A_9 : memref<!tpu.dma_semaphore, #tpu.memory_space<semaphore_mem>>) src(%dma_wait3A_17 : memref<640x8xf32, #tpu.memory_space<vmem_shared>>) dst(%dma_wait3A_15 : memref<640x8xf32, #tpu.memory_space<hbm>>)
      tpu.yield
    }) : () -> ()
    return
  }
}

#map = affine_map<(d0, d1) -> (0, 0, 0)>
#map1 = affine_map<(d0, d1) -> (0, 0)>
#map2 = affine_map<(d0, d1) -> (0, 0, 0, 0)>
module attributes {stable_mosaic.version = 14 : i64} {
  func.func @k(%arg0: i32, %arg1: i32, %arg2: memref<32x80x128xi32, #tpu.memory_space<hbm>>, %arg3: memref<1x10240x8xf32, #tpu.memory_space<hbm>>, %arg4: memref<640x8xf32, #tpu.memory_space<hbm>>, %arg5: memref<1x2x10240x8xf32, #tpu.memory_space<hbm>>, %arg6: memref<80x128xi32, #tpu.memory_space<vmem>>, %arg7: memref<128xi32, #tpu.memory_space<vmem>>, %arg8: memref<128xi32, #tpu.memory_space<vmem>>, %arg9: memref<128xi32, #tpu.memory_space<vmem>>, %arg10: memref<128xi32, #tpu.memory_space<vmem>>, %arg11: memref<2x128x8xf32, #tpu.memory_space<vmem>>, %arg12: memref<!tpu.dma_semaphore, #tpu.memory_space<semaphore_mem>>, %arg13: memref<!tpu.dma_semaphore, #tpu.memory_space<semaphore_mem>>, %arg14: memref<!tpu.dma_semaphore, #tpu.memory_space<semaphore_mem>>, %arg15: memref<!tpu.dma_semaphore, #tpu.memory_space<semaphore_mem>>, %arg16: memref<10240x8xf32, #tpu.memory_space<vmem_shared>>, %arg17: memref<10240x8xf32, #tpu.memory_space<vmem_shared>>) attributes {dimension_semantics = [#tpu.dimension_semantics<core_parallel>, #tpu.dimension_semantics<subcore_parallel>], iteration_bounds = array<i64: 2, 16>, scalar_prefetch = 0 : i64, scratch_operands = 12 : i64, tpu.core_type = #tpu.core_type<sc_vector_subcore>, window_params = [{transform_indices = #map}, {transform_indices = #map}, {transform_indices = #map1}, {transform_indices = #map2}]} {
    %mul3A = arith.constant 2 : i32
    %mul3A_0 = arith.muli %arg1, %mul3A : i32
    %add3A = arith.addi %mul3A_0, %arg0 : i32
    %mul3A_1 = arith.constant 640 : i32
    %mul3A_2 = arith.muli %arg1, %mul3A_1 : i32
    "tpu.region"() ({
      %run_scoped3A_325 = tpu.sem_alloc : memref<!tpu.dma_semaphore, #tpu.memory_space<semaphore_mem>>
      %dma_start3A_326 = arith.constant 0 : i32
      %dma_start3A_327 = arith.constant 0 : i32
      %dma_start3A_328 = tpu.memref_slice %arg2[%add3A, %dma_start3A_326, %dma_start3A_327] : memref<32x80x128xi32, #tpu.memory_space<hbm>> -> memref<1x80x128xi32, #tpu.memory_space<hbm>>
      %dma_start3A_329 = tpu.memref_squeeze %dma_start3A_328 : memref<1x80x128xi32, #tpu.memory_space<hbm>> -> memref<80x128xi32, #tpu.memory_space<hbm>>
      %dma_start3A_330 = arith.constant 0 : i32
      %dma_start3A_331 = arith.constant 0 : i32
      %dma_start3A_332 = tpu.memref_slice %arg2[%add3A, %dma_start3A_330, %dma_start3A_331] : memref<32x80x128xi32, #tpu.memory_space<hbm>> -> memref<1x80x128xi32, #tpu.memory_space<hbm>>
      %dma_start3A_333 = tpu.memref_squeeze %dma_start3A_332 : memref<1x80x128xi32, #tpu.memory_space<hbm>> -> memref<80x128xi32, #tpu.memory_space<hbm>>
      tpu.enqueue_dma source(%dma_start3A_333 : memref<80x128xi32, #tpu.memory_space<hbm>>) target(%arg6 : memref<80x128xi32, #tpu.memory_space<vmem>>) target_semaphore(%run_scoped3A_325 : memref<!tpu.dma_semaphore, #tpu.memory_space<semaphore_mem>>)
      %dma_wait3A = arith.constant 0 : i32
      %dma_wait3A_334 = arith.constant 0 : i32
      %dma_wait3A_335 = tpu.memref_slice %arg2[%add3A, %dma_wait3A, %dma_wait3A_334] : memref<32x80x128xi32, #tpu.memory_space<hbm>> -> memref<1x80x128xi32, #tpu.memory_space<hbm>>
      %dma_wait3A_336 = tpu.memref_squeeze %dma_wait3A_335 : memref<1x80x128xi32, #tpu.memory_space<hbm>> -> memref<80x128xi32, #tpu.memory_space<hbm>>
      %dma_wait3A_337 = arith.constant 0 : i32
      %dma_wait3A_338 = arith.constant 0 : i32
      %dma_wait3A_339 = tpu.memref_slice %arg2[%add3A, %dma_wait3A_337, %dma_wait3A_338] : memref<32x80x128xi32, #tpu.memory_space<hbm>> -> memref<1x80x128xi32, #tpu.memory_space<hbm>>
      %dma_wait3A_340 = tpu.memref_squeeze %dma_wait3A_339 : memref<1x80x128xi32, #tpu.memory_space<hbm>> -> memref<80x128xi32, #tpu.memory_space<hbm>>
      tpu.wait_dma2 semaphore(%run_scoped3A_325 : memref<!tpu.dma_semaphore, #tpu.memory_space<semaphore_mem>>) src(%dma_wait3A_340 : memref<80x128xi32, #tpu.memory_space<hbm>>) dst(%arg6 : memref<80x128xi32, #tpu.memory_space<vmem>>)
      tpu.yield
    }) : () -> ()
    "tpu.region"() ({
      %run_scoped3A_325 = tpu.sem_alloc : memref<!tpu.dma_semaphore, #tpu.memory_space<semaphore_mem>>
      %dma_start3A_326 = arith.constant 0 : i32
      %dma_start3A_327 = tpu.memref_slice %arg17[%mul3A_2, %dma_start3A_326] : memref<10240x8xf32, #tpu.memory_space<vmem_shared>> -> memref<640x8xf32, #tpu.memory_space<vmem_shared>>
      tpu.enqueue_dma source(%arg4 : memref<640x8xf32, #tpu.memory_space<hbm>>) target(%dma_start3A_327 : memref<640x8xf32, #tpu.memory_space<vmem_shared>>) target_semaphore(%run_scoped3A_325 : memref<!tpu.dma_semaphore, #tpu.memory_space<semaphore_mem>>)
      %dma_wait3A = arith.constant 0 : i32
      %dma_wait3A_328 = tpu.memref_slice %arg17[%mul3A_2, %dma_wait3A] : memref<10240x8xf32, #tpu.memory_space<vmem_shared>> -> memref<640x8xf32, #tpu.memory_space<vmem_shared>>
      tpu.wait_dma2 semaphore(%run_scoped3A_325 : memref<!tpu.dma_semaphore, #tpu.memory_space<semaphore_mem>>) src(%arg4 : memref<640x8xf32, #tpu.memory_space<hbm>>) dst(%dma_wait3A_328 : memref<640x8xf32, #tpu.memory_space<vmem_shared>>)
      tpu.yield
    }) : () -> ()
    %run_scoped3A = arith.constant 0 : i32
    "tpu.region"() ({
      %run_scoped3A_325 = tpu.sem_alloc : memref<!tpu.dma_semaphore, #tpu.memory_space<semaphore_mem>>
      %dma_start3A_326 = arith.constant 0 : i32
      %dma_start3A_327 = tpu.memref_slice %arg16[%mul3A_2, %dma_start3A_326] : memref<10240x8xf32, #tpu.memory_space<vmem_shared>> -> memref<640x8xf32, #tpu.memory_space<vmem_shared>>
      %dma_start3A_328 = arith.constant 0 : i32
      %dma_start3A_329 = tpu.memref_slice %arg3[%run_scoped3A, %mul3A_2, %dma_start3A_328] : memref<1x10240x8xf32, #tpu.memory_space<hbm>> -> memref<1x640x8xf32, #tpu.memory_space<hbm>>
      %dma_start3A_330 = tpu.memref_squeeze %dma_start3A_329 : memref<1x640x8xf32, #tpu.memory_space<hbm>> -> memref<640x8xf32, #tpu.memory_space<hbm>>
      tpu.enqueue_dma source(%dma_start3A_330 : memref<640x8xf32, #tpu.memory_space<hbm>>) target(%dma_start3A_327 : memref<640x8xf32, #tpu.memory_space<vmem_shared>>) target_semaphore(%run_scoped3A_325 : memref<!tpu.dma_semaphore, #tpu.memory_space<semaphore_mem>>)
      %dma_wait3A = arith.constant 0 : i32
      %dma_wait3A_331 = tpu.memref_slice %arg16[%mul3A_2, %dma_wait3A] : memref<10240x8xf32, #tpu.memory_space<vmem_shared>> -> memref<640x8xf32, #tpu.memory_space<vmem_shared>>
      %dma_wait3A_332 = arith.constant 0 : i32
      %dma_wait3A_333 = tpu.memref_slice %arg3[%run_scoped3A, %mul3A_2, %dma_wait3A_332] : memref<1x10240x8xf32, #tpu.memory_space<hbm>> -> memref<1x640x8xf32, #tpu.memory_space<hbm>>
      %dma_wait3A_334 = tpu.memref_squeeze %dma_wait3A_333 : memref<1x640x8xf32, #tpu.memory_space<hbm>> -> memref<640x8xf32, #tpu.memory_space<hbm>>
      tpu.wait_dma2 semaphore(%run_scoped3A_325 : memref<!tpu.dma_semaphore, #tpu.memory_space<semaphore_mem>>) src(%dma_wait3A_334 : memref<640x8xf32, #tpu.memory_space<hbm>>) dst(%dma_wait3A_331 : memref<640x8xf32, #tpu.memory_space<vmem_shared>>)
      tpu.yield
    }) : () -> ()
    %barrier3A = arith.constant 0 : index
    tpu.barrier barrier_id(%barrier3A)
    %get3A = arith.constant 0 : i32
    %get3A_3 = arith.index_cast %get3A : i32 to index
    %get3A_4 = arith.constant 0 : index
    %get3A_5 = tpu.vector_load %arg6[%get3A_3, %get3A_4] {strides = array<i32>} : memref<80x128xi32, #tpu.memory_space<vmem>>, vector<1x16xi32>,
    %get3A_6 = vector.shape_cast %get3A_5 : vector<1x16xi32> to vector<16xi32>
    %shift_right_logical3A = arith.constant 16 : i32
    %shift_right_logical3A_7 = vector.broadcast %shift_right_logical3A : i32 to vector<16xi32>
    %shift_right_logical3A_8 = arith.shrui %get3A_6, %shift_right_logical3A_7 : vector<16xi32>
    %swap3A = arith.constant 0 : index
    %swap3A_9 = tpu.vector_load %arg7[%swap3A] {strides = array<i32>} : memref<128xi32, #tpu.memory_space<vmem>>, vector<16xi32>,
    %swap3A_10 = vector.shape_cast %swap3A_9 : vector<16xi32> to vector<16xi32>
    %swap3A_11 = vector.shape_cast %shift_right_logical3A_8 : vector<16xi32> to vector<16xi32>
    tpu.vector_store %arg7[%swap3A], %swap3A_11 {strides = array<i32>} : memref<128xi32, #tpu.memory_space<vmem>>, vector<16xi32>,
    %and3A = arith.constant 65535 : i32
    %and3A_12 = vector.broadcast %and3A : i32 to vector<16xi32>
    %and3A_13 = arith.andi %get3A_6, %and3A_12 : vector<16xi32>
    %swap3A_14 = arith.constant 0 : index
    %swap3A_15 = tpu.vector_load %arg8[%swap3A_14] {strides = array<i32>} : memref<128xi32, #tpu.memory_space<vmem>>, vector<16xi32>,
    %swap3A_16 = vector.shape_cast %swap3A_15 : vector<16xi32> to vector<16xi32>
    %swap3A_17 = vector.shape_cast %and3A_13 : vector<16xi32> to vector<16xi32>
    tpu.vector_store %arg8[%swap3A_14], %swap3A_17 {strides = array<i32>} : memref<128xi32, #tpu.memory_space<vmem>>, vector<16xi32>,
    %get3A_18 = arith.constant 0 : i32
    %get3A_19 = arith.index_cast %get3A_18 : i32 to index
    %get3A_20 = arith.constant 16 : index
    %get3A_21 = tpu.vector_load %arg6[%get3A_19, %get3A_20] {strides = array<i32>} : memref<80x128xi32, #tpu.memory_space<vmem>>, vector<1x16xi32>,
    %get3A_22 = vector.shape_cast %get3A_21 : vector<1x16xi32> to vector<16xi32>
    %shift_right_logical3A_23 = arith.constant 16 : i32
    %shift_right_logical3A_24 = vector.broadcast %shift_right_logical3A_23 : i32 to vector<16xi32>
    %shift_right_logical3A_25 = arith.shrui %get3A_22, %shift_right_logical3A_24 : vector<16xi32>
    %swap3A_26 = arith.constant 16 : index
    %swap3A_27 = tpu.vector_load %arg7[%swap3A_26] {strides = array<i32>} : memref<128xi32, #tpu.memory_space<vmem>>, vector<16xi32>,
    %swap3A_28 = vector.shape_cast %swap3A_27 : vector<16xi32> to vector<16xi32>
    %swap3A_29 = vector.shape_cast %shift_right_logical3A_25 : vector<16xi32> to vector<16xi32>
    tpu.vector_store %arg7[%swap3A_26], %swap3A_29 {strides = array<i32>} : memref<128xi32, #tpu.memory_space<vmem>>, vector<16xi32>,
    %and3A_30 = arith.constant 65535 : i32
    %and3A_31 = vector.broadcast %and3A_30 : i32 to vector<16xi32>
    %and3A_32 = arith.andi %get3A_22, %and3A_31 : vector<16xi32>
    %swap3A_33 = arith.constant 16 : index
    %swap3A_34 = tpu.vector_load %arg8[%swap3A_33] {strides = array<i32>} : memref<128xi32, #tpu.memory_space<vmem>>, vector<16xi32>,
    %swap3A_35 = vector.shape_cast %swap3A_34 : vector<16xi32> to vector<16xi32>
    %swap3A_36 = vector.shape_cast %and3A_32 : vector<16xi32> to vector<16xi32>
    tpu.vector_store %arg8[%swap3A_33], %swap3A_36 {strides = array<i32>} : memref<128xi32, #tpu.memory_space<vmem>>, vector<16xi32>,
    %get3A_37 = arith.constant 0 : i32
    %get3A_38 = arith.index_cast %get3A_37 : i32 to index
    %get3A_39 = arith.constant 32 : index
    %get3A_40 = tpu.vector_load %arg6[%get3A_38, %get3A_39] {strides = array<i32>} : memref<80x128xi32, #tpu.memory_space<vmem>>, vector<1x16xi32>,
    %get3A_41 = vector.shape_cast %get3A_40 : vector<1x16xi32> to vector<16xi32>
    %shift_right_logical3A_42 = arith.constant 16 : i32
    %shift_right_logical3A_43 = vector.broadcast %shift_right_logical3A_42 : i32 to vector<16xi32>
    %shift_right_logical3A_44 = arith.shrui %get3A_41, %shift_right_logical3A_43 : vector<16xi32>
    %swap3A_45 = arith.constant 32 : index
    %swap3A_46 = tpu.vector_load %arg7[%swap3A_45] {strides = array<i32>} : memref<128xi32, #tpu.memory_space<vmem>>, vector<16xi32>,
    %swap3A_47 = vector.shape_cast %swap3A_46 : vector<16xi32> to vector<16xi32>
    %swap3A_48 = vector.shape_cast %shift_right_logical3A_44 : vector<16xi32> to vector<16xi32>
    tpu.vector_store %arg7[%swap3A_45], %swap3A_48 {strides = array<i32>} : memref<128xi32, #tpu.memory_space<vmem>>, vector<16xi32>,
    %and3A_49 = arith.constant 65535 : i32
    %and3A_50 = vector.broadcast %and3A_49 : i32 to vector<16xi32>
    %and3A_51 = arith.andi %get3A_41, %and3A_50 : vector<16xi32>
    %swap3A_52 = arith.constant 32 : index
    %swap3A_53 = tpu.vector_load %arg8[%swap3A_52] {strides = array<i32>} : memref<128xi32, #tpu.memory_space<vmem>>, vector<16xi32>,
    %swap3A_54 = vector.shape_cast %swap3A_53 : vector<16xi32> to vector<16xi32>
    %swap3A_55 = vector.shape_cast %and3A_51 : vector<16xi32> to vector<16xi32>
    tpu.vector_store %arg8[%swap3A_52], %swap3A_55 {strides = array<i32>} : memref<128xi32, #tpu.memory_space<vmem>>, vector<16xi32>,
    %get3A_56 = arith.constant 0 : i32
    %get3A_57 = arith.index_cast %get3A_56 : i32 to index
    %get3A_58 = arith.constant 48 : index
    %get3A_59 = tpu.vector_load %arg6[%get3A_57, %get3A_58] {strides = array<i32>} : memref<80x128xi32, #tpu.memory_space<vmem>>, vector<1x16xi32>,
    %get3A_60 = vector.shape_cast %get3A_59 : vector<1x16xi32> to vector<16xi32>
    %shift_right_logical3A_61 = arith.constant 16 : i32
    %shift_right_logical3A_62 = vector.broadcast %shift_right_logical3A_61 : i32 to vector<16xi32>
    %shift_right_logical3A_63 = arith.shrui %get3A_60, %shift_right_logical3A_62 : vector<16xi32>
    %swap3A_64 = arith.constant 48 : index
    %swap3A_65 = tpu.vector_load %arg7[%swap3A_64] {strides = array<i32>} : memref<128xi32, #tpu.memory_space<vmem>>, vector<16xi32>,
    %swap3A_66 = vector.shape_cast %swap3A_65 : vector<16xi32> to vector<16xi32>
    %swap3A_67 = vector.shape_cast %shift_right_logical3A_63 : vector<16xi32> to vector<16xi32>
    tpu.vector_store %arg7[%swap3A_64], %swap3A_67 {strides = array<i32>} : memref<128xi32, #tpu.memory_space<vmem>>, vector<16xi32>,
    %and3A_68 = arith.constant 65535 : i32
    %and3A_69 = vector.broadcast %and3A_68 : i32 to vector<16xi32>
    %and3A_70 = arith.andi %get3A_60, %and3A_69 : vector<16xi32>
    %swap3A_71 = arith.constant 48 : index
    %swap3A_72 = tpu.vector_load %arg8[%swap3A_71] {strides = array<i32>} : memref<128xi32, #tpu.memory_space<vmem>>, vector<16xi32>,
    %swap3A_73 = vector.shape_cast %swap3A_72 : vector<16xi32> to vector<16xi32>
    %swap3A_74 = vector.shape_cast %and3A_70 : vector<16xi32> to vector<16xi32>
    tpu.vector_store %arg8[%swap3A_71], %swap3A_74 {strides = array<i32>} : memref<128xi32, #tpu.memory_space<vmem>>, vector<16xi32>,
    %get3A_75 = arith.constant 0 : i32
    %get3A_76 = arith.index_cast %get3A_75 : i32 to index
    %get3A_77 = arith.constant 64 : index
    %get3A_78 = tpu.vector_load %arg6[%get3A_76, %get3A_77] {strides = array<i32>} : memref<80x128xi32, #tpu.memory_space<vmem>>, vector<1x16xi32>,
    %get3A_79 = vector.shape_cast %get3A_78 : vector<1x16xi32> to vector<16xi32>
    %shift_right_logical3A_80 = arith.constant 16 : i32
    %shift_right_logical3A_81 = vector.broadcast %shift_right_logical3A_80 : i32 to vector<16xi32>
    %shift_right_logical3A_82 = arith.shrui %get3A_79, %shift_right_logical3A_81 : vector<16xi32>
    %swap3A_83 = arith.constant 64 : index
    %swap3A_84 = tpu.vector_load %arg7[%swap3A_83] {strides = array<i32>} : memref<128xi32, #tpu.memory_space<vmem>>, vector<16xi32>,
    %swap3A_85 = vector.shape_cast %swap3A_84 : vector<16xi32> to vector<16xi32>
    %swap3A_86 = vector.shape_cast %shift_right_logical3A_82 : vector<16xi32> to vector<16xi32>
    tpu.vector_store %arg7[%swap3A_83], %swap3A_86 {strides = array<i32>} : memref<128xi32, #tpu.memory_space<vmem>>, vector<16xi32>,
    %and3A_87 = arith.constant 65535 : i32
    %and3A_88 = vector.broadcast %and3A_87 : i32 to vector<16xi32>
    %and3A_89 = arith.andi %get3A_79, %and3A_88 : vector<16xi32>
    %swap3A_90 = arith.constant 64 : index
    %swap3A_91 = tpu.vector_load %arg8[%swap3A_90] {strides = array<i32>} : memref<128xi32, #tpu.memory_space<vmem>>, vector<16xi32>,
    %swap3A_92 = vector.shape_cast %swap3A_91 : vector<16xi32> to vector<16xi32>
    %swap3A_93 = vector.shape_cast %and3A_89 : vector<16xi32> to vector<16xi32>
    tpu.vector_store %arg8[%swap3A_90], %swap3A_93 {strides = array<i32>} : memref<128xi32, #tpu.memory_space<vmem>>, vector<16xi32>,
    %get3A_94 = arith.constant 0 : i32
    %get3A_95 = arith.index_cast %get3A_94 : i32 to index
    %get3A_96 = arith.constant 80 : index
    %get3A_97 = tpu.vector_load %arg6[%get3A_95, %get3A_96] {strides = array<i32>} : memref<80x128xi32, #tpu.memory_space<vmem>>, vector<1x16xi32>,
    %get3A_98 = vector.shape_cast %get3A_97 : vector<1x16xi32> to vector<16xi32>
    %shift_right_logical3A_99 = arith.constant 16 : i32
    %shift_right_logical3A_100 = vector.broadcast %shift_right_logical3A_99 : i32 to vector<16xi32>
    %shift_right_logical3A_101 = arith.shrui %get3A_98, %shift_right_logical3A_100 : vector<16xi32>
    %swap3A_102 = arith.constant 80 : index
    %swap3A_103 = tpu.vector_load %arg7[%swap3A_102] {strides = array<i32>} : memref<128xi32, #tpu.memory_space<vmem>>, vector<16xi32>,
    %swap3A_104 = vector.shape_cast %swap3A_103 : vector<16xi32> to vector<16xi32>
    %swap3A_105 = vector.shape_cast %shift_right_logical3A_101 : vector<16xi32> to vector<16xi32>
    tpu.vector_store %arg7[%swap3A_102], %swap3A_105 {strides = array<i32>} : memref<128xi32, #tpu.memory_space<vmem>>, vector<16xi32>,
    %and3A_106 = arith.constant 65535 : i32
    %and3A_107 = vector.broadcast %and3A_106 : i32 to vector<16xi32>
    %and3A_108 = arith.andi %get3A_98, %and3A_107 : vector<16xi32>
    %swap3A_109 = arith.constant 80 : index
    %swap3A_110 = tpu.vector_load %arg8[%swap3A_109] {strides = array<i32>} : memref<128xi32, #tpu.memory_space<vmem>>, vector<16xi32>,
    %swap3A_111 = vector.shape_cast %swap3A_110 : vector<16xi32> to vector<16xi32>
    %swap3A_112 = vector.shape_cast %and3A_108 : vector<16xi32> to vector<16xi32>
    tpu.vector_store %arg8[%swap3A_109], %swap3A_112 {strides = array<i32>} : memref<128xi32, #tpu.memory_space<vmem>>, vector<16xi32>,
    %get3A_113 = arith.constant 0 : i32
    %get3A_114 = arith.index_cast %get3A_113 : i32 to index
    %get3A_115 = arith.constant 96 : index
    %get3A_116 = tpu.vector_load %arg6[%get3A_114, %get3A_115] {strides = array<i32>} : memref<80x128xi32, #tpu.memory_space<vmem>>, vector<1x16xi32>,
    %get3A_117 = vector.shape_cast %get3A_116 : vector<1x16xi32> to vector<16xi32>
    %shift_right_logical3A_118 = arith.constant 16 : i32
    %shift_right_logical3A_119 = vector.broadcast %shift_right_logical3A_118 : i32 to vector<16xi32>
    %shift_right_logical3A_120 = arith.shrui %get3A_117, %shift_right_logical3A_119 : vector<16xi32>
    %swap3A_121 = arith.constant 96 : index
    %swap3A_122 = tpu.vector_load %arg7[%swap3A_121] {strides = array<i32>} : memref<128xi32, #tpu.memory_space<vmem>>, vector<16xi32>,
    %swap3A_123 = vector.shape_cast %swap3A_122 : vector<16xi32> to vector<16xi32>
    %swap3A_124 = vector.shape_cast %shift_right_logical3A_120 : vector<16xi32> to vector<16xi32>
    tpu.vector_store %arg7[%swap3A_121], %swap3A_124 {strides = array<i32>} : memref<128xi32, #tpu.memory_space<vmem>>, vector<16xi32>,
    %and3A_125 = arith.constant 65535 : i32
    %and3A_126 = vector.broadcast %and3A_125 : i32 to vector<16xi32>
    %and3A_127 = arith.andi %get3A_117, %and3A_126 : vector<16xi32>
    %swap3A_128 = arith.constant 96 : index
    %swap3A_129 = tpu.vector_load %arg8[%swap3A_128] {strides = array<i32>} : memref<128xi32, #tpu.memory_space<vmem>>, vector<16xi32>,
    %swap3A_130 = vector.shape_cast %swap3A_129 : vector<16xi32> to vector<16xi32>
    %swap3A_131 = vector.shape_cast %and3A_127 : vector<16xi32> to vector<16xi32>
    tpu.vector_store %arg8[%swap3A_128], %swap3A_131 {strides = array<i32>} : memref<128xi32, #tpu.memory_space<vmem>>, vector<16xi32>,
    %get3A_132 = arith.constant 0 : i32
    %get3A_133 = arith.index_cast %get3A_132 : i32 to index
    %get3A_134 = arith.constant 112 : index
    %get3A_135 = tpu.vector_load %arg6[%get3A_133, %get3A_134] {strides = array<i32>} : memref<80x128xi32, #tpu.memory_space<vmem>>, vector<1x16xi32>,
    %get3A_136 = vector.shape_cast %get3A_135 : vector<1x16xi32> to vector<16xi32>
    %shift_right_logical3A_137 = arith.constant 16 : i32
    %shift_right_logical3A_138 = vector.broadcast %shift_right_logical3A_137 : i32 to vector<16xi32>
    %shift_right_logical3A_139 = arith.shrui %get3A_136, %shift_right_logical3A_138 : vector<16xi32>
    %swap3A_140 = arith.constant 112 : index
    %swap3A_141 = tpu.vector_load %arg7[%swap3A_140] {strides = array<i32>} : memref<128xi32, #tpu.memory_space<vmem>>, vector<16xi32>,
    %swap3A_142 = vector.shape_cast %swap3A_141 : vector<16xi32> to vector<16xi32>
    %swap3A_143 = vector.shape_cast %shift_right_logical3A_139 : vector<16xi32> to vector<16xi32>
    tpu.vector_store %arg7[%swap3A_140], %swap3A_143 {strides = array<i32>} : memref<128xi32, #tpu.memory_space<vmem>>, vector<16xi32>,
    %and3A_144 = arith.constant 65535 : i32
    %and3A_145 = vector.broadcast %and3A_144 : i32 to vector<16xi32>
    %and3A_146 = arith.andi %get3A_136, %and3A_145 : vector<16xi32>
    %swap3A_147 = arith.constant 112 : index
    %swap3A_148 = tpu.vector_load %arg8[%swap3A_147] {strides = array<i32>} : memref<128xi32, #tpu.memory_space<vmem>>, vector<16xi32>,
    %swap3A_149 = vector.shape_cast %swap3A_148 : vector<16xi32> to vector<16xi32>
    %swap3A_150 = vector.shape_cast %and3A_146 : vector<16xi32> to vector<16xi32>
    tpu.vector_store %arg8[%swap3A_147], %swap3A_150 {strides = array<i32>} : memref<128xi32, #tpu.memory_space<vmem>>, vector<16xi32>,
    %get3A_151 = arith.constant 1 : i32
    %get3A_152 = arith.index_cast %get3A_151 : i32 to index
    %get3A_153 = arith.constant 0 : index
    %get3A_154 = tpu.vector_load %arg6[%get3A_152, %get3A_153] {strides = array<i32>} : memref<80x128xi32, #tpu.memory_space<vmem>>, vector<1x16xi32>,
    %get3A_155 = vector.shape_cast %get3A_154 : vector<1x16xi32> to vector<16xi32>
    %shift_right_logical3A_156 = arith.constant 16 : i32
    %shift_right_logical3A_157 = vector.broadcast %shift_right_logical3A_156 : i32 to vector<16xi32>
    %shift_right_logical3A_158 = arith.shrui %get3A_155, %shift_right_logical3A_157 : vector<16xi32>
    %swap3A_159 = arith.constant 0 : index
    %swap3A_160 = tpu.vector_load %arg9[%swap3A_159] {strides = array<i32>} : memref<128xi32, #tpu.memory_space<vmem>>, vector<16xi32>,
    %swap3A_161 = vector.shape_cast %swap3A_160 : vector<16xi32> to vector<16xi32>
    %swap3A_162 = vector.shape_cast %shift_right_logical3A_158 : vector<16xi32> to vector<16xi32>
    tpu.vector_store %arg9[%swap3A_159], %swap3A_162 {strides = array<i32>} : memref<128xi32, #tpu.memory_space<vmem>>, vector<16xi32>,
    %and3A_163 = arith.constant 65535 : i32
    %and3A_164 = vector.broadcast %and3A_163 : i32 to vector<16xi32>
    %and3A_165 = arith.andi %get3A_155, %and3A_164 : vector<16xi32>
    %swap3A_166 = arith.constant 0 : index
    %swap3A_167 = tpu.vector_load %arg10[%swap3A_166] {strides = array<i32>} : memref<128xi32, #tpu.memory_space<vmem>>, vector<16xi32>,
    %swap3A_168 = vector.shape_cast %swap3A_167 : vector<16xi32> to vector<16xi32>
    %swap3A_169 = vector.shape_cast %and3A_165 : vector<16xi32> to vector<16xi32>
    tpu.vector_store %arg10[%swap3A_166], %swap3A_169 {strides = array<i32>} : memref<128xi32, #tpu.memory_space<vmem>>, vector<16xi32>,
    %get3A_170 = arith.constant 1 : i32
    %get3A_171 = arith.index_cast %get3A_170 : i32 to index
    %get3A_172 = arith.constant 16 : index
    %get3A_173 = tpu.vector_load %arg6[%get3A_171, %get3A_172] {strides = array<i32>} : memref<80x128xi32, #tpu.memory_space<vmem>>, vector<1x16xi32>,
    %get3A_174 = vector.shape_cast %get3A_173 : vector<1x16xi32> to vector<16xi32>
    %shift_right_logical3A_175 = arith.constant 16 : i32
    %shift_right_logical3A_176 = vector.broadcast %shift_right_logical3A_175 : i32 to vector<16xi32>
    %shift_right_logical3A_177 = arith.shrui %get3A_174, %shift_right_logical3A_176 : vector<16xi32>
    %swap3A_178 = arith.constant 16 : index
    %swap3A_179 = tpu.vector_load %arg9[%swap3A_178] {strides = array<i32>} : memref<128xi32, #tpu.memory_space<vmem>>, vector<16xi32>,
    %swap3A_180 = vector.shape_cast %swap3A_179 : vector<16xi32> to vector<16xi32>
    %swap3A_181 = vector.shape_cast %shift_right_logical3A_177 : vector<16xi32> to vector<16xi32>
    tpu.vector_store %arg9[%swap3A_178], %swap3A_181 {strides = array<i32>} : memref<128xi32, #tpu.memory_space<vmem>>, vector<16xi32>,
    %and3A_182 = arith.constant 65535 : i32
    %and3A_183 = vector.broadcast %and3A_182 : i32 to vector<16xi32>
    %and3A_184 = arith.andi %get3A_174, %and3A_183 : vector<16xi32>
    %swap3A_185 = arith.constant 16 : index
    %swap3A_186 = tpu.vector_load %arg10[%swap3A_185] {strides = array<i32>} : memref<128xi32, #tpu.memory_space<vmem>>, vector<16xi32>,
    %swap3A_187 = vector.shape_cast %swap3A_186 : vector<16xi32> to vector<16xi32>
    %swap3A_188 = vector.shape_cast %and3A_184 : vector<16xi32> to vector<16xi32>
    tpu.vector_store %arg10[%swap3A_185], %swap3A_188 {strides = array<i32>} : memref<128xi32, #tpu.memory_space<vmem>>, vector<16xi32>,
    %get3A_189 = arith.constant 1 : i32
    %get3A_190 = arith.index_cast %get3A_189 : i32 to index
    %get3A_191 = arith.constant 32 : index
    %get3A_192 = tpu.vector_load %arg6[%get3A_190, %get3A_191] {strides = array<i32>} : memref<80x128xi32, #tpu.memory_space<vmem>>, vector<1x16xi32>,
    %get3A_193 = vector.shape_cast %get3A_192 : vector<1x16xi32> to vector<16xi32>
    %shift_right_logical3A_194 = arith.constant 16 : i32
    %shift_right_logical3A_195 = vector.broadcast %shift_right_logical3A_194 : i32 to vector<16xi32>
    %shift_right_logical3A_196 = arith.shrui %get3A_193, %shift_right_logical3A_195 : vector<16xi32>
    %swap3A_197 = arith.constant 32 : index
    %swap3A_198 = tpu.vector_load %arg9[%swap3A_197] {strides = array<i32>} : memref<128xi32, #tpu.memory_space<vmem>>, vector<16xi32>,
    %swap3A_199 = vector.shape_cast %swap3A_198 : vector<16xi32> to vector<16xi32>
    %swap3A_200 = vector.shape_cast %shift_right_logical3A_196 : vector<16xi32> to vector<16xi32>
    tpu.vector_store %arg9[%swap3A_197], %swap3A_200 {strides = array<i32>} : memref<128xi32, #tpu.memory_space<vmem>>, vector<16xi32>,
    %and3A_201 = arith.constant 65535 : i32
    %and3A_202 = vector.broadcast %and3A_201 : i32 to vector<16xi32>
    %and3A_203 = arith.andi %get3A_193, %and3A_202 : vector<16xi32>
    %swap3A_204 = arith.constant 32 : index
    %swap3A_205 = tpu.vector_load %arg10[%swap3A_204] {strides = array<i32>} : memref<128xi32, #tpu.memory_space<vmem>>, vector<16xi32>,
    %swap3A_206 = vector.shape_cast %swap3A_205 : vector<16xi32> to vector<16xi32>
    %swap3A_207 = vector.shape_cast %and3A_203 : vector<16xi32> to vector<16xi32>
    tpu.vector_store %arg10[%swap3A_204], %swap3A_207 {strides = array<i32>} : memref<128xi32, #tpu.memory_space<vmem>>, vector<16xi32>,
    %get3A_208 = arith.constant 1 : i32
    %get3A_209 = arith.index_cast %get3A_208 : i32 to index
    %get3A_210 = arith.constant 48 : index
    %get3A_211 = tpu.vector_load %arg6[%get3A_209, %get3A_210] {strides = array<i32>} : memref<80x128xi32, #tpu.memory_space<vmem>>, vector<1x16xi32>,
    %get3A_212 = vector.shape_cast %get3A_211 : vector<1x16xi32> to vector<16xi32>
    %shift_right_logical3A_213 = arith.constant 16 : i32
    %shift_right_logical3A_214 = vector.broadcast %shift_right_logical3A_213 : i32 to vector<16xi32>
    %shift_right_logical3A_215 = arith.shrui %get3A_212, %shift_right_logical3A_214 : vector<16xi32>
    %swap3A_216 = arith.constant 48 : index
    %swap3A_217 = tpu.vector_load %arg9[%swap3A_216] {strides = array<i32>} : memref<128xi32, #tpu.memory_space<vmem>>, vector<16xi32>,
    %swap3A_218 = vector.shape_cast %swap3A_217 : vector<16xi32> to vector<16xi32>
    %swap3A_219 = vector.shape_cast %shift_right_logical3A_215 : vector<16xi32> to vector<16xi32>
    tpu.vector_store %arg9[%swap3A_216], %swap3A_219 {strides = array<i32>} : memref<128xi32, #tpu.memory_space<vmem>>, vector<16xi32>,
    %and3A_220 = arith.constant 65535 : i32
    %and3A_221 = vector.broadcast %and3A_220 : i32 to vector<16xi32>
    %and3A_222 = arith.andi %get3A_212, %and3A_221 : vector<16xi32>
    %swap3A_223 = arith.constant 48 : index
    %swap3A_224 = tpu.vector_load %arg10[%swap3A_223] {strides = array<i32>} : memref<128xi32, #tpu.memory_space<vmem>>, vector<16xi32>,
    %swap3A_225 = vector.shape_cast %swap3A_224 : vector<16xi32> to vector<16xi32>
    %swap3A_226 = vector.shape_cast %and3A_222 : vector<16xi32> to vector<16xi32>
    tpu.vector_store %arg10[%swap3A_223], %swap3A_226 {strides = array<i32>} : memref<128xi32, #tpu.memory_space<vmem>>, vector<16xi32>,
    %get3A_227 = arith.constant 1 : i32
    %get3A_228 = arith.index_cast %get3A_227 : i32 to index
    %get3A_229 = arith.constant 64 : index
    %get3A_230 = tpu.vector_load %arg6[%get3A_228, %get3A_229] {strides = array<i32>} : memref<80x128xi32, #tpu.memory_space<vmem>>, vector<1x16xi32>,
    %get3A_231 = vector.shape_cast %get3A_230 : vector<1x16xi32> to vector<16xi32>
    %shift_right_logical3A_232 = arith.constant 16 : i32
    %shift_right_logical3A_233 = vector.broadcast %shift_right_logical3A_232 : i32 to vector<16xi32>
    %shift_right_logical3A_234 = arith.shrui %get3A_231, %shift_right_logical3A_233 : vector<16xi32>
    %swap3A_235 = arith.constant 64 : index
    %swap3A_236 = tpu.vector_load %arg9[%swap3A_235] {strides = array<i32>} : memref<128xi32, #tpu.memory_space<vmem>>, vector<16xi32>,
    %swap3A_237 = vector.shape_cast %swap3A_236 : vector<16xi32> to vector<16xi32>
    %swap3A_238 = vector.shape_cast %shift_right_logical3A_234 : vector<16xi32> to vector<16xi32>
    tpu.vector_store %arg9[%swap3A_235], %swap3A_238 {strides = array<i32>} : memref<128xi32, #tpu.memory_space<vmem>>, vector<16xi32>,
    %and3A_239 = arith.constant 65535 : i32
    %and3A_240 = vector.broadcast %and3A_239 : i32 to vector<16xi32>
    %and3A_241 = arith.andi %get3A_231, %and3A_240 : vector<16xi32>
    %swap3A_242 = arith.constant 64 : index
    %swap3A_243 = tpu.vector_load %arg10[%swap3A_242] {strides = array<i32>} : memref<128xi32, #tpu.memory_space<vmem>>, vector<16xi32>,
    %swap3A_244 = vector.shape_cast %swap3A_243 : vector<16xi32> to vector<16xi32>
    %swap3A_245 = vector.shape_cast %and3A_241 : vector<16xi32> to vector<16xi32>
    tpu.vector_store %arg10[%swap3A_242], %swap3A_245 {strides = array<i32>} : memref<128xi32, #tpu.memory_space<vmem>>, vector<16xi32>,
    %get3A_246 = arith.constant 1 : i32
    %get3A_247 = arith.index_cast %get3A_246 : i32 to index
    %get3A_248 = arith.constant 80 : index
    %get3A_249 = tpu.vector_load %arg6[%get3A_247, %get3A_248] {strides = array<i32>} : memref<80x128xi32, #tpu.memory_space<vmem>>, vector<1x16xi32>,
    %get3A_250 = vector.shape_cast %get3A_249 : vector<1x16xi32> to vector<16xi32>
    %shift_right_logical3A_251 = arith.constant 16 : i32
    %shift_right_logical3A_252 = vector.broadcast %shift_right_logical3A_251 : i32 to vector<16xi32>
    %shift_right_logical3A_253 = arith.shrui %get3A_250, %shift_right_logical3A_252 : vector<16xi32>
    %swap3A_254 = arith.constant 80 : index
    %swap3A_255 = tpu.vector_load %arg9[%swap3A_254] {strides = array<i32>} : memref<128xi32, #tpu.memory_space<vmem>>, vector<16xi32>,
    %swap3A_256 = vector.shape_cast %swap3A_255 : vector<16xi32> to vector<16xi32>
    %swap3A_257 = vector.shape_cast %shift_right_logical3A_253 : vector<16xi32> to vector<16xi32>
    tpu.vector_store %arg9[%swap3A_254], %swap3A_257 {strides = array<i32>} : memref<128xi32, #tpu.memory_space<vmem>>, vector<16xi32>,
    %and3A_258 = arith.constant 65535 : i32
    %and3A_259 = vector.broadcast %and3A_258 : i32 to vector<16xi32>
    %and3A_260 = arith.andi %get3A_250, %and3A_259 : vector<16xi32>
    %swap3A_261 = arith.constant 80 : index
    %swap3A_262 = tpu.vector_load %arg10[%swap3A_261] {strides = array<i32>} : memref<128xi32, #tpu.memory_space<vmem>>, vector<16xi32>,
    %swap3A_263 = vector.shape_cast %swap3A_262 : vector<16xi32> to vector<16xi32>
    %swap3A_264 = vector.shape_cast %and3A_260 : vector<16xi32> to vector<16xi32>
    tpu.vector_store %arg10[%swap3A_261], %swap3A_264 {strides = array<i32>} : memref<128xi32, #tpu.memory_space<vmem>>, vector<16xi32>,
    %get3A_265 = arith.constant 1 : i32
    %get3A_266 = arith.index_cast %get3A_265 : i32 to index
    %get3A_267 = arith.constant 96 : index
    %get3A_268 = tpu.vector_load %arg6[%get3A_266, %get3A_267] {strides = array<i32>} : memref<80x128xi32, #tpu.memory_space<vmem>>, vector<1x16xi32>,
    %get3A_269 = vector.shape_cast %get3A_268 : vector<1x16xi32> to vector<16xi32>
    %shift_right_logical3A_270 = arith.constant 16 : i32
    %shift_right_logical3A_271 = vector.broadcast %shift_right_logical3A_270 : i32 to vector<16xi32>
    %shift_right_logical3A_272 = arith.shrui %get3A_269, %shift_right_logical3A_271 : vector<16xi32>
    %swap3A_273 = arith.constant 96 : index
    %swap3A_274 = tpu.vector_load %arg9[%swap3A_273] {strides = array<i32>} : memref<128xi32, #tpu.memory_space<vmem>>, vector<16xi32>,
    %swap3A_275 = vector.shape_cast %swap3A_274 : vector<16xi32> to vector<16xi32>
    %swap3A_276 = vector.shape_cast %shift_right_logical3A_272 : vector<16xi32> to vector<16xi32>
    tpu.vector_store %arg9[%swap3A_273], %swap3A_276 {strides = array<i32>} : memref<128xi32, #tpu.memory_space<vmem>>, vector<16xi32>,
    %and3A_277 = arith.constant 65535 : i32
    %and3A_278 = vector.broadcast %and3A_277 : i32 to vector<16xi32>
    %and3A_279 = arith.andi %get3A_269, %and3A_278 : vector<16xi32>
    %swap3A_280 = arith.constant 96 : index
    %swap3A_281 = tpu.vector_load %arg10[%swap3A_280] {strides = array<i32>} : memref<128xi32, #tpu.memory_space<vmem>>, vector<16xi32>,
    %swap3A_282 = vector.shape_cast %swap3A_281 : vector<16xi32> to vector<16xi32>
    %swap3A_283 = vector.shape_cast %and3A_279 : vector<16xi32> to vector<16xi32>
    tpu.vector_store %arg10[%swap3A_280], %swap3A_283 {strides = array<i32>} : memref<128xi32, #tpu.memory_space<vmem>>, vector<16xi32>,
    %get3A_284 = arith.constant 1 : i32
    %get3A_285 = arith.index_cast %get3A_284 : i32 to index
    %get3A_286 = arith.constant 112 : index
    %get3A_287 = tpu.vector_load %arg6[%get3A_285, %get3A_286] {strides = array<i32>} : memref<80x128xi32, #tpu.memory_space<vmem>>, vector<1x16xi32>,
    %get3A_288 = vector.shape_cast %get3A_287 : vector<1x16xi32> to vector<16xi32>
    %shift_right_logical3A_289 = arith.constant 16 : i32
    %shift_right_logical3A_290 = vector.broadcast %shift_right_logical3A_289 : i32 to vector<16xi32>
    %shift_right_logical3A_291 = arith.shrui %get3A_288, %shift_right_logical3A_290 : vector<16xi32>
    %swap3A_292 = arith.constant 112 : index
    %swap3A_293 = tpu.vector_load %arg9[%swap3A_292] {strides = array<i32>} : memref<128xi32, #tpu.memory_space<vmem>>, vector<16xi32>,
    %swap3A_294 = vector.shape_cast %swap3A_293 : vector<16xi32> to vector<16xi32>
    %swap3A_295 = vector.shape_cast %shift_right_logical3A_291 : vector<16xi32> to vector<16xi32>
    tpu.vector_store %arg9[%swap3A_292], %swap3A_295 {strides = array<i32>} : memref<128xi32, #tpu.memory_space<vmem>>, vector<16xi32>,
    %and3A_296 = arith.constant 65535 : i32
    %and3A_297 = vector.broadcast %and3A_296 : i32 to vector<16xi32>
    %and3A_298 = arith.andi %get3A_288, %and3A_297 : vector<16xi32>
    %swap3A_299 = arith.constant 112 : index
    %swap3A_300 = tpu.vector_load %arg10[%swap3A_299] {strides = array<i32>} : memref<128xi32, #tpu.memory_space<vmem>>, vector<16xi32>,
    %swap3A_301 = vector.shape_cast %swap3A_300 : vector<16xi32> to vector<16xi32>
    %swap3A_302 = vector.shape_cast %and3A_298 : vector<16xi32> to vector<16xi32>
    tpu.vector_store %arg10[%swap3A_299], %swap3A_302 {strides = array<i32>} : memref<128xi32, #tpu.memory_space<vmem>>, vector<16xi32>,
    %dma_start3A = arith.constant 0 : i32
    %dma_start3A_303 = arith.constant 0 : i32
    %dma_start3A_304 = arith.constant 0 : i32
    %dma_start3A_305 = tpu.memref_slice %arg11[%dma_start3A, %dma_start3A_303, %dma_start3A_304] : memref<2x128x8xf32, #tpu.memory_space<vmem>> -> memref<1x128x8xf32, #tpu.memory_space<vmem>>
    %dma_start3A_306 = tpu.memref_squeeze %dma_start3A_305 : memref<1x128x8xf32, #tpu.memory_space<vmem>> -> memref<128x8xf32, #tpu.memory_space<vmem>>
    %dma_start3A_307 = arith.constant 0 : i32
    %dma_start3A_308 = arith.constant 0 : i32
    %dma_start3A_309 = tpu.memref_slice %arg16[%dma_start3A_307, %dma_start3A_308] : memref<10240x8xf32, #tpu.memory_space<vmem_shared>> -> memref<10240x8xf32, #tpu.memory_space<vmem_shared>>
    tpu.enqueue_indirect_dma source(%dma_start3A_309 : memref<10240x8xf32, #tpu.memory_space<vmem_shared>>) target(%dma_start3A_306 : memref<128x8xf32, #tpu.memory_space<vmem>>) offsets(%arg7 : memref<128xi32, #tpu.memory_space<vmem>>) semaphore(%arg12 : memref<!tpu.dma_semaphore, #tpu.memory_space<semaphore_mem>>)
    %dma_start3A_310 = arith.constant 1 : i32
    %dma_start3A_311 = arith.constant 0 : i32
    %dma_start3A_312 = arith.constant 0 : i32
    %dma_start3A_313 = tpu.memref_slice %arg11[%dma_start3A_310, %dma_start3A_311, %dma_start3A_312] : memref<2x128x8xf32, #tpu.memory_space<vmem>> -> memref<1x128x8xf32, #tpu.memory_space<vmem>>
    %dma_start3A_314 = tpu.memref_squeeze %dma_start3A_313 : memref<1x128x8xf32, #tpu.memory_space<vmem>> -> memref<128x8xf32, #tpu.memory_space<vmem>>
    %dma_start3A_315 = arith.constant 0 : i32
    %dma_start3A_316 = arith.constant 0 : i32
    %dma_start3A_317 = tpu.memref_slice %arg16[%dma_start3A_315, %dma_start3A_316] : memref<10240x8xf32, #tpu.memory_space<vmem_shared>> -> memref<10240x8xf32, #tpu.memory_space<vmem_shared>>
    tpu.enqueue_indirect_dma source(%dma_start3A_317 : memref<10240x8xf32, #tpu.memory_space<vmem_shared>>) target(%dma_start3A_314 : memref<128x8xf32, #tpu.memory_space<vmem>>) offsets(%arg9 : memref<128xi32, #tpu.memory_space<vmem>>) semaphore(%arg13 : memref<!tpu.dma_semaphore, #tpu.memory_space<semaphore_mem>>)
    %scan3A = arith.constant 0 : i32
    %scan3A_318 = arith.constant 0 : i32
    %scan3A_319 = arith.constant 20 : i32
    %scan3A_320 = arith.addi %scan3A_318, %scan3A_319 : i32
    %scan3A_321 = arith.constant 1 : i32
    scf.for %scan3A_325 = %scan3A_318 to %scan3A_320 step %scan3A_321  : i32 {
      %mul3A_326 = arith.constant 4 : i32
      %mul3A_327 = arith.muli %scan3A_325, %mul3A_326 : i32
      %dma_wait3A = arith.constant 0 : i32
      %dma_wait3A_328 = arith.constant 0 : i32
      %dma_wait3A_329 = arith.constant 0 : i32
      %dma_wait3A_330 = tpu.memref_slice %arg11[%dma_wait3A, %dma_wait3A_328, %dma_wait3A_329] : memref<2x128x8xf32, #tpu.memory_space<vmem>> -> memref<1x128x8xf32, #tpu.memory_space<vmem>>
      %dma_wait3A_331 = tpu.memref_squeeze %dma_wait3A_330 : memref<1x128x8xf32, #tpu.memory_space<vmem>> -> memref<128x8xf32, #tpu.memory_space<vmem>>
      %dma_wait3A_332 = arith.constant 0 : i32
      %dma_wait3A_333 = arith.constant 0 : i32
      %dma_wait3A_334 = tpu.memref_slice %arg16[%dma_wait3A_332, %dma_wait3A_333] : memref<10240x8xf32, #tpu.memory_space<vmem_shared>> -> memref<10240x8xf32, #tpu.memory_space<vmem_shared>>
      tpu.wait_indirect_dma semaphore(%arg12 : memref<!tpu.dma_semaphore, #tpu.memory_space<semaphore_mem>>) src(%dma_wait3A_334 : memref<10240x8xf32, #tpu.memory_space<vmem_shared>>) dst(%dma_wait3A_331 : memref<128x8xf32, #tpu.memory_space<vmem>>)
      %dma_start3A_335 = arith.constant 0 : i32
      %dma_start3A_336 = arith.constant 0 : i32
      %dma_start3A_337 = arith.constant 0 : i32
      %dma_start3A_338 = tpu.memref_slice %arg11[%dma_start3A_335, %dma_start3A_336, %dma_start3A_337] : memref<2x128x8xf32, #tpu.memory_space<vmem>> -> memref<1x128x8xf32, #tpu.memory_space<vmem>>
      %dma_start3A_339 = tpu.memref_squeeze %dma_start3A_338 : memref<1x128x8xf32, #tpu.memory_space<vmem>> -> memref<128x8xf32, #tpu.memory_space<vmem>>
      %dma_start3A_340 = arith.constant 0 : i32
      %dma_start3A_341 = arith.constant 0 : i32
      %dma_start3A_342 = tpu.memref_slice %arg17[%dma_start3A_340, %dma_start3A_341] : memref<10240x8xf32, #tpu.memory_space<vmem_shared>> -> memref<10240x8xf32, #tpu.memory_space<vmem_shared>>
      tpu.enqueue_indirect_dma source(%dma_start3A_339 : memref<128x8xf32, #tpu.memory_space<vmem>>) target(%dma_start3A_342 : memref<10240x8xf32, #tpu.memory_space<vmem_shared>>) offsets(%arg8 : memref<128xi32, #tpu.memory_space<vmem>>) semaphore(%arg14 : memref<!tpu.dma_semaphore, #tpu.memory_space<semaphore_mem>>) {add = true}
      %dma_wait3A_343 = arith.constant 1 : i32
      %dma_wait3A_344 = arith.constant 0 : i32
      %dma_wait3A_345 = arith.constant 0 : i32
      %dma_wait3A_346 = tpu.memref_slice %arg11[%dma_wait3A_343, %dma_wait3A_344, %dma_wait3A_345] : memref<2x128x8xf32, #tpu.memory_space<vmem>> -> memref<1x128x8xf32, #tpu.memory_space<vmem>>
      %dma_wait3A_347 = tpu.memref_squeeze %dma_wait3A_346 : memref<1x128x8xf32, #tpu.memory_space<vmem>> -> memref<128x8xf32, #tpu.memory_space<vmem>>
      %dma_wait3A_348 = arith.constant 0 : i32
      %dma_wait3A_349 = arith.constant 0 : i32
      %dma_wait3A_350 = tpu.memref_slice %arg16[%dma_wait3A_348, %dma_wait3A_349] : memref<10240x8xf32, #tpu.memory_space<vmem_shared>> -> memref<10240x8xf32, #tpu.memory_space<vmem_shared>>
      tpu.wait_indirect_dma semaphore(%arg13 : memref<!tpu.dma_semaphore, #tpu.memory_space<semaphore_mem>>) src(%dma_wait3A_350 : memref<10240x8xf32, #tpu.memory_space<vmem_shared>>) dst(%dma_wait3A_347 : memref<128x8xf32, #tpu.memory_space<vmem>>)
      %dma_start3A_351 = arith.constant 1 : i32
      %dma_start3A_352 = arith.constant 0 : i32
      %dma_start3A_353 = arith.constant 0 : i32
      %dma_start3A_354 = tpu.memref_slice %arg11[%dma_start3A_351, %dma_start3A_352, %dma_start3A_353] : memref<2x128x8xf32, #tpu.memory_space<vmem>> -> memref<1x128x8xf32, #tpu.memory_space<vmem>>
      %dma_start3A_355 = tpu.memref_squeeze %dma_start3A_354 : memref<1x128x8xf32, #tpu.memory_space<vmem>> -> memref<128x8xf32, #tpu.memory_space<vmem>>
      %dma_start3A_356 = arith.constant 0 : i32
      %dma_start3A_357 = arith.constant 0 : i32
      %dma_start3A_358 = tpu.memref_slice %arg17[%dma_start3A_356, %dma_start3A_357] : memref<10240x8xf32, #tpu.memory_space<vmem_shared>> -> memref<10240x8xf32, #tpu.memory_space<vmem_shared>>
      tpu.enqueue_indirect_dma source(%dma_start3A_355 : memref<128x8xf32, #tpu.memory_space<vmem>>) target(%dma_start3A_358 : memref<10240x8xf32, #tpu.memory_space<vmem_shared>>) offsets(%arg10 : memref<128xi32, #tpu.memory_space<vmem>>) semaphore(%arg15 : memref<!tpu.dma_semaphore, #tpu.memory_space<semaphore_mem>>) {add = true}
      %dma_wait3A_359 = arith.constant 0 : i32
      %dma_wait3A_360 = arith.constant 0 : i32
      %dma_wait3A_361 = arith.constant 0 : i32
      %dma_wait3A_362 = tpu.memref_slice %arg11[%dma_wait3A_359, %dma_wait3A_360, %dma_wait3A_361] : memref<2x128x8xf32, #tpu.memory_space<vmem>> -> memref<1x128x8xf32, #tpu.memory_space<vmem>>
      %dma_wait3A_363 = tpu.memref_squeeze %dma_wait3A_362 : memref<1x128x8xf32, #tpu.memory_space<vmem>> -> memref<128x8xf32, #tpu.memory_space<vmem>>
      %dma_wait3A_364 = arith.constant 0 : i32
      %dma_wait3A_365 = arith.constant 0 : i32
      %dma_wait3A_366 = tpu.memref_slice %arg17[%dma_wait3A_364, %dma_wait3A_365] : memref<10240x8xf32, #tpu.memory_space<vmem_shared>> -> memref<10240x8xf32, #tpu.memory_space<vmem_shared>>
      tpu.wait_indirect_dma semaphore(%arg14 : memref<!tpu.dma_semaphore, #tpu.memory_space<semaphore_mem>>) src(%dma_wait3A_363 : memref<128x8xf32, #tpu.memory_space<vmem>>) dst(%dma_wait3A_366 : memref<10240x8xf32, #tpu.memory_space<vmem_shared>>)
      %add3A_367 = arith.constant 2 : i32
      %add3A_368 = arith.addi %mul3A_327, %add3A_367 : i32
      %get3A_369 = arith.index_cast %add3A_368 : i32 to index
      %get3A_370 = arith.constant 0 : index
      %get3A_371 = tpu.vector_load %arg6[%get3A_369, %get3A_370] {strides = array<i32>} : memref<80x128xi32, #tpu.memory_space<vmem>>, vector<1x16xi32>,
      %get3A_372 = vector.shape_cast %get3A_371 : vector<1x16xi32> to vector<16xi32>
      %shift_right_logical3A_373 = arith.constant 16 : i32
      %shift_right_logical3A_374 = vector.broadcast %shift_right_logical3A_373 : i32 to vector<16xi32>
      %shift_right_logical3A_375 = arith.shrui %get3A_372, %shift_right_logical3A_374 : vector<16xi32>
      %swap3A_376 = arith.constant 0 : index
      %swap3A_377 = tpu.vector_load %arg7[%swap3A_376] {strides = array<i32>} : memref<128xi32, #tpu.memory_space<vmem>>, vector<16xi32>,
      %swap3A_378 = vector.shape_cast %swap3A_377 : vector<16xi32> to vector<16xi32>
      %swap3A_379 = vector.shape_cast %shift_right_logical3A_375 : vector<16xi32> to vector<16xi32>
      tpu.vector_store %arg7[%swap3A_376], %swap3A_379 {strides = array<i32>} : memref<128xi32, #tpu.memory_space<vmem>>, vector<16xi32>,
      %and3A_380 = arith.constant 65535 : i32
      %and3A_381 = vector.broadcast %and3A_380 : i32 to vector<16xi32>
      %and3A_382 = arith.andi %get3A_372, %and3A_381 : vector<16xi32>
      %swap3A_383 = arith.constant 0 : index
      %swap3A_384 = tpu.vector_load %arg8[%swap3A_383] {strides = array<i32>} : memref<128xi32, #tpu.memory_space<vmem>>, vector<16xi32>,
      %swap3A_385 = vector.shape_cast %swap3A_384 : vector<16xi32> to vector<16xi32>
      %swap3A_386 = vector.shape_cast %and3A_382 : vector<16xi32> to vector<16xi32>
      tpu.vector_store %arg8[%swap3A_383], %swap3A_386 {strides = array<i32>} : memref<128xi32, #tpu.memory_space<vmem>>, vector<16xi32>,
      %get3A_387 = arith.index_cast %add3A_368 : i32 to index
      %get3A_388 = arith.constant 16 : index
      %get3A_389 = tpu.vector_load %arg6[%get3A_387, %get3A_388] {strides = array<i32>} : memref<80x128xi32, #tpu.memory_space<vmem>>, vector<1x16xi32>,
      %get3A_390 = vector.shape_cast %get3A_389 : vector<1x16xi32> to vector<16xi32>
      %shift_right_logical3A_391 = arith.constant 16 : i32
      %shift_right_logical3A_392 = vector.broadcast %shift_right_logical3A_391 : i32 to vector<16xi32>
      %shift_right_logical3A_393 = arith.shrui %get3A_390, %shift_right_logical3A_392 : vector<16xi32>
      %swap3A_394 = arith.constant 16 : index
      %swap3A_395 = tpu.vector_load %arg7[%swap3A_394] {strides = array<i32>} : memref<128xi32, #tpu.memory_space<vmem>>, vector<16xi32>,
      %swap3A_396 = vector.shape_cast %swap3A_395 : vector<16xi32> to vector<16xi32>
      %swap3A_397 = vector.shape_cast %shift_right_logical3A_393 : vector<16xi32> to vector<16xi32>
      tpu.vector_store %arg7[%swap3A_394], %swap3A_397 {strides = array<i32>} : memref<128xi32, #tpu.memory_space<vmem>>, vector<16xi32>,
      %and3A_398 = arith.constant 65535 : i32
      %and3A_399 = vector.broadcast %and3A_398 : i32 to vector<16xi32>
      %and3A_400 = arith.andi %get3A_390, %and3A_399 : vector<16xi32>
      %swap3A_401 = arith.constant 16 : index
      %swap3A_402 = tpu.vector_load %arg8[%swap3A_401] {strides = array<i32>} : memref<128xi32, #tpu.memory_space<vmem>>, vector<16xi32>,
      %swap3A_403 = vector.shape_cast %swap3A_402 : vector<16xi32> to vector<16xi32>
      %swap3A_404 = vector.shape_cast %and3A_400 : vector<16xi32> to vector<16xi32>
      tpu.vector_store %arg8[%swap3A_401], %swap3A_404 {strides = array<i32>} : memref<128xi32, #tpu.memory_space<vmem>>, vector<16xi32>,
      %get3A_405 = arith.index_cast %add3A_368 : i32 to index
      %get3A_406 = arith.constant 32 : index
      %get3A_407 = tpu.vector_load %arg6[%get3A_405, %get3A_406] {strides = array<i32>} : memref<80x128xi32, #tpu.memory_space<vmem>>, vector<1x16xi32>,
      %get3A_408 = vector.shape_cast %get3A_407 : vector<1x16xi32> to vector<16xi32>
      %shift_right_logical3A_409 = arith.constant 16 : i32
      %shift_right_logical3A_410 = vector.broadcast %shift_right_logical3A_409 : i32 to vector<16xi32>
      %shift_right_logical3A_411 = arith.shrui %get3A_408, %shift_right_logical3A_410 : vector<16xi32>
      %swap3A_412 = arith.constant 32 : index
      %swap3A_413 = tpu.vector_load %arg7[%swap3A_412] {strides = array<i32>} : memref<128xi32, #tpu.memory_space<vmem>>, vector<16xi32>,
      %swap3A_414 = vector.shape_cast %swap3A_413 : vector<16xi32> to vector<16xi32>
      %swap3A_415 = vector.shape_cast %shift_right_logical3A_411 : vector<16xi32> to vector<16xi32>
      tpu.vector_store %arg7[%swap3A_412], %swap3A_415 {strides = array<i32>} : memref<128xi32, #tpu.memory_space<vmem>>, vector<16xi32>,
      %and3A_416 = arith.constant 65535 : i32
      %and3A_417 = vector.broadcast %and3A_416 : i32 to vector<16xi32>
      %and3A_418 = arith.andi %get3A_408, %and3A_417 : vector<16xi32>
      %swap3A_419 = arith.constant 32 : index
      %swap3A_420 = tpu.vector_load %arg8[%swap3A_419] {strides = array<i32>} : memref<128xi32, #tpu.memory_space<vmem>>, vector<16xi32>,
      %swap3A_421 = vector.shape_cast %swap3A_420 : vector<16xi32> to vector<16xi32>
      %swap3A_422 = vector.shape_cast %and3A_418 : vector<16xi32> to vector<16xi32>
      tpu.vector_store %arg8[%swap3A_419], %swap3A_422 {strides = array<i32>} : memref<128xi32, #tpu.memory_space<vmem>>, vector<16xi32>,
      %get3A_423 = arith.index_cast %add3A_368 : i32 to index
      %get3A_424 = arith.constant 48 : index
      %get3A_425 = tpu.vector_load %arg6[%get3A_423, %get3A_424] {strides = array<i32>} : memref<80x128xi32, #tpu.memory_space<vmem>>, vector<1x16xi32>,
      %get3A_426 = vector.shape_cast %get3A_425 : vector<1x16xi32> to vector<16xi32>
      %shift_right_logical3A_427 = arith.constant 16 : i32
      %shift_right_logical3A_428 = vector.broadcast %shift_right_logical3A_427 : i32 to vector<16xi32>
      %shift_right_logical3A_429 = arith.shrui %get3A_426, %shift_right_logical3A_428 : vector<16xi32>
      %swap3A_430 = arith.constant 48 : index
      %swap3A_431 = tpu.vector_load %arg7[%swap3A_430] {strides = array<i32>} : memref<128xi32, #tpu.memory_space<vmem>>, vector<16xi32>,
      %swap3A_432 = vector.shape_cast %swap3A_431 : vector<16xi32> to vector<16xi32>
      %swap3A_433 = vector.shape_cast %shift_right_logical3A_429 : vector<16xi32> to vector<16xi32>
      tpu.vector_store %arg7[%swap3A_430], %swap3A_433 {strides = array<i32>} : memref<128xi32, #tpu.memory_space<vmem>>, vector<16xi32>,
      %and3A_434 = arith.constant 65535 : i32
      %and3A_435 = vector.broadcast %and3A_434 : i32 to vector<16xi32>
      %and3A_436 = arith.andi %get3A_426, %and3A_435 : vector<16xi32>
      %swap3A_437 = arith.constant 48 : index
      %swap3A_438 = tpu.vector_load %arg8[%swap3A_437] {strides = array<i32>} : memref<128xi32, #tpu.memory_space<vmem>>, vector<16xi32>,
      %swap3A_439 = vector.shape_cast %swap3A_438 : vector<16xi32> to vector<16xi32>
      %swap3A_440 = vector.shape_cast %and3A_436 : vector<16xi32> to vector<16xi32>
      tpu.vector_store %arg8[%swap3A_437], %swap3A_440 {strides = array<i32>} : memref<128xi32, #tpu.memory_space<vmem>>, vector<16xi32>,
      %get3A_441 = arith.index_cast %add3A_368 : i32 to index
      %get3A_442 = arith.constant 64 : index
      %get3A_443 = tpu.vector_load %arg6[%get3A_441, %get3A_442] {strides = array<i32>} : memref<80x128xi32, #tpu.memory_space<vmem>>, vector<1x16xi32>,
      %get3A_444 = vector.shape_cast %get3A_443 : vector<1x16xi32> to vector<16xi32>
      %shift_right_logical3A_445 = arith.constant 16 : i32
      %shift_right_logical3A_446 = vector.broadcast %shift_right_logical3A_445 : i32 to vector<16xi32>
      %shift_right_logical3A_447 = arith.shrui %get3A_444, %shift_right_logical3A_446 : vector<16xi32>
      %swap3A_448 = arith.constant 64 : index
      %swap3A_449 = tpu.vector_load %arg7[%swap3A_448] {strides = array<i32>} : memref<128xi32, #tpu.memory_space<vmem>>, vector<16xi32>,
      %swap3A_450 = vector.shape_cast %swap3A_449 : vector<16xi32> to vector<16xi32>
      %swap3A_451 = vector.shape_cast %shift_right_logical3A_447 : vector<16xi32> to vector<16xi32>
      tpu.vector_store %arg7[%swap3A_448], %swap3A_451 {strides = array<i32>} : memref<128xi32, #tpu.memory_space<vmem>>, vector<16xi32>,
      %and3A_452 = arith.constant 65535 : i32
      %and3A_453 = vector.broadcast %and3A_452 : i32 to vector<16xi32>
      %and3A_454 = arith.andi %get3A_444, %and3A_453 : vector<16xi32>
      %swap3A_455 = arith.constant 64 : index
      %swap3A_456 = tpu.vector_load %arg8[%swap3A_455] {strides = array<i32>} : memref<128xi32, #tpu.memory_space<vmem>>, vector<16xi32>,
      %swap3A_457 = vector.shape_cast %swap3A_456 : vector<16xi32> to vector<16xi32>
      %swap3A_458 = vector.shape_cast %and3A_454 : vector<16xi32> to vector<16xi32>
      tpu.vector_store %arg8[%swap3A_455], %swap3A_458 {strides = array<i32>} : memref<128xi32, #tpu.memory_space<vmem>>, vector<16xi32>,
      %get3A_459 = arith.index_cast %add3A_368 : i32 to index
      %get3A_460 = arith.constant 80 : index
      %get3A_461 = tpu.vector_load %arg6[%get3A_459, %get3A_460] {strides = array<i32>} : memref<80x128xi32, #tpu.memory_space<vmem>>, vector<1x16xi32>,
      %get3A_462 = vector.shape_cast %get3A_461 : vector<1x16xi32> to vector<16xi32>
      %shift_right_logical3A_463 = arith.constant 16 : i32
      %shift_right_logical3A_464 = vector.broadcast %shift_right_logical3A_463 : i32 to vector<16xi32>
      %shift_right_logical3A_465 = arith.shrui %get3A_462, %shift_right_logical3A_464 : vector<16xi32>
      %swap3A_466 = arith.constant 80 : index
      %swap3A_467 = tpu.vector_load %arg7[%swap3A_466] {strides = array<i32>} : memref<128xi32, #tpu.memory_space<vmem>>, vector<16xi32>,
      %swap3A_468 = vector.shape_cast %swap3A_467 : vector<16xi32> to vector<16xi32>
      %swap3A_469 = vector.shape_cast %shift_right_logical3A_465 : vector<16xi32> to vector<16xi32>
      tpu.vector_store %arg7[%swap3A_466], %swap3A_469 {strides = array<i32>} : memref<128xi32, #tpu.memory_space<vmem>>, vector<16xi32>,
      %and3A_470 = arith.constant 65535 : i32
      %and3A_471 = vector.broadcast %and3A_470 : i32 to vector<16xi32>
      %and3A_472 = arith.andi %get3A_462, %and3A_471 : vector<16xi32>
      %swap3A_473 = arith.constant 80 : index
      %swap3A_474 = tpu.vector_load %arg8[%swap3A_473] {strides = array<i32>} : memref<128xi32, #tpu.memory_space<vmem>>, vector<16xi32>,
      %swap3A_475 = vector.shape_cast %swap3A_474 : vector<16xi32> to vector<16xi32>
      %swap3A_476 = vector.shape_cast %and3A_472 : vector<16xi32> to vector<16xi32>
      tpu.vector_store %arg8[%swap3A_473], %swap3A_476 {strides = array<i32>} : memref<128xi32, #tpu.memory_space<vmem>>, vector<16xi32>,
      %get3A_477 = arith.index_cast %add3A_368 : i32 to index
      %get3A_478 = arith.constant 96 : index
      %get3A_479 = tpu.vector_load %arg6[%get3A_477, %get3A_478] {strides = array<i32>} : memref<80x128xi32, #tpu.memory_space<vmem>>, vector<1x16xi32>,
      %get3A_480 = vector.shape_cast %get3A_479 : vector<1x16xi32> to vector<16xi32>
      %shift_right_logical3A_481 = arith.constant 16 : i32
      %shift_right_logical3A_482 = vector.broadcast %shift_right_logical3A_481 : i32 to vector<16xi32>
      %shift_right_logical3A_483 = arith.shrui %get3A_480, %shift_right_logical3A_482 : vector<16xi32>
      %swap3A_484 = arith.constant 96 : index
      %swap3A_485 = tpu.vector_load %arg7[%swap3A_484] {strides = array<i32>} : memref<128xi32, #tpu.memory_space<vmem>>, vector<16xi32>,
      %swap3A_486 = vector.shape_cast %swap3A_485 : vector<16xi32> to vector<16xi32>
      %swap3A_487 = vector.shape_cast %shift_right_logical3A_483 : vector<16xi32> to vector<16xi32>
      tpu.vector_store %arg7[%swap3A_484], %swap3A_487 {strides = array<i32>} : memref<128xi32, #tpu.memory_space<vmem>>, vector<16xi32>,
      %and3A_488 = arith.constant 65535 : i32
      %and3A_489 = vector.broadcast %and3A_488 : i32 to vector<16xi32>
      %and3A_490 = arith.andi %get3A_480, %and3A_489 : vector<16xi32>
      %swap3A_491 = arith.constant 96 : index
      %swap3A_492 = tpu.vector_load %arg8[%swap3A_491] {strides = array<i32>} : memref<128xi32, #tpu.memory_space<vmem>>, vector<16xi32>,
      %swap3A_493 = vector.shape_cast %swap3A_492 : vector<16xi32> to vector<16xi32>
      %swap3A_494 = vector.shape_cast %and3A_490 : vector<16xi32> to vector<16xi32>
      tpu.vector_store %arg8[%swap3A_491], %swap3A_494 {strides = array<i32>} : memref<128xi32, #tpu.memory_space<vmem>>, vector<16xi32>,
      %get3A_495 = arith.index_cast %add3A_368 : i32 to index
      %get3A_496 = arith.constant 112 : index
      %get3A_497 = tpu.vector_load %arg6[%get3A_495, %get3A_496] {strides = array<i32>} : memref<80x128xi32, #tpu.memory_space<vmem>>, vector<1x16xi32>,
      %get3A_498 = vector.shape_cast %get3A_497 : vector<1x16xi32> to vector<16xi32>
      %shift_right_logical3A_499 = arith.constant 16 : i32
      %shift_right_logical3A_500 = vector.broadcast %shift_right_logical3A_499 : i32 to vector<16xi32>
      %shift_right_logical3A_501 = arith.shrui %get3A_498, %shift_right_logical3A_500 : vector<16xi32>
      %swap3A_502 = arith.constant 112 : index
      %swap3A_503 = tpu.vector_load %arg7[%swap3A_502] {strides = array<i32>} : memref<128xi32, #tpu.memory_space<vmem>>, vector<16xi32>,
      %swap3A_504 = vector.shape_cast %swap3A_503 : vector<16xi32> to vector<16xi32>
      %swap3A_505 = vector.shape_cast %shift_right_logical3A_501 : vector<16xi32> to vector<16xi32>
      tpu.vector_store %arg7[%swap3A_502], %swap3A_505 {strides = array<i32>} : memref<128xi32, #tpu.memory_space<vmem>>, vector<16xi32>,
      %and3A_506 = arith.constant 65535 : i32
      %and3A_507 = vector.broadcast %and3A_506 : i32 to vector<16xi32>
      %and3A_508 = arith.andi %get3A_498, %and3A_507 : vector<16xi32>
      %swap3A_509 = arith.constant 112 : index
      %swap3A_510 = tpu.vector_load %arg8[%swap3A_509] {strides = array<i32>} : memref<128xi32, #tpu.memory_space<vmem>>, vector<16xi32>,
      %swap3A_511 = vector.shape_cast %swap3A_510 : vector<16xi32> to vector<16xi32>
      %swap3A_512 = vector.shape_cast %and3A_508 : vector<16xi32> to vector<16xi32>
      tpu.vector_store %arg8[%swap3A_509], %swap3A_512 {strides = array<i32>} : memref<128xi32, #tpu.memory_space<vmem>>, vector<16xi32>,
      %dma_start3A_513 = arith.constant 0 : i32
      %dma_start3A_514 = arith.constant 0 : i32
      %dma_start3A_515 = arith.constant 0 : i32
      %dma_start3A_516 = tpu.memref_slice %arg11[%dma_start3A_513, %dma_start3A_514, %dma_start3A_515] : memref<2x128x8xf32, #tpu.memory_space<vmem>> -> memref<1x128x8xf32, #tpu.memory_space<vmem>>
      %dma_start3A_517 = tpu.memref_squeeze %dma_start3A_516 : memref<1x128x8xf32, #tpu.memory_space<vmem>> -> memref<128x8xf32, #tpu.memory_space<vmem>>
      %dma_start3A_518 = arith.constant 0 : i32
      %dma_start3A_519 = arith.constant 0 : i32
      %dma_start3A_520 = tpu.memref_slice %arg16[%dma_start3A_518, %dma_start3A_519] : memref<10240x8xf32, #tpu.memory_space<vmem_shared>> -> memref<10240x8xf32, #tpu.memory_space<vmem_shared>>
      tpu.enqueue_indirect_dma source(%dma_start3A_520 : memref<10240x8xf32, #tpu.memory_space<vmem_shared>>) target(%dma_start3A_517 : memref<128x8xf32, #tpu.memory_space<vmem>>) offsets(%arg7 : memref<128xi32, #tpu.memory_space<vmem>>) semaphore(%arg12 : memref<!tpu.dma_semaphore, #tpu.memory_space<semaphore_mem>>)
      %dma_wait3A_521 = arith.constant 1 : i32
      %dma_wait3A_522 = arith.constant 0 : i32
      %dma_wait3A_523 = arith.constant 0 : i32
      %dma_wait3A_524 = tpu.memref_slice %arg11[%dma_wait3A_521, %dma_wait3A_522, %dma_wait3A_523] : memref<2x128x8xf32, #tpu.memory_space<vmem>> -> memref<1x128x8xf32, #tpu.memory_space<vmem>>
      %dma_wait3A_525 = tpu.memref_squeeze %dma_wait3A_524 : memref<1x128x8xf32, #tpu.memory_space<vmem>> -> memref<128x8xf32, #tpu.memory_space<vmem>>
      %dma_wait3A_526 = arith.constant 0 : i32
      %dma_wait3A_527 = arith.constant 0 : i32
      %dma_wait3A_528 = tpu.memref_slice %arg17[%dma_wait3A_526, %dma_wait3A_527] : memref<10240x8xf32, #tpu.memory_space<vmem_shared>> -> memref<10240x8xf32, #tpu.memory_space<vmem_shared>>
      tpu.wait_indirect_dma semaphore(%arg15 : memref<!tpu.dma_semaphore, #tpu.memory_space<semaphore_mem>>) src(%dma_wait3A_525 : memref<128x8xf32, #tpu.memory_space<vmem>>) dst(%dma_wait3A_528 : memref<10240x8xf32, #tpu.memory_space<vmem_shared>>)
      %add3A_529 = arith.constant 3 : i32
      %add3A_530 = arith.addi %mul3A_327, %add3A_529 : i32
      %get3A_531 = arith.index_cast %add3A_530 : i32 to index
      %get3A_532 = arith.constant 0 : index
      %get3A_533 = tpu.vector_load %arg6[%get3A_531, %get3A_532] {strides = array<i32>} : memref<80x128xi32, #tpu.memory_space<vmem>>, vector<1x16xi32>,
      %get3A_534 = vector.shape_cast %get3A_533 : vector<1x16xi32> to vector<16xi32>
      %shift_right_logical3A_535 = arith.constant 16 : i32
      %shift_right_logical3A_536 = vector.broadcast %shift_right_logical3A_535 : i32 to vector<16xi32>
      %shift_right_logical3A_537 = arith.shrui %get3A_534, %shift_right_logical3A_536 : vector<16xi32>
      %swap3A_538 = arith.constant 0 : index
      %swap3A_539 = tpu.vector_load %arg9[%swap3A_538] {strides = array<i32>} : memref<128xi32, #tpu.memory_space<vmem>>, vector<16xi32>,
      %swap3A_540 = vector.shape_cast %swap3A_539 : vector<16xi32> to vector<16xi32>
      %swap3A_541 = vector.shape_cast %shift_right_logical3A_537 : vector<16xi32> to vector<16xi32>
      tpu.vector_store %arg9[%swap3A_538], %swap3A_541 {strides = array<i32>} : memref<128xi32, #tpu.memory_space<vmem>>, vector<16xi32>,
      %and3A_542 = arith.constant 65535 : i32
      %and3A_543 = vector.broadcast %and3A_542 : i32 to vector<16xi32>
      %and3A_544 = arith.andi %get3A_534, %and3A_543 : vector<16xi32>
      %swap3A_545 = arith.constant 0 : index
      %swap3A_546 = tpu.vector_load %arg10[%swap3A_545] {strides = array<i32>} : memref<128xi32, #tpu.memory_space<vmem>>, vector<16xi32>,
      %swap3A_547 = vector.shape_cast %swap3A_546 : vector<16xi32> to vector<16xi32>
      %swap3A_548 = vector.shape_cast %and3A_544 : vector<16xi32> to vector<16xi32>
      tpu.vector_store %arg10[%swap3A_545], %swap3A_548 {strides = array<i32>} : memref<128xi32, #tpu.memory_space<vmem>>, vector<16xi32>,
      %get3A_549 = arith.index_cast %add3A_530 : i32 to index
      %get3A_550 = arith.constant 16 : index
      %get3A_551 = tpu.vector_load %arg6[%get3A_549, %get3A_550] {strides = array<i32>} : memref<80x128xi32, #tpu.memory_space<vmem>>, vector<1x16xi32>,
      %get3A_552 = vector.shape_cast %get3A_551 : vector<1x16xi32> to vector<16xi32>
      %shift_right_logical3A_553 = arith.constant 16 : i32
      %shift_right_logical3A_554 = vector.broadcast %shift_right_logical3A_553 : i32 to vector<16xi32>
      %shift_right_logical3A_555 = arith.shrui %get3A_552, %shift_right_logical3A_554 : vector<16xi32>
      %swap3A_556 = arith.constant 16 : index
      %swap3A_557 = tpu.vector_load %arg9[%swap3A_556] {strides = array<i32>} : memref<128xi32, #tpu.memory_space<vmem>>, vector<16xi32>,
      %swap3A_558 = vector.shape_cast %swap3A_557 : vector<16xi32> to vector<16xi32>
      %swap3A_559 = vector.shape_cast %shift_right_logical3A_555 : vector<16xi32> to vector<16xi32>
      tpu.vector_store %arg9[%swap3A_556], %swap3A_559 {strides = array<i32>} : memref<128xi32, #tpu.memory_space<vmem>>, vector<16xi32>,
      %and3A_560 = arith.constant 65535 : i32
      %and3A_561 = vector.broadcast %and3A_560 : i32 to vector<16xi32>
      %and3A_562 = arith.andi %get3A_552, %and3A_561 : vector<16xi32>
      %swap3A_563 = arith.constant 16 : index
      %swap3A_564 = tpu.vector_load %arg10[%swap3A_563] {strides = array<i32>} : memref<128xi32, #tpu.memory_space<vmem>>, vector<16xi32>,
      %swap3A_565 = vector.shape_cast %swap3A_564 : vector<16xi32> to vector<16xi32>
      %swap3A_566 = vector.shape_cast %and3A_562 : vector<16xi32> to vector<16xi32>
      tpu.vector_store %arg10[%swap3A_563], %swap3A_566 {strides = array<i32>} : memref<128xi32, #tpu.memory_space<vmem>>, vector<16xi32>,
      %get3A_567 = arith.index_cast %add3A_530 : i32 to index
      %get3A_568 = arith.constant 32 : index
      %get3A_569 = tpu.vector_load %arg6[%get3A_567, %get3A_568] {strides = array<i32>} : memref<80x128xi32, #tpu.memory_space<vmem>>, vector<1x16xi32>,
      %get3A_570 = vector.shape_cast %get3A_569 : vector<1x16xi32> to vector<16xi32>
      %shift_right_logical3A_571 = arith.constant 16 : i32
      %shift_right_logical3A_572 = vector.broadcast %shift_right_logical3A_571 : i32 to vector<16xi32>
      %shift_right_logical3A_573 = arith.shrui %get3A_570, %shift_right_logical3A_572 : vector<16xi32>
      %swap3A_574 = arith.constant 32 : index
      %swap3A_575 = tpu.vector_load %arg9[%swap3A_574] {strides = array<i32>} : memref<128xi32, #tpu.memory_space<vmem>>, vector<16xi32>,
      %swap3A_576 = vector.shape_cast %swap3A_575 : vector<16xi32> to vector<16xi32>
      %swap3A_577 = vector.shape_cast %shift_right_logical3A_573 : vector<16xi32> to vector<16xi32>
      tpu.vector_store %arg9[%swap3A_574], %swap3A_577 {strides = array<i32>} : memref<128xi32, #tpu.memory_space<vmem>>, vector<16xi32>,
      %and3A_578 = arith.constant 65535 : i32
      %and3A_579 = vector.broadcast %and3A_578 : i32 to vector<16xi32>
      %and3A_580 = arith.andi %get3A_570, %and3A_579 : vector<16xi32>
      %swap3A_581 = arith.constant 32 : index
      %swap3A_582 = tpu.vector_load %arg10[%swap3A_581] {strides = array<i32>} : memref<128xi32, #tpu.memory_space<vmem>>, vector<16xi32>,
      %swap3A_583 = vector.shape_cast %swap3A_582 : vector<16xi32> to vector<16xi32>
      %swap3A_584 = vector.shape_cast %and3A_580 : vector<16xi32> to vector<16xi32>
      tpu.vector_store %arg10[%swap3A_581], %swap3A_584 {strides = array<i32>} : memref<128xi32, #tpu.memory_space<vmem>>, vector<16xi32>,
      %get3A_585 = arith.index_cast %add3A_530 : i32 to index
      %get3A_586 = arith.constant 48 : index
      %get3A_587 = tpu.vector_load %arg6[%get3A_585, %get3A_586] {strides = array<i32>} : memref<80x128xi32, #tpu.memory_space<vmem>>, vector<1x16xi32>,
      %get3A_588 = vector.shape_cast %get3A_587 : vector<1x16xi32> to vector<16xi32>
      %shift_right_logical3A_589 = arith.constant 16 : i32
      %shift_right_logical3A_590 = vector.broadcast %shift_right_logical3A_589 : i32 to vector<16xi32>
      %shift_right_logical3A_591 = arith.shrui %get3A_588, %shift_right_logical3A_590 : vector<16xi32>
      %swap3A_592 = arith.constant 48 : index
      %swap3A_593 = tpu.vector_load %arg9[%swap3A_592] {strides = array<i32>} : memref<128xi32, #tpu.memory_space<vmem>>, vector<16xi32>,
      %swap3A_594 = vector.shape_cast %swap3A_593 : vector<16xi32> to vector<16xi32>
      %swap3A_595 = vector.shape_cast %shift_right_logical3A_591 : vector<16xi32> to vector<16xi32>
      tpu.vector_store %arg9[%swap3A_592], %swap3A_595 {strides = array<i32>} : memref<128xi32, #tpu.memory_space<vmem>>, vector<16xi32>,
      %and3A_596 = arith.constant 65535 : i32
      %and3A_597 = vector.broadcast %and3A_596 : i32 to vector<16xi32>
      %and3A_598 = arith.andi %get3A_588, %and3A_597 : vector<16xi32>
      %swap3A_599 = arith.constant 48 : index
      %swap3A_600 = tpu.vector_load %arg10[%swap3A_599] {strides = array<i32>} : memref<128xi32, #tpu.memory_space<vmem>>, vector<16xi32>,
      %swap3A_601 = vector.shape_cast %swap3A_600 : vector<16xi32> to vector<16xi32>
      %swap3A_602 = vector.shape_cast %and3A_598 : vector<16xi32> to vector<16xi32>
      tpu.vector_store %arg10[%swap3A_599], %swap3A_602 {strides = array<i32>} : memref<128xi32, #tpu.memory_space<vmem>>, vector<16xi32>,
      %get3A_603 = arith.index_cast %add3A_530 : i32 to index
      %get3A_604 = arith.constant 64 : index
      %get3A_605 = tpu.vector_load %arg6[%get3A_603, %get3A_604] {strides = array<i32>} : memref<80x128xi32, #tpu.memory_space<vmem>>, vector<1x16xi32>,
      %get3A_606 = vector.shape_cast %get3A_605 : vector<1x16xi32> to vector<16xi32>
      %shift_right_logical3A_607 = arith.constant 16 : i32
      %shift_right_logical3A_608 = vector.broadcast %shift_right_logical3A_607 : i32 to vector<16xi32>
      %shift_right_logical3A_609 = arith.shrui %get3A_606, %shift_right_logical3A_608 : vector<16xi32>
      %swap3A_610 = arith.constant 64 : index
      %swap3A_611 = tpu.vector_load %arg9[%swap3A_610] {strides = array<i32>} : memref<128xi32, #tpu.memory_space<vmem>>, vector<16xi32>,
      %swap3A_612 = vector.shape_cast %swap3A_611 : vector<16xi32> to vector<16xi32>
      %swap3A_613 = vector.shape_cast %shift_right_logical3A_609 : vector<16xi32> to vector<16xi32>
      tpu.vector_store %arg9[%swap3A_610], %swap3A_613 {strides = array<i32>} : memref<128xi32, #tpu.memory_space<vmem>>, vector<16xi32>,
      %and3A_614 = arith.constant 65535 : i32
      %and3A_615 = vector.broadcast %and3A_614 : i32 to vector<16xi32>
      %and3A_616 = arith.andi %get3A_606, %and3A_615 : vector<16xi32>
      %swap3A_617 = arith.constant 64 : index
      %swap3A_618 = tpu.vector_load %arg10[%swap3A_617] {strides = array<i32>} : memref<128xi32, #tpu.memory_space<vmem>>, vector<16xi32>,
      %swap3A_619 = vector.shape_cast %swap3A_618 : vector<16xi32> to vector<16xi32>
      %swap3A_620 = vector.shape_cast %and3A_616 : vector<16xi32> to vector<16xi32>
      tpu.vector_store %arg10[%swap3A_617], %swap3A_620 {strides = array<i32>} : memref<128xi32, #tpu.memory_space<vmem>>, vector<16xi32>,
      %get3A_621 = arith.index_cast %add3A_530 : i32 to index
      %get3A_622 = arith.constant 80 : index
      %get3A_623 = tpu.vector_load %arg6[%get3A_621, %get3A_622] {strides = array<i32>} : memref<80x128xi32, #tpu.memory_space<vmem>>, vector<1x16xi32>,
      %get3A_624 = vector.shape_cast %get3A_623 : vector<1x16xi32> to vector<16xi32>
      %shift_right_logical3A_625 = arith.constant 16 : i32
      %shift_right_logical3A_626 = vector.broadcast %shift_right_logical3A_625 : i32 to vector<16xi32>
      %shift_right_logical3A_627 = arith.shrui %get3A_624, %shift_right_logical3A_626 : vector<16xi32>
      %swap3A_628 = arith.constant 80 : index
      %swap3A_629 = tpu.vector_load %arg9[%swap3A_628] {strides = array<i32>} : memref<128xi32, #tpu.memory_space<vmem>>, vector<16xi32>,
      %swap3A_630 = vector.shape_cast %swap3A_629 : vector<16xi32> to vector<16xi32>
      %swap3A_631 = vector.shape_cast %shift_right_logical3A_627 : vector<16xi32> to vector<16xi32>
      tpu.vector_store %arg9[%swap3A_628], %swap3A_631 {strides = array<i32>} : memref<128xi32, #tpu.memory_space<vmem>>, vector<16xi32>,
      %and3A_632 = arith.constant 65535 : i32
      %and3A_633 = vector.broadcast %and3A_632 : i32 to vector<16xi32>
      %and3A_634 = arith.andi %get3A_624, %and3A_633 : vector<16xi32>
      %swap3A_635 = arith.constant 80 : index
      %swap3A_636 = tpu.vector_load %arg10[%swap3A_635] {strides = array<i32>} : memref<128xi32, #tpu.memory_space<vmem>>, vector<16xi32>,
      %swap3A_637 = vector.shape_cast %swap3A_636 : vector<16xi32> to vector<16xi32>
      %swap3A_638 = vector.shape_cast %and3A_634 : vector<16xi32> to vector<16xi32>
      tpu.vector_store %arg10[%swap3A_635], %swap3A_638 {strides = array<i32>} : memref<128xi32, #tpu.memory_space<vmem>>, vector<16xi32>,
      %get3A_639 = arith.index_cast %add3A_530 : i32 to index
      %get3A_640 = arith.constant 96 : index
      %get3A_641 = tpu.vector_load %arg6[%get3A_639, %get3A_640] {strides = array<i32>} : memref<80x128xi32, #tpu.memory_space<vmem>>, vector<1x16xi32>,
      %get3A_642 = vector.shape_cast %get3A_641 : vector<1x16xi32> to vector<16xi32>
      %shift_right_logical3A_643 = arith.constant 16 : i32
      %shift_right_logical3A_644 = vector.broadcast %shift_right_logical3A_643 : i32 to vector<16xi32>
      %shift_right_logical3A_645 = arith.shrui %get3A_642, %shift_right_logical3A_644 : vector<16xi32>
      %swap3A_646 = arith.constant 96 : index
      %swap3A_647 = tpu.vector_load %arg9[%swap3A_646] {strides = array<i32>} : memref<128xi32, #tpu.memory_space<vmem>>, vector<16xi32>,
      %swap3A_648 = vector.shape_cast %swap3A_647 : vector<16xi32> to vector<16xi32>
      %swap3A_649 = vector.shape_cast %shift_right_logical3A_645 : vector<16xi32> to vector<16xi32>
      tpu.vector_store %arg9[%swap3A_646], %swap3A_649 {strides = array<i32>} : memref<128xi32, #tpu.memory_space<vmem>>, vector<16xi32>,
      %and3A_650 = arith.constant 65535 : i32
      %and3A_651 = vector.broadcast %and3A_650 : i32 to vector<16xi32>
      %and3A_652 = arith.andi %get3A_642, %and3A_651 : vector<16xi32>
      %swap3A_653 = arith.constant 96 : index
      %swap3A_654 = tpu.vector_load %arg10[%swap3A_653] {strides = array<i32>} : memref<128xi32, #tpu.memory_space<vmem>>, vector<16xi32>,
      %swap3A_655 = vector.shape_cast %swap3A_654 : vector<16xi32> to vector<16xi32>
      %swap3A_656 = vector.shape_cast %and3A_652 : vector<16xi32> to vector<16xi32>
      tpu.vector_store %arg10[%swap3A_653], %swap3A_656 {strides = array<i32>} : memref<128xi32, #tpu.memory_space<vmem>>, vector<16xi32>,
      %get3A_657 = arith.index_cast %add3A_530 : i32 to index
      %get3A_658 = arith.constant 112 : index
      %get3A_659 = tpu.vector_load %arg6[%get3A_657, %get3A_658] {strides = array<i32>} : memref<80x128xi32, #tpu.memory_space<vmem>>, vector<1x16xi32>,
      %get3A_660 = vector.shape_cast %get3A_659 : vector<1x16xi32> to vector<16xi32>
      %shift_right_logical3A_661 = arith.constant 16 : i32
      %shift_right_logical3A_662 = vector.broadcast %shift_right_logical3A_661 : i32 to vector<16xi32>
      %shift_right_logical3A_663 = arith.shrui %get3A_660, %shift_right_logical3A_662 : vector<16xi32>
      %swap3A_664 = arith.constant 112 : index
      %swap3A_665 = tpu.vector_load %arg9[%swap3A_664] {strides = array<i32>} : memref<128xi32, #tpu.memory_space<vmem>>, vector<16xi32>,
      %swap3A_666 = vector.shape_cast %swap3A_665 : vector<16xi32> to vector<16xi32>
      %swap3A_667 = vector.shape_cast %shift_right_logical3A_663 : vector<16xi32> to vector<16xi32>
      tpu.vector_store %arg9[%swap3A_664], %swap3A_667 {strides = array<i32>} : memref<128xi32, #tpu.memory_space<vmem>>, vector<16xi32>,
      %and3A_668 = arith.constant 65535 : i32
      %and3A_669 = vector.broadcast %and3A_668 : i32 to vector<16xi32>
      %and3A_670 = arith.andi %get3A_660, %and3A_669 : vector<16xi32>
      %swap3A_671 = arith.constant 112 : index
      %swap3A_672 = tpu.vector_load %arg10[%swap3A_671] {strides = array<i32>} : memref<128xi32, #tpu.memory_space<vmem>>, vector<16xi32>,
      %swap3A_673 = vector.shape_cast %swap3A_672 : vector<16xi32> to vector<16xi32>
      %swap3A_674 = vector.shape_cast %and3A_670 : vector<16xi32> to vector<16xi32>
      tpu.vector_store %arg10[%swap3A_671], %swap3A_674 {strides = array<i32>} : memref<128xi32, #tpu.memory_space<vmem>>, vector<16xi32>,
      %dma_start3A_675 = arith.constant 1 : i32
      %dma_start3A_676 = arith.constant 0 : i32
      %dma_start3A_677 = arith.constant 0 : i32
      %dma_start3A_678 = tpu.memref_slice %arg11[%dma_start3A_675, %dma_start3A_676, %dma_start3A_677] : memref<2x128x8xf32, #tpu.memory_space<vmem>> -> memref<1x128x8xf32, #tpu.memory_space<vmem>>
      %dma_start3A_679 = tpu.memref_squeeze %dma_start3A_678 : memref<1x128x8xf32, #tpu.memory_space<vmem>> -> memref<128x8xf32, #tpu.memory_space<vmem>>
      %dma_start3A_680 = arith.constant 0 : i32
      %dma_start3A_681 = arith.constant 0 : i32
      %dma_start3A_682 = tpu.memref_slice %arg16[%dma_start3A_680, %dma_start3A_681] : memref<10240x8xf32, #tpu.memory_space<vmem_shared>> -> memref<10240x8xf32, #tpu.memory_space<vmem_shared>>
      tpu.enqueue_indirect_dma source(%dma_start3A_682 : memref<10240x8xf32, #tpu.memory_space<vmem_shared>>) target(%dma_start3A_679 : memref<128x8xf32, #tpu.memory_space<vmem>>) offsets(%arg9 : memref<128xi32, #tpu.memory_space<vmem>>) semaphore(%arg13 : memref<!tpu.dma_semaphore, #tpu.memory_space<semaphore_mem>>)
      %dma_wait3A_683 = arith.constant 0 : i32
      %dma_wait3A_684 = arith.constant 0 : i32
      %dma_wait3A_685 = arith.constant 0 : i32
      %dma_wait3A_686 = tpu.memref_slice %arg11[%dma_wait3A_683, %dma_wait3A_684, %dma_wait3A_685] : memref<2x128x8xf32, #tpu.memory_space<vmem>> -> memref<1x128x8xf32, #tpu.memory_space<vmem>>
      %dma_wait3A_687 = tpu.memref_squeeze %dma_wait3A_686 : memref<1x128x8xf32, #tpu.memory_space<vmem>> -> memref<128x8xf32, #tpu.memory_space<vmem>>
      %dma_wait3A_688 = arith.constant 0 : i32
      %dma_wait3A_689 = arith.constant 0 : i32
      %dma_wait3A_690 = tpu.memref_slice %arg16[%dma_wait3A_688, %dma_wait3A_689] : memref<10240x8xf32, #tpu.memory_space<vmem_shared>> -> memref<10240x8xf32, #tpu.memory_space<vmem_shared>>
      tpu.wait_indirect_dma semaphore(%arg12 : memref<!tpu.dma_semaphore, #tpu.memory_space<semaphore_mem>>) src(%dma_wait3A_690 : memref<10240x8xf32, #tpu.memory_space<vmem_shared>>) dst(%dma_wait3A_687 : memref<128x8xf32, #tpu.memory_space<vmem>>)
      %dma_start3A_691 = arith.constant 0 : i32
      %dma_start3A_692 = arith.constant 0 : i32
      %dma_start3A_693 = arith.constant 0 : i32
      %dma_start3A_694 = tpu.memref_slice %arg11[%dma_start3A_691, %dma_start3A_692, %dma_start3A_693] : memref<2x128x8xf32, #tpu.memory_space<vmem>> -> memref<1x128x8xf32, #tpu.memory_space<vmem>>
      %dma_start3A_695 = tpu.memref_squeeze %dma_start3A_694 : memref<1x128x8xf32, #tpu.memory_space<vmem>> -> memref<128x8xf32, #tpu.memory_space<vmem>>
      %dma_start3A_696 = arith.constant 0 : i32
      %dma_start3A_697 = arith.constant 0 : i32
      %dma_start3A_698 = tpu.memref_slice %arg17[%dma_start3A_696, %dma_start3A_697] : memref<10240x8xf32, #tpu.memory_space<vmem_shared>> -> memref<10240x8xf32, #tpu.memory_space<vmem_shared>>
      tpu.enqueue_indirect_dma source(%dma_start3A_695 : memref<128x8xf32, #tpu.memory_space<vmem>>) target(%dma_start3A_698 : memref<10240x8xf32, #tpu.memory_space<vmem_shared>>) offsets(%arg8 : memref<128xi32, #tpu.memory_space<vmem>>) semaphore(%arg14 : memref<!tpu.dma_semaphore, #tpu.memory_space<semaphore_mem>>) {add = true}
      %dma_wait3A_699 = arith.constant 1 : i32
      %dma_wait3A_700 = arith.constant 0 : i32
      %dma_wait3A_701 = arith.constant 0 : i32
      %dma_wait3A_702 = tpu.memref_slice %arg11[%dma_wait3A_699, %dma_wait3A_700, %dma_wait3A_701] : memref<2x128x8xf32, #tpu.memory_space<vmem>> -> memref<1x128x8xf32, #tpu.memory_space<vmem>>
      %dma_wait3A_703 = tpu.memref_squeeze %dma_wait3A_702 : memref<1x128x8xf32, #tpu.memory_space<vmem>> -> memref<128x8xf32, #tpu.memory_space<vmem>>
      %dma_wait3A_704 = arith.constant 0 : i32
      %dma_wait3A_705 = arith.constant 0 : i32
      %dma_wait3A_706 = tpu.memref_slice %arg16[%dma_wait3A_704, %dma_wait3A_705] : memref<10240x8xf32, #tpu.memory_space<vmem_shared>> -> memref<10240x8xf32, #tpu.memory_space<vmem_shared>>
      tpu.wait_indirect_dma semaphore(%arg13 : memref<!tpu.dma_semaphore, #tpu.memory_space<semaphore_mem>>) src(%dma_wait3A_706 : memref<10240x8xf32, #tpu.memory_space<vmem_shared>>) dst(%dma_wait3A_703 : memref<128x8xf32, #tpu.memory_space<vmem>>)
      %dma_start3A_707 = arith.constant 1 : i32
      %dma_start3A_708 = arith.constant 0 : i32
      %dma_start3A_709 = arith.constant 0 : i32
      %dma_start3A_710 = tpu.memref_slice %arg11[%dma_start3A_707, %dma_start3A_708, %dma_start3A_709] : memref<2x128x8xf32, #tpu.memory_space<vmem>> -> memref<1x128x8xf32, #tpu.memory_space<vmem>>
      %dma_start3A_711 = tpu.memref_squeeze %dma_start3A_710 : memref<1x128x8xf32, #tpu.memory_space<vmem>> -> memref<128x8xf32, #tpu.memory_space<vmem>>
      %dma_start3A_712 = arith.constant 0 : i32
      %dma_start3A_713 = arith.constant 0 : i32
      %dma_start3A_714 = tpu.memref_slice %arg17[%dma_start3A_712, %dma_start3A_713] : memref<10240x8xf32, #tpu.memory_space<vmem_shared>> -> memref<10240x8xf32, #tpu.memory_space<vmem_shared>>
      tpu.enqueue_indirect_dma source(%dma_start3A_711 : memref<128x8xf32, #tpu.memory_space<vmem>>) target(%dma_start3A_714 : memref<10240x8xf32, #tpu.memory_space<vmem_shared>>) offsets(%arg10 : memref<128xi32, #tpu.memory_space<vmem>>) semaphore(%arg15 : memref<!tpu.dma_semaphore, #tpu.memory_space<semaphore_mem>>) {add = true}
      %lt3A = arith.constant 19 : i32
      %lt3A_715 = arith.cmpi slt, %scan3A_325, %lt3A : i32
      %convert_element_type3A = arith.extui %lt3A_715 : i1 to i32
      %cond3A = arith.constant 0 : i32
      %cond3A_716 = arith.cmpi ne, %convert_element_type3A, %cond3A : i32
      scf.if %cond3A_716 {
        %dma_wait3A_721 = arith.constant 0 : i32
        %dma_wait3A_722 = arith.constant 0 : i32
        %dma_wait3A_723 = arith.constant 0 : i32
        %dma_wait3A_724 = tpu.memref_slice %arg11[%dma_wait3A_721, %dma_wait3A_722, %dma_wait3A_723] : memref<2x128x8xf32, #tpu.memory_space<vmem>> -> memref<1x128x8xf32, #tpu.memory_space<vmem>>
        %dma_wait3A_725 = tpu.memref_squeeze %dma_wait3A_724 : memref<1x128x8xf32, #tpu.memory_space<vmem>> -> memref<128x8xf32, #tpu.memory_space<vmem>>
        %dma_wait3A_726 = arith.constant 0 : i32
        %dma_wait3A_727 = arith.constant 0 : i32
        %dma_wait3A_728 = tpu.memref_slice %arg17[%dma_wait3A_726, %dma_wait3A_727] : memref<10240x8xf32, #tpu.memory_space<vmem_shared>> -> memref<10240x8xf32, #tpu.memory_space<vmem_shared>>
        tpu.wait_indirect_dma semaphore(%arg14 : memref<!tpu.dma_semaphore, #tpu.memory_space<semaphore_mem>>) src(%dma_wait3A_725 : memref<128x8xf32, #tpu.memory_space<vmem>>) dst(%dma_wait3A_728 : memref<10240x8xf32, #tpu.memory_space<vmem_shared>>)
        %add3A_729 = arith.constant 4 : i32
        %add3A_730 = arith.addi %mul3A_327, %add3A_729 : i32
        %get3A_731 = arith.index_cast %add3A_730 : i32 to index
        %get3A_732 = arith.constant 0 : index
        %get3A_733 = tpu.vector_load %arg6[%get3A_731, %get3A_732] {strides = array<i32>} : memref<80x128xi32, #tpu.memory_space<vmem>>, vector<1x16xi32>,
        %get3A_734 = vector.shape_cast %get3A_733 : vector<1x16xi32> to vector<16xi32>
        %shift_right_logical3A_735 = arith.constant 16 : i32
        %shift_right_logical3A_736 = vector.broadcast %shift_right_logical3A_735 : i32 to vector<16xi32>
        %shift_right_logical3A_737 = arith.shrui %get3A_734, %shift_right_logical3A_736 : vector<16xi32>
        %swap3A_738 = arith.constant 0 : index
        %swap3A_739 = tpu.vector_load %arg7[%swap3A_738] {strides = array<i32>} : memref<128xi32, #tpu.memory_space<vmem>>, vector<16xi32>,
        %swap3A_740 = vector.shape_cast %swap3A_739 : vector<16xi32> to vector<16xi32>
        %swap3A_741 = vector.shape_cast %shift_right_logical3A_737 : vector<16xi32> to vector<16xi32>
        tpu.vector_store %arg7[%swap3A_738], %swap3A_741 {strides = array<i32>} : memref<128xi32, #tpu.memory_space<vmem>>, vector<16xi32>,
        %and3A_742 = arith.constant 65535 : i32
        %and3A_743 = vector.broadcast %and3A_742 : i32 to vector<16xi32>
        %and3A_744 = arith.andi %get3A_734, %and3A_743 : vector<16xi32>
        %swap3A_745 = arith.constant 0 : index
        %swap3A_746 = tpu.vector_load %arg8[%swap3A_745] {strides = array<i32>} : memref<128xi32, #tpu.memory_space<vmem>>, vector<16xi32>,
        %swap3A_747 = vector.shape_cast %swap3A_746 : vector<16xi32> to vector<16xi32>
        %swap3A_748 = vector.shape_cast %and3A_744 : vector<16xi32> to vector<16xi32>
        tpu.vector_store %arg8[%swap3A_745], %swap3A_748 {strides = array<i32>} : memref<128xi32, #tpu.memory_space<vmem>>, vector<16xi32>,
        %get3A_749 = arith.index_cast %add3A_730 : i32 to index
        %get3A_750 = arith.constant 16 : index
        %get3A_751 = tpu.vector_load %arg6[%get3A_749, %get3A_750] {strides = array<i32>} : memref<80x128xi32, #tpu.memory_space<vmem>>, vector<1x16xi32>,
        %get3A_752 = vector.shape_cast %get3A_751 : vector<1x16xi32> to vector<16xi32>
        %shift_right_logical3A_753 = arith.constant 16 : i32
        %shift_right_logical3A_754 = vector.broadcast %shift_right_logical3A_753 : i32 to vector<16xi32>
        %shift_right_logical3A_755 = arith.shrui %get3A_752, %shift_right_logical3A_754 : vector<16xi32>
        %swap3A_756 = arith.constant 16 : index
        %swap3A_757 = tpu.vector_load %arg7[%swap3A_756] {strides = array<i32>} : memref<128xi32, #tpu.memory_space<vmem>>, vector<16xi32>,
        %swap3A_758 = vector.shape_cast %swap3A_757 : vector<16xi32> to vector<16xi32>
        %swap3A_759 = vector.shape_cast %shift_right_logical3A_755 : vector<16xi32> to vector<16xi32>
        tpu.vector_store %arg7[%swap3A_756], %swap3A_759 {strides = array<i32>} : memref<128xi32, #tpu.memory_space<vmem>>, vector<16xi32>,
        %and3A_760 = arith.constant 65535 : i32
        %and3A_761 = vector.broadcast %and3A_760 : i32 to vector<16xi32>
        %and3A_762 = arith.andi %get3A_752, %and3A_761 : vector<16xi32>
        %swap3A_763 = arith.constant 16 : index
        %swap3A_764 = tpu.vector_load %arg8[%swap3A_763] {strides = array<i32>} : memref<128xi32, #tpu.memory_space<vmem>>, vector<16xi32>,
        %swap3A_765 = vector.shape_cast %swap3A_764 : vector<16xi32> to vector<16xi32>
        %swap3A_766 = vector.shape_cast %and3A_762 : vector<16xi32> to vector<16xi32>
        tpu.vector_store %arg8[%swap3A_763], %swap3A_766 {strides = array<i32>} : memref<128xi32, #tpu.memory_space<vmem>>, vector<16xi32>,
        %get3A_767 = arith.index_cast %add3A_730 : i32 to index
        %get3A_768 = arith.constant 32 : index
        %get3A_769 = tpu.vector_load %arg6[%get3A_767, %get3A_768] {strides = array<i32>} : memref<80x128xi32, #tpu.memory_space<vmem>>, vector<1x16xi32>,
        %get3A_770 = vector.shape_cast %get3A_769 : vector<1x16xi32> to vector<16xi32>
        %shift_right_logical3A_771 = arith.constant 16 : i32
        %shift_right_logical3A_772 = vector.broadcast %shift_right_logical3A_771 : i32 to vector<16xi32>
        %shift_right_logical3A_773 = arith.shrui %get3A_770, %shift_right_logical3A_772 : vector<16xi32>
        %swap3A_774 = arith.constant 32 : index
        %swap3A_775 = tpu.vector_load %arg7[%swap3A_774] {strides = array<i32>} : memref<128xi32, #tpu.memory_space<vmem>>, vector<16xi32>,
        %swap3A_776 = vector.shape_cast %swap3A_775 : vector<16xi32> to vector<16xi32>
        %swap3A_777 = vector.shape_cast %shift_right_logical3A_773 : vector<16xi32> to vector<16xi32>
        tpu.vector_store %arg7[%swap3A_774], %swap3A_777 {strides = array<i32>} : memref<128xi32, #tpu.memory_space<vmem>>, vector<16xi32>,
        %and3A_778 = arith.constant 65535 : i32
        %and3A_779 = vector.broadcast %and3A_778 : i32 to vector<16xi32>
        %and3A_780 = arith.andi %get3A_770, %and3A_779 : vector<16xi32>
        %swap3A_781 = arith.constant 32 : index
        %swap3A_782 = tpu.vector_load %arg8[%swap3A_781] {strides = array<i32>} : memref<128xi32, #tpu.memory_space<vmem>>, vector<16xi32>,
        %swap3A_783 = vector.shape_cast %swap3A_782 : vector<16xi32> to vector<16xi32>
        %swap3A_784 = vector.shape_cast %and3A_780 : vector<16xi32> to vector<16xi32>
        tpu.vector_store %arg8[%swap3A_781], %swap3A_784 {strides = array<i32>} : memref<128xi32, #tpu.memory_space<vmem>>, vector<16xi32>,
        %get3A_785 = arith.index_cast %add3A_730 : i32 to index
        %get3A_786 = arith.constant 48 : index
        %get3A_787 = tpu.vector_load %arg6[%get3A_785, %get3A_786] {strides = array<i32>} : memref<80x128xi32, #tpu.memory_space<vmem>>, vector<1x16xi32>,
        %get3A_788 = vector.shape_cast %get3A_787 : vector<1x16xi32> to vector<16xi32>
        %shift_right_logical3A_789 = arith.constant 16 : i32
        %shift_right_logical3A_790 = vector.broadcast %shift_right_logical3A_789 : i32 to vector<16xi32>
        %shift_right_logical3A_791 = arith.shrui %get3A_788, %shift_right_logical3A_790 : vector<16xi32>
        %swap3A_792 = arith.constant 48 : index
        %swap3A_793 = tpu.vector_load %arg7[%swap3A_792] {strides = array<i32>} : memref<128xi32, #tpu.memory_space<vmem>>, vector<16xi32>,
        %swap3A_794 = vector.shape_cast %swap3A_793 : vector<16xi32> to vector<16xi32>
        %swap3A_795 = vector.shape_cast %shift_right_logical3A_791 : vector<16xi32> to vector<16xi32>
        tpu.vector_store %arg7[%swap3A_792], %swap3A_795 {strides = array<i32>} : memref<128xi32, #tpu.memory_space<vmem>>, vector<16xi32>,
        %and3A_796 = arith.constant 65535 : i32
        %and3A_797 = vector.broadcast %and3A_796 : i32 to vector<16xi32>
        %and3A_798 = arith.andi %get3A_788, %and3A_797 : vector<16xi32>
        %swap3A_799 = arith.constant 48 : index
        %swap3A_800 = tpu.vector_load %arg8[%swap3A_799] {strides = array<i32>} : memref<128xi32, #tpu.memory_space<vmem>>, vector<16xi32>,
        %swap3A_801 = vector.shape_cast %swap3A_800 : vector<16xi32> to vector<16xi32>
        %swap3A_802 = vector.shape_cast %and3A_798 : vector<16xi32> to vector<16xi32>
        tpu.vector_store %arg8[%swap3A_799], %swap3A_802 {strides = array<i32>} : memref<128xi32, #tpu.memory_space<vmem>>, vector<16xi32>,
        %get3A_803 = arith.index_cast %add3A_730 : i32 to index
        %get3A_804 = arith.constant 64 : index
        %get3A_805 = tpu.vector_load %arg6[%get3A_803, %get3A_804] {strides = array<i32>} : memref<80x128xi32, #tpu.memory_space<vmem>>, vector<1x16xi32>,
        %get3A_806 = vector.shape_cast %get3A_805 : vector<1x16xi32> to vector<16xi32>
        %shift_right_logical3A_807 = arith.constant 16 : i32
        %shift_right_logical3A_808 = vector.broadcast %shift_right_logical3A_807 : i32 to vector<16xi32>
        %shift_right_logical3A_809 = arith.shrui %get3A_806, %shift_right_logical3A_808 : vector<16xi32>
        %swap3A_810 = arith.constant 64 : index
        %swap3A_811 = tpu.vector_load %arg7[%swap3A_810] {strides = array<i32>} : memref<128xi32, #tpu.memory_space<vmem>>, vector<16xi32>,
        %swap3A_812 = vector.shape_cast %swap3A_811 : vector<16xi32> to vector<16xi32>
        %swap3A_813 = vector.shape_cast %shift_right_logical3A_809 : vector<16xi32> to vector<16xi32>
        tpu.vector_store %arg7[%swap3A_810], %swap3A_813 {strides = array<i32>} : memref<128xi32, #tpu.memory_space<vmem>>, vector<16xi32>,
        %and3A_814 = arith.constant 65535 : i32
        %and3A_815 = vector.broadcast %and3A_814 : i32 to vector<16xi32>
        %and3A_816 = arith.andi %get3A_806, %and3A_815 : vector<16xi32>
        %swap3A_817 = arith.constant 64 : index
        %swap3A_818 = tpu.vector_load %arg8[%swap3A_817] {strides = array<i32>} : memref<128xi32, #tpu.memory_space<vmem>>, vector<16xi32>,
        %swap3A_819 = vector.shape_cast %swap3A_818 : vector<16xi32> to vector<16xi32>
        %swap3A_820 = vector.shape_cast %and3A_816 : vector<16xi32> to vector<16xi32>
        tpu.vector_store %arg8[%swap3A_817], %swap3A_820 {strides = array<i32>} : memref<128xi32, #tpu.memory_space<vmem>>, vector<16xi32>,
        %get3A_821 = arith.index_cast %add3A_730 : i32 to index
        %get3A_822 = arith.constant 80 : index
        %get3A_823 = tpu.vector_load %arg6[%get3A_821, %get3A_822] {strides = array<i32>} : memref<80x128xi32, #tpu.memory_space<vmem>>, vector<1x16xi32>,
        %get3A_824 = vector.shape_cast %get3A_823 : vector<1x16xi32> to vector<16xi32>
        %shift_right_logical3A_825 = arith.constant 16 : i32
        %shift_right_logical3A_826 = vector.broadcast %shift_right_logical3A_825 : i32 to vector<16xi32>
        %shift_right_logical3A_827 = arith.shrui %get3A_824, %shift_right_logical3A_826 : vector<16xi32>
        %swap3A_828 = arith.constant 80 : index
        %swap3A_829 = tpu.vector_load %arg7[%swap3A_828] {strides = array<i32>} : memref<128xi32, #tpu.memory_space<vmem>>, vector<16xi32>,
        %swap3A_830 = vector.shape_cast %swap3A_829 : vector<16xi32> to vector<16xi32>
        %swap3A_831 = vector.shape_cast %shift_right_logical3A_827 : vector<16xi32> to vector<16xi32>
        tpu.vector_store %arg7[%swap3A_828], %swap3A_831 {strides = array<i32>} : memref<128xi32, #tpu.memory_space<vmem>>, vector<16xi32>,
        %and3A_832 = arith.constant 65535 : i32
        %and3A_833 = vector.broadcast %and3A_832 : i32 to vector<16xi32>
        %and3A_834 = arith.andi %get3A_824, %and3A_833 : vector<16xi32>
        %swap3A_835 = arith.constant 80 : index
        %swap3A_836 = tpu.vector_load %arg8[%swap3A_835] {strides = array<i32>} : memref<128xi32, #tpu.memory_space<vmem>>, vector<16xi32>,
        %swap3A_837 = vector.shape_cast %swap3A_836 : vector<16xi32> to vector<16xi32>
        %swap3A_838 = vector.shape_cast %and3A_834 : vector<16xi32> to vector<16xi32>
        tpu.vector_store %arg8[%swap3A_835], %swap3A_838 {strides = array<i32>} : memref<128xi32, #tpu.memory_space<vmem>>, vector<16xi32>,
        %get3A_839 = arith.index_cast %add3A_730 : i32 to index
        %get3A_840 = arith.constant 96 : index
        %get3A_841 = tpu.vector_load %arg6[%get3A_839, %get3A_840] {strides = array<i32>} : memref<80x128xi32, #tpu.memory_space<vmem>>, vector<1x16xi32>,
        %get3A_842 = vector.shape_cast %get3A_841 : vector<1x16xi32> to vector<16xi32>
        %shift_right_logical3A_843 = arith.constant 16 : i32
        %shift_right_logical3A_844 = vector.broadcast %shift_right_logical3A_843 : i32 to vector<16xi32>
        %shift_right_logical3A_845 = arith.shrui %get3A_842, %shift_right_logical3A_844 : vector<16xi32>
        %swap3A_846 = arith.constant 96 : index
        %swap3A_847 = tpu.vector_load %arg7[%swap3A_846] {strides = array<i32>} : memref<128xi32, #tpu.memory_space<vmem>>, vector<16xi32>,
        %swap3A_848 = vector.shape_cast %swap3A_847 : vector<16xi32> to vector<16xi32>
        %swap3A_849 = vector.shape_cast %shift_right_logical3A_845 : vector<16xi32> to vector<16xi32>
        tpu.vector_store %arg7[%swap3A_846], %swap3A_849 {strides = array<i32>} : memref<128xi32, #tpu.memory_space<vmem>>, vector<16xi32>,
        %and3A_850 = arith.constant 65535 : i32
        %and3A_851 = vector.broadcast %and3A_850 : i32 to vector<16xi32>
        %and3A_852 = arith.andi %get3A_842, %and3A_851 : vector<16xi32>
        %swap3A_853 = arith.constant 96 : index
        %swap3A_854 = tpu.vector_load %arg8[%swap3A_853] {strides = array<i32>} : memref<128xi32, #tpu.memory_space<vmem>>, vector<16xi32>,
        %swap3A_855 = vector.shape_cast %swap3A_854 : vector<16xi32> to vector<16xi32>
        %swap3A_856 = vector.shape_cast %and3A_852 : vector<16xi32> to vector<16xi32>
        tpu.vector_store %arg8[%swap3A_853], %swap3A_856 {strides = array<i32>} : memref<128xi32, #tpu.memory_space<vmem>>, vector<16xi32>,
        %get3A_857 = arith.index_cast %add3A_730 : i32 to index
        %get3A_858 = arith.constant 112 : index
        %get3A_859 = tpu.vector_load %arg6[%get3A_857, %get3A_858] {strides = array<i32>} : memref<80x128xi32, #tpu.memory_space<vmem>>, vector<1x16xi32>,
        %get3A_860 = vector.shape_cast %get3A_859 : vector<1x16xi32> to vector<16xi32>
        %shift_right_logical3A_861 = arith.constant 16 : i32
        %shift_right_logical3A_862 = vector.broadcast %shift_right_logical3A_861 : i32 to vector<16xi32>
        %shift_right_logical3A_863 = arith.shrui %get3A_860, %shift_right_logical3A_862 : vector<16xi32>
        %swap3A_864 = arith.constant 112 : index
        %swap3A_865 = tpu.vector_load %arg7[%swap3A_864] {strides = array<i32>} : memref<128xi32, #tpu.memory_space<vmem>>, vector<16xi32>,
        %swap3A_866 = vector.shape_cast %swap3A_865 : vector<16xi32> to vector<16xi32>
        %swap3A_867 = vector.shape_cast %shift_right_logical3A_863 : vector<16xi32> to vector<16xi32>
        tpu.vector_store %arg7[%swap3A_864], %swap3A_867 {strides = array<i32>} : memref<128xi32, #tpu.memory_space<vmem>>, vector<16xi32>,
        %and3A_868 = arith.constant 65535 : i32
        %and3A_869 = vector.broadcast %and3A_868 : i32 to vector<16xi32>
        %and3A_870 = arith.andi %get3A_860, %and3A_869 : vector<16xi32>
        %swap3A_871 = arith.constant 112 : index
        %swap3A_872 = tpu.vector_load %arg8[%swap3A_871] {strides = array<i32>} : memref<128xi32, #tpu.memory_space<vmem>>, vector<16xi32>,
        %swap3A_873 = vector.shape_cast %swap3A_872 : vector<16xi32> to vector<16xi32>
        %swap3A_874 = vector.shape_cast %and3A_870 : vector<16xi32> to vector<16xi32>
        tpu.vector_store %arg8[%swap3A_871], %swap3A_874 {strides = array<i32>} : memref<128xi32, #tpu.memory_space<vmem>>, vector<16xi32>,
        %dma_start3A_875 = arith.constant 0 : i32
        %dma_start3A_876 = arith.constant 0 : i32
        %dma_start3A_877 = arith.constant 0 : i32
        %dma_start3A_878 = tpu.memref_slice %arg11[%dma_start3A_875, %dma_start3A_876, %dma_start3A_877] : memref<2x128x8xf32, #tpu.memory_space<vmem>> -> memref<1x128x8xf32, #tpu.memory_space<vmem>>
        %dma_start3A_879 = tpu.memref_squeeze %dma_start3A_878 : memref<1x128x8xf32, #tpu.memory_space<vmem>> -> memref<128x8xf32, #tpu.memory_space<vmem>>
        %dma_start3A_880 = arith.constant 0 : i32
        %dma_start3A_881 = arith.constant 0 : i32
        %dma_start3A_882 = tpu.memref_slice %arg16[%dma_start3A_880, %dma_start3A_881] : memref<10240x8xf32, #tpu.memory_space<vmem_shared>> -> memref<10240x8xf32, #tpu.memory_space<vmem_shared>>
        tpu.enqueue_indirect_dma source(%dma_start3A_882 : memref<10240x8xf32, #tpu.memory_space<vmem_shared>>) target(%dma_start3A_879 : memref<128x8xf32, #tpu.memory_space<vmem>>) offsets(%arg7 : memref<128xi32, #tpu.memory_space<vmem>>) semaphore(%arg12 : memref<!tpu.dma_semaphore, #tpu.memory_space<semaphore_mem>>)
        %dma_wait3A_883 = arith.constant 1 : i32
        %dma_wait3A_884 = arith.constant 0 : i32
        %dma_wait3A_885 = arith.constant 0 : i32
        %dma_wait3A_886 = tpu.memref_slice %arg11[%dma_wait3A_883, %dma_wait3A_884, %dma_wait3A_885] : memref<2x128x8xf32, #tpu.memory_space<vmem>> -> memref<1x128x8xf32, #tpu.memory_space<vmem>>
        %dma_wait3A_887 = tpu.memref_squeeze %dma_wait3A_886 : memref<1x128x8xf32, #tpu.memory_space<vmem>> -> memref<128x8xf32, #tpu.memory_space<vmem>>
        %dma_wait3A_888 = arith.constant 0 : i32
        %dma_wait3A_889 = arith.constant 0 : i32
        %dma_wait3A_890 = tpu.memref_slice %arg17[%dma_wait3A_888, %dma_wait3A_889] : memref<10240x8xf32, #tpu.memory_space<vmem_shared>> -> memref<10240x8xf32, #tpu.memory_space<vmem_shared>>
        tpu.wait_indirect_dma semaphore(%arg15 : memref<!tpu.dma_semaphore, #tpu.memory_space<semaphore_mem>>) src(%dma_wait3A_887 : memref<128x8xf32, #tpu.memory_space<vmem>>) dst(%dma_wait3A_890 : memref<10240x8xf32, #tpu.memory_space<vmem_shared>>)
        %add3A_891 = arith.constant 5 : i32
        %add3A_892 = arith.addi %mul3A_327, %add3A_891 : i32
        %get3A_893 = arith.index_cast %add3A_892 : i32 to index
        %get3A_894 = arith.constant 0 : index
        %get3A_895 = tpu.vector_load %arg6[%get3A_893, %get3A_894] {strides = array<i32>} : memref<80x128xi32, #tpu.memory_space<vmem>>, vector<1x16xi32>,
        %get3A_896 = vector.shape_cast %get3A_895 : vector<1x16xi32> to vector<16xi32>
        %shift_right_logical3A_897 = arith.constant 16 : i32
        %shift_right_logical3A_898 = vector.broadcast %shift_right_logical3A_897 : i32 to vector<16xi32>
        %shift_right_logical3A_899 = arith.shrui %get3A_896, %shift_right_logical3A_898 : vector<16xi32>
        %swap3A_900 = arith.constant 0 : index
        %swap3A_901 = tpu.vector_load %arg9[%swap3A_900] {strides = array<i32>} : memref<128xi32, #tpu.memory_space<vmem>>, vector<16xi32>,
        %swap3A_902 = vector.shape_cast %swap3A_901 : vector<16xi32> to vector<16xi32>
        %swap3A_903 = vector.shape_cast %shift_right_logical3A_899 : vector<16xi32> to vector<16xi32>
        tpu.vector_store %arg9[%swap3A_900], %swap3A_903 {strides = array<i32>} : memref<128xi32, #tpu.memory_space<vmem>>, vector<16xi32>,
        %and3A_904 = arith.constant 65535 : i32
        %and3A_905 = vector.broadcast %and3A_904 : i32 to vector<16xi32>
        %and3A_906 = arith.andi %get3A_896, %and3A_905 : vector<16xi32>
        %swap3A_907 = arith.constant 0 : index
        %swap3A_908 = tpu.vector_load %arg10[%swap3A_907] {strides = array<i32>} : memref<128xi32, #tpu.memory_space<vmem>>, vector<16xi32>,
        %swap3A_909 = vector.shape_cast %swap3A_908 : vector<16xi32> to vector<16xi32>
        %swap3A_910 = vector.shape_cast %and3A_906 : vector<16xi32> to vector<16xi32>
        tpu.vector_store %arg10[%swap3A_907], %swap3A_910 {strides = array<i32>} : memref<128xi32, #tpu.memory_space<vmem>>, vector<16xi32>,
        %get3A_911 = arith.index_cast %add3A_892 : i32 to index
        %get3A_912 = arith.constant 16 : index
        %get3A_913 = tpu.vector_load %arg6[%get3A_911, %get3A_912] {strides = array<i32>} : memref<80x128xi32, #tpu.memory_space<vmem>>, vector<1x16xi32>,
        %get3A_914 = vector.shape_cast %get3A_913 : vector<1x16xi32> to vector<16xi32>
        %shift_right_logical3A_915 = arith.constant 16 : i32
        %shift_right_logical3A_916 = vector.broadcast %shift_right_logical3A_915 : i32 to vector<16xi32>
        %shift_right_logical3A_917 = arith.shrui %get3A_914, %shift_right_logical3A_916 : vector<16xi32>
        %swap3A_918 = arith.constant 16 : index
        %swap3A_919 = tpu.vector_load %arg9[%swap3A_918] {strides = array<i32>} : memref<128xi32, #tpu.memory_space<vmem>>, vector<16xi32>,
        %swap3A_920 = vector.shape_cast %swap3A_919 : vector<16xi32> to vector<16xi32>
        %swap3A_921 = vector.shape_cast %shift_right_logical3A_917 : vector<16xi32> to vector<16xi32>
        tpu.vector_store %arg9[%swap3A_918], %swap3A_921 {strides = array<i32>} : memref<128xi32, #tpu.memory_space<vmem>>, vector<16xi32>,
        %and3A_922 = arith.constant 65535 : i32
        %and3A_923 = vector.broadcast %and3A_922 : i32 to vector<16xi32>
        %and3A_924 = arith.andi %get3A_914, %and3A_923 : vector<16xi32>
        %swap3A_925 = arith.constant 16 : index
        %swap3A_926 = tpu.vector_load %arg10[%swap3A_925] {strides = array<i32>} : memref<128xi32, #tpu.memory_space<vmem>>, vector<16xi32>,
        %swap3A_927 = vector.shape_cast %swap3A_926 : vector<16xi32> to vector<16xi32>
        %swap3A_928 = vector.shape_cast %and3A_924 : vector<16xi32> to vector<16xi32>
        tpu.vector_store %arg10[%swap3A_925], %swap3A_928 {strides = array<i32>} : memref<128xi32, #tpu.memory_space<vmem>>, vector<16xi32>,
        %get3A_929 = arith.index_cast %add3A_892 : i32 to index
        %get3A_930 = arith.constant 32 : index
        %get3A_931 = tpu.vector_load %arg6[%get3A_929, %get3A_930] {strides = array<i32>} : memref<80x128xi32, #tpu.memory_space<vmem>>, vector<1x16xi32>,
        %get3A_932 = vector.shape_cast %get3A_931 : vector<1x16xi32> to vector<16xi32>
        %shift_right_logical3A_933 = arith.constant 16 : i32
        %shift_right_logical3A_934 = vector.broadcast %shift_right_logical3A_933 : i32 to vector<16xi32>
        %shift_right_logical3A_935 = arith.shrui %get3A_932, %shift_right_logical3A_934 : vector<16xi32>
        %swap3A_936 = arith.constant 32 : index
        %swap3A_937 = tpu.vector_load %arg9[%swap3A_936] {strides = array<i32>} : memref<128xi32, #tpu.memory_space<vmem>>, vector<16xi32>,
        %swap3A_938 = vector.shape_cast %swap3A_937 : vector<16xi32> to vector<16xi32>
        %swap3A_939 = vector.shape_cast %shift_right_logical3A_935 : vector<16xi32> to vector<16xi32>
        tpu.vector_store %arg9[%swap3A_936], %swap3A_939 {strides = array<i32>} : memref<128xi32, #tpu.memory_space<vmem>>, vector<16xi32>,
        %and3A_940 = arith.constant 65535 : i32
        %and3A_941 = vector.broadcast %and3A_940 : i32 to vector<16xi32>
        %and3A_942 = arith.andi %get3A_932, %and3A_941 : vector<16xi32>
        %swap3A_943 = arith.constant 32 : index
        %swap3A_944 = tpu.vector_load %arg10[%swap3A_943] {strides = array<i32>} : memref<128xi32, #tpu.memory_space<vmem>>, vector<16xi32>,
        %swap3A_945 = vector.shape_cast %swap3A_944 : vector<16xi32> to vector<16xi32>
        %swap3A_946 = vector.shape_cast %and3A_942 : vector<16xi32> to vector<16xi32>
        tpu.vector_store %arg10[%swap3A_943], %swap3A_946 {strides = array<i32>} : memref<128xi32, #tpu.memory_space<vmem>>, vector<16xi32>,
        %get3A_947 = arith.index_cast %add3A_892 : i32 to index
        %get3A_948 = arith.constant 48 : index
        %get3A_949 = tpu.vector_load %arg6[%get3A_947, %get3A_948] {strides = array<i32>} : memref<80x128xi32, #tpu.memory_space<vmem>>, vector<1x16xi32>,
        %get3A_950 = vector.shape_cast %get3A_949 : vector<1x16xi32> to vector<16xi32>
        %shift_right_logical3A_951 = arith.constant 16 : i32
        %shift_right_logical3A_952 = vector.broadcast %shift_right_logical3A_951 : i32 to vector<16xi32>
        %shift_right_logical3A_953 = arith.shrui %get3A_950, %shift_right_logical3A_952 : vector<16xi32>
        %swap3A_954 = arith.constant 48 : index
        %swap3A_955 = tpu.vector_load %arg9[%swap3A_954] {strides = array<i32>} : memref<128xi32, #tpu.memory_space<vmem>>, vector<16xi32>,
        %swap3A_956 = vector.shape_cast %swap3A_955 : vector<16xi32> to vector<16xi32>
        %swap3A_957 = vector.shape_cast %shift_right_logical3A_953 : vector<16xi32> to vector<16xi32>
        tpu.vector_store %arg9[%swap3A_954], %swap3A_957 {strides = array<i32>} : memref<128xi32, #tpu.memory_space<vmem>>, vector<16xi32>,
        %and3A_958 = arith.constant 65535 : i32
        %and3A_959 = vector.broadcast %and3A_958 : i32 to vector<16xi32>
        %and3A_960 = arith.andi %get3A_950, %and3A_959 : vector<16xi32>
        %swap3A_961 = arith.constant 48 : index
        %swap3A_962 = tpu.vector_load %arg10[%swap3A_961] {strides = array<i32>} : memref<128xi32, #tpu.memory_space<vmem>>, vector<16xi32>,
        %swap3A_963 = vector.shape_cast %swap3A_962 : vector<16xi32> to vector<16xi32>
        %swap3A_964 = vector.shape_cast %and3A_960 : vector<16xi32> to vector<16xi32>
        tpu.vector_store %arg10[%swap3A_961], %swap3A_964 {strides = array<i32>} : memref<128xi32, #tpu.memory_space<vmem>>, vector<16xi32>,
        %get3A_965 = arith.index_cast %add3A_892 : i32 to index
        %get3A_966 = arith.constant 64 : index
        %get3A_967 = tpu.vector_load %arg6[%get3A_965, %get3A_966] {strides = array<i32>} : memref<80x128xi32, #tpu.memory_space<vmem>>, vector<1x16xi32>,
        %get3A_968 = vector.shape_cast %get3A_967 : vector<1x16xi32> to vector<16xi32>
        %shift_right_logical3A_969 = arith.constant 16 : i32
        %shift_right_logical3A_970 = vector.broadcast %shift_right_logical3A_969 : i32 to vector<16xi32>
        %shift_right_logical3A_971 = arith.shrui %get3A_968, %shift_right_logical3A_970 : vector<16xi32>
        %swap3A_972 = arith.constant 64 : index
        %swap3A_973 = tpu.vector_load %arg9[%swap3A_972] {strides = array<i32>} : memref<128xi32, #tpu.memory_space<vmem>>, vector<16xi32>,
        %swap3A_974 = vector.shape_cast %swap3A_973 : vector<16xi32> to vector<16xi32>
        %swap3A_975 = vector.shape_cast %shift_right_logical3A_971 : vector<16xi32> to vector<16xi32>
        tpu.vector_store %arg9[%swap3A_972], %swap3A_975 {strides = array<i32>} : memref<128xi32, #tpu.memory_space<vmem>>, vector<16xi32>,
        %and3A_976 = arith.constant 65535 : i32
        %and3A_977 = vector.broadcast %and3A_976 : i32 to vector<16xi32>
        %and3A_978 = arith.andi %get3A_968, %and3A_977 : vector<16xi32>
        %swap3A_979 = arith.constant 64 : index
        %swap3A_980 = tpu.vector_load %arg10[%swap3A_979] {strides = array<i32>} : memref<128xi32, #tpu.memory_space<vmem>>, vector<16xi32>,
        %swap3A_981 = vector.shape_cast %swap3A_980 : vector<16xi32> to vector<16xi32>
        %swap3A_982 = vector.shape_cast %and3A_978 : vector<16xi32> to vector<16xi32>
        tpu.vector_store %arg10[%swap3A_979], %swap3A_982 {strides = array<i32>} : memref<128xi32, #tpu.memory_space<vmem>>, vector<16xi32>,
        %get3A_983 = arith.index_cast %add3A_892 : i32 to index
        %get3A_984 = arith.constant 80 : index
        %get3A_985 = tpu.vector_load %arg6[%get3A_983, %get3A_984] {strides = array<i32>} : memref<80x128xi32, #tpu.memory_space<vmem>>, vector<1x16xi32>,
        %get3A_986 = vector.shape_cast %get3A_985 : vector<1x16xi32> to vector<16xi32>
        %shift_right_logical3A_987 = arith.constant 16 : i32
        %shift_right_logical3A_988 = vector.broadcast %shift_right_logical3A_987 : i32 to vector<16xi32>
        %shift_right_logical3A_989 = arith.shrui %get3A_986, %shift_right_logical3A_988 : vector<16xi32>
        %swap3A_990 = arith.constant 80 : index
        %swap3A_991 = tpu.vector_load %arg9[%swap3A_990] {strides = array<i32>} : memref<128xi32, #tpu.memory_space<vmem>>, vector<16xi32>,
        %swap3A_992 = vector.shape_cast %swap3A_991 : vector<16xi32> to vector<16xi32>
        %swap3A_993 = vector.shape_cast %shift_right_logical3A_989 : vector<16xi32> to vector<16xi32>
        tpu.vector_store %arg9[%swap3A_990], %swap3A_993 {strides = array<i32>} : memref<128xi32, #tpu.memory_space<vmem>>, vector<16xi32>,
        %and3A_994 = arith.constant 65535 : i32
        %and3A_995 = vector.broadcast %and3A_994 : i32 to vector<16xi32>
        %and3A_996 = arith.andi %get3A_986, %and3A_995 : vector<16xi32>
        %swap3A_997 = arith.constant 80 : index
        %swap3A_998 = tpu.vector_load %arg10[%swap3A_997] {strides = array<i32>} : memref<128xi32, #tpu.memory_space<vmem>>, vector<16xi32>,
        %swap3A_999 = vector.shape_cast %swap3A_998 : vector<16xi32> to vector<16xi32>
        %swap3A_1000 = vector.shape_cast %and3A_996 : vector<16xi32> to vector<16xi32>
        tpu.vector_store %arg10[%swap3A_997], %swap3A_1000 {strides = array<i32>} : memref<128xi32, #tpu.memory_space<vmem>>, vector<16xi32>,
        %get3A_1001 = arith.index_cast %add3A_892 : i32 to index
        %get3A_1002 = arith.constant 96 : index
        %get3A_1003 = tpu.vector_load %arg6[%get3A_1001, %get3A_1002] {strides = array<i32>} : memref<80x128xi32, #tpu.memory_space<vmem>>, vector<1x16xi32>,
        %get3A_1004 = vector.shape_cast %get3A_1003 : vector<1x16xi32> to vector<16xi32>
        %shift_right_logical3A_1005 = arith.constant 16 : i32
        %shift_right_logical3A_1006 = vector.broadcast %shift_right_logical3A_1005 : i32 to vector<16xi32>
        %shift_right_logical3A_1007 = arith.shrui %get3A_1004, %shift_right_logical3A_1006 : vector<16xi32>
        %swap3A_1008 = arith.constant 96 : index
        %swap3A_1009 = tpu.vector_load %arg9[%swap3A_1008] {strides = array<i32>} : memref<128xi32, #tpu.memory_space<vmem>>, vector<16xi32>,
        %swap3A_1010 = vector.shape_cast %swap3A_1009 : vector<16xi32> to vector<16xi32>
        %swap3A_1011 = vector.shape_cast %shift_right_logical3A_1007 : vector<16xi32> to vector<16xi32>
        tpu.vector_store %arg9[%swap3A_1008], %swap3A_1011 {strides = array<i32>} : memref<128xi32, #tpu.memory_space<vmem>>, vector<16xi32>,
        %and3A_1012 = arith.constant 65535 : i32
        %and3A_1013 = vector.broadcast %and3A_1012 : i32 to vector<16xi32>
        %and3A_1014 = arith.andi %get3A_1004, %and3A_1013 : vector<16xi32>
        %swap3A_1015 = arith.constant 96 : index
        %swap3A_1016 = tpu.vector_load %arg10[%swap3A_1015] {strides = array<i32>} : memref<128xi32, #tpu.memory_space<vmem>>, vector<16xi32>,
        %swap3A_1017 = vector.shape_cast %swap3A_1016 : vector<16xi32> to vector<16xi32>
        %swap3A_1018 = vector.shape_cast %and3A_1014 : vector<16xi32> to vector<16xi32>
        tpu.vector_store %arg10[%swap3A_1015], %swap3A_1018 {strides = array<i32>} : memref<128xi32, #tpu.memory_space<vmem>>, vector<16xi32>,
        %get3A_1019 = arith.index_cast %add3A_892 : i32 to index
        %get3A_1020 = arith.constant 112 : index
        %get3A_1021 = tpu.vector_load %arg6[%get3A_1019, %get3A_1020] {strides = array<i32>} : memref<80x128xi32, #tpu.memory_space<vmem>>, vector<1x16xi32>,
        %get3A_1022 = vector.shape_cast %get3A_1021 : vector<1x16xi32> to vector<16xi32>
        %shift_right_logical3A_1023 = arith.constant 16 : i32
        %shift_right_logical3A_1024 = vector.broadcast %shift_right_logical3A_1023 : i32 to vector<16xi32>
        %shift_right_logical3A_1025 = arith.shrui %get3A_1022, %shift_right_logical3A_1024 : vector<16xi32>
        %swap3A_1026 = arith.constant 112 : index
        %swap3A_1027 = tpu.vector_load %arg9[%swap3A_1026] {strides = array<i32>} : memref<128xi32, #tpu.memory_space<vmem>>, vector<16xi32>,
        %swap3A_1028 = vector.shape_cast %swap3A_1027 : vector<16xi32> to vector<16xi32>
        %swap3A_1029 = vector.shape_cast %shift_right_logical3A_1025 : vector<16xi32> to vector<16xi32>
        tpu.vector_store %arg9[%swap3A_1026], %swap3A_1029 {strides = array<i32>} : memref<128xi32, #tpu.memory_space<vmem>>, vector<16xi32>,
        %and3A_1030 = arith.constant 65535 : i32
        %and3A_1031 = vector.broadcast %and3A_1030 : i32 to vector<16xi32>
        %and3A_1032 = arith.andi %get3A_1022, %and3A_1031 : vector<16xi32>
        %swap3A_1033 = arith.constant 112 : index
        %swap3A_1034 = tpu.vector_load %arg10[%swap3A_1033] {strides = array<i32>} : memref<128xi32, #tpu.memory_space<vmem>>, vector<16xi32>,
        %swap3A_1035 = vector.shape_cast %swap3A_1034 : vector<16xi32> to vector<16xi32>
        %swap3A_1036 = vector.shape_cast %and3A_1032 : vector<16xi32> to vector<16xi32>
        tpu.vector_store %arg10[%swap3A_1033], %swap3A_1036 {strides = array<i32>} : memref<128xi32, #tpu.memory_space<vmem>>, vector<16xi32>,
        %dma_start3A_1037 = arith.constant 1 : i32
        %dma_start3A_1038 = arith.constant 0 : i32
        %dma_start3A_1039 = arith.constant 0 : i32
        %dma_start3A_1040 = tpu.memref_slice %arg11[%dma_start3A_1037, %dma_start3A_1038, %dma_start3A_1039] : memref<2x128x8xf32, #tpu.memory_space<vmem>> -> memref<1x128x8xf32, #tpu.memory_space<vmem>>
        %dma_start3A_1041 = tpu.memref_squeeze %dma_start3A_1040 : memref<1x128x8xf32, #tpu.memory_space<vmem>> -> memref<128x8xf32, #tpu.memory_space<vmem>>
        %dma_start3A_1042 = arith.constant 0 : i32
        %dma_start3A_1043 = arith.constant 0 : i32
        %dma_start3A_1044 = tpu.memref_slice %arg16[%dma_start3A_1042, %dma_start3A_1043] : memref<10240x8xf32, #tpu.memory_space<vmem_shared>> -> memref<10240x8xf32, #tpu.memory_space<vmem_shared>>
        tpu.enqueue_indirect_dma source(%dma_start3A_1044 : memref<10240x8xf32, #tpu.memory_space<vmem_shared>>) target(%dma_start3A_1041 : memref<128x8xf32, #tpu.memory_space<vmem>>) offsets(%arg9 : memref<128xi32, #tpu.memory_space<vmem>>) semaphore(%arg13 : memref<!tpu.dma_semaphore, #tpu.memory_space<semaphore_mem>>)
      } else {
      }
      %eq3A = arith.constant 19 : i32
      %eq3A_717 = arith.cmpi eq, %scan3A_325, %eq3A : i32
      %convert_element_type3A_718 = arith.extui %eq3A_717 : i1 to i32
      %cond3A_719 = arith.constant 0 : i32
      %cond3A_720 = arith.cmpi ne, %convert_element_type3A_718, %cond3A_719 : i32
      scf.if %cond3A_720 {
        %dma_wait3A_721 = arith.constant 0 : i32
        %dma_wait3A_722 = arith.constant 0 : i32
        %dma_wait3A_723 = arith.constant 0 : i32
        %dma_wait3A_724 = tpu.memref_slice %arg11[%dma_wait3A_721, %dma_wait3A_722, %dma_wait3A_723] : memref<2x128x8xf32, #tpu.memory_space<vmem>> -> memref<1x128x8xf32, #tpu.memory_space<vmem>>
        %dma_wait3A_725 = tpu.memref_squeeze %dma_wait3A_724 : memref<1x128x8xf32, #tpu.memory_space<vmem>> -> memref<128x8xf32, #tpu.memory_space<vmem>>
        %dma_wait3A_726 = arith.constant 0 : i32
        %dma_wait3A_727 = arith.constant 0 : i32
        %dma_wait3A_728 = tpu.memref_slice %arg17[%dma_wait3A_726, %dma_wait3A_727] : memref<10240x8xf32, #tpu.memory_space<vmem_shared>> -> memref<10240x8xf32, #tpu.memory_space<vmem_shared>>
        tpu.wait_indirect_dma semaphore(%arg14 : memref<!tpu.dma_semaphore, #tpu.memory_space<semaphore_mem>>) src(%dma_wait3A_725 : memref<128x8xf32, #tpu.memory_space<vmem>>) dst(%dma_wait3A_728 : memref<10240x8xf32, #tpu.memory_space<vmem_shared>>)
        %dma_wait3A_729 = arith.constant 1 : i32
        %dma_wait3A_730 = arith.constant 0 : i32
        %dma_wait3A_731 = arith.constant 0 : i32
        %dma_wait3A_732 = tpu.memref_slice %arg11[%dma_wait3A_729, %dma_wait3A_730, %dma_wait3A_731] : memref<2x128x8xf32, #tpu.memory_space<vmem>> -> memref<1x128x8xf32, #tpu.memory_space<vmem>>
        %dma_wait3A_733 = tpu.memref_squeeze %dma_wait3A_732 : memref<1x128x8xf32, #tpu.memory_space<vmem>> -> memref<128x8xf32, #tpu.memory_space<vmem>>
        %dma_wait3A_734 = arith.constant 0 : i32
        %dma_wait3A_735 = arith.constant 0 : i32
        %dma_wait3A_736 = tpu.memref_slice %arg17[%dma_wait3A_734, %dma_wait3A_735] : memref<10240x8xf32, #tpu.memory_space<vmem_shared>> -> memref<10240x8xf32, #tpu.memory_space<vmem_shared>>
        tpu.wait_indirect_dma semaphore(%arg15 : memref<!tpu.dma_semaphore, #tpu.memory_space<semaphore_mem>>) src(%dma_wait3A_733 : memref<128x8xf32, #tpu.memory_space<vmem>>) dst(%dma_wait3A_736 : memref<10240x8xf32, #tpu.memory_space<vmem_shared>>)
      } else {
      }
    }
    %scan3A_322 = arith.constant 20 : i32
    %barrier3A_323 = arith.constant 0 : index
    tpu.barrier barrier_id(%barrier3A_323)
    %run_scoped3A_324 = arith.constant 0 : i32
    "tpu.region"() ({
      %run_scoped3A_325 = tpu.sem_alloc : memref<!tpu.dma_semaphore, #tpu.memory_space<semaphore_mem>>
      %dma_start3A_326 = arith.constant 0 : i32
      %dma_start3A_327 = tpu.memref_slice %arg5[%run_scoped3A_324, %arg0, %mul3A_2, %dma_start3A_326] : memref<1x2x10240x8xf32, #tpu.memory_space<hbm>> -> memref<1x1x640x8xf32, #tpu.memory_space<hbm>>
      %dma_start3A_328 = tpu.memref_squeeze %dma_start3A_327 : memref<1x1x640x8xf32, #tpu.memory_space<hbm>> -> memref<640x8xf32, #tpu.memory_space<hbm>>
      %dma_start3A_329 = arith.constant 0 : i32
      %dma_start3A_330 = tpu.memref_slice %arg17[%mul3A_2, %dma_start3A_329] : memref<10240x8xf32, #tpu.memory_space<vmem_shared>> -> memref<640x8xf32, #tpu.memory_space<vmem_shared>>
      tpu.enqueue_dma source(%dma_start3A_330 : memref<640x8xf32, #tpu.memory_space<vmem_shared>>) target(%dma_start3A_328 : memref<640x8xf32, #tpu.memory_space<hbm>>) target_semaphore(%run_scoped3A_325 : memref<!tpu.dma_semaphore, #tpu.memory_space<semaphore_mem>>)
      %dma_wait3A = arith.constant 0 : i32
      %dma_wait3A_331 = tpu.memref_slice %arg5[%run_scoped3A_324, %arg0, %mul3A_2, %dma_wait3A] : memref<1x2x10240x8xf32, #tpu.memory_space<hbm>> -> memref<1x1x640x8xf32, #tpu.memory_space<hbm>>
      %dma_wait3A_332 = tpu.memref_squeeze %dma_wait3A_331 : memref<1x1x640x8xf32, #tpu.memory_space<hbm>> -> memref<640x8xf32, #tpu.memory_space<hbm>>
      %dma_wait3A_333 = arith.constant 0 : i32
      %dma_wait3A_334 = tpu.memref_slice %arg17[%mul3A_2, %dma_wait3A_333] : memref<10240x8xf32, #tpu.memory_space<vmem_shared>> -> memref<640x8xf32, #tpu.memory_space<vmem_shared>>
      tpu.wait_dma2 semaphore(%run_scoped3A_325 : memref<!tpu.dma_semaphore, #tpu.memory_space<semaphore_mem>>) src(%dma_wait3A_334 : memref<640x8xf32, #tpu.memory_space<vmem_shared>>) dst(%dma_wait3A_332 : memref<640x8xf32, #tpu.memory_space<hbm>>)
      tpu.yield
    }) : () -> ()
    return
  }
}

#map = affine_map<(d0, d1) -> (0, 0, 0)>
#map1 = affine_map<(d0, d1) -> (0, 0)>
#map2 = affine_map<(d0, d1) -> (0, 0, 0, 0)>
module attributes {stable_mosaic.version = 14 : i64} {
  func.func @k(%arg0: i32, %arg1: i32, %arg2: memref<32x80x128xi32, #tpu.memory_space<hbm>>, %arg3: memref<2x10240x64xf32, #tpu.memory_space<hbm>>, %arg4: memref<640x64xf32, #tpu.memory_space<hbm>>, %arg5: memref<2x2x10240x64xf32, #tpu.memory_space<hbm>>, %arg6: memref<80x128xi32, #tpu.memory_space<vmem>>, %arg7: memref<128xi32, #tpu.memory_space<vmem>>, %arg8: memref<128xi32, #tpu.memory_space<vmem>>, %arg9: memref<128xi32, #tpu.memory_space<vmem>>, %arg10: memref<128xi32, #tpu.memory_space<vmem>>, %arg11: memref<2x128x64xf32, #tpu.memory_space<vmem>>, %arg12: memref<!tpu.dma_semaphore, #tpu.memory_space<semaphore_mem>>, %arg13: memref<!tpu.dma_semaphore, #tpu.memory_space<semaphore_mem>>, %arg14: memref<!tpu.dma_semaphore, #tpu.memory_space<semaphore_mem>>, %arg15: memref<!tpu.dma_semaphore, #tpu.memory_space<semaphore_mem>>, %arg16: memref<10240x64xf32, #tpu.memory_space<vmem_shared>>, %arg17: memref<10240x64xf32, #tpu.memory_space<vmem_shared>>) attributes {dimension_semantics = [#tpu.dimension_semantics<core_parallel>, #tpu.dimension_semantics<subcore_parallel>], iteration_bounds = array<i64: 2, 16>, scalar_prefetch = 0 : i64, scratch_operands = 12 : i64, tpu.core_type = #tpu.core_type<sc_vector_subcore>, window_params = [{transform_indices = #map}, {transform_indices = #map}, {transform_indices = #map1}, {transform_indices = #map2}]} {
    %mul3A = arith.constant 2 : i32
    %mul3A_0 = arith.muli %arg1, %mul3A : i32
    %add3A = arith.addi %mul3A_0, %arg0 : i32
    %mul3A_1 = arith.constant 640 : i32
    %mul3A_2 = arith.muli %arg1, %mul3A_1 : i32
    "tpu.region"() ({
      %run_scoped3A_655 = tpu.sem_alloc : memref<!tpu.dma_semaphore, #tpu.memory_space<semaphore_mem>>
      %dma_start3A_656 = arith.constant 0 : i32
      %dma_start3A_657 = arith.constant 0 : i32
      %dma_start3A_658 = tpu.memref_slice %arg2[%add3A, %dma_start3A_656, %dma_start3A_657] : memref<32x80x128xi32, #tpu.memory_space<hbm>> -> memref<1x80x128xi32, #tpu.memory_space<hbm>>
      %dma_start3A_659 = tpu.memref_squeeze %dma_start3A_658 : memref<1x80x128xi32, #tpu.memory_space<hbm>> -> memref<80x128xi32, #tpu.memory_space<hbm>>
      %dma_start3A_660 = arith.constant 0 : i32
      %dma_start3A_661 = arith.constant 0 : i32
      %dma_start3A_662 = tpu.memref_slice %arg2[%add3A, %dma_start3A_660, %dma_start3A_661] : memref<32x80x128xi32, #tpu.memory_space<hbm>> -> memref<1x80x128xi32, #tpu.memory_space<hbm>>
      %dma_start3A_663 = tpu.memref_squeeze %dma_start3A_662 : memref<1x80x128xi32, #tpu.memory_space<hbm>> -> memref<80x128xi32, #tpu.memory_space<hbm>>
      tpu.enqueue_dma source(%dma_start3A_663 : memref<80x128xi32, #tpu.memory_space<hbm>>) target(%arg6 : memref<80x128xi32, #tpu.memory_space<vmem>>) target_semaphore(%run_scoped3A_655 : memref<!tpu.dma_semaphore, #tpu.memory_space<semaphore_mem>>)
      %dma_wait3A = arith.constant 0 : i32
      %dma_wait3A_664 = arith.constant 0 : i32
      %dma_wait3A_665 = tpu.memref_slice %arg2[%add3A, %dma_wait3A, %dma_wait3A_664] : memref<32x80x128xi32, #tpu.memory_space<hbm>> -> memref<1x80x128xi32, #tpu.memory_space<hbm>>
      %dma_wait3A_666 = tpu.memref_squeeze %dma_wait3A_665 : memref<1x80x128xi32, #tpu.memory_space<hbm>> -> memref<80x128xi32, #tpu.memory_space<hbm>>
      %dma_wait3A_667 = arith.constant 0 : i32
      %dma_wait3A_668 = arith.constant 0 : i32
      %dma_wait3A_669 = tpu.memref_slice %arg2[%add3A, %dma_wait3A_667, %dma_wait3A_668] : memref<32x80x128xi32, #tpu.memory_space<hbm>> -> memref<1x80x128xi32, #tpu.memory_space<hbm>>
      %dma_wait3A_670 = tpu.memref_squeeze %dma_wait3A_669 : memref<1x80x128xi32, #tpu.memory_space<hbm>> -> memref<80x128xi32, #tpu.memory_space<hbm>>
      tpu.wait_dma2 semaphore(%run_scoped3A_655 : memref<!tpu.dma_semaphore, #tpu.memory_space<semaphore_mem>>) src(%dma_wait3A_670 : memref<80x128xi32, #tpu.memory_space<hbm>>) dst(%arg6 : memref<80x128xi32, #tpu.memory_space<vmem>>)
      tpu.yield
    }) : () -> ()
    "tpu.region"() ({
      %run_scoped3A_655 = tpu.sem_alloc : memref<!tpu.dma_semaphore, #tpu.memory_space<semaphore_mem>>
      %dma_start3A_656 = arith.constant 0 : i32
      %dma_start3A_657 = tpu.memref_slice %arg17[%mul3A_2, %dma_start3A_656] : memref<10240x64xf32, #tpu.memory_space<vmem_shared>> -> memref<640x64xf32, #tpu.memory_space<vmem_shared>>
      tpu.enqueue_dma source(%arg4 : memref<640x64xf32, #tpu.memory_space<hbm>>) target(%dma_start3A_657 : memref<640x64xf32, #tpu.memory_space<vmem_shared>>) target_semaphore(%run_scoped3A_655 : memref<!tpu.dma_semaphore, #tpu.memory_space<semaphore_mem>>)
      %dma_wait3A = arith.constant 0 : i32
      %dma_wait3A_658 = tpu.memref_slice %arg17[%mul3A_2, %dma_wait3A] : memref<10240x64xf32, #tpu.memory_space<vmem_shared>> -> memref<640x64xf32, #tpu.memory_space<vmem_shared>>
      tpu.wait_dma2 semaphore(%run_scoped3A_655 : memref<!tpu.dma_semaphore, #tpu.memory_space<semaphore_mem>>) src(%arg4 : memref<640x64xf32, #tpu.memory_space<hbm>>) dst(%dma_wait3A_658 : memref<640x64xf32, #tpu.memory_space<vmem_shared>>)
      tpu.yield
    }) : () -> ()
    %run_scoped3A = arith.constant 0 : i32
    "tpu.region"() ({
      %run_scoped3A_655 = tpu.sem_alloc : memref<!tpu.dma_semaphore, #tpu.memory_space<semaphore_mem>>
      %dma_start3A_656 = arith.constant 0 : i32
      %dma_start3A_657 = tpu.memref_slice %arg16[%mul3A_2, %dma_start3A_656] : memref<10240x64xf32, #tpu.memory_space<vmem_shared>> -> memref<640x64xf32, #tpu.memory_space<vmem_shared>>
      %dma_start3A_658 = arith.constant 0 : i32
      %dma_start3A_659 = tpu.memref_slice %arg3[%run_scoped3A, %mul3A_2, %dma_start3A_658] : memref<2x10240x64xf32, #tpu.memory_space<hbm>> -> memref<1x640x64xf32, #tpu.memory_space<hbm>>
      %dma_start3A_660 = tpu.memref_squeeze %dma_start3A_659 : memref<1x640x64xf32, #tpu.memory_space<hbm>> -> memref<640x64xf32, #tpu.memory_space<hbm>>
      tpu.enqueue_dma source(%dma_start3A_660 : memref<640x64xf32, #tpu.memory_space<hbm>>) target(%dma_start3A_657 : memref<640x64xf32, #tpu.memory_space<vmem_shared>>) target_semaphore(%run_scoped3A_655 : memref<!tpu.dma_semaphore, #tpu.memory_space<semaphore_mem>>)
      %dma_wait3A = arith.constant 0 : i32
      %dma_wait3A_661 = tpu.memref_slice %arg16[%mul3A_2, %dma_wait3A] : memref<10240x64xf32, #tpu.memory_space<vmem_shared>> -> memref<640x64xf32, #tpu.memory_space<vmem_shared>>
      %dma_wait3A_662 = arith.constant 0 : i32
      %dma_wait3A_663 = tpu.memref_slice %arg3[%run_scoped3A, %mul3A_2, %dma_wait3A_662] : memref<2x10240x64xf32, #tpu.memory_space<hbm>> -> memref<1x640x64xf32, #tpu.memory_space<hbm>>
      %dma_wait3A_664 = tpu.memref_squeeze %dma_wait3A_663 : memref<1x640x64xf32, #tpu.memory_space<hbm>> -> memref<640x64xf32, #tpu.memory_space<hbm>>
      tpu.wait_dma2 semaphore(%run_scoped3A_655 : memref<!tpu.dma_semaphore, #tpu.memory_space<semaphore_mem>>) src(%dma_wait3A_664 : memref<640x64xf32, #tpu.memory_space<hbm>>) dst(%dma_wait3A_661 : memref<640x64xf32, #tpu.memory_space<vmem_shared>>)
      tpu.yield
    }) : () -> ()
    %barrier3A = arith.constant 0 : index
    tpu.barrier barrier_id(%barrier3A)
    %get3A = arith.constant 0 : i32
    %get3A_3 = arith.index_cast %get3A : i32 to index
    %get3A_4 = arith.constant 0 : index
    %get3A_5 = tpu.vector_load %arg6[%get3A_3, %get3A_4] {strides = array<i32>} : memref<80x128xi32, #tpu.memory_space<vmem>>, vector<1x16xi32>,
    %get3A_6 = vector.shape_cast %get3A_5 : vector<1x16xi32> to vector<16xi32>
    %shift_right_logical3A = arith.constant 16 : i32
    %shift_right_logical3A_7 = vector.broadcast %shift_right_logical3A : i32 to vector<16xi32>
    %shift_right_logical3A_8 = arith.shrui %get3A_6, %shift_right_logical3A_7 : vector<16xi32>
    %swap3A = arith.constant 0 : index
    %swap3A_9 = tpu.vector_load %arg7[%swap3A] {strides = array<i32>} : memref<128xi32, #tpu.memory_space<vmem>>, vector<16xi32>,
    %swap3A_10 = vector.shape_cast %swap3A_9 : vector<16xi32> to vector<16xi32>
    %swap3A_11 = vector.shape_cast %shift_right_logical3A_8 : vector<16xi32> to vector<16xi32>
    tpu.vector_store %arg7[%swap3A], %swap3A_11 {strides = array<i32>} : memref<128xi32, #tpu.memory_space<vmem>>, vector<16xi32>,
    %and3A = arith.constant 65535 : i32
    %and3A_12 = vector.broadcast %and3A : i32 to vector<16xi32>
    %and3A_13 = arith.andi %get3A_6, %and3A_12 : vector<16xi32>
    %swap3A_14 = arith.constant 0 : index
    %swap3A_15 = tpu.vector_load %arg8[%swap3A_14] {strides = array<i32>} : memref<128xi32, #tpu.memory_space<vmem>>, vector<16xi32>,
    %swap3A_16 = vector.shape_cast %swap3A_15 : vector<16xi32> to vector<16xi32>
    %swap3A_17 = vector.shape_cast %and3A_13 : vector<16xi32> to vector<16xi32>
    tpu.vector_store %arg8[%swap3A_14], %swap3A_17 {strides = array<i32>} : memref<128xi32, #tpu.memory_space<vmem>>, vector<16xi32>,
    %get3A_18 = arith.constant 0 : i32
    %get3A_19 = arith.index_cast %get3A_18 : i32 to index
    %get3A_20 = arith.constant 16 : index
    %get3A_21 = tpu.vector_load %arg6[%get3A_19, %get3A_20] {strides = array<i32>} : memref<80x128xi32, #tpu.memory_space<vmem>>, vector<1x16xi32>,
    %get3A_22 = vector.shape_cast %get3A_21 : vector<1x16xi32> to vector<16xi32>
    %shift_right_logical3A_23 = arith.constant 16 : i32
    %shift_right_logical3A_24 = vector.broadcast %shift_right_logical3A_23 : i32 to vector<16xi32>
    %shift_right_logical3A_25 = arith.shrui %get3A_22, %shift_right_logical3A_24 : vector<16xi32>
    %swap3A_26 = arith.constant 16 : index
    %swap3A_27 = tpu.vector_load %arg7[%swap3A_26] {strides = array<i32>} : memref<128xi32, #tpu.memory_space<vmem>>, vector<16xi32>,
    %swap3A_28 = vector.shape_cast %swap3A_27 : vector<16xi32> to vector<16xi32>
    %swap3A_29 = vector.shape_cast %shift_right_logical3A_25 : vector<16xi32> to vector<16xi32>
    tpu.vector_store %arg7[%swap3A_26], %swap3A_29 {strides = array<i32>} : memref<128xi32, #tpu.memory_space<vmem>>, vector<16xi32>,
    %and3A_30 = arith.constant 65535 : i32
    %and3A_31 = vector.broadcast %and3A_30 : i32 to vector<16xi32>
    %and3A_32 = arith.andi %get3A_22, %and3A_31 : vector<16xi32>
    %swap3A_33 = arith.constant 16 : index
    %swap3A_34 = tpu.vector_load %arg8[%swap3A_33] {strides = array<i32>} : memref<128xi32, #tpu.memory_space<vmem>>, vector<16xi32>,
    %swap3A_35 = vector.shape_cast %swap3A_34 : vector<16xi32> to vector<16xi32>
    %swap3A_36 = vector.shape_cast %and3A_32 : vector<16xi32> to vector<16xi32>
    tpu.vector_store %arg8[%swap3A_33], %swap3A_36 {strides = array<i32>} : memref<128xi32, #tpu.memory_space<vmem>>, vector<16xi32>,
    %get3A_37 = arith.constant 0 : i32
    %get3A_38 = arith.index_cast %get3A_37 : i32 to index
    %get3A_39 = arith.constant 32 : index
    %get3A_40 = tpu.vector_load %arg6[%get3A_38, %get3A_39] {strides = array<i32>} : memref<80x128xi32, #tpu.memory_space<vmem>>, vector<1x16xi32>,
    %get3A_41 = vector.shape_cast %get3A_40 : vector<1x16xi32> to vector<16xi32>
    %shift_right_logical3A_42 = arith.constant 16 : i32
    %shift_right_logical3A_43 = vector.broadcast %shift_right_logical3A_42 : i32 to vector<16xi32>
    %shift_right_logical3A_44 = arith.shrui %get3A_41, %shift_right_logical3A_43 : vector<16xi32>
    %swap3A_45 = arith.constant 32 : index
    %swap3A_46 = tpu.vector_load %arg7[%swap3A_45] {strides = array<i32>} : memref<128xi32, #tpu.memory_space<vmem>>, vector<16xi32>,
    %swap3A_47 = vector.shape_cast %swap3A_46 : vector<16xi32> to vector<16xi32>
    %swap3A_48 = vector.shape_cast %shift_right_logical3A_44 : vector<16xi32> to vector<16xi32>
    tpu.vector_store %arg7[%swap3A_45], %swap3A_48 {strides = array<i32>} : memref<128xi32, #tpu.memory_space<vmem>>, vector<16xi32>,
    %and3A_49 = arith.constant 65535 : i32
    %and3A_50 = vector.broadcast %and3A_49 : i32 to vector<16xi32>
    %and3A_51 = arith.andi %get3A_41, %and3A_50 : vector<16xi32>
    %swap3A_52 = arith.constant 32 : index
    %swap3A_53 = tpu.vector_load %arg8[%swap3A_52] {strides = array<i32>} : memref<128xi32, #tpu.memory_space<vmem>>, vector<16xi32>,
    %swap3A_54 = vector.shape_cast %swap3A_53 : vector<16xi32> to vector<16xi32>
    %swap3A_55 = vector.shape_cast %and3A_51 : vector<16xi32> to vector<16xi32>
    tpu.vector_store %arg8[%swap3A_52], %swap3A_55 {strides = array<i32>} : memref<128xi32, #tpu.memory_space<vmem>>, vector<16xi32>,
    %get3A_56 = arith.constant 0 : i32
    %get3A_57 = arith.index_cast %get3A_56 : i32 to index
    %get3A_58 = arith.constant 48 : index
    %get3A_59 = tpu.vector_load %arg6[%get3A_57, %get3A_58] {strides = array<i32>} : memref<80x128xi32, #tpu.memory_space<vmem>>, vector<1x16xi32>,
    %get3A_60 = vector.shape_cast %get3A_59 : vector<1x16xi32> to vector<16xi32>
    %shift_right_logical3A_61 = arith.constant 16 : i32
    %shift_right_logical3A_62 = vector.broadcast %shift_right_logical3A_61 : i32 to vector<16xi32>
    %shift_right_logical3A_63 = arith.shrui %get3A_60, %shift_right_logical3A_62 : vector<16xi32>
    %swap3A_64 = arith.constant 48 : index
    %swap3A_65 = tpu.vector_load %arg7[%swap3A_64] {strides = array<i32>} : memref<128xi32, #tpu.memory_space<vmem>>, vector<16xi32>,
    %swap3A_66 = vector.shape_cast %swap3A_65 : vector<16xi32> to vector<16xi32>
    %swap3A_67 = vector.shape_cast %shift_right_logical3A_63 : vector<16xi32> to vector<16xi32>
    tpu.vector_store %arg7[%swap3A_64], %swap3A_67 {strides = array<i32>} : memref<128xi32, #tpu.memory_space<vmem>>, vector<16xi32>,
    %and3A_68 = arith.constant 65535 : i32
    %and3A_69 = vector.broadcast %and3A_68 : i32 to vector<16xi32>
    %and3A_70 = arith.andi %get3A_60, %and3A_69 : vector<16xi32>
    %swap3A_71 = arith.constant 48 : index
    %swap3A_72 = tpu.vector_load %arg8[%swap3A_71] {strides = array<i32>} : memref<128xi32, #tpu.memory_space<vmem>>, vector<16xi32>,
    %swap3A_73 = vector.shape_cast %swap3A_72 : vector<16xi32> to vector<16xi32>
    %swap3A_74 = vector.shape_cast %and3A_70 : vector<16xi32> to vector<16xi32>
    tpu.vector_store %arg8[%swap3A_71], %swap3A_74 {strides = array<i32>} : memref<128xi32, #tpu.memory_space<vmem>>, vector<16xi32>,
    %get3A_75 = arith.constant 0 : i32
    %get3A_76 = arith.index_cast %get3A_75 : i32 to index
    %get3A_77 = arith.constant 64 : index
    %get3A_78 = tpu.vector_load %arg6[%get3A_76, %get3A_77] {strides = array<i32>} : memref<80x128xi32, #tpu.memory_space<vmem>>, vector<1x16xi32>,
    %get3A_79 = vector.shape_cast %get3A_78 : vector<1x16xi32> to vector<16xi32>
    %shift_right_logical3A_80 = arith.constant 16 : i32
    %shift_right_logical3A_81 = vector.broadcast %shift_right_logical3A_80 : i32 to vector<16xi32>
    %shift_right_logical3A_82 = arith.shrui %get3A_79, %shift_right_logical3A_81 : vector<16xi32>
    %swap3A_83 = arith.constant 64 : index
    %swap3A_84 = tpu.vector_load %arg7[%swap3A_83] {strides = array<i32>} : memref<128xi32, #tpu.memory_space<vmem>>, vector<16xi32>,
    %swap3A_85 = vector.shape_cast %swap3A_84 : vector<16xi32> to vector<16xi32>
    %swap3A_86 = vector.shape_cast %shift_right_logical3A_82 : vector<16xi32> to vector<16xi32>
    tpu.vector_store %arg7[%swap3A_83], %swap3A_86 {strides = array<i32>} : memref<128xi32, #tpu.memory_space<vmem>>, vector<16xi32>,
    %and3A_87 = arith.constant 65535 : i32
    %and3A_88 = vector.broadcast %and3A_87 : i32 to vector<16xi32>
    %and3A_89 = arith.andi %get3A_79, %and3A_88 : vector<16xi32>
    %swap3A_90 = arith.constant 64 : index
    %swap3A_91 = tpu.vector_load %arg8[%swap3A_90] {strides = array<i32>} : memref<128xi32, #tpu.memory_space<vmem>>, vector<16xi32>,
    %swap3A_92 = vector.shape_cast %swap3A_91 : vector<16xi32> to vector<16xi32>
    %swap3A_93 = vector.shape_cast %and3A_89 : vector<16xi32> to vector<16xi32>
    tpu.vector_store %arg8[%swap3A_90], %swap3A_93 {strides = array<i32>} : memref<128xi32, #tpu.memory_space<vmem>>, vector<16xi32>,
    %get3A_94 = arith.constant 0 : i32
    %get3A_95 = arith.index_cast %get3A_94 : i32 to index
    %get3A_96 = arith.constant 80 : index
    %get3A_97 = tpu.vector_load %arg6[%get3A_95, %get3A_96] {strides = array<i32>} : memref<80x128xi32, #tpu.memory_space<vmem>>, vector<1x16xi32>,
    %get3A_98 = vector.shape_cast %get3A_97 : vector<1x16xi32> to vector<16xi32>
    %shift_right_logical3A_99 = arith.constant 16 : i32
    %shift_right_logical3A_100 = vector.broadcast %shift_right_logical3A_99 : i32 to vector<16xi32>
    %shift_right_logical3A_101 = arith.shrui %get3A_98, %shift_right_logical3A_100 : vector<16xi32>
    %swap3A_102 = arith.constant 80 : index
    %swap3A_103 = tpu.vector_load %arg7[%swap3A_102] {strides = array<i32>} : memref<128xi32, #tpu.memory_space<vmem>>, vector<16xi32>,
    %swap3A_104 = vector.shape_cast %swap3A_103 : vector<16xi32> to vector<16xi32>
    %swap3A_105 = vector.shape_cast %shift_right_logical3A_101 : vector<16xi32> to vector<16xi32>
    tpu.vector_store %arg7[%swap3A_102], %swap3A_105 {strides = array<i32>} : memref<128xi32, #tpu.memory_space<vmem>>, vector<16xi32>,
    %and3A_106 = arith.constant 65535 : i32
    %and3A_107 = vector.broadcast %and3A_106 : i32 to vector<16xi32>
    %and3A_108 = arith.andi %get3A_98, %and3A_107 : vector<16xi32>
    %swap3A_109 = arith.constant 80 : index
    %swap3A_110 = tpu.vector_load %arg8[%swap3A_109] {strides = array<i32>} : memref<128xi32, #tpu.memory_space<vmem>>, vector<16xi32>,
    %swap3A_111 = vector.shape_cast %swap3A_110 : vector<16xi32> to vector<16xi32>
    %swap3A_112 = vector.shape_cast %and3A_108 : vector<16xi32> to vector<16xi32>
    tpu.vector_store %arg8[%swap3A_109], %swap3A_112 {strides = array<i32>} : memref<128xi32, #tpu.memory_space<vmem>>, vector<16xi32>,
    %get3A_113 = arith.constant 0 : i32
    %get3A_114 = arith.index_cast %get3A_113 : i32 to index
    %get3A_115 = arith.constant 96 : index
    %get3A_116 = tpu.vector_load %arg6[%get3A_114, %get3A_115] {strides = array<i32>} : memref<80x128xi32, #tpu.memory_space<vmem>>, vector<1x16xi32>,
    %get3A_117 = vector.shape_cast %get3A_116 : vector<1x16xi32> to vector<16xi32>
    %shift_right_logical3A_118 = arith.constant 16 : i32
    %shift_right_logical3A_119 = vector.broadcast %shift_right_logical3A_118 : i32 to vector<16xi32>
    %shift_right_logical3A_120 = arith.shrui %get3A_117, %shift_right_logical3A_119 : vector<16xi32>
    %swap3A_121 = arith.constant 96 : index
    %swap3A_122 = tpu.vector_load %arg7[%swap3A_121] {strides = array<i32>} : memref<128xi32, #tpu.memory_space<vmem>>, vector<16xi32>,
    %swap3A_123 = vector.shape_cast %swap3A_122 : vector<16xi32> to vector<16xi32>
    %swap3A_124 = vector.shape_cast %shift_right_logical3A_120 : vector<16xi32> to vector<16xi32>
    tpu.vector_store %arg7[%swap3A_121], %swap3A_124 {strides = array<i32>} : memref<128xi32, #tpu.memory_space<vmem>>, vector<16xi32>,
    %and3A_125 = arith.constant 65535 : i32
    %and3A_126 = vector.broadcast %and3A_125 : i32 to vector<16xi32>
    %and3A_127 = arith.andi %get3A_117, %and3A_126 : vector<16xi32>
    %swap3A_128 = arith.constant 96 : index
    %swap3A_129 = tpu.vector_load %arg8[%swap3A_128] {strides = array<i32>} : memref<128xi32, #tpu.memory_space<vmem>>, vector<16xi32>,
    %swap3A_130 = vector.shape_cast %swap3A_129 : vector<16xi32> to vector<16xi32>
    %swap3A_131 = vector.shape_cast %and3A_127 : vector<16xi32> to vector<16xi32>
    tpu.vector_store %arg8[%swap3A_128], %swap3A_131 {strides = array<i32>} : memref<128xi32, #tpu.memory_space<vmem>>, vector<16xi32>,
    %get3A_132 = arith.constant 0 : i32
    %get3A_133 = arith.index_cast %get3A_132 : i32 to index
    %get3A_134 = arith.constant 112 : index
    %get3A_135 = tpu.vector_load %arg6[%get3A_133, %get3A_134] {strides = array<i32>} : memref<80x128xi32, #tpu.memory_space<vmem>>, vector<1x16xi32>,
    %get3A_136 = vector.shape_cast %get3A_135 : vector<1x16xi32> to vector<16xi32>
    %shift_right_logical3A_137 = arith.constant 16 : i32
    %shift_right_logical3A_138 = vector.broadcast %shift_right_logical3A_137 : i32 to vector<16xi32>
    %shift_right_logical3A_139 = arith.shrui %get3A_136, %shift_right_logical3A_138 : vector<16xi32>
    %swap3A_140 = arith.constant 112 : index
    %swap3A_141 = tpu.vector_load %arg7[%swap3A_140] {strides = array<i32>} : memref<128xi32, #tpu.memory_space<vmem>>, vector<16xi32>,
    %swap3A_142 = vector.shape_cast %swap3A_141 : vector<16xi32> to vector<16xi32>
    %swap3A_143 = vector.shape_cast %shift_right_logical3A_139 : vector<16xi32> to vector<16xi32>
    tpu.vector_store %arg7[%swap3A_140], %swap3A_143 {strides = array<i32>} : memref<128xi32, #tpu.memory_space<vmem>>, vector<16xi32>,
    %and3A_144 = arith.constant 65535 : i32
    %and3A_145 = vector.broadcast %and3A_144 : i32 to vector<16xi32>
    %and3A_146 = arith.andi %get3A_136, %and3A_145 : vector<16xi32>
    %swap3A_147 = arith.constant 112 : index
    %swap3A_148 = tpu.vector_load %arg8[%swap3A_147] {strides = array<i32>} : memref<128xi32, #tpu.memory_space<vmem>>, vector<16xi32>,
    %swap3A_149 = vector.shape_cast %swap3A_148 : vector<16xi32> to vector<16xi32>
    %swap3A_150 = vector.shape_cast %and3A_146 : vector<16xi32> to vector<16xi32>
    tpu.vector_store %arg8[%swap3A_147], %swap3A_150 {strides = array<i32>} : memref<128xi32, #tpu.memory_space<vmem>>, vector<16xi32>,
    %get3A_151 = arith.constant 1 : i32
    %get3A_152 = arith.index_cast %get3A_151 : i32 to index
    %get3A_153 = arith.constant 0 : index
    %get3A_154 = tpu.vector_load %arg6[%get3A_152, %get3A_153] {strides = array<i32>} : memref<80x128xi32, #tpu.memory_space<vmem>>, vector<1x16xi32>,
    %get3A_155 = vector.shape_cast %get3A_154 : vector<1x16xi32> to vector<16xi32>
    %shift_right_logical3A_156 = arith.constant 16 : i32
    %shift_right_logical3A_157 = vector.broadcast %shift_right_logical3A_156 : i32 to vector<16xi32>
    %shift_right_logical3A_158 = arith.shrui %get3A_155, %shift_right_logical3A_157 : vector<16xi32>
    %swap3A_159 = arith.constant 0 : index
    %swap3A_160 = tpu.vector_load %arg9[%swap3A_159] {strides = array<i32>} : memref<128xi32, #tpu.memory_space<vmem>>, vector<16xi32>,
    %swap3A_161 = vector.shape_cast %swap3A_160 : vector<16xi32> to vector<16xi32>
    %swap3A_162 = vector.shape_cast %shift_right_logical3A_158 : vector<16xi32> to vector<16xi32>
    tpu.vector_store %arg9[%swap3A_159], %swap3A_162 {strides = array<i32>} : memref<128xi32, #tpu.memory_space<vmem>>, vector<16xi32>,
    %and3A_163 = arith.constant 65535 : i32
    %and3A_164 = vector.broadcast %and3A_163 : i32 to vector<16xi32>
    %and3A_165 = arith.andi %get3A_155, %and3A_164 : vector<16xi32>
    %swap3A_166 = arith.constant 0 : index
    %swap3A_167 = tpu.vector_load %arg10[%swap3A_166] {strides = array<i32>} : memref<128xi32, #tpu.memory_space<vmem>>, vector<16xi32>,
    %swap3A_168 = vector.shape_cast %swap3A_167 : vector<16xi32> to vector<16xi32>
    %swap3A_169 = vector.shape_cast %and3A_165 : vector<16xi32> to vector<16xi32>
    tpu.vector_store %arg10[%swap3A_166], %swap3A_169 {strides = array<i32>} : memref<128xi32, #tpu.memory_space<vmem>>, vector<16xi32>,
    %get3A_170 = arith.constant 1 : i32
    %get3A_171 = arith.index_cast %get3A_170 : i32 to index
    %get3A_172 = arith.constant 16 : index
    %get3A_173 = tpu.vector_load %arg6[%get3A_171, %get3A_172] {strides = array<i32>} : memref<80x128xi32, #tpu.memory_space<vmem>>, vector<1x16xi32>,
    %get3A_174 = vector.shape_cast %get3A_173 : vector<1x16xi32> to vector<16xi32>
    %shift_right_logical3A_175 = arith.constant 16 : i32
    %shift_right_logical3A_176 = vector.broadcast %shift_right_logical3A_175 : i32 to vector<16xi32>
    %shift_right_logical3A_177 = arith.shrui %get3A_174, %shift_right_logical3A_176 : vector<16xi32>
    %swap3A_178 = arith.constant 16 : index
    %swap3A_179 = tpu.vector_load %arg9[%swap3A_178] {strides = array<i32>} : memref<128xi32, #tpu.memory_space<vmem>>, vector<16xi32>,
    %swap3A_180 = vector.shape_cast %swap3A_179 : vector<16xi32> to vector<16xi32>
    %swap3A_181 = vector.shape_cast %shift_right_logical3A_177 : vector<16xi32> to vector<16xi32>
    tpu.vector_store %arg9[%swap3A_178], %swap3A_181 {strides = array<i32>} : memref<128xi32, #tpu.memory_space<vmem>>, vector<16xi32>,
    %and3A_182 = arith.constant 65535 : i32
    %and3A_183 = vector.broadcast %and3A_182 : i32 to vector<16xi32>
    %and3A_184 = arith.andi %get3A_174, %and3A_183 : vector<16xi32>
    %swap3A_185 = arith.constant 16 : index
    %swap3A_186 = tpu.vector_load %arg10[%swap3A_185] {strides = array<i32>} : memref<128xi32, #tpu.memory_space<vmem>>, vector<16xi32>,
    %swap3A_187 = vector.shape_cast %swap3A_186 : vector<16xi32> to vector<16xi32>
    %swap3A_188 = vector.shape_cast %and3A_184 : vector<16xi32> to vector<16xi32>
    tpu.vector_store %arg10[%swap3A_185], %swap3A_188 {strides = array<i32>} : memref<128xi32, #tpu.memory_space<vmem>>, vector<16xi32>,
    %get3A_189 = arith.constant 1 : i32
    %get3A_190 = arith.index_cast %get3A_189 : i32 to index
    %get3A_191 = arith.constant 32 : index
    %get3A_192 = tpu.vector_load %arg6[%get3A_190, %get3A_191] {strides = array<i32>} : memref<80x128xi32, #tpu.memory_space<vmem>>, vector<1x16xi32>,
    %get3A_193 = vector.shape_cast %get3A_192 : vector<1x16xi32> to vector<16xi32>
    %shift_right_logical3A_194 = arith.constant 16 : i32
    %shift_right_logical3A_195 = vector.broadcast %shift_right_logical3A_194 : i32 to vector<16xi32>
    %shift_right_logical3A_196 = arith.shrui %get3A_193, %shift_right_logical3A_195 : vector<16xi32>
    %swap3A_197 = arith.constant 32 : index
    %swap3A_198 = tpu.vector_load %arg9[%swap3A_197] {strides = array<i32>} : memref<128xi32, #tpu.memory_space<vmem>>, vector<16xi32>,
    %swap3A_199 = vector.shape_cast %swap3A_198 : vector<16xi32> to vector<16xi32>
    %swap3A_200 = vector.shape_cast %shift_right_logical3A_196 : vector<16xi32> to vector<16xi32>
    tpu.vector_store %arg9[%swap3A_197], %swap3A_200 {strides = array<i32>} : memref<128xi32, #tpu.memory_space<vmem>>, vector<16xi32>,
    %and3A_201 = arith.constant 65535 : i32
    %and3A_202 = vector.broadcast %and3A_201 : i32 to vector<16xi32>
    %and3A_203 = arith.andi %get3A_193, %and3A_202 : vector<16xi32>
    %swap3A_204 = arith.constant 32 : index
    %swap3A_205 = tpu.vector_load %arg10[%swap3A_204] {strides = array<i32>} : memref<128xi32, #tpu.memory_space<vmem>>, vector<16xi32>,
    %swap3A_206 = vector.shape_cast %swap3A_205 : vector<16xi32> to vector<16xi32>
    %swap3A_207 = vector.shape_cast %and3A_203 : vector<16xi32> to vector<16xi32>
    tpu.vector_store %arg10[%swap3A_204], %swap3A_207 {strides = array<i32>} : memref<128xi32, #tpu.memory_space<vmem>>, vector<16xi32>,
    %get3A_208 = arith.constant 1 : i32
    %get3A_209 = arith.index_cast %get3A_208 : i32 to index
    %get3A_210 = arith.constant 48 : index
    %get3A_211 = tpu.vector_load %arg6[%get3A_209, %get3A_210] {strides = array<i32>} : memref<80x128xi32, #tpu.memory_space<vmem>>, vector<1x16xi32>,
    %get3A_212 = vector.shape_cast %get3A_211 : vector<1x16xi32> to vector<16xi32>
    %shift_right_logical3A_213 = arith.constant 16 : i32
    %shift_right_logical3A_214 = vector.broadcast %shift_right_logical3A_213 : i32 to vector<16xi32>
    %shift_right_logical3A_215 = arith.shrui %get3A_212, %shift_right_logical3A_214 : vector<16xi32>
    %swap3A_216 = arith.constant 48 : index
    %swap3A_217 = tpu.vector_load %arg9[%swap3A_216] {strides = array<i32>} : memref<128xi32, #tpu.memory_space<vmem>>, vector<16xi32>,
    %swap3A_218 = vector.shape_cast %swap3A_217 : vector<16xi32> to vector<16xi32>
    %swap3A_219 = vector.shape_cast %shift_right_logical3A_215 : vector<16xi32> to vector<16xi32>
    tpu.vector_store %arg9[%swap3A_216], %swap3A_219 {strides = array<i32>} : memref<128xi32, #tpu.memory_space<vmem>>, vector<16xi32>,
    %and3A_220 = arith.constant 65535 : i32
    %and3A_221 = vector.broadcast %and3A_220 : i32 to vector<16xi32>
    %and3A_222 = arith.andi %get3A_212, %and3A_221 : vector<16xi32>
    %swap3A_223 = arith.constant 48 : index
    %swap3A_224 = tpu.vector_load %arg10[%swap3A_223] {strides = array<i32>} : memref<128xi32, #tpu.memory_space<vmem>>, vector<16xi32>,
    %swap3A_225 = vector.shape_cast %swap3A_224 : vector<16xi32> to vector<16xi32>
    %swap3A_226 = vector.shape_cast %and3A_222 : vector<16xi32> to vector<16xi32>
    tpu.vector_store %arg10[%swap3A_223], %swap3A_226 {strides = array<i32>} : memref<128xi32, #tpu.memory_space<vmem>>, vector<16xi32>,
    %get3A_227 = arith.constant 1 : i32
    %get3A_228 = arith.index_cast %get3A_227 : i32 to index
    %get3A_229 = arith.constant 64 : index
    %get3A_230 = tpu.vector_load %arg6[%get3A_228, %get3A_229] {strides = array<i32>} : memref<80x128xi32, #tpu.memory_space<vmem>>, vector<1x16xi32>,
    %get3A_231 = vector.shape_cast %get3A_230 : vector<1x16xi32> to vector<16xi32>
    %shift_right_logical3A_232 = arith.constant 16 : i32
    %shift_right_logical3A_233 = vector.broadcast %shift_right_logical3A_232 : i32 to vector<16xi32>
    %shift_right_logical3A_234 = arith.shrui %get3A_231, %shift_right_logical3A_233 : vector<16xi32>
    %swap3A_235 = arith.constant 64 : index
    %swap3A_236 = tpu.vector_load %arg9[%swap3A_235] {strides = array<i32>} : memref<128xi32, #tpu.memory_space<vmem>>, vector<16xi32>,
    %swap3A_237 = vector.shape_cast %swap3A_236 : vector<16xi32> to vector<16xi32>
    %swap3A_238 = vector.shape_cast %shift_right_logical3A_234 : vector<16xi32> to vector<16xi32>
    tpu.vector_store %arg9[%swap3A_235], %swap3A_238 {strides = array<i32>} : memref<128xi32, #tpu.memory_space<vmem>>, vector<16xi32>,
    %and3A_239 = arith.constant 65535 : i32
    %and3A_240 = vector.broadcast %and3A_239 : i32 to vector<16xi32>
    %and3A_241 = arith.andi %get3A_231, %and3A_240 : vector<16xi32>
    %swap3A_242 = arith.constant 64 : index
    %swap3A_243 = tpu.vector_load %arg10[%swap3A_242] {strides = array<i32>} : memref<128xi32, #tpu.memory_space<vmem>>, vector<16xi32>,
    %swap3A_244 = vector.shape_cast %swap3A_243 : vector<16xi32> to vector<16xi32>
    %swap3A_245 = vector.shape_cast %and3A_241 : vector<16xi32> to vector<16xi32>
    tpu.vector_store %arg10[%swap3A_242], %swap3A_245 {strides = array<i32>} : memref<128xi32, #tpu.memory_space<vmem>>, vector<16xi32>,
    %get3A_246 = arith.constant 1 : i32
    %get3A_247 = arith.index_cast %get3A_246 : i32 to index
    %get3A_248 = arith.constant 80 : index
    %get3A_249 = tpu.vector_load %arg6[%get3A_247, %get3A_248] {strides = array<i32>} : memref<80x128xi32, #tpu.memory_space<vmem>>, vector<1x16xi32>,
    %get3A_250 = vector.shape_cast %get3A_249 : vector<1x16xi32> to vector<16xi32>
    %shift_right_logical3A_251 = arith.constant 16 : i32
    %shift_right_logical3A_252 = vector.broadcast %shift_right_logical3A_251 : i32 to vector<16xi32>
    %shift_right_logical3A_253 = arith.shrui %get3A_250, %shift_right_logical3A_252 : vector<16xi32>
    %swap3A_254 = arith.constant 80 : index
    %swap3A_255 = tpu.vector_load %arg9[%swap3A_254] {strides = array<i32>} : memref<128xi32, #tpu.memory_space<vmem>>, vector<16xi32>,
    %swap3A_256 = vector.shape_cast %swap3A_255 : vector<16xi32> to vector<16xi32>
    %swap3A_257 = vector.shape_cast %shift_right_logical3A_253 : vector<16xi32> to vector<16xi32>
    tpu.vector_store %arg9[%swap3A_254], %swap3A_257 {strides = array<i32>} : memref<128xi32, #tpu.memory_space<vmem>>, vector<16xi32>,
    %and3A_258 = arith.constant 65535 : i32
    %and3A_259 = vector.broadcast %and3A_258 : i32 to vector<16xi32>
    %and3A_260 = arith.andi %get3A_250, %and3A_259 : vector<16xi32>
    %swap3A_261 = arith.constant 80 : index
    %swap3A_262 = tpu.vector_load %arg10[%swap3A_261] {strides = array<i32>} : memref<128xi32, #tpu.memory_space<vmem>>, vector<16xi32>,
    %swap3A_263 = vector.shape_cast %swap3A_262 : vector<16xi32> to vector<16xi32>
    %swap3A_264 = vector.shape_cast %and3A_260 : vector<16xi32> to vector<16xi32>
    tpu.vector_store %arg10[%swap3A_261], %swap3A_264 {strides = array<i32>} : memref<128xi32, #tpu.memory_space<vmem>>, vector<16xi32>,
    %get3A_265 = arith.constant 1 : i32
    %get3A_266 = arith.index_cast %get3A_265 : i32 to index
    %get3A_267 = arith.constant 96 : index
    %get3A_268 = tpu.vector_load %arg6[%get3A_266, %get3A_267] {strides = array<i32>} : memref<80x128xi32, #tpu.memory_space<vmem>>, vector<1x16xi32>,
    %get3A_269 = vector.shape_cast %get3A_268 : vector<1x16xi32> to vector<16xi32>
    %shift_right_logical3A_270 = arith.constant 16 : i32
    %shift_right_logical3A_271 = vector.broadcast %shift_right_logical3A_270 : i32 to vector<16xi32>
    %shift_right_logical3A_272 = arith.shrui %get3A_269, %shift_right_logical3A_271 : vector<16xi32>
    %swap3A_273 = arith.constant 96 : index
    %swap3A_274 = tpu.vector_load %arg9[%swap3A_273] {strides = array<i32>} : memref<128xi32, #tpu.memory_space<vmem>>, vector<16xi32>,
    %swap3A_275 = vector.shape_cast %swap3A_274 : vector<16xi32> to vector<16xi32>
    %swap3A_276 = vector.shape_cast %shift_right_logical3A_272 : vector<16xi32> to vector<16xi32>
    tpu.vector_store %arg9[%swap3A_273], %swap3A_276 {strides = array<i32>} : memref<128xi32, #tpu.memory_space<vmem>>, vector<16xi32>,
    %and3A_277 = arith.constant 65535 : i32
    %and3A_278 = vector.broadcast %and3A_277 : i32 to vector<16xi32>
    %and3A_279 = arith.andi %get3A_269, %and3A_278 : vector<16xi32>
    %swap3A_280 = arith.constant 96 : index
    %swap3A_281 = tpu.vector_load %arg10[%swap3A_280] {strides = array<i32>} : memref<128xi32, #tpu.memory_space<vmem>>, vector<16xi32>,
    %swap3A_282 = vector.shape_cast %swap3A_281 : vector<16xi32> to vector<16xi32>
    %swap3A_283 = vector.shape_cast %and3A_279 : vector<16xi32> to vector<16xi32>
    tpu.vector_store %arg10[%swap3A_280], %swap3A_283 {strides = array<i32>} : memref<128xi32, #tpu.memory_space<vmem>>, vector<16xi32>,
    %get3A_284 = arith.constant 1 : i32
    %get3A_285 = arith.index_cast %get3A_284 : i32 to index
    %get3A_286 = arith.constant 112 : index
    %get3A_287 = tpu.vector_load %arg6[%get3A_285, %get3A_286] {strides = array<i32>} : memref<80x128xi32, #tpu.memory_space<vmem>>, vector<1x16xi32>,
    %get3A_288 = vector.shape_cast %get3A_287 : vector<1x16xi32> to vector<16xi32>
    %shift_right_logical3A_289 = arith.constant 16 : i32
    %shift_right_logical3A_290 = vector.broadcast %shift_right_logical3A_289 : i32 to vector<16xi32>
    %shift_right_logical3A_291 = arith.shrui %get3A_288, %shift_right_logical3A_290 : vector<16xi32>
    %swap3A_292 = arith.constant 112 : index
    %swap3A_293 = tpu.vector_load %arg9[%swap3A_292] {strides = array<i32>} : memref<128xi32, #tpu.memory_space<vmem>>, vector<16xi32>,
    %swap3A_294 = vector.shape_cast %swap3A_293 : vector<16xi32> to vector<16xi32>
    %swap3A_295 = vector.shape_cast %shift_right_logical3A_291 : vector<16xi32> to vector<16xi32>
    tpu.vector_store %arg9[%swap3A_292], %swap3A_295 {strides = array<i32>} : memref<128xi32, #tpu.memory_space<vmem>>, vector<16xi32>,
    %and3A_296 = arith.constant 65535 : i32
    %and3A_297 = vector.broadcast %and3A_296 : i32 to vector<16xi32>
    %and3A_298 = arith.andi %get3A_288, %and3A_297 : vector<16xi32>
    %swap3A_299 = arith.constant 112 : index
    %swap3A_300 = tpu.vector_load %arg10[%swap3A_299] {strides = array<i32>} : memref<128xi32, #tpu.memory_space<vmem>>, vector<16xi32>,
    %swap3A_301 = vector.shape_cast %swap3A_300 : vector<16xi32> to vector<16xi32>
    %swap3A_302 = vector.shape_cast %and3A_298 : vector<16xi32> to vector<16xi32>
    tpu.vector_store %arg10[%swap3A_299], %swap3A_302 {strides = array<i32>} : memref<128xi32, #tpu.memory_space<vmem>>, vector<16xi32>,
    %dma_start3A = arith.constant 0 : i32
    %dma_start3A_303 = arith.constant 0 : i32
    %dma_start3A_304 = arith.constant 0 : i32
    %dma_start3A_305 = tpu.memref_slice %arg11[%dma_start3A, %dma_start3A_303, %dma_start3A_304] : memref<2x128x64xf32, #tpu.memory_space<vmem>> -> memref<1x128x64xf32, #tpu.memory_space<vmem>>
    %dma_start3A_306 = tpu.memref_squeeze %dma_start3A_305 : memref<1x128x64xf32, #tpu.memory_space<vmem>> -> memref<128x64xf32, #tpu.memory_space<vmem>>
    %dma_start3A_307 = arith.constant 0 : i32
    %dma_start3A_308 = arith.constant 0 : i32
    %dma_start3A_309 = tpu.memref_slice %arg16[%dma_start3A_307, %dma_start3A_308] : memref<10240x64xf32, #tpu.memory_space<vmem_shared>> -> memref<10240x64xf32, #tpu.memory_space<vmem_shared>>
    tpu.enqueue_indirect_dma source(%dma_start3A_309 : memref<10240x64xf32, #tpu.memory_space<vmem_shared>>) target(%dma_start3A_306 : memref<128x64xf32, #tpu.memory_space<vmem>>) offsets(%arg7 : memref<128xi32, #tpu.memory_space<vmem>>) semaphore(%arg12 : memref<!tpu.dma_semaphore, #tpu.memory_space<semaphore_mem>>)
    %dma_start3A_310 = arith.constant 1 : i32
    %dma_start3A_311 = arith.constant 0 : i32
    %dma_start3A_312 = arith.constant 0 : i32
    %dma_start3A_313 = tpu.memref_slice %arg11[%dma_start3A_310, %dma_start3A_311, %dma_start3A_312] : memref<2x128x64xf32, #tpu.memory_space<vmem>> -> memref<1x128x64xf32, #tpu.memory_space<vmem>>
    %dma_start3A_314 = tpu.memref_squeeze %dma_start3A_313 : memref<1x128x64xf32, #tpu.memory_space<vmem>> -> memref<128x64xf32, #tpu.memory_space<vmem>>
    %dma_start3A_315 = arith.constant 0 : i32
    %dma_start3A_316 = arith.constant 0 : i32
    %dma_start3A_317 = tpu.memref_slice %arg16[%dma_start3A_315, %dma_start3A_316] : memref<10240x64xf32, #tpu.memory_space<vmem_shared>> -> memref<10240x64xf32, #tpu.memory_space<vmem_shared>>
    tpu.enqueue_indirect_dma source(%dma_start3A_317 : memref<10240x64xf32, #tpu.memory_space<vmem_shared>>) target(%dma_start3A_314 : memref<128x64xf32, #tpu.memory_space<vmem>>) offsets(%arg9 : memref<128xi32, #tpu.memory_space<vmem>>) semaphore(%arg13 : memref<!tpu.dma_semaphore, #tpu.memory_space<semaphore_mem>>)
    %scan3A = arith.constant 0 : i32
    %scan3A_318 = arith.constant 0 : i32
    %scan3A_319 = arith.constant 20 : i32
    %scan3A_320 = arith.addi %scan3A_318, %scan3A_319 : i32
    %scan3A_321 = arith.constant 1 : i32
    scf.for %scan3A_655 = %scan3A_318 to %scan3A_320 step %scan3A_321  : i32 {
      %mul3A_656 = arith.constant 4 : i32
      %mul3A_657 = arith.muli %scan3A_655, %mul3A_656 : i32
      %dma_wait3A = arith.constant 0 : i32
      %dma_wait3A_658 = arith.constant 0 : i32
      %dma_wait3A_659 = arith.constant 0 : i32
      %dma_wait3A_660 = tpu.memref_slice %arg11[%dma_wait3A, %dma_wait3A_658, %dma_wait3A_659] : memref<2x128x64xf32, #tpu.memory_space<vmem>> -> memref<1x128x64xf32, #tpu.memory_space<vmem>>
      %dma_wait3A_661 = tpu.memref_squeeze %dma_wait3A_660 : memref<1x128x64xf32, #tpu.memory_space<vmem>> -> memref<128x64xf32, #tpu.memory_space<vmem>>
      %dma_wait3A_662 = arith.constant 0 : i32
      %dma_wait3A_663 = arith.constant 0 : i32
      %dma_wait3A_664 = tpu.memref_slice %arg16[%dma_wait3A_662, %dma_wait3A_663] : memref<10240x64xf32, #tpu.memory_space<vmem_shared>> -> memref<10240x64xf32, #tpu.memory_space<vmem_shared>>
      tpu.wait_indirect_dma semaphore(%arg12 : memref<!tpu.dma_semaphore, #tpu.memory_space<semaphore_mem>>) src(%dma_wait3A_664 : memref<10240x64xf32, #tpu.memory_space<vmem_shared>>) dst(%dma_wait3A_661 : memref<128x64xf32, #tpu.memory_space<vmem>>)
      %dma_start3A_665 = arith.constant 0 : i32
      %dma_start3A_666 = arith.constant 0 : i32
      %dma_start3A_667 = arith.constant 0 : i32
      %dma_start3A_668 = tpu.memref_slice %arg11[%dma_start3A_665, %dma_start3A_666, %dma_start3A_667] : memref<2x128x64xf32, #tpu.memory_space<vmem>> -> memref<1x128x64xf32, #tpu.memory_space<vmem>>
      %dma_start3A_669 = tpu.memref_squeeze %dma_start3A_668 : memref<1x128x64xf32, #tpu.memory_space<vmem>> -> memref<128x64xf32, #tpu.memory_space<vmem>>
      %dma_start3A_670 = arith.constant 0 : i32
      %dma_start3A_671 = arith.constant 0 : i32
      %dma_start3A_672 = tpu.memref_slice %arg17[%dma_start3A_670, %dma_start3A_671] : memref<10240x64xf32, #tpu.memory_space<vmem_shared>> -> memref<10240x64xf32, #tpu.memory_space<vmem_shared>>
      tpu.enqueue_indirect_dma source(%dma_start3A_669 : memref<128x64xf32, #tpu.memory_space<vmem>>) target(%dma_start3A_672 : memref<10240x64xf32, #tpu.memory_space<vmem_shared>>) offsets(%arg8 : memref<128xi32, #tpu.memory_space<vmem>>) semaphore(%arg14 : memref<!tpu.dma_semaphore, #tpu.memory_space<semaphore_mem>>) {add = true}
      %dma_wait3A_673 = arith.constant 1 : i32
      %dma_wait3A_674 = arith.constant 0 : i32
      %dma_wait3A_675 = arith.constant 0 : i32
      %dma_wait3A_676 = tpu.memref_slice %arg11[%dma_wait3A_673, %dma_wait3A_674, %dma_wait3A_675] : memref<2x128x64xf32, #tpu.memory_space<vmem>> -> memref<1x128x64xf32, #tpu.memory_space<vmem>>
      %dma_wait3A_677 = tpu.memref_squeeze %dma_wait3A_676 : memref<1x128x64xf32, #tpu.memory_space<vmem>> -> memref<128x64xf32, #tpu.memory_space<vmem>>
      %dma_wait3A_678 = arith.constant 0 : i32
      %dma_wait3A_679 = arith.constant 0 : i32
      %dma_wait3A_680 = tpu.memref_slice %arg16[%dma_wait3A_678, %dma_wait3A_679] : memref<10240x64xf32, #tpu.memory_space<vmem_shared>> -> memref<10240x64xf32, #tpu.memory_space<vmem_shared>>
      tpu.wait_indirect_dma semaphore(%arg13 : memref<!tpu.dma_semaphore, #tpu.memory_space<semaphore_mem>>) src(%dma_wait3A_680 : memref<10240x64xf32, #tpu.memory_space<vmem_shared>>) dst(%dma_wait3A_677 : memref<128x64xf32, #tpu.memory_space<vmem>>)
      %dma_start3A_681 = arith.constant 1 : i32
      %dma_start3A_682 = arith.constant 0 : i32
      %dma_start3A_683 = arith.constant 0 : i32
      %dma_start3A_684 = tpu.memref_slice %arg11[%dma_start3A_681, %dma_start3A_682, %dma_start3A_683] : memref<2x128x64xf32, #tpu.memory_space<vmem>> -> memref<1x128x64xf32, #tpu.memory_space<vmem>>
      %dma_start3A_685 = tpu.memref_squeeze %dma_start3A_684 : memref<1x128x64xf32, #tpu.memory_space<vmem>> -> memref<128x64xf32, #tpu.memory_space<vmem>>
      %dma_start3A_686 = arith.constant 0 : i32
      %dma_start3A_687 = arith.constant 0 : i32
      %dma_start3A_688 = tpu.memref_slice %arg17[%dma_start3A_686, %dma_start3A_687] : memref<10240x64xf32, #tpu.memory_space<vmem_shared>> -> memref<10240x64xf32, #tpu.memory_space<vmem_shared>>
      tpu.enqueue_indirect_dma source(%dma_start3A_685 : memref<128x64xf32, #tpu.memory_space<vmem>>) target(%dma_start3A_688 : memref<10240x64xf32, #tpu.memory_space<vmem_shared>>) offsets(%arg10 : memref<128xi32, #tpu.memory_space<vmem>>) semaphore(%arg15 : memref<!tpu.dma_semaphore, #tpu.memory_space<semaphore_mem>>) {add = true}
      %dma_wait3A_689 = arith.constant 0 : i32
      %dma_wait3A_690 = arith.constant 0 : i32
      %dma_wait3A_691 = arith.constant 0 : i32
      %dma_wait3A_692 = tpu.memref_slice %arg11[%dma_wait3A_689, %dma_wait3A_690, %dma_wait3A_691] : memref<2x128x64xf32, #tpu.memory_space<vmem>> -> memref<1x128x64xf32, #tpu.memory_space<vmem>>
      %dma_wait3A_693 = tpu.memref_squeeze %dma_wait3A_692 : memref<1x128x64xf32, #tpu.memory_space<vmem>> -> memref<128x64xf32, #tpu.memory_space<vmem>>
      %dma_wait3A_694 = arith.constant 0 : i32
      %dma_wait3A_695 = arith.constant 0 : i32
      %dma_wait3A_696 = tpu.memref_slice %arg17[%dma_wait3A_694, %dma_wait3A_695] : memref<10240x64xf32, #tpu.memory_space<vmem_shared>> -> memref<10240x64xf32, #tpu.memory_space<vmem_shared>>
      tpu.wait_indirect_dma semaphore(%arg14 : memref<!tpu.dma_semaphore, #tpu.memory_space<semaphore_mem>>) src(%dma_wait3A_693 : memref<128x64xf32, #tpu.memory_space<vmem>>) dst(%dma_wait3A_696 : memref<10240x64xf32, #tpu.memory_space<vmem_shared>>)
      %add3A_697 = arith.constant 2 : i32
      %add3A_698 = arith.addi %mul3A_657, %add3A_697 : i32
      %get3A_699 = arith.index_cast %add3A_698 : i32 to index
      %get3A_700 = arith.constant 0 : index
      %get3A_701 = tpu.vector_load %arg6[%get3A_699, %get3A_700] {strides = array<i32>} : memref<80x128xi32, #tpu.memory_space<vmem>>, vector<1x16xi32>,
      %get3A_702 = vector.shape_cast %get3A_701 : vector<1x16xi32> to vector<16xi32>
      %shift_right_logical3A_703 = arith.constant 16 : i32
      %shift_right_logical3A_704 = vector.broadcast %shift_right_logical3A_703 : i32 to vector<16xi32>
      %shift_right_logical3A_705 = arith.shrui %get3A_702, %shift_right_logical3A_704 : vector<16xi32>
      %swap3A_706 = arith.constant 0 : index
      %swap3A_707 = tpu.vector_load %arg7[%swap3A_706] {strides = array<i32>} : memref<128xi32, #tpu.memory_space<vmem>>, vector<16xi32>,
      %swap3A_708 = vector.shape_cast %swap3A_707 : vector<16xi32> to vector<16xi32>
      %swap3A_709 = vector.shape_cast %shift_right_logical3A_705 : vector<16xi32> to vector<16xi32>
      tpu.vector_store %arg7[%swap3A_706], %swap3A_709 {strides = array<i32>} : memref<128xi32, #tpu.memory_space<vmem>>, vector<16xi32>,
      %and3A_710 = arith.constant 65535 : i32
      %and3A_711 = vector.broadcast %and3A_710 : i32 to vector<16xi32>
      %and3A_712 = arith.andi %get3A_702, %and3A_711 : vector<16xi32>
      %swap3A_713 = arith.constant 0 : index
      %swap3A_714 = tpu.vector_load %arg8[%swap3A_713] {strides = array<i32>} : memref<128xi32, #tpu.memory_space<vmem>>, vector<16xi32>,
      %swap3A_715 = vector.shape_cast %swap3A_714 : vector<16xi32> to vector<16xi32>
      %swap3A_716 = vector.shape_cast %and3A_712 : vector<16xi32> to vector<16xi32>
      tpu.vector_store %arg8[%swap3A_713], %swap3A_716 {strides = array<i32>} : memref<128xi32, #tpu.memory_space<vmem>>, vector<16xi32>,
      %get3A_717 = arith.index_cast %add3A_698 : i32 to index
      %get3A_718 = arith.constant 16 : index
      %get3A_719 = tpu.vector_load %arg6[%get3A_717, %get3A_718] {strides = array<i32>} : memref<80x128xi32, #tpu.memory_space<vmem>>, vector<1x16xi32>,
      %get3A_720 = vector.shape_cast %get3A_719 : vector<1x16xi32> to vector<16xi32>
      %shift_right_logical3A_721 = arith.constant 16 : i32
      %shift_right_logical3A_722 = vector.broadcast %shift_right_logical3A_721 : i32 to vector<16xi32>
      %shift_right_logical3A_723 = arith.shrui %get3A_720, %shift_right_logical3A_722 : vector<16xi32>
      %swap3A_724 = arith.constant 16 : index
      %swap3A_725 = tpu.vector_load %arg7[%swap3A_724] {strides = array<i32>} : memref<128xi32, #tpu.memory_space<vmem>>, vector<16xi32>,
      %swap3A_726 = vector.shape_cast %swap3A_725 : vector<16xi32> to vector<16xi32>
      %swap3A_727 = vector.shape_cast %shift_right_logical3A_723 : vector<16xi32> to vector<16xi32>
      tpu.vector_store %arg7[%swap3A_724], %swap3A_727 {strides = array<i32>} : memref<128xi32, #tpu.memory_space<vmem>>, vector<16xi32>,
      %and3A_728 = arith.constant 65535 : i32
      %and3A_729 = vector.broadcast %and3A_728 : i32 to vector<16xi32>
      %and3A_730 = arith.andi %get3A_720, %and3A_729 : vector<16xi32>
      %swap3A_731 = arith.constant 16 : index
      %swap3A_732 = tpu.vector_load %arg8[%swap3A_731] {strides = array<i32>} : memref<128xi32, #tpu.memory_space<vmem>>, vector<16xi32>,
      %swap3A_733 = vector.shape_cast %swap3A_732 : vector<16xi32> to vector<16xi32>
      %swap3A_734 = vector.shape_cast %and3A_730 : vector<16xi32> to vector<16xi32>
      tpu.vector_store %arg8[%swap3A_731], %swap3A_734 {strides = array<i32>} : memref<128xi32, #tpu.memory_space<vmem>>, vector<16xi32>,
      %get3A_735 = arith.index_cast %add3A_698 : i32 to index
      %get3A_736 = arith.constant 32 : index
      %get3A_737 = tpu.vector_load %arg6[%get3A_735, %get3A_736] {strides = array<i32>} : memref<80x128xi32, #tpu.memory_space<vmem>>, vector<1x16xi32>,
      %get3A_738 = vector.shape_cast %get3A_737 : vector<1x16xi32> to vector<16xi32>
      %shift_right_logical3A_739 = arith.constant 16 : i32
      %shift_right_logical3A_740 = vector.broadcast %shift_right_logical3A_739 : i32 to vector<16xi32>
      %shift_right_logical3A_741 = arith.shrui %get3A_738, %shift_right_logical3A_740 : vector<16xi32>
      %swap3A_742 = arith.constant 32 : index
      %swap3A_743 = tpu.vector_load %arg7[%swap3A_742] {strides = array<i32>} : memref<128xi32, #tpu.memory_space<vmem>>, vector<16xi32>,
      %swap3A_744 = vector.shape_cast %swap3A_743 : vector<16xi32> to vector<16xi32>
      %swap3A_745 = vector.shape_cast %shift_right_logical3A_741 : vector<16xi32> to vector<16xi32>
      tpu.vector_store %arg7[%swap3A_742], %swap3A_745 {strides = array<i32>} : memref<128xi32, #tpu.memory_space<vmem>>, vector<16xi32>,
      %and3A_746 = arith.constant 65535 : i32
      %and3A_747 = vector.broadcast %and3A_746 : i32 to vector<16xi32>
      %and3A_748 = arith.andi %get3A_738, %and3A_747 : vector<16xi32>
      %swap3A_749 = arith.constant 32 : index
      %swap3A_750 = tpu.vector_load %arg8[%swap3A_749] {strides = array<i32>} : memref<128xi32, #tpu.memory_space<vmem>>, vector<16xi32>,
      %swap3A_751 = vector.shape_cast %swap3A_750 : vector<16xi32> to vector<16xi32>
      %swap3A_752 = vector.shape_cast %and3A_748 : vector<16xi32> to vector<16xi32>
      tpu.vector_store %arg8[%swap3A_749], %swap3A_752 {strides = array<i32>} : memref<128xi32, #tpu.memory_space<vmem>>, vector<16xi32>,
      %get3A_753 = arith.index_cast %add3A_698 : i32 to index
      %get3A_754 = arith.constant 48 : index
      %get3A_755 = tpu.vector_load %arg6[%get3A_753, %get3A_754] {strides = array<i32>} : memref<80x128xi32, #tpu.memory_space<vmem>>, vector<1x16xi32>,
      %get3A_756 = vector.shape_cast %get3A_755 : vector<1x16xi32> to vector<16xi32>
      %shift_right_logical3A_757 = arith.constant 16 : i32
      %shift_right_logical3A_758 = vector.broadcast %shift_right_logical3A_757 : i32 to vector<16xi32>
      %shift_right_logical3A_759 = arith.shrui %get3A_756, %shift_right_logical3A_758 : vector<16xi32>
      %swap3A_760 = arith.constant 48 : index
      %swap3A_761 = tpu.vector_load %arg7[%swap3A_760] {strides = array<i32>} : memref<128xi32, #tpu.memory_space<vmem>>, vector<16xi32>,
      %swap3A_762 = vector.shape_cast %swap3A_761 : vector<16xi32> to vector<16xi32>
      %swap3A_763 = vector.shape_cast %shift_right_logical3A_759 : vector<16xi32> to vector<16xi32>
      tpu.vector_store %arg7[%swap3A_760], %swap3A_763 {strides = array<i32>} : memref<128xi32, #tpu.memory_space<vmem>>, vector<16xi32>,
      %and3A_764 = arith.constant 65535 : i32
      %and3A_765 = vector.broadcast %and3A_764 : i32 to vector<16xi32>
      %and3A_766 = arith.andi %get3A_756, %and3A_765 : vector<16xi32>
      %swap3A_767 = arith.constant 48 : index
      %swap3A_768 = tpu.vector_load %arg8[%swap3A_767] {strides = array<i32>} : memref<128xi32, #tpu.memory_space<vmem>>, vector<16xi32>,
      %swap3A_769 = vector.shape_cast %swap3A_768 : vector<16xi32> to vector<16xi32>
      %swap3A_770 = vector.shape_cast %and3A_766 : vector<16xi32> to vector<16xi32>
      tpu.vector_store %arg8[%swap3A_767], %swap3A_770 {strides = array<i32>} : memref<128xi32, #tpu.memory_space<vmem>>, vector<16xi32>,
      %get3A_771 = arith.index_cast %add3A_698 : i32 to index
      %get3A_772 = arith.constant 64 : index
      %get3A_773 = tpu.vector_load %arg6[%get3A_771, %get3A_772] {strides = array<i32>} : memref<80x128xi32, #tpu.memory_space<vmem>>, vector<1x16xi32>,
      %get3A_774 = vector.shape_cast %get3A_773 : vector<1x16xi32> to vector<16xi32>
      %shift_right_logical3A_775 = arith.constant 16 : i32
      %shift_right_logical3A_776 = vector.broadcast %shift_right_logical3A_775 : i32 to vector<16xi32>
      %shift_right_logical3A_777 = arith.shrui %get3A_774, %shift_right_logical3A_776 : vector<16xi32>
      %swap3A_778 = arith.constant 64 : index
      %swap3A_779 = tpu.vector_load %arg7[%swap3A_778] {strides = array<i32>} : memref<128xi32, #tpu.memory_space<vmem>>, vector<16xi32>,
      %swap3A_780 = vector.shape_cast %swap3A_779 : vector<16xi32> to vector<16xi32>
      %swap3A_781 = vector.shape_cast %shift_right_logical3A_777 : vector<16xi32> to vector<16xi32>
      tpu.vector_store %arg7[%swap3A_778], %swap3A_781 {strides = array<i32>} : memref<128xi32, #tpu.memory_space<vmem>>, vector<16xi32>,
      %and3A_782 = arith.constant 65535 : i32
      %and3A_783 = vector.broadcast %and3A_782 : i32 to vector<16xi32>
      %and3A_784 = arith.andi %get3A_774, %and3A_783 : vector<16xi32>
      %swap3A_785 = arith.constant 64 : index
      %swap3A_786 = tpu.vector_load %arg8[%swap3A_785] {strides = array<i32>} : memref<128xi32, #tpu.memory_space<vmem>>, vector<16xi32>,
      %swap3A_787 = vector.shape_cast %swap3A_786 : vector<16xi32> to vector<16xi32>
      %swap3A_788 = vector.shape_cast %and3A_784 : vector<16xi32> to vector<16xi32>
      tpu.vector_store %arg8[%swap3A_785], %swap3A_788 {strides = array<i32>} : memref<128xi32, #tpu.memory_space<vmem>>, vector<16xi32>,
      %get3A_789 = arith.index_cast %add3A_698 : i32 to index
      %get3A_790 = arith.constant 80 : index
      %get3A_791 = tpu.vector_load %arg6[%get3A_789, %get3A_790] {strides = array<i32>} : memref<80x128xi32, #tpu.memory_space<vmem>>, vector<1x16xi32>,
      %get3A_792 = vector.shape_cast %get3A_791 : vector<1x16xi32> to vector<16xi32>
      %shift_right_logical3A_793 = arith.constant 16 : i32
      %shift_right_logical3A_794 = vector.broadcast %shift_right_logical3A_793 : i32 to vector<16xi32>
      %shift_right_logical3A_795 = arith.shrui %get3A_792, %shift_right_logical3A_794 : vector<16xi32>
      %swap3A_796 = arith.constant 80 : index
      %swap3A_797 = tpu.vector_load %arg7[%swap3A_796] {strides = array<i32>} : memref<128xi32, #tpu.memory_space<vmem>>, vector<16xi32>,
      %swap3A_798 = vector.shape_cast %swap3A_797 : vector<16xi32> to vector<16xi32>
      %swap3A_799 = vector.shape_cast %shift_right_logical3A_795 : vector<16xi32> to vector<16xi32>
      tpu.vector_store %arg7[%swap3A_796], %swap3A_799 {strides = array<i32>} : memref<128xi32, #tpu.memory_space<vmem>>, vector<16xi32>,
      %and3A_800 = arith.constant 65535 : i32
      %and3A_801 = vector.broadcast %and3A_800 : i32 to vector<16xi32>
      %and3A_802 = arith.andi %get3A_792, %and3A_801 : vector<16xi32>
      %swap3A_803 = arith.constant 80 : index
      %swap3A_804 = tpu.vector_load %arg8[%swap3A_803] {strides = array<i32>} : memref<128xi32, #tpu.memory_space<vmem>>, vector<16xi32>,
      %swap3A_805 = vector.shape_cast %swap3A_804 : vector<16xi32> to vector<16xi32>
      %swap3A_806 = vector.shape_cast %and3A_802 : vector<16xi32> to vector<16xi32>
      tpu.vector_store %arg8[%swap3A_803], %swap3A_806 {strides = array<i32>} : memref<128xi32, #tpu.memory_space<vmem>>, vector<16xi32>,
      %get3A_807 = arith.index_cast %add3A_698 : i32 to index
      %get3A_808 = arith.constant 96 : index
      %get3A_809 = tpu.vector_load %arg6[%get3A_807, %get3A_808] {strides = array<i32>} : memref<80x128xi32, #tpu.memory_space<vmem>>, vector<1x16xi32>,
      %get3A_810 = vector.shape_cast %get3A_809 : vector<1x16xi32> to vector<16xi32>
      %shift_right_logical3A_811 = arith.constant 16 : i32
      %shift_right_logical3A_812 = vector.broadcast %shift_right_logical3A_811 : i32 to vector<16xi32>
      %shift_right_logical3A_813 = arith.shrui %get3A_810, %shift_right_logical3A_812 : vector<16xi32>
      %swap3A_814 = arith.constant 96 : index
      %swap3A_815 = tpu.vector_load %arg7[%swap3A_814] {strides = array<i32>} : memref<128xi32, #tpu.memory_space<vmem>>, vector<16xi32>,
      %swap3A_816 = vector.shape_cast %swap3A_815 : vector<16xi32> to vector<16xi32>
      %swap3A_817 = vector.shape_cast %shift_right_logical3A_813 : vector<16xi32> to vector<16xi32>
      tpu.vector_store %arg7[%swap3A_814], %swap3A_817 {strides = array<i32>} : memref<128xi32, #tpu.memory_space<vmem>>, vector<16xi32>,
      %and3A_818 = arith.constant 65535 : i32
      %and3A_819 = vector.broadcast %and3A_818 : i32 to vector<16xi32>
      %and3A_820 = arith.andi %get3A_810, %and3A_819 : vector<16xi32>
      %swap3A_821 = arith.constant 96 : index
      %swap3A_822 = tpu.vector_load %arg8[%swap3A_821] {strides = array<i32>} : memref<128xi32, #tpu.memory_space<vmem>>, vector<16xi32>,
      %swap3A_823 = vector.shape_cast %swap3A_822 : vector<16xi32> to vector<16xi32>
      %swap3A_824 = vector.shape_cast %and3A_820 : vector<16xi32> to vector<16xi32>
      tpu.vector_store %arg8[%swap3A_821], %swap3A_824 {strides = array<i32>} : memref<128xi32, #tpu.memory_space<vmem>>, vector<16xi32>,
      %get3A_825 = arith.index_cast %add3A_698 : i32 to index
      %get3A_826 = arith.constant 112 : index
      %get3A_827 = tpu.vector_load %arg6[%get3A_825, %get3A_826] {strides = array<i32>} : memref<80x128xi32, #tpu.memory_space<vmem>>, vector<1x16xi32>,
      %get3A_828 = vector.shape_cast %get3A_827 : vector<1x16xi32> to vector<16xi32>
      %shift_right_logical3A_829 = arith.constant 16 : i32
      %shift_right_logical3A_830 = vector.broadcast %shift_right_logical3A_829 : i32 to vector<16xi32>
      %shift_right_logical3A_831 = arith.shrui %get3A_828, %shift_right_logical3A_830 : vector<16xi32>
      %swap3A_832 = arith.constant 112 : index
      %swap3A_833 = tpu.vector_load %arg7[%swap3A_832] {strides = array<i32>} : memref<128xi32, #tpu.memory_space<vmem>>, vector<16xi32>,
      %swap3A_834 = vector.shape_cast %swap3A_833 : vector<16xi32> to vector<16xi32>
      %swap3A_835 = vector.shape_cast %shift_right_logical3A_831 : vector<16xi32> to vector<16xi32>
      tpu.vector_store %arg7[%swap3A_832], %swap3A_835 {strides = array<i32>} : memref<128xi32, #tpu.memory_space<vmem>>, vector<16xi32>,
      %and3A_836 = arith.constant 65535 : i32
      %and3A_837 = vector.broadcast %and3A_836 : i32 to vector<16xi32>
      %and3A_838 = arith.andi %get3A_828, %and3A_837 : vector<16xi32>
      %swap3A_839 = arith.constant 112 : index
      %swap3A_840 = tpu.vector_load %arg8[%swap3A_839] {strides = array<i32>} : memref<128xi32, #tpu.memory_space<vmem>>, vector<16xi32>,
      %swap3A_841 = vector.shape_cast %swap3A_840 : vector<16xi32> to vector<16xi32>
      %swap3A_842 = vector.shape_cast %and3A_838 : vector<16xi32> to vector<16xi32>
      tpu.vector_store %arg8[%swap3A_839], %swap3A_842 {strides = array<i32>} : memref<128xi32, #tpu.memory_space<vmem>>, vector<16xi32>,
      %dma_start3A_843 = arith.constant 0 : i32
      %dma_start3A_844 = arith.constant 0 : i32
      %dma_start3A_845 = arith.constant 0 : i32
      %dma_start3A_846 = tpu.memref_slice %arg11[%dma_start3A_843, %dma_start3A_844, %dma_start3A_845] : memref<2x128x64xf32, #tpu.memory_space<vmem>> -> memref<1x128x64xf32, #tpu.memory_space<vmem>>
      %dma_start3A_847 = tpu.memref_squeeze %dma_start3A_846 : memref<1x128x64xf32, #tpu.memory_space<vmem>> -> memref<128x64xf32, #tpu.memory_space<vmem>>
      %dma_start3A_848 = arith.constant 0 : i32
      %dma_start3A_849 = arith.constant 0 : i32
      %dma_start3A_850 = tpu.memref_slice %arg16[%dma_start3A_848, %dma_start3A_849] : memref<10240x64xf32, #tpu.memory_space<vmem_shared>> -> memref<10240x64xf32, #tpu.memory_space<vmem_shared>>
      tpu.enqueue_indirect_dma source(%dma_start3A_850 : memref<10240x64xf32, #tpu.memory_space<vmem_shared>>) target(%dma_start3A_847 : memref<128x64xf32, #tpu.memory_space<vmem>>) offsets(%arg7 : memref<128xi32, #tpu.memory_space<vmem>>) semaphore(%arg12 : memref<!tpu.dma_semaphore, #tpu.memory_space<semaphore_mem>>)
      %dma_wait3A_851 = arith.constant 1 : i32
      %dma_wait3A_852 = arith.constant 0 : i32
      %dma_wait3A_853 = arith.constant 0 : i32
      %dma_wait3A_854 = tpu.memref_slice %arg11[%dma_wait3A_851, %dma_wait3A_852, %dma_wait3A_853] : memref<2x128x64xf32, #tpu.memory_space<vmem>> -> memref<1x128x64xf32, #tpu.memory_space<vmem>>
      %dma_wait3A_855 = tpu.memref_squeeze %dma_wait3A_854 : memref<1x128x64xf32, #tpu.memory_space<vmem>> -> memref<128x64xf32, #tpu.memory_space<vmem>>
      %dma_wait3A_856 = arith.constant 0 : i32
      %dma_wait3A_857 = arith.constant 0 : i32
      %dma_wait3A_858 = tpu.memref_slice %arg17[%dma_wait3A_856, %dma_wait3A_857] : memref<10240x64xf32, #tpu.memory_space<vmem_shared>> -> memref<10240x64xf32, #tpu.memory_space<vmem_shared>>
      tpu.wait_indirect_dma semaphore(%arg15 : memref<!tpu.dma_semaphore, #tpu.memory_space<semaphore_mem>>) src(%dma_wait3A_855 : memref<128x64xf32, #tpu.memory_space<vmem>>) dst(%dma_wait3A_858 : memref<10240x64xf32, #tpu.memory_space<vmem_shared>>)
      %add3A_859 = arith.constant 3 : i32
      %add3A_860 = arith.addi %mul3A_657, %add3A_859 : i32
      %get3A_861 = arith.index_cast %add3A_860 : i32 to index
      %get3A_862 = arith.constant 0 : index
      %get3A_863 = tpu.vector_load %arg6[%get3A_861, %get3A_862] {strides = array<i32>} : memref<80x128xi32, #tpu.memory_space<vmem>>, vector<1x16xi32>,
      %get3A_864 = vector.shape_cast %get3A_863 : vector<1x16xi32> to vector<16xi32>
      %shift_right_logical3A_865 = arith.constant 16 : i32
      %shift_right_logical3A_866 = vector.broadcast %shift_right_logical3A_865 : i32 to vector<16xi32>
      %shift_right_logical3A_867 = arith.shrui %get3A_864, %shift_right_logical3A_866 : vector<16xi32>
      %swap3A_868 = arith.constant 0 : index
      %swap3A_869 = tpu.vector_load %arg9[%swap3A_868] {strides = array<i32>} : memref<128xi32, #tpu.memory_space<vmem>>, vector<16xi32>,
      %swap3A_870 = vector.shape_cast %swap3A_869 : vector<16xi32> to vector<16xi32>
      %swap3A_871 = vector.shape_cast %shift_right_logical3A_867 : vector<16xi32> to vector<16xi32>
      tpu.vector_store %arg9[%swap3A_868], %swap3A_871 {strides = array<i32>} : memref<128xi32, #tpu.memory_space<vmem>>, vector<16xi32>,
      %and3A_872 = arith.constant 65535 : i32
      %and3A_873 = vector.broadcast %and3A_872 : i32 to vector<16xi32>
      %and3A_874 = arith.andi %get3A_864, %and3A_873 : vector<16xi32>
      %swap3A_875 = arith.constant 0 : index
      %swap3A_876 = tpu.vector_load %arg10[%swap3A_875] {strides = array<i32>} : memref<128xi32, #tpu.memory_space<vmem>>, vector<16xi32>,
      %swap3A_877 = vector.shape_cast %swap3A_876 : vector<16xi32> to vector<16xi32>
      %swap3A_878 = vector.shape_cast %and3A_874 : vector<16xi32> to vector<16xi32>
      tpu.vector_store %arg10[%swap3A_875], %swap3A_878 {strides = array<i32>} : memref<128xi32, #tpu.memory_space<vmem>>, vector<16xi32>,
      %get3A_879 = arith.index_cast %add3A_860 : i32 to index
      %get3A_880 = arith.constant 16 : index
      %get3A_881 = tpu.vector_load %arg6[%get3A_879, %get3A_880] {strides = array<i32>} : memref<80x128xi32, #tpu.memory_space<vmem>>, vector<1x16xi32>,
      %get3A_882 = vector.shape_cast %get3A_881 : vector<1x16xi32> to vector<16xi32>
      %shift_right_logical3A_883 = arith.constant 16 : i32
      %shift_right_logical3A_884 = vector.broadcast %shift_right_logical3A_883 : i32 to vector<16xi32>
      %shift_right_logical3A_885 = arith.shrui %get3A_882, %shift_right_logical3A_884 : vector<16xi32>
      %swap3A_886 = arith.constant 16 : index
      %swap3A_887 = tpu.vector_load %arg9[%swap3A_886] {strides = array<i32>} : memref<128xi32, #tpu.memory_space<vmem>>, vector<16xi32>,
      %swap3A_888 = vector.shape_cast %swap3A_887 : vector<16xi32> to vector<16xi32>
      %swap3A_889 = vector.shape_cast %shift_right_logical3A_885 : vector<16xi32> to vector<16xi32>
      tpu.vector_store %arg9[%swap3A_886], %swap3A_889 {strides = array<i32>} : memref<128xi32, #tpu.memory_space<vmem>>, vector<16xi32>,
      %and3A_890 = arith.constant 65535 : i32
      %and3A_891 = vector.broadcast %and3A_890 : i32 to vector<16xi32>
      %and3A_892 = arith.andi %get3A_882, %and3A_891 : vector<16xi32>
      %swap3A_893 = arith.constant 16 : index
      %swap3A_894 = tpu.vector_load %arg10[%swap3A_893] {strides = array<i32>} : memref<128xi32, #tpu.memory_space<vmem>>, vector<16xi32>,
      %swap3A_895 = vector.shape_cast %swap3A_894 : vector<16xi32> to vector<16xi32>
      %swap3A_896 = vector.shape_cast %and3A_892 : vector<16xi32> to vector<16xi32>
      tpu.vector_store %arg10[%swap3A_893], %swap3A_896 {strides = array<i32>} : memref<128xi32, #tpu.memory_space<vmem>>, vector<16xi32>,
      %get3A_897 = arith.index_cast %add3A_860 : i32 to index
      %get3A_898 = arith.constant 32 : index
      %get3A_899 = tpu.vector_load %arg6[%get3A_897, %get3A_898] {strides = array<i32>} : memref<80x128xi32, #tpu.memory_space<vmem>>, vector<1x16xi32>,
      %get3A_900 = vector.shape_cast %get3A_899 : vector<1x16xi32> to vector<16xi32>
      %shift_right_logical3A_901 = arith.constant 16 : i32
      %shift_right_logical3A_902 = vector.broadcast %shift_right_logical3A_901 : i32 to vector<16xi32>
      %shift_right_logical3A_903 = arith.shrui %get3A_900, %shift_right_logical3A_902 : vector<16xi32>
      %swap3A_904 = arith.constant 32 : index
      %swap3A_905 = tpu.vector_load %arg9[%swap3A_904] {strides = array<i32>} : memref<128xi32, #tpu.memory_space<vmem>>, vector<16xi32>,
      %swap3A_906 = vector.shape_cast %swap3A_905 : vector<16xi32> to vector<16xi32>
      %swap3A_907 = vector.shape_cast %shift_right_logical3A_903 : vector<16xi32> to vector<16xi32>
      tpu.vector_store %arg9[%swap3A_904], %swap3A_907 {strides = array<i32>} : memref<128xi32, #tpu.memory_space<vmem>>, vector<16xi32>,
      %and3A_908 = arith.constant 65535 : i32
      %and3A_909 = vector.broadcast %and3A_908 : i32 to vector<16xi32>
      %and3A_910 = arith.andi %get3A_900, %and3A_909 : vector<16xi32>
      %swap3A_911 = arith.constant 32 : index
      %swap3A_912 = tpu.vector_load %arg10[%swap3A_911] {strides = array<i32>} : memref<128xi32, #tpu.memory_space<vmem>>, vector<16xi32>,
      %swap3A_913 = vector.shape_cast %swap3A_912 : vector<16xi32> to vector<16xi32>
      %swap3A_914 = vector.shape_cast %and3A_910 : vector<16xi32> to vector<16xi32>
      tpu.vector_store %arg10[%swap3A_911], %swap3A_914 {strides = array<i32>} : memref<128xi32, #tpu.memory_space<vmem>>, vector<16xi32>,
      %get3A_915 = arith.index_cast %add3A_860 : i32 to index
      %get3A_916 = arith.constant 48 : index
      %get3A_917 = tpu.vector_load %arg6[%get3A_915, %get3A_916] {strides = array<i32>} : memref<80x128xi32, #tpu.memory_space<vmem>>, vector<1x16xi32>,
      %get3A_918 = vector.shape_cast %get3A_917 : vector<1x16xi32> to vector<16xi32>
      %shift_right_logical3A_919 = arith.constant 16 : i32
      %shift_right_logical3A_920 = vector.broadcast %shift_right_logical3A_919 : i32 to vector<16xi32>
      %shift_right_logical3A_921 = arith.shrui %get3A_918, %shift_right_logical3A_920 : vector<16xi32>
      %swap3A_922 = arith.constant 48 : index
      %swap3A_923 = tpu.vector_load %arg9[%swap3A_922] {strides = array<i32>} : memref<128xi32, #tpu.memory_space<vmem>>, vector<16xi32>,
      %swap3A_924 = vector.shape_cast %swap3A_923 : vector<16xi32> to vector<16xi32>
      %swap3A_925 = vector.shape_cast %shift_right_logical3A_921 : vector<16xi32> to vector<16xi32>
      tpu.vector_store %arg9[%swap3A_922], %swap3A_925 {strides = array<i32>} : memref<128xi32, #tpu.memory_space<vmem>>, vector<16xi32>,
      %and3A_926 = arith.constant 65535 : i32
      %and3A_927 = vector.broadcast %and3A_926 : i32 to vector<16xi32>
      %and3A_928 = arith.andi %get3A_918, %and3A_927 : vector<16xi32>
      %swap3A_929 = arith.constant 48 : index
      %swap3A_930 = tpu.vector_load %arg10[%swap3A_929] {strides = array<i32>} : memref<128xi32, #tpu.memory_space<vmem>>, vector<16xi32>,
      %swap3A_931 = vector.shape_cast %swap3A_930 : vector<16xi32> to vector<16xi32>
      %swap3A_932 = vector.shape_cast %and3A_928 : vector<16xi32> to vector<16xi32>
      tpu.vector_store %arg10[%swap3A_929], %swap3A_932 {strides = array<i32>} : memref<128xi32, #tpu.memory_space<vmem>>, vector<16xi32>,
      %get3A_933 = arith.index_cast %add3A_860 : i32 to index
      %get3A_934 = arith.constant 64 : index
      %get3A_935 = tpu.vector_load %arg6[%get3A_933, %get3A_934] {strides = array<i32>} : memref<80x128xi32, #tpu.memory_space<vmem>>, vector<1x16xi32>,
      %get3A_936 = vector.shape_cast %get3A_935 : vector<1x16xi32> to vector<16xi32>
      %shift_right_logical3A_937 = arith.constant 16 : i32
      %shift_right_logical3A_938 = vector.broadcast %shift_right_logical3A_937 : i32 to vector<16xi32>
      %shift_right_logical3A_939 = arith.shrui %get3A_936, %shift_right_logical3A_938 : vector<16xi32>
      %swap3A_940 = arith.constant 64 : index
      %swap3A_941 = tpu.vector_load %arg9[%swap3A_940] {strides = array<i32>} : memref<128xi32, #tpu.memory_space<vmem>>, vector<16xi32>,
      %swap3A_942 = vector.shape_cast %swap3A_941 : vector<16xi32> to vector<16xi32>
      %swap3A_943 = vector.shape_cast %shift_right_logical3A_939 : vector<16xi32> to vector<16xi32>
      tpu.vector_store %arg9[%swap3A_940], %swap3A_943 {strides = array<i32>} : memref<128xi32, #tpu.memory_space<vmem>>, vector<16xi32>,
      %and3A_944 = arith.constant 65535 : i32
      %and3A_945 = vector.broadcast %and3A_944 : i32 to vector<16xi32>
      %and3A_946 = arith.andi %get3A_936, %and3A_945 : vector<16xi32>
      %swap3A_947 = arith.constant 64 : index
      %swap3A_948 = tpu.vector_load %arg10[%swap3A_947] {strides = array<i32>} : memref<128xi32, #tpu.memory_space<vmem>>, vector<16xi32>,
      %swap3A_949 = vector.shape_cast %swap3A_948 : vector<16xi32> to vector<16xi32>
      %swap3A_950 = vector.shape_cast %and3A_946 : vector<16xi32> to vector<16xi32>
      tpu.vector_store %arg10[%swap3A_947], %swap3A_950 {strides = array<i32>} : memref<128xi32, #tpu.memory_space<vmem>>, vector<16xi32>,
      %get3A_951 = arith.index_cast %add3A_860 : i32 to index
      %get3A_952 = arith.constant 80 : index
      %get3A_953 = tpu.vector_load %arg6[%get3A_951, %get3A_952] {strides = array<i32>} : memref<80x128xi32, #tpu.memory_space<vmem>>, vector<1x16xi32>,
      %get3A_954 = vector.shape_cast %get3A_953 : vector<1x16xi32> to vector<16xi32>
      %shift_right_logical3A_955 = arith.constant 16 : i32
      %shift_right_logical3A_956 = vector.broadcast %shift_right_logical3A_955 : i32 to vector<16xi32>
      %shift_right_logical3A_957 = arith.shrui %get3A_954, %shift_right_logical3A_956 : vector<16xi32>
      %swap3A_958 = arith.constant 80 : index
      %swap3A_959 = tpu.vector_load %arg9[%swap3A_958] {strides = array<i32>} : memref<128xi32, #tpu.memory_space<vmem>>, vector<16xi32>,
      %swap3A_960 = vector.shape_cast %swap3A_959 : vector<16xi32> to vector<16xi32>
      %swap3A_961 = vector.shape_cast %shift_right_logical3A_957 : vector<16xi32> to vector<16xi32>
      tpu.vector_store %arg9[%swap3A_958], %swap3A_961 {strides = array<i32>} : memref<128xi32, #tpu.memory_space<vmem>>, vector<16xi32>,
      %and3A_962 = arith.constant 65535 : i32
      %and3A_963 = vector.broadcast %and3A_962 : i32 to vector<16xi32>
      %and3A_964 = arith.andi %get3A_954, %and3A_963 : vector<16xi32>
      %swap3A_965 = arith.constant 80 : index
      %swap3A_966 = tpu.vector_load %arg10[%swap3A_965] {strides = array<i32>} : memref<128xi32, #tpu.memory_space<vmem>>, vector<16xi32>,
      %swap3A_967 = vector.shape_cast %swap3A_966 : vector<16xi32> to vector<16xi32>
      %swap3A_968 = vector.shape_cast %and3A_964 : vector<16xi32> to vector<16xi32>
      tpu.vector_store %arg10[%swap3A_965], %swap3A_968 {strides = array<i32>} : memref<128xi32, #tpu.memory_space<vmem>>, vector<16xi32>,
      %get3A_969 = arith.index_cast %add3A_860 : i32 to index
      %get3A_970 = arith.constant 96 : index
      %get3A_971 = tpu.vector_load %arg6[%get3A_969, %get3A_970] {strides = array<i32>} : memref<80x128xi32, #tpu.memory_space<vmem>>, vector<1x16xi32>,
      %get3A_972 = vector.shape_cast %get3A_971 : vector<1x16xi32> to vector<16xi32>
      %shift_right_logical3A_973 = arith.constant 16 : i32
      %shift_right_logical3A_974 = vector.broadcast %shift_right_logical3A_973 : i32 to vector<16xi32>
      %shift_right_logical3A_975 = arith.shrui %get3A_972, %shift_right_logical3A_974 : vector<16xi32>
      %swap3A_976 = arith.constant 96 : index
      %swap3A_977 = tpu.vector_load %arg9[%swap3A_976] {strides = array<i32>} : memref<128xi32, #tpu.memory_space<vmem>>, vector<16xi32>,
      %swap3A_978 = vector.shape_cast %swap3A_977 : vector<16xi32> to vector<16xi32>
      %swap3A_979 = vector.shape_cast %shift_right_logical3A_975 : vector<16xi32> to vector<16xi32>
      tpu.vector_store %arg9[%swap3A_976], %swap3A_979 {strides = array<i32>} : memref<128xi32, #tpu.memory_space<vmem>>, vector<16xi32>,
      %and3A_980 = arith.constant 65535 : i32
      %and3A_981 = vector.broadcast %and3A_980 : i32 to vector<16xi32>
      %and3A_982 = arith.andi %get3A_972, %and3A_981 : vector<16xi32>
      %swap3A_983 = arith.constant 96 : index
      %swap3A_984 = tpu.vector_load %arg10[%swap3A_983] {strides = array<i32>} : memref<128xi32, #tpu.memory_space<vmem>>, vector<16xi32>,
      %swap3A_985 = vector.shape_cast %swap3A_984 : vector<16xi32> to vector<16xi32>
      %swap3A_986 = vector.shape_cast %and3A_982 : vector<16xi32> to vector<16xi32>
      tpu.vector_store %arg10[%swap3A_983], %swap3A_986 {strides = array<i32>} : memref<128xi32, #tpu.memory_space<vmem>>, vector<16xi32>,
      %get3A_987 = arith.index_cast %add3A_860 : i32 to index
      %get3A_988 = arith.constant 112 : index
      %get3A_989 = tpu.vector_load %arg6[%get3A_987, %get3A_988] {strides = array<i32>} : memref<80x128xi32, #tpu.memory_space<vmem>>, vector<1x16xi32>,
      %get3A_990 = vector.shape_cast %get3A_989 : vector<1x16xi32> to vector<16xi32>
      %shift_right_logical3A_991 = arith.constant 16 : i32
      %shift_right_logical3A_992 = vector.broadcast %shift_right_logical3A_991 : i32 to vector<16xi32>
      %shift_right_logical3A_993 = arith.shrui %get3A_990, %shift_right_logical3A_992 : vector<16xi32>
      %swap3A_994 = arith.constant 112 : index
      %swap3A_995 = tpu.vector_load %arg9[%swap3A_994] {strides = array<i32>} : memref<128xi32, #tpu.memory_space<vmem>>, vector<16xi32>,
      %swap3A_996 = vector.shape_cast %swap3A_995 : vector<16xi32> to vector<16xi32>
      %swap3A_997 = vector.shape_cast %shift_right_logical3A_993 : vector<16xi32> to vector<16xi32>
      tpu.vector_store %arg9[%swap3A_994], %swap3A_997 {strides = array<i32>} : memref<128xi32, #tpu.memory_space<vmem>>, vector<16xi32>,
      %and3A_998 = arith.constant 65535 : i32
      %and3A_999 = vector.broadcast %and3A_998 : i32 to vector<16xi32>
      %and3A_1000 = arith.andi %get3A_990, %and3A_999 : vector<16xi32>
      %swap3A_1001 = arith.constant 112 : index
      %swap3A_1002 = tpu.vector_load %arg10[%swap3A_1001] {strides = array<i32>} : memref<128xi32, #tpu.memory_space<vmem>>, vector<16xi32>,
      %swap3A_1003 = vector.shape_cast %swap3A_1002 : vector<16xi32> to vector<16xi32>
      %swap3A_1004 = vector.shape_cast %and3A_1000 : vector<16xi32> to vector<16xi32>
      tpu.vector_store %arg10[%swap3A_1001], %swap3A_1004 {strides = array<i32>} : memref<128xi32, #tpu.memory_space<vmem>>, vector<16xi32>,
      %dma_start3A_1005 = arith.constant 1 : i32
      %dma_start3A_1006 = arith.constant 0 : i32
      %dma_start3A_1007 = arith.constant 0 : i32
      %dma_start3A_1008 = tpu.memref_slice %arg11[%dma_start3A_1005, %dma_start3A_1006, %dma_start3A_1007] : memref<2x128x64xf32, #tpu.memory_space<vmem>> -> memref<1x128x64xf32, #tpu.memory_space<vmem>>
      %dma_start3A_1009 = tpu.memref_squeeze %dma_start3A_1008 : memref<1x128x64xf32, #tpu.memory_space<vmem>> -> memref<128x64xf32, #tpu.memory_space<vmem>>
      %dma_start3A_1010 = arith.constant 0 : i32
      %dma_start3A_1011 = arith.constant 0 : i32
      %dma_start3A_1012 = tpu.memref_slice %arg16[%dma_start3A_1010, %dma_start3A_1011] : memref<10240x64xf32, #tpu.memory_space<vmem_shared>> -> memref<10240x64xf32, #tpu.memory_space<vmem_shared>>
      tpu.enqueue_indirect_dma source(%dma_start3A_1012 : memref<10240x64xf32, #tpu.memory_space<vmem_shared>>) target(%dma_start3A_1009 : memref<128x64xf32, #tpu.memory_space<vmem>>) offsets(%arg9 : memref<128xi32, #tpu.memory_space<vmem>>) semaphore(%arg13 : memref<!tpu.dma_semaphore, #tpu.memory_space<semaphore_mem>>)
      %dma_wait3A_1013 = arith.constant 0 : i32
      %dma_wait3A_1014 = arith.constant 0 : i32
      %dma_wait3A_1015 = arith.constant 0 : i32
      %dma_wait3A_1016 = tpu.memref_slice %arg11[%dma_wait3A_1013, %dma_wait3A_1014, %dma_wait3A_1015] : memref<2x128x64xf32, #tpu.memory_space<vmem>> -> memref<1x128x64xf32, #tpu.memory_space<vmem>>
      %dma_wait3A_1017 = tpu.memref_squeeze %dma_wait3A_1016 : memref<1x128x64xf32, #tpu.memory_space<vmem>> -> memref<128x64xf32, #tpu.memory_space<vmem>>
      %dma_wait3A_1018 = arith.constant 0 : i32
      %dma_wait3A_1019 = arith.constant 0 : i32
      %dma_wait3A_1020 = tpu.memref_slice %arg16[%dma_wait3A_1018, %dma_wait3A_1019] : memref<10240x64xf32, #tpu.memory_space<vmem_shared>> -> memref<10240x64xf32, #tpu.memory_space<vmem_shared>>
      tpu.wait_indirect_dma semaphore(%arg12 : memref<!tpu.dma_semaphore, #tpu.memory_space<semaphore_mem>>) src(%dma_wait3A_1020 : memref<10240x64xf32, #tpu.memory_space<vmem_shared>>) dst(%dma_wait3A_1017 : memref<128x64xf32, #tpu.memory_space<vmem>>)
      %dma_start3A_1021 = arith.constant 0 : i32
      %dma_start3A_1022 = arith.constant 0 : i32
      %dma_start3A_1023 = arith.constant 0 : i32
      %dma_start3A_1024 = tpu.memref_slice %arg11[%dma_start3A_1021, %dma_start3A_1022, %dma_start3A_1023] : memref<2x128x64xf32, #tpu.memory_space<vmem>> -> memref<1x128x64xf32, #tpu.memory_space<vmem>>
      %dma_start3A_1025 = tpu.memref_squeeze %dma_start3A_1024 : memref<1x128x64xf32, #tpu.memory_space<vmem>> -> memref<128x64xf32, #tpu.memory_space<vmem>>
      %dma_start3A_1026 = arith.constant 0 : i32
      %dma_start3A_1027 = arith.constant 0 : i32
      %dma_start3A_1028 = tpu.memref_slice %arg17[%dma_start3A_1026, %dma_start3A_1027] : memref<10240x64xf32, #tpu.memory_space<vmem_shared>> -> memref<10240x64xf32, #tpu.memory_space<vmem_shared>>
      tpu.enqueue_indirect_dma source(%dma_start3A_1025 : memref<128x64xf32, #tpu.memory_space<vmem>>) target(%dma_start3A_1028 : memref<10240x64xf32, #tpu.memory_space<vmem_shared>>) offsets(%arg8 : memref<128xi32, #tpu.memory_space<vmem>>) semaphore(%arg14 : memref<!tpu.dma_semaphore, #tpu.memory_space<semaphore_mem>>) {add = true}
      %dma_wait3A_1029 = arith.constant 1 : i32
      %dma_wait3A_1030 = arith.constant 0 : i32
      %dma_wait3A_1031 = arith.constant 0 : i32
      %dma_wait3A_1032 = tpu.memref_slice %arg11[%dma_wait3A_1029, %dma_wait3A_1030, %dma_wait3A_1031] : memref<2x128x64xf32, #tpu.memory_space<vmem>> -> memref<1x128x64xf32, #tpu.memory_space<vmem>>
      %dma_wait3A_1033 = tpu.memref_squeeze %dma_wait3A_1032 : memref<1x128x64xf32, #tpu.memory_space<vmem>> -> memref<128x64xf32, #tpu.memory_space<vmem>>
      %dma_wait3A_1034 = arith.constant 0 : i32
      %dma_wait3A_1035 = arith.constant 0 : i32
      %dma_wait3A_1036 = tpu.memref_slice %arg16[%dma_wait3A_1034, %dma_wait3A_1035] : memref<10240x64xf32, #tpu.memory_space<vmem_shared>> -> memref<10240x64xf32, #tpu.memory_space<vmem_shared>>
      tpu.wait_indirect_dma semaphore(%arg13 : memref<!tpu.dma_semaphore, #tpu.memory_space<semaphore_mem>>) src(%dma_wait3A_1036 : memref<10240x64xf32, #tpu.memory_space<vmem_shared>>) dst(%dma_wait3A_1033 : memref<128x64xf32, #tpu.memory_space<vmem>>)
      %dma_start3A_1037 = arith.constant 1 : i32
      %dma_start3A_1038 = arith.constant 0 : i32
      %dma_start3A_1039 = arith.constant 0 : i32
      %dma_start3A_1040 = tpu.memref_slice %arg11[%dma_start3A_1037, %dma_start3A_1038, %dma_start3A_1039] : memref<2x128x64xf32, #tpu.memory_space<vmem>> -> memref<1x128x64xf32, #tpu.memory_space<vmem>>
      %dma_start3A_1041 = tpu.memref_squeeze %dma_start3A_1040 : memref<1x128x64xf32, #tpu.memory_space<vmem>> -> memref<128x64xf32, #tpu.memory_space<vmem>>
      %dma_start3A_1042 = arith.constant 0 : i32
      %dma_start3A_1043 = arith.constant 0 : i32
      %dma_start3A_1044 = tpu.memref_slice %arg17[%dma_start3A_1042, %dma_start3A_1043] : memref<10240x64xf32, #tpu.memory_space<vmem_shared>> -> memref<10240x64xf32, #tpu.memory_space<vmem_shared>>
      tpu.enqueue_indirect_dma source(%dma_start3A_1041 : memref<128x64xf32, #tpu.memory_space<vmem>>) target(%dma_start3A_1044 : memref<10240x64xf32, #tpu.memory_space<vmem_shared>>) offsets(%arg10 : memref<128xi32, #tpu.memory_space<vmem>>) semaphore(%arg15 : memref<!tpu.dma_semaphore, #tpu.memory_space<semaphore_mem>>) {add = true}
      %lt3A = arith.constant 19 : i32
      %lt3A_1045 = arith.cmpi slt, %scan3A_655, %lt3A : i32
      %convert_element_type3A = arith.extui %lt3A_1045 : i1 to i32
      %cond3A = arith.constant 0 : i32
      %cond3A_1046 = arith.cmpi ne, %convert_element_type3A, %cond3A : i32
      scf.if %cond3A_1046 {
        %dma_wait3A_1051 = arith.constant 0 : i32
        %dma_wait3A_1052 = arith.constant 0 : i32
        %dma_wait3A_1053 = arith.constant 0 : i32
        %dma_wait3A_1054 = tpu.memref_slice %arg11[%dma_wait3A_1051, %dma_wait3A_1052, %dma_wait3A_1053] : memref<2x128x64xf32, #tpu.memory_space<vmem>> -> memref<1x128x64xf32, #tpu.memory_space<vmem>>
        %dma_wait3A_1055 = tpu.memref_squeeze %dma_wait3A_1054 : memref<1x128x64xf32, #tpu.memory_space<vmem>> -> memref<128x64xf32, #tpu.memory_space<vmem>>
        %dma_wait3A_1056 = arith.constant 0 : i32
        %dma_wait3A_1057 = arith.constant 0 : i32
        %dma_wait3A_1058 = tpu.memref_slice %arg17[%dma_wait3A_1056, %dma_wait3A_1057] : memref<10240x64xf32, #tpu.memory_space<vmem_shared>> -> memref<10240x64xf32, #tpu.memory_space<vmem_shared>>
        tpu.wait_indirect_dma semaphore(%arg14 : memref<!tpu.dma_semaphore, #tpu.memory_space<semaphore_mem>>) src(%dma_wait3A_1055 : memref<128x64xf32, #tpu.memory_space<vmem>>) dst(%dma_wait3A_1058 : memref<10240x64xf32, #tpu.memory_space<vmem_shared>>)
        %add3A_1059 = arith.constant 4 : i32
        %add3A_1060 = arith.addi %mul3A_657, %add3A_1059 : i32
        %get3A_1061 = arith.index_cast %add3A_1060 : i32 to index
        %get3A_1062 = arith.constant 0 : index
        %get3A_1063 = tpu.vector_load %arg6[%get3A_1061, %get3A_1062] {strides = array<i32>} : memref<80x128xi32, #tpu.memory_space<vmem>>, vector<1x16xi32>,
        %get3A_1064 = vector.shape_cast %get3A_1063 : vector<1x16xi32> to vector<16xi32>
        %shift_right_logical3A_1065 = arith.constant 16 : i32
        %shift_right_logical3A_1066 = vector.broadcast %shift_right_logical3A_1065 : i32 to vector<16xi32>
        %shift_right_logical3A_1067 = arith.shrui %get3A_1064, %shift_right_logical3A_1066 : vector<16xi32>
        %swap3A_1068 = arith.constant 0 : index
        %swap3A_1069 = tpu.vector_load %arg7[%swap3A_1068] {strides = array<i32>} : memref<128xi32, #tpu.memory_space<vmem>>, vector<16xi32>,
        %swap3A_1070 = vector.shape_cast %swap3A_1069 : vector<16xi32> to vector<16xi32>
        %swap3A_1071 = vector.shape_cast %shift_right_logical3A_1067 : vector<16xi32> to vector<16xi32>
        tpu.vector_store %arg7[%swap3A_1068], %swap3A_1071 {strides = array<i32>} : memref<128xi32, #tpu.memory_space<vmem>>, vector<16xi32>,
        %and3A_1072 = arith.constant 65535 : i32
        %and3A_1073 = vector.broadcast %and3A_1072 : i32 to vector<16xi32>
        %and3A_1074 = arith.andi %get3A_1064, %and3A_1073 : vector<16xi32>
        %swap3A_1075 = arith.constant 0 : index
        %swap3A_1076 = tpu.vector_load %arg8[%swap3A_1075] {strides = array<i32>} : memref<128xi32, #tpu.memory_space<vmem>>, vector<16xi32>,
        %swap3A_1077 = vector.shape_cast %swap3A_1076 : vector<16xi32> to vector<16xi32>
        %swap3A_1078 = vector.shape_cast %and3A_1074 : vector<16xi32> to vector<16xi32>
        tpu.vector_store %arg8[%swap3A_1075], %swap3A_1078 {strides = array<i32>} : memref<128xi32, #tpu.memory_space<vmem>>, vector<16xi32>,
        %get3A_1079 = arith.index_cast %add3A_1060 : i32 to index
        %get3A_1080 = arith.constant 16 : index
        %get3A_1081 = tpu.vector_load %arg6[%get3A_1079, %get3A_1080] {strides = array<i32>} : memref<80x128xi32, #tpu.memory_space<vmem>>, vector<1x16xi32>,
        %get3A_1082 = vector.shape_cast %get3A_1081 : vector<1x16xi32> to vector<16xi32>
        %shift_right_logical3A_1083 = arith.constant 16 : i32
        %shift_right_logical3A_1084 = vector.broadcast %shift_right_logical3A_1083 : i32 to vector<16xi32>
        %shift_right_logical3A_1085 = arith.shrui %get3A_1082, %shift_right_logical3A_1084 : vector<16xi32>
        %swap3A_1086 = arith.constant 16 : index
        %swap3A_1087 = tpu.vector_load %arg7[%swap3A_1086] {strides = array<i32>} : memref<128xi32, #tpu.memory_space<vmem>>, vector<16xi32>,
        %swap3A_1088 = vector.shape_cast %swap3A_1087 : vector<16xi32> to vector<16xi32>
        %swap3A_1089 = vector.shape_cast %shift_right_logical3A_1085 : vector<16xi32> to vector<16xi32>
        tpu.vector_store %arg7[%swap3A_1086], %swap3A_1089 {strides = array<i32>} : memref<128xi32, #tpu.memory_space<vmem>>, vector<16xi32>,
        %and3A_1090 = arith.constant 65535 : i32
        %and3A_1091 = vector.broadcast %and3A_1090 : i32 to vector<16xi32>
        %and3A_1092 = arith.andi %get3A_1082, %and3A_1091 : vector<16xi32>
        %swap3A_1093 = arith.constant 16 : index
        %swap3A_1094 = tpu.vector_load %arg8[%swap3A_1093] {strides = array<i32>} : memref<128xi32, #tpu.memory_space<vmem>>, vector<16xi32>,
        %swap3A_1095 = vector.shape_cast %swap3A_1094 : vector<16xi32> to vector<16xi32>
        %swap3A_1096 = vector.shape_cast %and3A_1092 : vector<16xi32> to vector<16xi32>
        tpu.vector_store %arg8[%swap3A_1093], %swap3A_1096 {strides = array<i32>} : memref<128xi32, #tpu.memory_space<vmem>>, vector<16xi32>,
        %get3A_1097 = arith.index_cast %add3A_1060 : i32 to index
        %get3A_1098 = arith.constant 32 : index
        %get3A_1099 = tpu.vector_load %arg6[%get3A_1097, %get3A_1098] {strides = array<i32>} : memref<80x128xi32, #tpu.memory_space<vmem>>, vector<1x16xi32>,
        %get3A_1100 = vector.shape_cast %get3A_1099 : vector<1x16xi32> to vector<16xi32>
        %shift_right_logical3A_1101 = arith.constant 16 : i32
        %shift_right_logical3A_1102 = vector.broadcast %shift_right_logical3A_1101 : i32 to vector<16xi32>
        %shift_right_logical3A_1103 = arith.shrui %get3A_1100, %shift_right_logical3A_1102 : vector<16xi32>
        %swap3A_1104 = arith.constant 32 : index
        %swap3A_1105 = tpu.vector_load %arg7[%swap3A_1104] {strides = array<i32>} : memref<128xi32, #tpu.memory_space<vmem>>, vector<16xi32>,
        %swap3A_1106 = vector.shape_cast %swap3A_1105 : vector<16xi32> to vector<16xi32>
        %swap3A_1107 = vector.shape_cast %shift_right_logical3A_1103 : vector<16xi32> to vector<16xi32>
        tpu.vector_store %arg7[%swap3A_1104], %swap3A_1107 {strides = array<i32>} : memref<128xi32, #tpu.memory_space<vmem>>, vector<16xi32>,
        %and3A_1108 = arith.constant 65535 : i32
        %and3A_1109 = vector.broadcast %and3A_1108 : i32 to vector<16xi32>
        %and3A_1110 = arith.andi %get3A_1100, %and3A_1109 : vector<16xi32>
        %swap3A_1111 = arith.constant 32 : index
        %swap3A_1112 = tpu.vector_load %arg8[%swap3A_1111] {strides = array<i32>} : memref<128xi32, #tpu.memory_space<vmem>>, vector<16xi32>,
        %swap3A_1113 = vector.shape_cast %swap3A_1112 : vector<16xi32> to vector<16xi32>
        %swap3A_1114 = vector.shape_cast %and3A_1110 : vector<16xi32> to vector<16xi32>
        tpu.vector_store %arg8[%swap3A_1111], %swap3A_1114 {strides = array<i32>} : memref<128xi32, #tpu.memory_space<vmem>>, vector<16xi32>,
        %get3A_1115 = arith.index_cast %add3A_1060 : i32 to index
        %get3A_1116 = arith.constant 48 : index
        %get3A_1117 = tpu.vector_load %arg6[%get3A_1115, %get3A_1116] {strides = array<i32>} : memref<80x128xi32, #tpu.memory_space<vmem>>, vector<1x16xi32>,
        %get3A_1118 = vector.shape_cast %get3A_1117 : vector<1x16xi32> to vector<16xi32>
        %shift_right_logical3A_1119 = arith.constant 16 : i32
        %shift_right_logical3A_1120 = vector.broadcast %shift_right_logical3A_1119 : i32 to vector<16xi32>
        %shift_right_logical3A_1121 = arith.shrui %get3A_1118, %shift_right_logical3A_1120 : vector<16xi32>
        %swap3A_1122 = arith.constant 48 : index
        %swap3A_1123 = tpu.vector_load %arg7[%swap3A_1122] {strides = array<i32>} : memref<128xi32, #tpu.memory_space<vmem>>, vector<16xi32>,
        %swap3A_1124 = vector.shape_cast %swap3A_1123 : vector<16xi32> to vector<16xi32>
        %swap3A_1125 = vector.shape_cast %shift_right_logical3A_1121 : vector<16xi32> to vector<16xi32>
        tpu.vector_store %arg7[%swap3A_1122], %swap3A_1125 {strides = array<i32>} : memref<128xi32, #tpu.memory_space<vmem>>, vector<16xi32>,
        %and3A_1126 = arith.constant 65535 : i32
        %and3A_1127 = vector.broadcast %and3A_1126 : i32 to vector<16xi32>
        %and3A_1128 = arith.andi %get3A_1118, %and3A_1127 : vector<16xi32>
        %swap3A_1129 = arith.constant 48 : index
        %swap3A_1130 = tpu.vector_load %arg8[%swap3A_1129] {strides = array<i32>} : memref<128xi32, #tpu.memory_space<vmem>>, vector<16xi32>,
        %swap3A_1131 = vector.shape_cast %swap3A_1130 : vector<16xi32> to vector<16xi32>
        %swap3A_1132 = vector.shape_cast %and3A_1128 : vector<16xi32> to vector<16xi32>
        tpu.vector_store %arg8[%swap3A_1129], %swap3A_1132 {strides = array<i32>} : memref<128xi32, #tpu.memory_space<vmem>>, vector<16xi32>,
        %get3A_1133 = arith.index_cast %add3A_1060 : i32 to index
        %get3A_1134 = arith.constant 64 : index
        %get3A_1135 = tpu.vector_load %arg6[%get3A_1133, %get3A_1134] {strides = array<i32>} : memref<80x128xi32, #tpu.memory_space<vmem>>, vector<1x16xi32>,
        %get3A_1136 = vector.shape_cast %get3A_1135 : vector<1x16xi32> to vector<16xi32>
        %shift_right_logical3A_1137 = arith.constant 16 : i32
        %shift_right_logical3A_1138 = vector.broadcast %shift_right_logical3A_1137 : i32 to vector<16xi32>
        %shift_right_logical3A_1139 = arith.shrui %get3A_1136, %shift_right_logical3A_1138 : vector<16xi32>
        %swap3A_1140 = arith.constant 64 : index
        %swap3A_1141 = tpu.vector_load %arg7[%swap3A_1140] {strides = array<i32>} : memref<128xi32, #tpu.memory_space<vmem>>, vector<16xi32>,
        %swap3A_1142 = vector.shape_cast %swap3A_1141 : vector<16xi32> to vector<16xi32>
        %swap3A_1143 = vector.shape_cast %shift_right_logical3A_1139 : vector<16xi32> to vector<16xi32>
        tpu.vector_store %arg7[%swap3A_1140], %swap3A_1143 {strides = array<i32>} : memref<128xi32, #tpu.memory_space<vmem>>, vector<16xi32>,
        %and3A_1144 = arith.constant 65535 : i32
        %and3A_1145 = vector.broadcast %and3A_1144 : i32 to vector<16xi32>
        %and3A_1146 = arith.andi %get3A_1136, %and3A_1145 : vector<16xi32>
        %swap3A_1147 = arith.constant 64 : index
        %swap3A_1148 = tpu.vector_load %arg8[%swap3A_1147] {strides = array<i32>} : memref<128xi32, #tpu.memory_space<vmem>>, vector<16xi32>,
        %swap3A_1149 = vector.shape_cast %swap3A_1148 : vector<16xi32> to vector<16xi32>
        %swap3A_1150 = vector.shape_cast %and3A_1146 : vector<16xi32> to vector<16xi32>
        tpu.vector_store %arg8[%swap3A_1147], %swap3A_1150 {strides = array<i32>} : memref<128xi32, #tpu.memory_space<vmem>>, vector<16xi32>,
        %get3A_1151 = arith.index_cast %add3A_1060 : i32 to index
        %get3A_1152 = arith.constant 80 : index
        %get3A_1153 = tpu.vector_load %arg6[%get3A_1151, %get3A_1152] {strides = array<i32>} : memref<80x128xi32, #tpu.memory_space<vmem>>, vector<1x16xi32>,
        %get3A_1154 = vector.shape_cast %get3A_1153 : vector<1x16xi32> to vector<16xi32>
        %shift_right_logical3A_1155 = arith.constant 16 : i32
        %shift_right_logical3A_1156 = vector.broadcast %shift_right_logical3A_1155 : i32 to vector<16xi32>
        %shift_right_logical3A_1157 = arith.shrui %get3A_1154, %shift_right_logical3A_1156 : vector<16xi32>
        %swap3A_1158 = arith.constant 80 : index
        %swap3A_1159 = tpu.vector_load %arg7[%swap3A_1158] {strides = array<i32>} : memref<128xi32, #tpu.memory_space<vmem>>, vector<16xi32>,
        %swap3A_1160 = vector.shape_cast %swap3A_1159 : vector<16xi32> to vector<16xi32>
        %swap3A_1161 = vector.shape_cast %shift_right_logical3A_1157 : vector<16xi32> to vector<16xi32>
        tpu.vector_store %arg7[%swap3A_1158], %swap3A_1161 {strides = array<i32>} : memref<128xi32, #tpu.memory_space<vmem>>, vector<16xi32>,
        %and3A_1162 = arith.constant 65535 : i32
        %and3A_1163 = vector.broadcast %and3A_1162 : i32 to vector<16xi32>
        %and3A_1164 = arith.andi %get3A_1154, %and3A_1163 : vector<16xi32>
        %swap3A_1165 = arith.constant 80 : index
        %swap3A_1166 = tpu.vector_load %arg8[%swap3A_1165] {strides = array<i32>} : memref<128xi32, #tpu.memory_space<vmem>>, vector<16xi32>,
        %swap3A_1167 = vector.shape_cast %swap3A_1166 : vector<16xi32> to vector<16xi32>
        %swap3A_1168 = vector.shape_cast %and3A_1164 : vector<16xi32> to vector<16xi32>
        tpu.vector_store %arg8[%swap3A_1165], %swap3A_1168 {strides = array<i32>} : memref<128xi32, #tpu.memory_space<vmem>>, vector<16xi32>,
        %get3A_1169 = arith.index_cast %add3A_1060 : i32 to index
        %get3A_1170 = arith.constant 96 : index
        %get3A_1171 = tpu.vector_load %arg6[%get3A_1169, %get3A_1170] {strides = array<i32>} : memref<80x128xi32, #tpu.memory_space<vmem>>, vector<1x16xi32>,
        %get3A_1172 = vector.shape_cast %get3A_1171 : vector<1x16xi32> to vector<16xi32>
        %shift_right_logical3A_1173 = arith.constant 16 : i32
        %shift_right_logical3A_1174 = vector.broadcast %shift_right_logical3A_1173 : i32 to vector<16xi32>
        %shift_right_logical3A_1175 = arith.shrui %get3A_1172, %shift_right_logical3A_1174 : vector<16xi32>
        %swap3A_1176 = arith.constant 96 : index
        %swap3A_1177 = tpu.vector_load %arg7[%swap3A_1176] {strides = array<i32>} : memref<128xi32, #tpu.memory_space<vmem>>, vector<16xi32>,
        %swap3A_1178 = vector.shape_cast %swap3A_1177 : vector<16xi32> to vector<16xi32>
        %swap3A_1179 = vector.shape_cast %shift_right_logical3A_1175 : vector<16xi32> to vector<16xi32>
        tpu.vector_store %arg7[%swap3A_1176], %swap3A_1179 {strides = array<i32>} : memref<128xi32, #tpu.memory_space<vmem>>, vector<16xi32>,
        %and3A_1180 = arith.constant 65535 : i32
        %and3A_1181 = vector.broadcast %and3A_1180 : i32 to vector<16xi32>
        %and3A_1182 = arith.andi %get3A_1172, %and3A_1181 : vector<16xi32>
        %swap3A_1183 = arith.constant 96 : index
        %swap3A_1184 = tpu.vector_load %arg8[%swap3A_1183] {strides = array<i32>} : memref<128xi32, #tpu.memory_space<vmem>>, vector<16xi32>,
        %swap3A_1185 = vector.shape_cast %swap3A_1184 : vector<16xi32> to vector<16xi32>
        %swap3A_1186 = vector.shape_cast %and3A_1182 : vector<16xi32> to vector<16xi32>
        tpu.vector_store %arg8[%swap3A_1183], %swap3A_1186 {strides = array<i32>} : memref<128xi32, #tpu.memory_space<vmem>>, vector<16xi32>,
        %get3A_1187 = arith.index_cast %add3A_1060 : i32 to index
        %get3A_1188 = arith.constant 112 : index
        %get3A_1189 = tpu.vector_load %arg6[%get3A_1187, %get3A_1188] {strides = array<i32>} : memref<80x128xi32, #tpu.memory_space<vmem>>, vector<1x16xi32>,
        %get3A_1190 = vector.shape_cast %get3A_1189 : vector<1x16xi32> to vector<16xi32>
        %shift_right_logical3A_1191 = arith.constant 16 : i32
        %shift_right_logical3A_1192 = vector.broadcast %shift_right_logical3A_1191 : i32 to vector<16xi32>
        %shift_right_logical3A_1193 = arith.shrui %get3A_1190, %shift_right_logical3A_1192 : vector<16xi32>
        %swap3A_1194 = arith.constant 112 : index
        %swap3A_1195 = tpu.vector_load %arg7[%swap3A_1194] {strides = array<i32>} : memref<128xi32, #tpu.memory_space<vmem>>, vector<16xi32>,
        %swap3A_1196 = vector.shape_cast %swap3A_1195 : vector<16xi32> to vector<16xi32>
        %swap3A_1197 = vector.shape_cast %shift_right_logical3A_1193 : vector<16xi32> to vector<16xi32>
        tpu.vector_store %arg7[%swap3A_1194], %swap3A_1197 {strides = array<i32>} : memref<128xi32, #tpu.memory_space<vmem>>, vector<16xi32>,
        %and3A_1198 = arith.constant 65535 : i32
        %and3A_1199 = vector.broadcast %and3A_1198 : i32 to vector<16xi32>
        %and3A_1200 = arith.andi %get3A_1190, %and3A_1199 : vector<16xi32>
        %swap3A_1201 = arith.constant 112 : index
        %swap3A_1202 = tpu.vector_load %arg8[%swap3A_1201] {strides = array<i32>} : memref<128xi32, #tpu.memory_space<vmem>>, vector<16xi32>,
        %swap3A_1203 = vector.shape_cast %swap3A_1202 : vector<16xi32> to vector<16xi32>
        %swap3A_1204 = vector.shape_cast %and3A_1200 : vector<16xi32> to vector<16xi32>
        tpu.vector_store %arg8[%swap3A_1201], %swap3A_1204 {strides = array<i32>} : memref<128xi32, #tpu.memory_space<vmem>>, vector<16xi32>,
        %dma_start3A_1205 = arith.constant 0 : i32
        %dma_start3A_1206 = arith.constant 0 : i32
        %dma_start3A_1207 = arith.constant 0 : i32
        %dma_start3A_1208 = tpu.memref_slice %arg11[%dma_start3A_1205, %dma_start3A_1206, %dma_start3A_1207] : memref<2x128x64xf32, #tpu.memory_space<vmem>> -> memref<1x128x64xf32, #tpu.memory_space<vmem>>
        %dma_start3A_1209 = tpu.memref_squeeze %dma_start3A_1208 : memref<1x128x64xf32, #tpu.memory_space<vmem>> -> memref<128x64xf32, #tpu.memory_space<vmem>>
        %dma_start3A_1210 = arith.constant 0 : i32
        %dma_start3A_1211 = arith.constant 0 : i32
        %dma_start3A_1212 = tpu.memref_slice %arg16[%dma_start3A_1210, %dma_start3A_1211] : memref<10240x64xf32, #tpu.memory_space<vmem_shared>> -> memref<10240x64xf32, #tpu.memory_space<vmem_shared>>
        tpu.enqueue_indirect_dma source(%dma_start3A_1212 : memref<10240x64xf32, #tpu.memory_space<vmem_shared>>) target(%dma_start3A_1209 : memref<128x64xf32, #tpu.memory_space<vmem>>) offsets(%arg7 : memref<128xi32, #tpu.memory_space<vmem>>) semaphore(%arg12 : memref<!tpu.dma_semaphore, #tpu.memory_space<semaphore_mem>>)
        %dma_wait3A_1213 = arith.constant 1 : i32
        %dma_wait3A_1214 = arith.constant 0 : i32
        %dma_wait3A_1215 = arith.constant 0 : i32
        %dma_wait3A_1216 = tpu.memref_slice %arg11[%dma_wait3A_1213, %dma_wait3A_1214, %dma_wait3A_1215] : memref<2x128x64xf32, #tpu.memory_space<vmem>> -> memref<1x128x64xf32, #tpu.memory_space<vmem>>
        %dma_wait3A_1217 = tpu.memref_squeeze %dma_wait3A_1216 : memref<1x128x64xf32, #tpu.memory_space<vmem>> -> memref<128x64xf32, #tpu.memory_space<vmem>>
        %dma_wait3A_1218 = arith.constant 0 : i32
        %dma_wait3A_1219 = arith.constant 0 : i32
        %dma_wait3A_1220 = tpu.memref_slice %arg17[%dma_wait3A_1218, %dma_wait3A_1219] : memref<10240x64xf32, #tpu.memory_space<vmem_shared>> -> memref<10240x64xf32, #tpu.memory_space<vmem_shared>>
        tpu.wait_indirect_dma semaphore(%arg15 : memref<!tpu.dma_semaphore, #tpu.memory_space<semaphore_mem>>) src(%dma_wait3A_1217 : memref<128x64xf32, #tpu.memory_space<vmem>>) dst(%dma_wait3A_1220 : memref<10240x64xf32, #tpu.memory_space<vmem_shared>>)
        %add3A_1221 = arith.constant 5 : i32
        %add3A_1222 = arith.addi %mul3A_657, %add3A_1221 : i32
        %get3A_1223 = arith.index_cast %add3A_1222 : i32 to index
        %get3A_1224 = arith.constant 0 : index
        %get3A_1225 = tpu.vector_load %arg6[%get3A_1223, %get3A_1224] {strides = array<i32>} : memref<80x128xi32, #tpu.memory_space<vmem>>, vector<1x16xi32>,
        %get3A_1226 = vector.shape_cast %get3A_1225 : vector<1x16xi32> to vector<16xi32>
        %shift_right_logical3A_1227 = arith.constant 16 : i32
        %shift_right_logical3A_1228 = vector.broadcast %shift_right_logical3A_1227 : i32 to vector<16xi32>
        %shift_right_logical3A_1229 = arith.shrui %get3A_1226, %shift_right_logical3A_1228 : vector<16xi32>
        %swap3A_1230 = arith.constant 0 : index
        %swap3A_1231 = tpu.vector_load %arg9[%swap3A_1230] {strides = array<i32>} : memref<128xi32, #tpu.memory_space<vmem>>, vector<16xi32>,
        %swap3A_1232 = vector.shape_cast %swap3A_1231 : vector<16xi32> to vector<16xi32>
        %swap3A_1233 = vector.shape_cast %shift_right_logical3A_1229 : vector<16xi32> to vector<16xi32>
        tpu.vector_store %arg9[%swap3A_1230], %swap3A_1233 {strides = array<i32>} : memref<128xi32, #tpu.memory_space<vmem>>, vector<16xi32>,
        %and3A_1234 = arith.constant 65535 : i32
        %and3A_1235 = vector.broadcast %and3A_1234 : i32 to vector<16xi32>
        %and3A_1236 = arith.andi %get3A_1226, %and3A_1235 : vector<16xi32>
        %swap3A_1237 = arith.constant 0 : index
        %swap3A_1238 = tpu.vector_load %arg10[%swap3A_1237] {strides = array<i32>} : memref<128xi32, #tpu.memory_space<vmem>>, vector<16xi32>,
        %swap3A_1239 = vector.shape_cast %swap3A_1238 : vector<16xi32> to vector<16xi32>
        %swap3A_1240 = vector.shape_cast %and3A_1236 : vector<16xi32> to vector<16xi32>
        tpu.vector_store %arg10[%swap3A_1237], %swap3A_1240 {strides = array<i32>} : memref<128xi32, #tpu.memory_space<vmem>>, vector<16xi32>,
        %get3A_1241 = arith.index_cast %add3A_1222 : i32 to index
        %get3A_1242 = arith.constant 16 : index
        %get3A_1243 = tpu.vector_load %arg6[%get3A_1241, %get3A_1242] {strides = array<i32>} : memref<80x128xi32, #tpu.memory_space<vmem>>, vector<1x16xi32>,
        %get3A_1244 = vector.shape_cast %get3A_1243 : vector<1x16xi32> to vector<16xi32>
        %shift_right_logical3A_1245 = arith.constant 16 : i32
        %shift_right_logical3A_1246 = vector.broadcast %shift_right_logical3A_1245 : i32 to vector<16xi32>
        %shift_right_logical3A_1247 = arith.shrui %get3A_1244, %shift_right_logical3A_1246 : vector<16xi32>
        %swap3A_1248 = arith.constant 16 : index
        %swap3A_1249 = tpu.vector_load %arg9[%swap3A_1248] {strides = array<i32>} : memref<128xi32, #tpu.memory_space<vmem>>, vector<16xi32>,
        %swap3A_1250 = vector.shape_cast %swap3A_1249 : vector<16xi32> to vector<16xi32>
        %swap3A_1251 = vector.shape_cast %shift_right_logical3A_1247 : vector<16xi32> to vector<16xi32>
        tpu.vector_store %arg9[%swap3A_1248], %swap3A_1251 {strides = array<i32>} : memref<128xi32, #tpu.memory_space<vmem>>, vector<16xi32>,
        %and3A_1252 = arith.constant 65535 : i32
        %and3A_1253 = vector.broadcast %and3A_1252 : i32 to vector<16xi32>
        %and3A_1254 = arith.andi %get3A_1244, %and3A_1253 : vector<16xi32>
        %swap3A_1255 = arith.constant 16 : index
        %swap3A_1256 = tpu.vector_load %arg10[%swap3A_1255] {strides = array<i32>} : memref<128xi32, #tpu.memory_space<vmem>>, vector<16xi32>,
        %swap3A_1257 = vector.shape_cast %swap3A_1256 : vector<16xi32> to vector<16xi32>
        %swap3A_1258 = vector.shape_cast %and3A_1254 : vector<16xi32> to vector<16xi32>
        tpu.vector_store %arg10[%swap3A_1255], %swap3A_1258 {strides = array<i32>} : memref<128xi32, #tpu.memory_space<vmem>>, vector<16xi32>,
        %get3A_1259 = arith.index_cast %add3A_1222 : i32 to index
        %get3A_1260 = arith.constant 32 : index
        %get3A_1261 = tpu.vector_load %arg6[%get3A_1259, %get3A_1260] {strides = array<i32>} : memref<80x128xi32, #tpu.memory_space<vmem>>, vector<1x16xi32>,
        %get3A_1262 = vector.shape_cast %get3A_1261 : vector<1x16xi32> to vector<16xi32>
        %shift_right_logical3A_1263 = arith.constant 16 : i32
        %shift_right_logical3A_1264 = vector.broadcast %shift_right_logical3A_1263 : i32 to vector<16xi32>
        %shift_right_logical3A_1265 = arith.shrui %get3A_1262, %shift_right_logical3A_1264 : vector<16xi32>
        %swap3A_1266 = arith.constant 32 : index
        %swap3A_1267 = tpu.vector_load %arg9[%swap3A_1266] {strides = array<i32>} : memref<128xi32, #tpu.memory_space<vmem>>, vector<16xi32>,
        %swap3A_1268 = vector.shape_cast %swap3A_1267 : vector<16xi32> to vector<16xi32>
        %swap3A_1269 = vector.shape_cast %shift_right_logical3A_1265 : vector<16xi32> to vector<16xi32>
        tpu.vector_store %arg9[%swap3A_1266], %swap3A_1269 {strides = array<i32>} : memref<128xi32, #tpu.memory_space<vmem>>, vector<16xi32>,
        %and3A_1270 = arith.constant 65535 : i32
        %and3A_1271 = vector.broadcast %and3A_1270 : i32 to vector<16xi32>
        %and3A_1272 = arith.andi %get3A_1262, %and3A_1271 : vector<16xi32>
        %swap3A_1273 = arith.constant 32 : index
        %swap3A_1274 = tpu.vector_load %arg10[%swap3A_1273] {strides = array<i32>} : memref<128xi32, #tpu.memory_space<vmem>>, vector<16xi32>,
        %swap3A_1275 = vector.shape_cast %swap3A_1274 : vector<16xi32> to vector<16xi32>
        %swap3A_1276 = vector.shape_cast %and3A_1272 : vector<16xi32> to vector<16xi32>
        tpu.vector_store %arg10[%swap3A_1273], %swap3A_1276 {strides = array<i32>} : memref<128xi32, #tpu.memory_space<vmem>>, vector<16xi32>,
        %get3A_1277 = arith.index_cast %add3A_1222 : i32 to index
        %get3A_1278 = arith.constant 48 : index
        %get3A_1279 = tpu.vector_load %arg6[%get3A_1277, %get3A_1278] {strides = array<i32>} : memref<80x128xi32, #tpu.memory_space<vmem>>, vector<1x16xi32>,
        %get3A_1280 = vector.shape_cast %get3A_1279 : vector<1x16xi32> to vector<16xi32>
        %shift_right_logical3A_1281 = arith.constant 16 : i32
        %shift_right_logical3A_1282 = vector.broadcast %shift_right_logical3A_1281 : i32 to vector<16xi32>
        %shift_right_logical3A_1283 = arith.shrui %get3A_1280, %shift_right_logical3A_1282 : vector<16xi32>
        %swap3A_1284 = arith.constant 48 : index
        %swap3A_1285 = tpu.vector_load %arg9[%swap3A_1284] {strides = array<i32>} : memref<128xi32, #tpu.memory_space<vmem>>, vector<16xi32>,
        %swap3A_1286 = vector.shape_cast %swap3A_1285 : vector<16xi32> to vector<16xi32>
        %swap3A_1287 = vector.shape_cast %shift_right_logical3A_1283 : vector<16xi32> to vector<16xi32>
        tpu.vector_store %arg9[%swap3A_1284], %swap3A_1287 {strides = array<i32>} : memref<128xi32, #tpu.memory_space<vmem>>, vector<16xi32>,
        %and3A_1288 = arith.constant 65535 : i32
        %and3A_1289 = vector.broadcast %and3A_1288 : i32 to vector<16xi32>
        %and3A_1290 = arith.andi %get3A_1280, %and3A_1289 : vector<16xi32>
        %swap3A_1291 = arith.constant 48 : index
        %swap3A_1292 = tpu.vector_load %arg10[%swap3A_1291] {strides = array<i32>} : memref<128xi32, #tpu.memory_space<vmem>>, vector<16xi32>,
        %swap3A_1293 = vector.shape_cast %swap3A_1292 : vector<16xi32> to vector<16xi32>
        %swap3A_1294 = vector.shape_cast %and3A_1290 : vector<16xi32> to vector<16xi32>
        tpu.vector_store %arg10[%swap3A_1291], %swap3A_1294 {strides = array<i32>} : memref<128xi32, #tpu.memory_space<vmem>>, vector<16xi32>,
        %get3A_1295 = arith.index_cast %add3A_1222 : i32 to index
        %get3A_1296 = arith.constant 64 : index
        %get3A_1297 = tpu.vector_load %arg6[%get3A_1295, %get3A_1296] {strides = array<i32>} : memref<80x128xi32, #tpu.memory_space<vmem>>, vector<1x16xi32>,
        %get3A_1298 = vector.shape_cast %get3A_1297 : vector<1x16xi32> to vector<16xi32>
        %shift_right_logical3A_1299 = arith.constant 16 : i32
        %shift_right_logical3A_1300 = vector.broadcast %shift_right_logical3A_1299 : i32 to vector<16xi32>
        %shift_right_logical3A_1301 = arith.shrui %get3A_1298, %shift_right_logical3A_1300 : vector<16xi32>
        %swap3A_1302 = arith.constant 64 : index
        %swap3A_1303 = tpu.vector_load %arg9[%swap3A_1302] {strides = array<i32>} : memref<128xi32, #tpu.memory_space<vmem>>, vector<16xi32>,
        %swap3A_1304 = vector.shape_cast %swap3A_1303 : vector<16xi32> to vector<16xi32>
        %swap3A_1305 = vector.shape_cast %shift_right_logical3A_1301 : vector<16xi32> to vector<16xi32>
        tpu.vector_store %arg9[%swap3A_1302], %swap3A_1305 {strides = array<i32>} : memref<128xi32, #tpu.memory_space<vmem>>, vector<16xi32>,
        %and3A_1306 = arith.constant 65535 : i32
        %and3A_1307 = vector.broadcast %and3A_1306 : i32 to vector<16xi32>
        %and3A_1308 = arith.andi %get3A_1298, %and3A_1307 : vector<16xi32>
        %swap3A_1309 = arith.constant 64 : index
        %swap3A_1310 = tpu.vector_load %arg10[%swap3A_1309] {strides = array<i32>} : memref<128xi32, #tpu.memory_space<vmem>>, vector<16xi32>,
        %swap3A_1311 = vector.shape_cast %swap3A_1310 : vector<16xi32> to vector<16xi32>
        %swap3A_1312 = vector.shape_cast %and3A_1308 : vector<16xi32> to vector<16xi32>
        tpu.vector_store %arg10[%swap3A_1309], %swap3A_1312 {strides = array<i32>} : memref<128xi32, #tpu.memory_space<vmem>>, vector<16xi32>,
        %get3A_1313 = arith.index_cast %add3A_1222 : i32 to index
        %get3A_1314 = arith.constant 80 : index
        %get3A_1315 = tpu.vector_load %arg6[%get3A_1313, %get3A_1314] {strides = array<i32>} : memref<80x128xi32, #tpu.memory_space<vmem>>, vector<1x16xi32>,
        %get3A_1316 = vector.shape_cast %get3A_1315 : vector<1x16xi32> to vector<16xi32>
        %shift_right_logical3A_1317 = arith.constant 16 : i32
        %shift_right_logical3A_1318 = vector.broadcast %shift_right_logical3A_1317 : i32 to vector<16xi32>
        %shift_right_logical3A_1319 = arith.shrui %get3A_1316, %shift_right_logical3A_1318 : vector<16xi32>
        %swap3A_1320 = arith.constant 80 : index
        %swap3A_1321 = tpu.vector_load %arg9[%swap3A_1320] {strides = array<i32>} : memref<128xi32, #tpu.memory_space<vmem>>, vector<16xi32>,
        %swap3A_1322 = vector.shape_cast %swap3A_1321 : vector<16xi32> to vector<16xi32>
        %swap3A_1323 = vector.shape_cast %shift_right_logical3A_1319 : vector<16xi32> to vector<16xi32>
        tpu.vector_store %arg9[%swap3A_1320], %swap3A_1323 {strides = array<i32>} : memref<128xi32, #tpu.memory_space<vmem>>, vector<16xi32>,
        %and3A_1324 = arith.constant 65535 : i32
        %and3A_1325 = vector.broadcast %and3A_1324 : i32 to vector<16xi32>
        %and3A_1326 = arith.andi %get3A_1316, %and3A_1325 : vector<16xi32>
        %swap3A_1327 = arith.constant 80 : index
        %swap3A_1328 = tpu.vector_load %arg10[%swap3A_1327] {strides = array<i32>} : memref<128xi32, #tpu.memory_space<vmem>>, vector<16xi32>,
        %swap3A_1329 = vector.shape_cast %swap3A_1328 : vector<16xi32> to vector<16xi32>
        %swap3A_1330 = vector.shape_cast %and3A_1326 : vector<16xi32> to vector<16xi32>
        tpu.vector_store %arg10[%swap3A_1327], %swap3A_1330 {strides = array<i32>} : memref<128xi32, #tpu.memory_space<vmem>>, vector<16xi32>,
        %get3A_1331 = arith.index_cast %add3A_1222 : i32 to index
        %get3A_1332 = arith.constant 96 : index
        %get3A_1333 = tpu.vector_load %arg6[%get3A_1331, %get3A_1332] {strides = array<i32>} : memref<80x128xi32, #tpu.memory_space<vmem>>, vector<1x16xi32>,
        %get3A_1334 = vector.shape_cast %get3A_1333 : vector<1x16xi32> to vector<16xi32>
        %shift_right_logical3A_1335 = arith.constant 16 : i32
        %shift_right_logical3A_1336 = vector.broadcast %shift_right_logical3A_1335 : i32 to vector<16xi32>
        %shift_right_logical3A_1337 = arith.shrui %get3A_1334, %shift_right_logical3A_1336 : vector<16xi32>
        %swap3A_1338 = arith.constant 96 : index
        %swap3A_1339 = tpu.vector_load %arg9[%swap3A_1338] {strides = array<i32>} : memref<128xi32, #tpu.memory_space<vmem>>, vector<16xi32>,
        %swap3A_1340 = vector.shape_cast %swap3A_1339 : vector<16xi32> to vector<16xi32>
        %swap3A_1341 = vector.shape_cast %shift_right_logical3A_1337 : vector<16xi32> to vector<16xi32>
        tpu.vector_store %arg9[%swap3A_1338], %swap3A_1341 {strides = array<i32>} : memref<128xi32, #tpu.memory_space<vmem>>, vector<16xi32>,
        %and3A_1342 = arith.constant 65535 : i32
        %and3A_1343 = vector.broadcast %and3A_1342 : i32 to vector<16xi32>
        %and3A_1344 = arith.andi %get3A_1334, %and3A_1343 : vector<16xi32>
        %swap3A_1345 = arith.constant 96 : index
        %swap3A_1346 = tpu.vector_load %arg10[%swap3A_1345] {strides = array<i32>} : memref<128xi32, #tpu.memory_space<vmem>>, vector<16xi32>,
        %swap3A_1347 = vector.shape_cast %swap3A_1346 : vector<16xi32> to vector<16xi32>
        %swap3A_1348 = vector.shape_cast %and3A_1344 : vector<16xi32> to vector<16xi32>
        tpu.vector_store %arg10[%swap3A_1345], %swap3A_1348 {strides = array<i32>} : memref<128xi32, #tpu.memory_space<vmem>>, vector<16xi32>,
        %get3A_1349 = arith.index_cast %add3A_1222 : i32 to index
        %get3A_1350 = arith.constant 112 : index
        %get3A_1351 = tpu.vector_load %arg6[%get3A_1349, %get3A_1350] {strides = array<i32>} : memref<80x128xi32, #tpu.memory_space<vmem>>, vector<1x16xi32>,
        %get3A_1352 = vector.shape_cast %get3A_1351 : vector<1x16xi32> to vector<16xi32>
        %shift_right_logical3A_1353 = arith.constant 16 : i32
        %shift_right_logical3A_1354 = vector.broadcast %shift_right_logical3A_1353 : i32 to vector<16xi32>
        %shift_right_logical3A_1355 = arith.shrui %get3A_1352, %shift_right_logical3A_1354 : vector<16xi32>
        %swap3A_1356 = arith.constant 112 : index
        %swap3A_1357 = tpu.vector_load %arg9[%swap3A_1356] {strides = array<i32>} : memref<128xi32, #tpu.memory_space<vmem>>, vector<16xi32>,
        %swap3A_1358 = vector.shape_cast %swap3A_1357 : vector<16xi32> to vector<16xi32>
        %swap3A_1359 = vector.shape_cast %shift_right_logical3A_1355 : vector<16xi32> to vector<16xi32>
        tpu.vector_store %arg9[%swap3A_1356], %swap3A_1359 {strides = array<i32>} : memref<128xi32, #tpu.memory_space<vmem>>, vector<16xi32>,
        %and3A_1360 = arith.constant 65535 : i32
        %and3A_1361 = vector.broadcast %and3A_1360 : i32 to vector<16xi32>
        %and3A_1362 = arith.andi %get3A_1352, %and3A_1361 : vector<16xi32>
        %swap3A_1363 = arith.constant 112 : index
        %swap3A_1364 = tpu.vector_load %arg10[%swap3A_1363] {strides = array<i32>} : memref<128xi32, #tpu.memory_space<vmem>>, vector<16xi32>,
        %swap3A_1365 = vector.shape_cast %swap3A_1364 : vector<16xi32> to vector<16xi32>
        %swap3A_1366 = vector.shape_cast %and3A_1362 : vector<16xi32> to vector<16xi32>
        tpu.vector_store %arg10[%swap3A_1363], %swap3A_1366 {strides = array<i32>} : memref<128xi32, #tpu.memory_space<vmem>>, vector<16xi32>,
        %dma_start3A_1367 = arith.constant 1 : i32
        %dma_start3A_1368 = arith.constant 0 : i32
        %dma_start3A_1369 = arith.constant 0 : i32
        %dma_start3A_1370 = tpu.memref_slice %arg11[%dma_start3A_1367, %dma_start3A_1368, %dma_start3A_1369] : memref<2x128x64xf32, #tpu.memory_space<vmem>> -> memref<1x128x64xf32, #tpu.memory_space<vmem>>
        %dma_start3A_1371 = tpu.memref_squeeze %dma_start3A_1370 : memref<1x128x64xf32, #tpu.memory_space<vmem>> -> memref<128x64xf32, #tpu.memory_space<vmem>>
        %dma_start3A_1372 = arith.constant 0 : i32
        %dma_start3A_1373 = arith.constant 0 : i32
        %dma_start3A_1374 = tpu.memref_slice %arg16[%dma_start3A_1372, %dma_start3A_1373] : memref<10240x64xf32, #tpu.memory_space<vmem_shared>> -> memref<10240x64xf32, #tpu.memory_space<vmem_shared>>
        tpu.enqueue_indirect_dma source(%dma_start3A_1374 : memref<10240x64xf32, #tpu.memory_space<vmem_shared>>) target(%dma_start3A_1371 : memref<128x64xf32, #tpu.memory_space<vmem>>) offsets(%arg9 : memref<128xi32, #tpu.memory_space<vmem>>) semaphore(%arg13 : memref<!tpu.dma_semaphore, #tpu.memory_space<semaphore_mem>>)
      } else {
      }
      %eq3A = arith.constant 19 : i32
      %eq3A_1047 = arith.cmpi eq, %scan3A_655, %eq3A : i32
      %convert_element_type3A_1048 = arith.extui %eq3A_1047 : i1 to i32
      %cond3A_1049 = arith.constant 0 : i32
      %cond3A_1050 = arith.cmpi ne, %convert_element_type3A_1048, %cond3A_1049 : i32
      scf.if %cond3A_1050 {
        %dma_wait3A_1051 = arith.constant 0 : i32
        %dma_wait3A_1052 = arith.constant 0 : i32
        %dma_wait3A_1053 = arith.constant 0 : i32
        %dma_wait3A_1054 = tpu.memref_slice %arg11[%dma_wait3A_1051, %dma_wait3A_1052, %dma_wait3A_1053] : memref<2x128x64xf32, #tpu.memory_space<vmem>> -> memref<1x128x64xf32, #tpu.memory_space<vmem>>
        %dma_wait3A_1055 = tpu.memref_squeeze %dma_wait3A_1054 : memref<1x128x64xf32, #tpu.memory_space<vmem>> -> memref<128x64xf32, #tpu.memory_space<vmem>>
        %dma_wait3A_1056 = arith.constant 0 : i32
        %dma_wait3A_1057 = arith.constant 0 : i32
        %dma_wait3A_1058 = tpu.memref_slice %arg17[%dma_wait3A_1056, %dma_wait3A_1057] : memref<10240x64xf32, #tpu.memory_space<vmem_shared>> -> memref<10240x64xf32, #tpu.memory_space<vmem_shared>>
        tpu.wait_indirect_dma semaphore(%arg14 : memref<!tpu.dma_semaphore, #tpu.memory_space<semaphore_mem>>) src(%dma_wait3A_1055 : memref<128x64xf32, #tpu.memory_space<vmem>>) dst(%dma_wait3A_1058 : memref<10240x64xf32, #tpu.memory_space<vmem_shared>>)
        %dma_wait3A_1059 = arith.constant 1 : i32
        %dma_wait3A_1060 = arith.constant 0 : i32
        %dma_wait3A_1061 = arith.constant 0 : i32
        %dma_wait3A_1062 = tpu.memref_slice %arg11[%dma_wait3A_1059, %dma_wait3A_1060, %dma_wait3A_1061] : memref<2x128x64xf32, #tpu.memory_space<vmem>> -> memref<1x128x64xf32, #tpu.memory_space<vmem>>
        %dma_wait3A_1063 = tpu.memref_squeeze %dma_wait3A_1062 : memref<1x128x64xf32, #tpu.memory_space<vmem>> -> memref<128x64xf32, #tpu.memory_space<vmem>>
        %dma_wait3A_1064 = arith.constant 0 : i32
        %dma_wait3A_1065 = arith.constant 0 : i32
        %dma_wait3A_1066 = tpu.memref_slice %arg17[%dma_wait3A_1064, %dma_wait3A_1065] : memref<10240x64xf32, #tpu.memory_space<vmem_shared>> -> memref<10240x64xf32, #tpu.memory_space<vmem_shared>>
        tpu.wait_indirect_dma semaphore(%arg15 : memref<!tpu.dma_semaphore, #tpu.memory_space<semaphore_mem>>) src(%dma_wait3A_1063 : memref<128x64xf32, #tpu.memory_space<vmem>>) dst(%dma_wait3A_1066 : memref<10240x64xf32, #tpu.memory_space<vmem_shared>>)
      } else {
      }
    }
    %scan3A_322 = arith.constant 20 : i32
    %barrier3A_323 = arith.constant 0 : index
    tpu.barrier barrier_id(%barrier3A_323)
    %run_scoped3A_324 = arith.constant 0 : i32
    "tpu.region"() ({
      %run_scoped3A_655 = tpu.sem_alloc : memref<!tpu.dma_semaphore, #tpu.memory_space<semaphore_mem>>
      %dma_start3A_656 = arith.constant 0 : i32
      %dma_start3A_657 = tpu.memref_slice %arg5[%run_scoped3A_324, %arg0, %mul3A_2, %dma_start3A_656] : memref<2x2x10240x64xf32, #tpu.memory_space<hbm>> -> memref<1x1x640x64xf32, #tpu.memory_space<hbm>>
      %dma_start3A_658 = tpu.memref_squeeze %dma_start3A_657 : memref<1x1x640x64xf32, #tpu.memory_space<hbm>> -> memref<640x64xf32, #tpu.memory_space<hbm>>
      %dma_start3A_659 = arith.constant 0 : i32
      %dma_start3A_660 = tpu.memref_slice %arg17[%mul3A_2, %dma_start3A_659] : memref<10240x64xf32, #tpu.memory_space<vmem_shared>> -> memref<640x64xf32, #tpu.memory_space<vmem_shared>>
      tpu.enqueue_dma source(%dma_start3A_660 : memref<640x64xf32, #tpu.memory_space<vmem_shared>>) target(%dma_start3A_658 : memref<640x64xf32, #tpu.memory_space<hbm>>) target_semaphore(%run_scoped3A_655 : memref<!tpu.dma_semaphore, #tpu.memory_space<semaphore_mem>>)
      %dma_wait3A = arith.constant 0 : i32
      %dma_wait3A_661 = tpu.memref_slice %arg5[%run_scoped3A_324, %arg0, %mul3A_2, %dma_wait3A] : memref<2x2x10240x64xf32, #tpu.memory_space<hbm>> -> memref<1x1x640x64xf32, #tpu.memory_space<hbm>>
      %dma_wait3A_662 = tpu.memref_squeeze %dma_wait3A_661 : memref<1x1x640x64xf32, #tpu.memory_space<hbm>> -> memref<640x64xf32, #tpu.memory_space<hbm>>
      %dma_wait3A_663 = arith.constant 0 : i32
      %dma_wait3A_664 = tpu.memref_slice %arg17[%mul3A_2, %dma_wait3A_663] : memref<10240x64xf32, #tpu.memory_space<vmem_shared>> -> memref<640x64xf32, #tpu.memory_space<vmem_shared>>
      tpu.wait_dma2 semaphore(%run_scoped3A_655 : memref<!tpu.dma_semaphore, #tpu.memory_space<semaphore_mem>>) src(%dma_wait3A_664 : memref<640x64xf32, #tpu.memory_space<vmem_shared>>) dst(%dma_wait3A_662 : memref<640x64xf32, #tpu.memory_space<hbm>>)
      tpu.yield
    }) : () -> ()
    "tpu.region"() ({
      %run_scoped3A_655 = tpu.sem_alloc : memref<!tpu.dma_semaphore, #tpu.memory_space<semaphore_mem>>
      %dma_start3A_656 = arith.constant 0 : i32
      %dma_start3A_657 = tpu.memref_slice %arg17[%mul3A_2, %dma_start3A_656] : memref<10240x64xf32, #tpu.memory_space<vmem_shared>> -> memref<640x64xf32, #tpu.memory_space<vmem_shared>>
      tpu.enqueue_dma source(%arg4 : memref<640x64xf32, #tpu.memory_space<hbm>>) target(%dma_start3A_657 : memref<640x64xf32, #tpu.memory_space<vmem_shared>>) target_semaphore(%run_scoped3A_655 : memref<!tpu.dma_semaphore, #tpu.memory_space<semaphore_mem>>)
      %dma_wait3A = arith.constant 0 : i32
      %dma_wait3A_658 = tpu.memref_slice %arg17[%mul3A_2, %dma_wait3A] : memref<10240x64xf32, #tpu.memory_space<vmem_shared>> -> memref<640x64xf32, #tpu.memory_space<vmem_shared>>
      tpu.wait_dma2 semaphore(%run_scoped3A_655 : memref<!tpu.dma_semaphore, #tpu.memory_space<semaphore_mem>>) src(%arg4 : memref<640x64xf32, #tpu.memory_space<hbm>>) dst(%dma_wait3A_658 : memref<640x64xf32, #tpu.memory_space<vmem_shared>>)
      tpu.yield
    }) : () -> ()
    %run_scoped3A_325 = arith.constant 1 : i32
    "tpu.region"() ({
      %run_scoped3A_655 = tpu.sem_alloc : memref<!tpu.dma_semaphore, #tpu.memory_space<semaphore_mem>>
      %dma_start3A_656 = arith.constant 0 : i32
      %dma_start3A_657 = tpu.memref_slice %arg16[%mul3A_2, %dma_start3A_656] : memref<10240x64xf32, #tpu.memory_space<vmem_shared>> -> memref<640x64xf32, #tpu.memory_space<vmem_shared>>
      %dma_start3A_658 = arith.constant 0 : i32
      %dma_start3A_659 = tpu.memref_slice %arg3[%run_scoped3A_325, %mul3A_2, %dma_start3A_658] : memref<2x10240x64xf32, #tpu.memory_space<hbm>> -> memref<1x640x64xf32, #tpu.memory_space<hbm>>
      %dma_start3A_660 = tpu.memref_squeeze %dma_start3A_659 : memref<1x640x64xf32, #tpu.memory_space<hbm>> -> memref<640x64xf32, #tpu.memory_space<hbm>>
      tpu.enqueue_dma source(%dma_start3A_660 : memref<640x64xf32, #tpu.memory_space<hbm>>) target(%dma_start3A_657 : memref<640x64xf32, #tpu.memory_space<vmem_shared>>) target_semaphore(%run_scoped3A_655 : memref<!tpu.dma_semaphore, #tpu.memory_space<semaphore_mem>>)
      %dma_wait3A = arith.constant 0 : i32
      %dma_wait3A_661 = tpu.memref_slice %arg16[%mul3A_2, %dma_wait3A] : memref<10240x64xf32, #tpu.memory_space<vmem_shared>> -> memref<640x64xf32, #tpu.memory_space<vmem_shared>>
      %dma_wait3A_662 = arith.constant 0 : i32
      %dma_wait3A_663 = tpu.memref_slice %arg3[%run_scoped3A_325, %mul3A_2, %dma_wait3A_662] : memref<2x10240x64xf32, #tpu.memory_space<hbm>> -> memref<1x640x64xf32, #tpu.memory_space<hbm>>
      %dma_wait3A_664 = tpu.memref_squeeze %dma_wait3A_663 : memref<1x640x64xf32, #tpu.memory_space<hbm>> -> memref<640x64xf32, #tpu.memory_space<hbm>>
      tpu.wait_dma2 semaphore(%run_scoped3A_655 : memref<!tpu.dma_semaphore, #tpu.memory_space<semaphore_mem>>) src(%dma_wait3A_664 : memref<640x64xf32, #tpu.memory_space<hbm>>) dst(%dma_wait3A_661 : memref<640x64xf32, #tpu.memory_space<vmem_shared>>)
      tpu.yield
    }) : () -> ()
    %barrier3A_326 = arith.constant 0 : index
    tpu.barrier barrier_id(%barrier3A_326)
    %get3A_327 = arith.constant 0 : i32
    %get3A_328 = arith.index_cast %get3A_327 : i32 to index
    %get3A_329 = arith.constant 0 : index
    %get3A_330 = tpu.vector_load %arg6[%get3A_328, %get3A_329] {strides = array<i32>} : memref<80x128xi32, #tpu.memory_space<vmem>>, vector<1x16xi32>,
    %get3A_331 = vector.shape_cast %get3A_330 : vector<1x16xi32> to vector<16xi32>
    %shift_right_logical3A_332 = arith.constant 16 : i32
    %shift_right_logical3A_333 = vector.broadcast %shift_right_logical3A_332 : i32 to vector<16xi32>
    %shift_right_logical3A_334 = arith.shrui %get3A_331, %shift_right_logical3A_333 : vector<16xi32>
    %swap3A_335 = arith.constant 0 : index
    %swap3A_336 = tpu.vector_load %arg7[%swap3A_335] {strides = array<i32>} : memref<128xi32, #tpu.memory_space<vmem>>, vector<16xi32>,
    %swap3A_337 = vector.shape_cast %swap3A_336 : vector<16xi32> to vector<16xi32>
    %swap3A_338 = vector.shape_cast %shift_right_logical3A_334 : vector<16xi32> to vector<16xi32>
    tpu.vector_store %arg7[%swap3A_335], %swap3A_338 {strides = array<i32>} : memref<128xi32, #tpu.memory_space<vmem>>, vector<16xi32>,
    %and3A_339 = arith.constant 65535 : i32
    %and3A_340 = vector.broadcast %and3A_339 : i32 to vector<16xi32>
    %and3A_341 = arith.andi %get3A_331, %and3A_340 : vector<16xi32>
    %swap3A_342 = arith.constant 0 : index
    %swap3A_343 = tpu.vector_load %arg8[%swap3A_342] {strides = array<i32>} : memref<128xi32, #tpu.memory_space<vmem>>, vector<16xi32>,
    %swap3A_344 = vector.shape_cast %swap3A_343 : vector<16xi32> to vector<16xi32>
    %swap3A_345 = vector.shape_cast %and3A_341 : vector<16xi32> to vector<16xi32>
    tpu.vector_store %arg8[%swap3A_342], %swap3A_345 {strides = array<i32>} : memref<128xi32, #tpu.memory_space<vmem>>, vector<16xi32>,
    %get3A_346 = arith.constant 0 : i32
    %get3A_347 = arith.index_cast %get3A_346 : i32 to index
    %get3A_348 = arith.constant 16 : index
    %get3A_349 = tpu.vector_load %arg6[%get3A_347, %get3A_348] {strides = array<i32>} : memref<80x128xi32, #tpu.memory_space<vmem>>, vector<1x16xi32>,
    %get3A_350 = vector.shape_cast %get3A_349 : vector<1x16xi32> to vector<16xi32>
    %shift_right_logical3A_351 = arith.constant 16 : i32
    %shift_right_logical3A_352 = vector.broadcast %shift_right_logical3A_351 : i32 to vector<16xi32>
    %shift_right_logical3A_353 = arith.shrui %get3A_350, %shift_right_logical3A_352 : vector<16xi32>
    %swap3A_354 = arith.constant 16 : index
    %swap3A_355 = tpu.vector_load %arg7[%swap3A_354] {strides = array<i32>} : memref<128xi32, #tpu.memory_space<vmem>>, vector<16xi32>,
    %swap3A_356 = vector.shape_cast %swap3A_355 : vector<16xi32> to vector<16xi32>
    %swap3A_357 = vector.shape_cast %shift_right_logical3A_353 : vector<16xi32> to vector<16xi32>
    tpu.vector_store %arg7[%swap3A_354], %swap3A_357 {strides = array<i32>} : memref<128xi32, #tpu.memory_space<vmem>>, vector<16xi32>,
    %and3A_358 = arith.constant 65535 : i32
    %and3A_359 = vector.broadcast %and3A_358 : i32 to vector<16xi32>
    %and3A_360 = arith.andi %get3A_350, %and3A_359 : vector<16xi32>
    %swap3A_361 = arith.constant 16 : index
    %swap3A_362 = tpu.vector_load %arg8[%swap3A_361] {strides = array<i32>} : memref<128xi32, #tpu.memory_space<vmem>>, vector<16xi32>,
    %swap3A_363 = vector.shape_cast %swap3A_362 : vector<16xi32> to vector<16xi32>
    %swap3A_364 = vector.shape_cast %and3A_360 : vector<16xi32> to vector<16xi32>
    tpu.vector_store %arg8[%swap3A_361], %swap3A_364 {strides = array<i32>} : memref<128xi32, #tpu.memory_space<vmem>>, vector<16xi32>,
    %get3A_365 = arith.constant 0 : i32
    %get3A_366 = arith.index_cast %get3A_365 : i32 to index
    %get3A_367 = arith.constant 32 : index
    %get3A_368 = tpu.vector_load %arg6[%get3A_366, %get3A_367] {strides = array<i32>} : memref<80x128xi32, #tpu.memory_space<vmem>>, vector<1x16xi32>,
    %get3A_369 = vector.shape_cast %get3A_368 : vector<1x16xi32> to vector<16xi32>
    %shift_right_logical3A_370 = arith.constant 16 : i32
    %shift_right_logical3A_371 = vector.broadcast %shift_right_logical3A_370 : i32 to vector<16xi32>
    %shift_right_logical3A_372 = arith.shrui %get3A_369, %shift_right_logical3A_371 : vector<16xi32>
    %swap3A_373 = arith.constant 32 : index
    %swap3A_374 = tpu.vector_load %arg7[%swap3A_373] {strides = array<i32>} : memref<128xi32, #tpu.memory_space<vmem>>, vector<16xi32>,
    %swap3A_375 = vector.shape_cast %swap3A_374 : vector<16xi32> to vector<16xi32>
    %swap3A_376 = vector.shape_cast %shift_right_logical3A_372 : vector<16xi32> to vector<16xi32>
    tpu.vector_store %arg7[%swap3A_373], %swap3A_376 {strides = array<i32>} : memref<128xi32, #tpu.memory_space<vmem>>, vector<16xi32>,
    %and3A_377 = arith.constant 65535 : i32
    %and3A_378 = vector.broadcast %and3A_377 : i32 to vector<16xi32>
    %and3A_379 = arith.andi %get3A_369, %and3A_378 : vector<16xi32>
    %swap3A_380 = arith.constant 32 : index
    %swap3A_381 = tpu.vector_load %arg8[%swap3A_380] {strides = array<i32>} : memref<128xi32, #tpu.memory_space<vmem>>, vector<16xi32>,
    %swap3A_382 = vector.shape_cast %swap3A_381 : vector<16xi32> to vector<16xi32>
    %swap3A_383 = vector.shape_cast %and3A_379 : vector<16xi32> to vector<16xi32>
    tpu.vector_store %arg8[%swap3A_380], %swap3A_383 {strides = array<i32>} : memref<128xi32, #tpu.memory_space<vmem>>, vector<16xi32>,
    %get3A_384 = arith.constant 0 : i32
    %get3A_385 = arith.index_cast %get3A_384 : i32 to index
    %get3A_386 = arith.constant 48 : index
    %get3A_387 = tpu.vector_load %arg6[%get3A_385, %get3A_386] {strides = array<i32>} : memref<80x128xi32, #tpu.memory_space<vmem>>, vector<1x16xi32>,
    %get3A_388 = vector.shape_cast %get3A_387 : vector<1x16xi32> to vector<16xi32>
    %shift_right_logical3A_389 = arith.constant 16 : i32
    %shift_right_logical3A_390 = vector.broadcast %shift_right_logical3A_389 : i32 to vector<16xi32>
    %shift_right_logical3A_391 = arith.shrui %get3A_388, %shift_right_logical3A_390 : vector<16xi32>
    %swap3A_392 = arith.constant 48 : index
    %swap3A_393 = tpu.vector_load %arg7[%swap3A_392] {strides = array<i32>} : memref<128xi32, #tpu.memory_space<vmem>>, vector<16xi32>,
    %swap3A_394 = vector.shape_cast %swap3A_393 : vector<16xi32> to vector<16xi32>
    %swap3A_395 = vector.shape_cast %shift_right_logical3A_391 : vector<16xi32> to vector<16xi32>
    tpu.vector_store %arg7[%swap3A_392], %swap3A_395 {strides = array<i32>} : memref<128xi32, #tpu.memory_space<vmem>>, vector<16xi32>,
    %and3A_396 = arith.constant 65535 : i32
    %and3A_397 = vector.broadcast %and3A_396 : i32 to vector<16xi32>
    %and3A_398 = arith.andi %get3A_388, %and3A_397 : vector<16xi32>
    %swap3A_399 = arith.constant 48 : index
    %swap3A_400 = tpu.vector_load %arg8[%swap3A_399] {strides = array<i32>} : memref<128xi32, #tpu.memory_space<vmem>>, vector<16xi32>,
    %swap3A_401 = vector.shape_cast %swap3A_400 : vector<16xi32> to vector<16xi32>
    %swap3A_402 = vector.shape_cast %and3A_398 : vector<16xi32> to vector<16xi32>
    tpu.vector_store %arg8[%swap3A_399], %swap3A_402 {strides = array<i32>} : memref<128xi32, #tpu.memory_space<vmem>>, vector<16xi32>,
    %get3A_403 = arith.constant 0 : i32
    %get3A_404 = arith.index_cast %get3A_403 : i32 to index
    %get3A_405 = arith.constant 64 : index
    %get3A_406 = tpu.vector_load %arg6[%get3A_404, %get3A_405] {strides = array<i32>} : memref<80x128xi32, #tpu.memory_space<vmem>>, vector<1x16xi32>,
    %get3A_407 = vector.shape_cast %get3A_406 : vector<1x16xi32> to vector<16xi32>
    %shift_right_logical3A_408 = arith.constant 16 : i32
    %shift_right_logical3A_409 = vector.broadcast %shift_right_logical3A_408 : i32 to vector<16xi32>
    %shift_right_logical3A_410 = arith.shrui %get3A_407, %shift_right_logical3A_409 : vector<16xi32>
    %swap3A_411 = arith.constant 64 : index
    %swap3A_412 = tpu.vector_load %arg7[%swap3A_411] {strides = array<i32>} : memref<128xi32, #tpu.memory_space<vmem>>, vector<16xi32>,
    %swap3A_413 = vector.shape_cast %swap3A_412 : vector<16xi32> to vector<16xi32>
    %swap3A_414 = vector.shape_cast %shift_right_logical3A_410 : vector<16xi32> to vector<16xi32>
    tpu.vector_store %arg7[%swap3A_411], %swap3A_414 {strides = array<i32>} : memref<128xi32, #tpu.memory_space<vmem>>, vector<16xi32>,
    %and3A_415 = arith.constant 65535 : i32
    %and3A_416 = vector.broadcast %and3A_415 : i32 to vector<16xi32>
    %and3A_417 = arith.andi %get3A_407, %and3A_416 : vector<16xi32>
    %swap3A_418 = arith.constant 64 : index
    %swap3A_419 = tpu.vector_load %arg8[%swap3A_418] {strides = array<i32>} : memref<128xi32, #tpu.memory_space<vmem>>, vector<16xi32>,
    %swap3A_420 = vector.shape_cast %swap3A_419 : vector<16xi32> to vector<16xi32>
    %swap3A_421 = vector.shape_cast %and3A_417 : vector<16xi32> to vector<16xi32>
    tpu.vector_store %arg8[%swap3A_418], %swap3A_421 {strides = array<i32>} : memref<128xi32, #tpu.memory_space<vmem>>, vector<16xi32>,
    %get3A_422 = arith.constant 0 : i32
    %get3A_423 = arith.index_cast %get3A_422 : i32 to index
    %get3A_424 = arith.constant 80 : index
    %get3A_425 = tpu.vector_load %arg6[%get3A_423, %get3A_424] {strides = array<i32>} : memref<80x128xi32, #tpu.memory_space<vmem>>, vector<1x16xi32>,
    %get3A_426 = vector.shape_cast %get3A_425 : vector<1x16xi32> to vector<16xi32>
    %shift_right_logical3A_427 = arith.constant 16 : i32
    %shift_right_logical3A_428 = vector.broadcast %shift_right_logical3A_427 : i32 to vector<16xi32>
    %shift_right_logical3A_429 = arith.shrui %get3A_426, %shift_right_logical3A_428 : vector<16xi32>
    %swap3A_430 = arith.constant 80 : index
    %swap3A_431 = tpu.vector_load %arg7[%swap3A_430] {strides = array<i32>} : memref<128xi32, #tpu.memory_space<vmem>>, vector<16xi32>,
    %swap3A_432 = vector.shape_cast %swap3A_431 : vector<16xi32> to vector<16xi32>
    %swap3A_433 = vector.shape_cast %shift_right_logical3A_429 : vector<16xi32> to vector<16xi32>
    tpu.vector_store %arg7[%swap3A_430], %swap3A_433 {strides = array<i32>} : memref<128xi32, #tpu.memory_space<vmem>>, vector<16xi32>,
    %and3A_434 = arith.constant 65535 : i32
    %and3A_435 = vector.broadcast %and3A_434 : i32 to vector<16xi32>
    %and3A_436 = arith.andi %get3A_426, %and3A_435 : vector<16xi32>
    %swap3A_437 = arith.constant 80 : index
    %swap3A_438 = tpu.vector_load %arg8[%swap3A_437] {strides = array<i32>} : memref<128xi32, #tpu.memory_space<vmem>>, vector<16xi32>,
    %swap3A_439 = vector.shape_cast %swap3A_438 : vector<16xi32> to vector<16xi32>
    %swap3A_440 = vector.shape_cast %and3A_436 : vector<16xi32> to vector<16xi32>
    tpu.vector_store %arg8[%swap3A_437], %swap3A_440 {strides = array<i32>} : memref<128xi32, #tpu.memory_space<vmem>>, vector<16xi32>,
    %get3A_441 = arith.constant 0 : i32
    %get3A_442 = arith.index_cast %get3A_441 : i32 to index
    %get3A_443 = arith.constant 96 : index
    %get3A_444 = tpu.vector_load %arg6[%get3A_442, %get3A_443] {strides = array<i32>} : memref<80x128xi32, #tpu.memory_space<vmem>>, vector<1x16xi32>,
    %get3A_445 = vector.shape_cast %get3A_444 : vector<1x16xi32> to vector<16xi32>
    %shift_right_logical3A_446 = arith.constant 16 : i32
    %shift_right_logical3A_447 = vector.broadcast %shift_right_logical3A_446 : i32 to vector<16xi32>
    %shift_right_logical3A_448 = arith.shrui %get3A_445, %shift_right_logical3A_447 : vector<16xi32>
    %swap3A_449 = arith.constant 96 : index
    %swap3A_450 = tpu.vector_load %arg7[%swap3A_449] {strides = array<i32>} : memref<128xi32, #tpu.memory_space<vmem>>, vector<16xi32>,
    %swap3A_451 = vector.shape_cast %swap3A_450 : vector<16xi32> to vector<16xi32>
    %swap3A_452 = vector.shape_cast %shift_right_logical3A_448 : vector<16xi32> to vector<16xi32>
    tpu.vector_store %arg7[%swap3A_449], %swap3A_452 {strides = array<i32>} : memref<128xi32, #tpu.memory_space<vmem>>, vector<16xi32>,
    %and3A_453 = arith.constant 65535 : i32
    %and3A_454 = vector.broadcast %and3A_453 : i32 to vector<16xi32>
    %and3A_455 = arith.andi %get3A_445, %and3A_454 : vector<16xi32>
    %swap3A_456 = arith.constant 96 : index
    %swap3A_457 = tpu.vector_load %arg8[%swap3A_456] {strides = array<i32>} : memref<128xi32, #tpu.memory_space<vmem>>, vector<16xi32>,
    %swap3A_458 = vector.shape_cast %swap3A_457 : vector<16xi32> to vector<16xi32>
    %swap3A_459 = vector.shape_cast %and3A_455 : vector<16xi32> to vector<16xi32>
    tpu.vector_store %arg8[%swap3A_456], %swap3A_459 {strides = array<i32>} : memref<128xi32, #tpu.memory_space<vmem>>, vector<16xi32>,
    %get3A_460 = arith.constant 0 : i32
    %get3A_461 = arith.index_cast %get3A_460 : i32 to index
    %get3A_462 = arith.constant 112 : index
    %get3A_463 = tpu.vector_load %arg6[%get3A_461, %get3A_462] {strides = array<i32>} : memref<80x128xi32, #tpu.memory_space<vmem>>, vector<1x16xi32>,
    %get3A_464 = vector.shape_cast %get3A_463 : vector<1x16xi32> to vector<16xi32>
    %shift_right_logical3A_465 = arith.constant 16 : i32
    %shift_right_logical3A_466 = vector.broadcast %shift_right_logical3A_465 : i32 to vector<16xi32>
    %shift_right_logical3A_467 = arith.shrui %get3A_464, %shift_right_logical3A_466 : vector<16xi32>
    %swap3A_468 = arith.constant 112 : index
    %swap3A_469 = tpu.vector_load %arg7[%swap3A_468] {strides = array<i32>} : memref<128xi32, #tpu.memory_space<vmem>>, vector<16xi32>,
    %swap3A_470 = vector.shape_cast %swap3A_469 : vector<16xi32> to vector<16xi32>
    %swap3A_471 = vector.shape_cast %shift_right_logical3A_467 : vector<16xi32> to vector<16xi32>
    tpu.vector_store %arg7[%swap3A_468], %swap3A_471 {strides = array<i32>} : memref<128xi32, #tpu.memory_space<vmem>>, vector<16xi32>,
    %and3A_472 = arith.constant 65535 : i32
    %and3A_473 = vector.broadcast %and3A_472 : i32 to vector<16xi32>
    %and3A_474 = arith.andi %get3A_464, %and3A_473 : vector<16xi32>
    %swap3A_475 = arith.constant 112 : index
    %swap3A_476 = tpu.vector_load %arg8[%swap3A_475] {strides = array<i32>} : memref<128xi32, #tpu.memory_space<vmem>>, vector<16xi32>,
    %swap3A_477 = vector.shape_cast %swap3A_476 : vector<16xi32> to vector<16xi32>
    %swap3A_478 = vector.shape_cast %and3A_474 : vector<16xi32> to vector<16xi32>
    tpu.vector_store %arg8[%swap3A_475], %swap3A_478 {strides = array<i32>} : memref<128xi32, #tpu.memory_space<vmem>>, vector<16xi32>,
    %get3A_479 = arith.constant 1 : i32
    %get3A_480 = arith.index_cast %get3A_479 : i32 to index
    %get3A_481 = arith.constant 0 : index
    %get3A_482 = tpu.vector_load %arg6[%get3A_480, %get3A_481] {strides = array<i32>} : memref<80x128xi32, #tpu.memory_space<vmem>>, vector<1x16xi32>,
    %get3A_483 = vector.shape_cast %get3A_482 : vector<1x16xi32> to vector<16xi32>
    %shift_right_logical3A_484 = arith.constant 16 : i32
    %shift_right_logical3A_485 = vector.broadcast %shift_right_logical3A_484 : i32 to vector<16xi32>
    %shift_right_logical3A_486 = arith.shrui %get3A_483, %shift_right_logical3A_485 : vector<16xi32>
    %swap3A_487 = arith.constant 0 : index
    %swap3A_488 = tpu.vector_load %arg9[%swap3A_487] {strides = array<i32>} : memref<128xi32, #tpu.memory_space<vmem>>, vector<16xi32>,
    %swap3A_489 = vector.shape_cast %swap3A_488 : vector<16xi32> to vector<16xi32>
    %swap3A_490 = vector.shape_cast %shift_right_logical3A_486 : vector<16xi32> to vector<16xi32>
    tpu.vector_store %arg9[%swap3A_487], %swap3A_490 {strides = array<i32>} : memref<128xi32, #tpu.memory_space<vmem>>, vector<16xi32>,
    %and3A_491 = arith.constant 65535 : i32
    %and3A_492 = vector.broadcast %and3A_491 : i32 to vector<16xi32>
    %and3A_493 = arith.andi %get3A_483, %and3A_492 : vector<16xi32>
    %swap3A_494 = arith.constant 0 : index
    %swap3A_495 = tpu.vector_load %arg10[%swap3A_494] {strides = array<i32>} : memref<128xi32, #tpu.memory_space<vmem>>, vector<16xi32>,
    %swap3A_496 = vector.shape_cast %swap3A_495 : vector<16xi32> to vector<16xi32>
    %swap3A_497 = vector.shape_cast %and3A_493 : vector<16xi32> to vector<16xi32>
    tpu.vector_store %arg10[%swap3A_494], %swap3A_497 {strides = array<i32>} : memref<128xi32, #tpu.memory_space<vmem>>, vector<16xi32>,
    %get3A_498 = arith.constant 1 : i32
    %get3A_499 = arith.index_cast %get3A_498 : i32 to index
    %get3A_500 = arith.constant 16 : index
    %get3A_501 = tpu.vector_load %arg6[%get3A_499, %get3A_500] {strides = array<i32>} : memref<80x128xi32, #tpu.memory_space<vmem>>, vector<1x16xi32>,
    %get3A_502 = vector.shape_cast %get3A_501 : vector<1x16xi32> to vector<16xi32>
    %shift_right_logical3A_503 = arith.constant 16 : i32
    %shift_right_logical3A_504 = vector.broadcast %shift_right_logical3A_503 : i32 to vector<16xi32>
    %shift_right_logical3A_505 = arith.shrui %get3A_502, %shift_right_logical3A_504 : vector<16xi32>
    %swap3A_506 = arith.constant 16 : index
    %swap3A_507 = tpu.vector_load %arg9[%swap3A_506] {strides = array<i32>} : memref<128xi32, #tpu.memory_space<vmem>>, vector<16xi32>,
    %swap3A_508 = vector.shape_cast %swap3A_507 : vector<16xi32> to vector<16xi32>
    %swap3A_509 = vector.shape_cast %shift_right_logical3A_505 : vector<16xi32> to vector<16xi32>
    tpu.vector_store %arg9[%swap3A_506], %swap3A_509 {strides = array<i32>} : memref<128xi32, #tpu.memory_space<vmem>>, vector<16xi32>,
    %and3A_510 = arith.constant 65535 : i32
    %and3A_511 = vector.broadcast %and3A_510 : i32 to vector<16xi32>
    %and3A_512 = arith.andi %get3A_502, %and3A_511 : vector<16xi32>
    %swap3A_513 = arith.constant 16 : index
    %swap3A_514 = tpu.vector_load %arg10[%swap3A_513] {strides = array<i32>} : memref<128xi32, #tpu.memory_space<vmem>>, vector<16xi32>,
    %swap3A_515 = vector.shape_cast %swap3A_514 : vector<16xi32> to vector<16xi32>
    %swap3A_516 = vector.shape_cast %and3A_512 : vector<16xi32> to vector<16xi32>
    tpu.vector_store %arg10[%swap3A_513], %swap3A_516 {strides = array<i32>} : memref<128xi32, #tpu.memory_space<vmem>>, vector<16xi32>,
    %get3A_517 = arith.constant 1 : i32
    %get3A_518 = arith.index_cast %get3A_517 : i32 to index
    %get3A_519 = arith.constant 32 : index
    %get3A_520 = tpu.vector_load %arg6[%get3A_518, %get3A_519] {strides = array<i32>} : memref<80x128xi32, #tpu.memory_space<vmem>>, vector<1x16xi32>,
    %get3A_521 = vector.shape_cast %get3A_520 : vector<1x16xi32> to vector<16xi32>
    %shift_right_logical3A_522 = arith.constant 16 : i32
    %shift_right_logical3A_523 = vector.broadcast %shift_right_logical3A_522 : i32 to vector<16xi32>
    %shift_right_logical3A_524 = arith.shrui %get3A_521, %shift_right_logical3A_523 : vector<16xi32>
    %swap3A_525 = arith.constant 32 : index
    %swap3A_526 = tpu.vector_load %arg9[%swap3A_525] {strides = array<i32>} : memref<128xi32, #tpu.memory_space<vmem>>, vector<16xi32>,
    %swap3A_527 = vector.shape_cast %swap3A_526 : vector<16xi32> to vector<16xi32>
    %swap3A_528 = vector.shape_cast %shift_right_logical3A_524 : vector<16xi32> to vector<16xi32>
    tpu.vector_store %arg9[%swap3A_525], %swap3A_528 {strides = array<i32>} : memref<128xi32, #tpu.memory_space<vmem>>, vector<16xi32>,
    %and3A_529 = arith.constant 65535 : i32
    %and3A_530 = vector.broadcast %and3A_529 : i32 to vector<16xi32>
    %and3A_531 = arith.andi %get3A_521, %and3A_530 : vector<16xi32>
    %swap3A_532 = arith.constant 32 : index
    %swap3A_533 = tpu.vector_load %arg10[%swap3A_532] {strides = array<i32>} : memref<128xi32, #tpu.memory_space<vmem>>, vector<16xi32>,
    %swap3A_534 = vector.shape_cast %swap3A_533 : vector<16xi32> to vector<16xi32>
    %swap3A_535 = vector.shape_cast %and3A_531 : vector<16xi32> to vector<16xi32>
    tpu.vector_store %arg10[%swap3A_532], %swap3A_535 {strides = array<i32>} : memref<128xi32, #tpu.memory_space<vmem>>, vector<16xi32>,
    %get3A_536 = arith.constant 1 : i32
    %get3A_537 = arith.index_cast %get3A_536 : i32 to index
    %get3A_538 = arith.constant 48 : index
    %get3A_539 = tpu.vector_load %arg6[%get3A_537, %get3A_538] {strides = array<i32>} : memref<80x128xi32, #tpu.memory_space<vmem>>, vector<1x16xi32>,
    %get3A_540 = vector.shape_cast %get3A_539 : vector<1x16xi32> to vector<16xi32>
    %shift_right_logical3A_541 = arith.constant 16 : i32
    %shift_right_logical3A_542 = vector.broadcast %shift_right_logical3A_541 : i32 to vector<16xi32>
    %shift_right_logical3A_543 = arith.shrui %get3A_540, %shift_right_logical3A_542 : vector<16xi32>
    %swap3A_544 = arith.constant 48 : index
    %swap3A_545 = tpu.vector_load %arg9[%swap3A_544] {strides = array<i32>} : memref<128xi32, #tpu.memory_space<vmem>>, vector<16xi32>,
    %swap3A_546 = vector.shape_cast %swap3A_545 : vector<16xi32> to vector<16xi32>
    %swap3A_547 = vector.shape_cast %shift_right_logical3A_543 : vector<16xi32> to vector<16xi32>
    tpu.vector_store %arg9[%swap3A_544], %swap3A_547 {strides = array<i32>} : memref<128xi32, #tpu.memory_space<vmem>>, vector<16xi32>,
    %and3A_548 = arith.constant 65535 : i32
    %and3A_549 = vector.broadcast %and3A_548 : i32 to vector<16xi32>
    %and3A_550 = arith.andi %get3A_540, %and3A_549 : vector<16xi32>
    %swap3A_551 = arith.constant 48 : index
    %swap3A_552 = tpu.vector_load %arg10[%swap3A_551] {strides = array<i32>} : memref<128xi32, #tpu.memory_space<vmem>>, vector<16xi32>,
    %swap3A_553 = vector.shape_cast %swap3A_552 : vector<16xi32> to vector<16xi32>
    %swap3A_554 = vector.shape_cast %and3A_550 : vector<16xi32> to vector<16xi32>
    tpu.vector_store %arg10[%swap3A_551], %swap3A_554 {strides = array<i32>} : memref<128xi32, #tpu.memory_space<vmem>>, vector<16xi32>,
    %get3A_555 = arith.constant 1 : i32
    %get3A_556 = arith.index_cast %get3A_555 : i32 to index
    %get3A_557 = arith.constant 64 : index
    %get3A_558 = tpu.vector_load %arg6[%get3A_556, %get3A_557] {strides = array<i32>} : memref<80x128xi32, #tpu.memory_space<vmem>>, vector<1x16xi32>,
    %get3A_559 = vector.shape_cast %get3A_558 : vector<1x16xi32> to vector<16xi32>
    %shift_right_logical3A_560 = arith.constant 16 : i32
    %shift_right_logical3A_561 = vector.broadcast %shift_right_logical3A_560 : i32 to vector<16xi32>
    %shift_right_logical3A_562 = arith.shrui %get3A_559, %shift_right_logical3A_561 : vector<16xi32>
    %swap3A_563 = arith.constant 64 : index
    %swap3A_564 = tpu.vector_load %arg9[%swap3A_563] {strides = array<i32>} : memref<128xi32, #tpu.memory_space<vmem>>, vector<16xi32>,
    %swap3A_565 = vector.shape_cast %swap3A_564 : vector<16xi32> to vector<16xi32>
    %swap3A_566 = vector.shape_cast %shift_right_logical3A_562 : vector<16xi32> to vector<16xi32>
    tpu.vector_store %arg9[%swap3A_563], %swap3A_566 {strides = array<i32>} : memref<128xi32, #tpu.memory_space<vmem>>, vector<16xi32>,
    %and3A_567 = arith.constant 65535 : i32
    %and3A_568 = vector.broadcast %and3A_567 : i32 to vector<16xi32>
    %and3A_569 = arith.andi %get3A_559, %and3A_568 : vector<16xi32>
    %swap3A_570 = arith.constant 64 : index
    %swap3A_571 = tpu.vector_load %arg10[%swap3A_570] {strides = array<i32>} : memref<128xi32, #tpu.memory_space<vmem>>, vector<16xi32>,
    %swap3A_572 = vector.shape_cast %swap3A_571 : vector<16xi32> to vector<16xi32>
    %swap3A_573 = vector.shape_cast %and3A_569 : vector<16xi32> to vector<16xi32>
    tpu.vector_store %arg10[%swap3A_570], %swap3A_573 {strides = array<i32>} : memref<128xi32, #tpu.memory_space<vmem>>, vector<16xi32>,
    %get3A_574 = arith.constant 1 : i32
    %get3A_575 = arith.index_cast %get3A_574 : i32 to index
    %get3A_576 = arith.constant 80 : index
    %get3A_577 = tpu.vector_load %arg6[%get3A_575, %get3A_576] {strides = array<i32>} : memref<80x128xi32, #tpu.memory_space<vmem>>, vector<1x16xi32>,
    %get3A_578 = vector.shape_cast %get3A_577 : vector<1x16xi32> to vector<16xi32>
    %shift_right_logical3A_579 = arith.constant 16 : i32
    %shift_right_logical3A_580 = vector.broadcast %shift_right_logical3A_579 : i32 to vector<16xi32>
    %shift_right_logical3A_581 = arith.shrui %get3A_578, %shift_right_logical3A_580 : vector<16xi32>
    %swap3A_582 = arith.constant 80 : index
    %swap3A_583 = tpu.vector_load %arg9[%swap3A_582] {strides = array<i32>} : memref<128xi32, #tpu.memory_space<vmem>>, vector<16xi32>,
    %swap3A_584 = vector.shape_cast %swap3A_583 : vector<16xi32> to vector<16xi32>
    %swap3A_585 = vector.shape_cast %shift_right_logical3A_581 : vector<16xi32> to vector<16xi32>
    tpu.vector_store %arg9[%swap3A_582], %swap3A_585 {strides = array<i32>} : memref<128xi32, #tpu.memory_space<vmem>>, vector<16xi32>,
    %and3A_586 = arith.constant 65535 : i32
    %and3A_587 = vector.broadcast %and3A_586 : i32 to vector<16xi32>
    %and3A_588 = arith.andi %get3A_578, %and3A_587 : vector<16xi32>
    %swap3A_589 = arith.constant 80 : index
    %swap3A_590 = tpu.vector_load %arg10[%swap3A_589] {strides = array<i32>} : memref<128xi32, #tpu.memory_space<vmem>>, vector<16xi32>,
    %swap3A_591 = vector.shape_cast %swap3A_590 : vector<16xi32> to vector<16xi32>
    %swap3A_592 = vector.shape_cast %and3A_588 : vector<16xi32> to vector<16xi32>
    tpu.vector_store %arg10[%swap3A_589], %swap3A_592 {strides = array<i32>} : memref<128xi32, #tpu.memory_space<vmem>>, vector<16xi32>,
    %get3A_593 = arith.constant 1 : i32
    %get3A_594 = arith.index_cast %get3A_593 : i32 to index
    %get3A_595 = arith.constant 96 : index
    %get3A_596 = tpu.vector_load %arg6[%get3A_594, %get3A_595] {strides = array<i32>} : memref<80x128xi32, #tpu.memory_space<vmem>>, vector<1x16xi32>,
    %get3A_597 = vector.shape_cast %get3A_596 : vector<1x16xi32> to vector<16xi32>
    %shift_right_logical3A_598 = arith.constant 16 : i32
    %shift_right_logical3A_599 = vector.broadcast %shift_right_logical3A_598 : i32 to vector<16xi32>
    %shift_right_logical3A_600 = arith.shrui %get3A_597, %shift_right_logical3A_599 : vector<16xi32>
    %swap3A_601 = arith.constant 96 : index
    %swap3A_602 = tpu.vector_load %arg9[%swap3A_601] {strides = array<i32>} : memref<128xi32, #tpu.memory_space<vmem>>, vector<16xi32>,
    %swap3A_603 = vector.shape_cast %swap3A_602 : vector<16xi32> to vector<16xi32>
    %swap3A_604 = vector.shape_cast %shift_right_logical3A_600 : vector<16xi32> to vector<16xi32>
    tpu.vector_store %arg9[%swap3A_601], %swap3A_604 {strides = array<i32>} : memref<128xi32, #tpu.memory_space<vmem>>, vector<16xi32>,
    %and3A_605 = arith.constant 65535 : i32
    %and3A_606 = vector.broadcast %and3A_605 : i32 to vector<16xi32>
    %and3A_607 = arith.andi %get3A_597, %and3A_606 : vector<16xi32>
    %swap3A_608 = arith.constant 96 : index
    %swap3A_609 = tpu.vector_load %arg10[%swap3A_608] {strides = array<i32>} : memref<128xi32, #tpu.memory_space<vmem>>, vector<16xi32>,
    %swap3A_610 = vector.shape_cast %swap3A_609 : vector<16xi32> to vector<16xi32>
    %swap3A_611 = vector.shape_cast %and3A_607 : vector<16xi32> to vector<16xi32>
    tpu.vector_store %arg10[%swap3A_608], %swap3A_611 {strides = array<i32>} : memref<128xi32, #tpu.memory_space<vmem>>, vector<16xi32>,
    %get3A_612 = arith.constant 1 : i32
    %get3A_613 = arith.index_cast %get3A_612 : i32 to index
    %get3A_614 = arith.constant 112 : index
    %get3A_615 = tpu.vector_load %arg6[%get3A_613, %get3A_614] {strides = array<i32>} : memref<80x128xi32, #tpu.memory_space<vmem>>, vector<1x16xi32>,
    %get3A_616 = vector.shape_cast %get3A_615 : vector<1x16xi32> to vector<16xi32>
    %shift_right_logical3A_617 = arith.constant 16 : i32
    %shift_right_logical3A_618 = vector.broadcast %shift_right_logical3A_617 : i32 to vector<16xi32>
    %shift_right_logical3A_619 = arith.shrui %get3A_616, %shift_right_logical3A_618 : vector<16xi32>
    %swap3A_620 = arith.constant 112 : index
    %swap3A_621 = tpu.vector_load %arg9[%swap3A_620] {strides = array<i32>} : memref<128xi32, #tpu.memory_space<vmem>>, vector<16xi32>,
    %swap3A_622 = vector.shape_cast %swap3A_621 : vector<16xi32> to vector<16xi32>
    %swap3A_623 = vector.shape_cast %shift_right_logical3A_619 : vector<16xi32> to vector<16xi32>
    tpu.vector_store %arg9[%swap3A_620], %swap3A_623 {strides = array<i32>} : memref<128xi32, #tpu.memory_space<vmem>>, vector<16xi32>,
    %and3A_624 = arith.constant 65535 : i32
    %and3A_625 = vector.broadcast %and3A_624 : i32 to vector<16xi32>
    %and3A_626 = arith.andi %get3A_616, %and3A_625 : vector<16xi32>
    %swap3A_627 = arith.constant 112 : index
    %swap3A_628 = tpu.vector_load %arg10[%swap3A_627] {strides = array<i32>} : memref<128xi32, #tpu.memory_space<vmem>>, vector<16xi32>,
    %swap3A_629 = vector.shape_cast %swap3A_628 : vector<16xi32> to vector<16xi32>
    %swap3A_630 = vector.shape_cast %and3A_626 : vector<16xi32> to vector<16xi32>
    tpu.vector_store %arg10[%swap3A_627], %swap3A_630 {strides = array<i32>} : memref<128xi32, #tpu.memory_space<vmem>>, vector<16xi32>,
    %dma_start3A_631 = arith.constant 0 : i32
    %dma_start3A_632 = arith.constant 0 : i32
    %dma_start3A_633 = arith.constant 0 : i32
    %dma_start3A_634 = tpu.memref_slice %arg11[%dma_start3A_631, %dma_start3A_632, %dma_start3A_633] : memref<2x128x64xf32, #tpu.memory_space<vmem>> -> memref<1x128x64xf32, #tpu.memory_space<vmem>>
    %dma_start3A_635 = tpu.memref_squeeze %dma_start3A_634 : memref<1x128x64xf32, #tpu.memory_space<vmem>> -> memref<128x64xf32, #tpu.memory_space<vmem>>
    %dma_start3A_636 = arith.constant 0 : i32
    %dma_start3A_637 = arith.constant 0 : i32
    %dma_start3A_638 = tpu.memref_slice %arg16[%dma_start3A_636, %dma_start3A_637] : memref<10240x64xf32, #tpu.memory_space<vmem_shared>> -> memref<10240x64xf32, #tpu.memory_space<vmem_shared>>
    tpu.enqueue_indirect_dma source(%dma_start3A_638 : memref<10240x64xf32, #tpu.memory_space<vmem_shared>>) target(%dma_start3A_635 : memref<128x64xf32, #tpu.memory_space<vmem>>) offsets(%arg7 : memref<128xi32, #tpu.memory_space<vmem>>) semaphore(%arg12 : memref<!tpu.dma_semaphore, #tpu.memory_space<semaphore_mem>>)
    %dma_start3A_639 = arith.constant 1 : i32
    %dma_start3A_640 = arith.constant 0 : i32
    %dma_start3A_641 = arith.constant 0 : i32
    %dma_start3A_642 = tpu.memref_slice %arg11[%dma_start3A_639, %dma_start3A_640, %dma_start3A_641] : memref<2x128x64xf32, #tpu.memory_space<vmem>> -> memref<1x128x64xf32, #tpu.memory_space<vmem>>
    %dma_start3A_643 = tpu.memref_squeeze %dma_start3A_642 : memref<1x128x64xf32, #tpu.memory_space<vmem>> -> memref<128x64xf32, #tpu.memory_space<vmem>>
    %dma_start3A_644 = arith.constant 0 : i32
    %dma_start3A_645 = arith.constant 0 : i32
    %dma_start3A_646 = tpu.memref_slice %arg16[%dma_start3A_644, %dma_start3A_645] : memref<10240x64xf32, #tpu.memory_space<vmem_shared>> -> memref<10240x64xf32, #tpu.memory_space<vmem_shared>>
    tpu.enqueue_indirect_dma source(%dma_start3A_646 : memref<10240x64xf32, #tpu.memory_space<vmem_shared>>) target(%dma_start3A_643 : memref<128x64xf32, #tpu.memory_space<vmem>>) offsets(%arg9 : memref<128xi32, #tpu.memory_space<vmem>>) semaphore(%arg13 : memref<!tpu.dma_semaphore, #tpu.memory_space<semaphore_mem>>)
    %scan3A_647 = arith.constant 0 : i32
    %scan3A_648 = arith.constant 0 : i32
    %scan3A_649 = arith.constant 20 : i32
    %scan3A_650 = arith.addi %scan3A_648, %scan3A_649 : i32
    %scan3A_651 = arith.constant 1 : i32
    scf.for %scan3A_655 = %scan3A_648 to %scan3A_650 step %scan3A_651  : i32 {
      %mul3A_656 = arith.constant 4 : i32
      %mul3A_657 = arith.muli %scan3A_655, %mul3A_656 : i32
      %dma_wait3A = arith.constant 0 : i32
      %dma_wait3A_658 = arith.constant 0 : i32
      %dma_wait3A_659 = arith.constant 0 : i32
      %dma_wait3A_660 = tpu.memref_slice %arg11[%dma_wait3A, %dma_wait3A_658, %dma_wait3A_659] : memref<2x128x64xf32, #tpu.memory_space<vmem>> -> memref<1x128x64xf32, #tpu.memory_space<vmem>>
      %dma_wait3A_661 = tpu.memref_squeeze %dma_wait3A_660 : memref<1x128x64xf32, #tpu.memory_space<vmem>> -> memref<128x64xf32, #tpu.memory_space<vmem>>
      %dma_wait3A_662 = arith.constant 0 : i32
      %dma_wait3A_663 = arith.constant 0 : i32
      %dma_wait3A_664 = tpu.memref_slice %arg16[%dma_wait3A_662, %dma_wait3A_663] : memref<10240x64xf32, #tpu.memory_space<vmem_shared>> -> memref<10240x64xf32, #tpu.memory_space<vmem_shared>>
      tpu.wait_indirect_dma semaphore(%arg12 : memref<!tpu.dma_semaphore, #tpu.memory_space<semaphore_mem>>) src(%dma_wait3A_664 : memref<10240x64xf32, #tpu.memory_space<vmem_shared>>) dst(%dma_wait3A_661 : memref<128x64xf32, #tpu.memory_space<vmem>>)
      %dma_start3A_665 = arith.constant 0 : i32
      %dma_start3A_666 = arith.constant 0 : i32
      %dma_start3A_667 = arith.constant 0 : i32
      %dma_start3A_668 = tpu.memref_slice %arg11[%dma_start3A_665, %dma_start3A_666, %dma_start3A_667] : memref<2x128x64xf32, #tpu.memory_space<vmem>> -> memref<1x128x64xf32, #tpu.memory_space<vmem>>
      %dma_start3A_669 = tpu.memref_squeeze %dma_start3A_668 : memref<1x128x64xf32, #tpu.memory_space<vmem>> -> memref<128x64xf32, #tpu.memory_space<vmem>>
      %dma_start3A_670 = arith.constant 0 : i32
      %dma_start3A_671 = arith.constant 0 : i32
      %dma_start3A_672 = tpu.memref_slice %arg17[%dma_start3A_670, %dma_start3A_671] : memref<10240x64xf32, #tpu.memory_space<vmem_shared>> -> memref<10240x64xf32, #tpu.memory_space<vmem_shared>>
      tpu.enqueue_indirect_dma source(%dma_start3A_669 : memref<128x64xf32, #tpu.memory_space<vmem>>) target(%dma_start3A_672 : memref<10240x64xf32, #tpu.memory_space<vmem_shared>>) offsets(%arg8 : memref<128xi32, #tpu.memory_space<vmem>>) semaphore(%arg14 : memref<!tpu.dma_semaphore, #tpu.memory_space<semaphore_mem>>) {add = true}
      %dma_wait3A_673 = arith.constant 1 : i32
      %dma_wait3A_674 = arith.constant 0 : i32
      %dma_wait3A_675 = arith.constant 0 : i32
      %dma_wait3A_676 = tpu.memref_slice %arg11[%dma_wait3A_673, %dma_wait3A_674, %dma_wait3A_675] : memref<2x128x64xf32, #tpu.memory_space<vmem>> -> memref<1x128x64xf32, #tpu.memory_space<vmem>>
      %dma_wait3A_677 = tpu.memref_squeeze %dma_wait3A_676 : memref<1x128x64xf32, #tpu.memory_space<vmem>> -> memref<128x64xf32, #tpu.memory_space<vmem>>
      %dma_wait3A_678 = arith.constant 0 : i32
      %dma_wait3A_679 = arith.constant 0 : i32
      %dma_wait3A_680 = tpu.memref_slice %arg16[%dma_wait3A_678, %dma_wait3A_679] : memref<10240x64xf32, #tpu.memory_space<vmem_shared>> -> memref<10240x64xf32, #tpu.memory_space<vmem_shared>>
      tpu.wait_indirect_dma semaphore(%arg13 : memref<!tpu.dma_semaphore, #tpu.memory_space<semaphore_mem>>) src(%dma_wait3A_680 : memref<10240x64xf32, #tpu.memory_space<vmem_shared>>) dst(%dma_wait3A_677 : memref<128x64xf32, #tpu.memory_space<vmem>>)
      %dma_start3A_681 = arith.constant 1 : i32
      %dma_start3A_682 = arith.constant 0 : i32
      %dma_start3A_683 = arith.constant 0 : i32
      %dma_start3A_684 = tpu.memref_slice %arg11[%dma_start3A_681, %dma_start3A_682, %dma_start3A_683] : memref<2x128x64xf32, #tpu.memory_space<vmem>> -> memref<1x128x64xf32, #tpu.memory_space<vmem>>
      %dma_start3A_685 = tpu.memref_squeeze %dma_start3A_684 : memref<1x128x64xf32, #tpu.memory_space<vmem>> -> memref<128x64xf32, #tpu.memory_space<vmem>>
      %dma_start3A_686 = arith.constant 0 : i32
      %dma_start3A_687 = arith.constant 0 : i32
      %dma_start3A_688 = tpu.memref_slice %arg17[%dma_start3A_686, %dma_start3A_687] : memref<10240x64xf32, #tpu.memory_space<vmem_shared>> -> memref<10240x64xf32, #tpu.memory_space<vmem_shared>>
      tpu.enqueue_indirect_dma source(%dma_start3A_685 : memref<128x64xf32, #tpu.memory_space<vmem>>) target(%dma_start3A_688 : memref<10240x64xf32, #tpu.memory_space<vmem_shared>>) offsets(%arg10 : memref<128xi32, #tpu.memory_space<vmem>>) semaphore(%arg15 : memref<!tpu.dma_semaphore, #tpu.memory_space<semaphore_mem>>) {add = true}
      %dma_wait3A_689 = arith.constant 0 : i32
      %dma_wait3A_690 = arith.constant 0 : i32
      %dma_wait3A_691 = arith.constant 0 : i32
      %dma_wait3A_692 = tpu.memref_slice %arg11[%dma_wait3A_689, %dma_wait3A_690, %dma_wait3A_691] : memref<2x128x64xf32, #tpu.memory_space<vmem>> -> memref<1x128x64xf32, #tpu.memory_space<vmem>>
      %dma_wait3A_693 = tpu.memref_squeeze %dma_wait3A_692 : memref<1x128x64xf32, #tpu.memory_space<vmem>> -> memref<128x64xf32, #tpu.memory_space<vmem>>
      %dma_wait3A_694 = arith.constant 0 : i32
      %dma_wait3A_695 = arith.constant 0 : i32
      %dma_wait3A_696 = tpu.memref_slice %arg17[%dma_wait3A_694, %dma_wait3A_695] : memref<10240x64xf32, #tpu.memory_space<vmem_shared>> -> memref<10240x64xf32, #tpu.memory_space<vmem_shared>>
      tpu.wait_indirect_dma semaphore(%arg14 : memref<!tpu.dma_semaphore, #tpu.memory_space<semaphore_mem>>) src(%dma_wait3A_693 : memref<128x64xf32, #tpu.memory_space<vmem>>) dst(%dma_wait3A_696 : memref<10240x64xf32, #tpu.memory_space<vmem_shared>>)
      %add3A_697 = arith.constant 2 : i32
      %add3A_698 = arith.addi %mul3A_657, %add3A_697 : i32
      %get3A_699 = arith.index_cast %add3A_698 : i32 to index
      %get3A_700 = arith.constant 0 : index
      %get3A_701 = tpu.vector_load %arg6[%get3A_699, %get3A_700] {strides = array<i32>} : memref<80x128xi32, #tpu.memory_space<vmem>>, vector<1x16xi32>,
      %get3A_702 = vector.shape_cast %get3A_701 : vector<1x16xi32> to vector<16xi32>
      %shift_right_logical3A_703 = arith.constant 16 : i32
      %shift_right_logical3A_704 = vector.broadcast %shift_right_logical3A_703 : i32 to vector<16xi32>
      %shift_right_logical3A_705 = arith.shrui %get3A_702, %shift_right_logical3A_704 : vector<16xi32>
      %swap3A_706 = arith.constant 0 : index
      %swap3A_707 = tpu.vector_load %arg7[%swap3A_706] {strides = array<i32>} : memref<128xi32, #tpu.memory_space<vmem>>, vector<16xi32>,
      %swap3A_708 = vector.shape_cast %swap3A_707 : vector<16xi32> to vector<16xi32>
      %swap3A_709 = vector.shape_cast %shift_right_logical3A_705 : vector<16xi32> to vector<16xi32>
      tpu.vector_store %arg7[%swap3A_706], %swap3A_709 {strides = array<i32>} : memref<128xi32, #tpu.memory_space<vmem>>, vector<16xi32>,
      %and3A_710 = arith.constant 65535 : i32
      %and3A_711 = vector.broadcast %and3A_710 : i32 to vector<16xi32>
      %and3A_712 = arith.andi %get3A_702, %and3A_711 : vector<16xi32>
      %swap3A_713 = arith.constant 0 : index
      %swap3A_714 = tpu.vector_load %arg8[%swap3A_713] {strides = array<i32>} : memref<128xi32, #tpu.memory_space<vmem>>, vector<16xi32>,
      %swap3A_715 = vector.shape_cast %swap3A_714 : vector<16xi32> to vector<16xi32>
      %swap3A_716 = vector.shape_cast %and3A_712 : vector<16xi32> to vector<16xi32>
      tpu.vector_store %arg8[%swap3A_713], %swap3A_716 {strides = array<i32>} : memref<128xi32, #tpu.memory_space<vmem>>, vector<16xi32>,
      %get3A_717 = arith.index_cast %add3A_698 : i32 to index
      %get3A_718 = arith.constant 16 : index
      %get3A_719 = tpu.vector_load %arg6[%get3A_717, %get3A_718] {strides = array<i32>} : memref<80x128xi32, #tpu.memory_space<vmem>>, vector<1x16xi32>,
      %get3A_720 = vector.shape_cast %get3A_719 : vector<1x16xi32> to vector<16xi32>
      %shift_right_logical3A_721 = arith.constant 16 : i32
      %shift_right_logical3A_722 = vector.broadcast %shift_right_logical3A_721 : i32 to vector<16xi32>
      %shift_right_logical3A_723 = arith.shrui %get3A_720, %shift_right_logical3A_722 : vector<16xi32>
      %swap3A_724 = arith.constant 16 : index
      %swap3A_725 = tpu.vector_load %arg7[%swap3A_724] {strides = array<i32>} : memref<128xi32, #tpu.memory_space<vmem>>, vector<16xi32>,
      %swap3A_726 = vector.shape_cast %swap3A_725 : vector<16xi32> to vector<16xi32>
      %swap3A_727 = vector.shape_cast %shift_right_logical3A_723 : vector<16xi32> to vector<16xi32>
      tpu.vector_store %arg7[%swap3A_724], %swap3A_727 {strides = array<i32>} : memref<128xi32, #tpu.memory_space<vmem>>, vector<16xi32>,
      %and3A_728 = arith.constant 65535 : i32
      %and3A_729 = vector.broadcast %and3A_728 : i32 to vector<16xi32>
      %and3A_730 = arith.andi %get3A_720, %and3A_729 : vector<16xi32>
      %swap3A_731 = arith.constant 16 : index
      %swap3A_732 = tpu.vector_load %arg8[%swap3A_731] {strides = array<i32>} : memref<128xi32, #tpu.memory_space<vmem>>, vector<16xi32>,
      %swap3A_733 = vector.shape_cast %swap3A_732 : vector<16xi32> to vector<16xi32>
      %swap3A_734 = vector.shape_cast %and3A_730 : vector<16xi32> to vector<16xi32>
      tpu.vector_store %arg8[%swap3A_731], %swap3A_734 {strides = array<i32>} : memref<128xi32, #tpu.memory_space<vmem>>, vector<16xi32>,
      %get3A_735 = arith.index_cast %add3A_698 : i32 to index
      %get3A_736 = arith.constant 32 : index
      %get3A_737 = tpu.vector_load %arg6[%get3A_735, %get3A_736] {strides = array<i32>} : memref<80x128xi32, #tpu.memory_space<vmem>>, vector<1x16xi32>,
      %get3A_738 = vector.shape_cast %get3A_737 : vector<1x16xi32> to vector<16xi32>
      %shift_right_logical3A_739 = arith.constant 16 : i32
      %shift_right_logical3A_740 = vector.broadcast %shift_right_logical3A_739 : i32 to vector<16xi32>
      %shift_right_logical3A_741 = arith.shrui %get3A_738, %shift_right_logical3A_740 : vector<16xi32>
      %swap3A_742 = arith.constant 32 : index
      %swap3A_743 = tpu.vector_load %arg7[%swap3A_742] {strides = array<i32>} : memref<128xi32, #tpu.memory_space<vmem>>, vector<16xi32>,
      %swap3A_744 = vector.shape_cast %swap3A_743 : vector<16xi32> to vector<16xi32>
      %swap3A_745 = vector.shape_cast %shift_right_logical3A_741 : vector<16xi32> to vector<16xi32>
      tpu.vector_store %arg7[%swap3A_742], %swap3A_745 {strides = array<i32>} : memref<128xi32, #tpu.memory_space<vmem>>, vector<16xi32>,
      %and3A_746 = arith.constant 65535 : i32
      %and3A_747 = vector.broadcast %and3A_746 : i32 to vector<16xi32>
      %and3A_748 = arith.andi %get3A_738, %and3A_747 : vector<16xi32>
      %swap3A_749 = arith.constant 32 : index
      %swap3A_750 = tpu.vector_load %arg8[%swap3A_749] {strides = array<i32>} : memref<128xi32, #tpu.memory_space<vmem>>, vector<16xi32>,
      %swap3A_751 = vector.shape_cast %swap3A_750 : vector<16xi32> to vector<16xi32>
      %swap3A_752 = vector.shape_cast %and3A_748 : vector<16xi32> to vector<16xi32>
      tpu.vector_store %arg8[%swap3A_749], %swap3A_752 {strides = array<i32>} : memref<128xi32, #tpu.memory_space<vmem>>, vector<16xi32>,
      %get3A_753 = arith.index_cast %add3A_698 : i32 to index
      %get3A_754 = arith.constant 48 : index
      %get3A_755 = tpu.vector_load %arg6[%get3A_753, %get3A_754] {strides = array<i32>} : memref<80x128xi32, #tpu.memory_space<vmem>>, vector<1x16xi32>,
      %get3A_756 = vector.shape_cast %get3A_755 : vector<1x16xi32> to vector<16xi32>
      %shift_right_logical3A_757 = arith.constant 16 : i32
      %shift_right_logical3A_758 = vector.broadcast %shift_right_logical3A_757 : i32 to vector<16xi32>
      %shift_right_logical3A_759 = arith.shrui %get3A_756, %shift_right_logical3A_758 : vector<16xi32>
      %swap3A_760 = arith.constant 48 : index
      %swap3A_761 = tpu.vector_load %arg7[%swap3A_760] {strides = array<i32>} : memref<128xi32, #tpu.memory_space<vmem>>, vector<16xi32>,
      %swap3A_762 = vector.shape_cast %swap3A_761 : vector<16xi32> to vector<16xi32>
      %swap3A_763 = vector.shape_cast %shift_right_logical3A_759 : vector<16xi32> to vector<16xi32>
      tpu.vector_store %arg7[%swap3A_760], %swap3A_763 {strides = array<i32>} : memref<128xi32, #tpu.memory_space<vmem>>, vector<16xi32>,
      %and3A_764 = arith.constant 65535 : i32
      %and3A_765 = vector.broadcast %and3A_764 : i32 to vector<16xi32>
      %and3A_766 = arith.andi %get3A_756, %and3A_765 : vector<16xi32>
      %swap3A_767 = arith.constant 48 : index
      %swap3A_768 = tpu.vector_load %arg8[%swap3A_767] {strides = array<i32>} : memref<128xi32, #tpu.memory_space<vmem>>, vector<16xi32>,
      %swap3A_769 = vector.shape_cast %swap3A_768 : vector<16xi32> to vector<16xi32>
      %swap3A_770 = vector.shape_cast %and3A_766 : vector<16xi32> to vector<16xi32>
      tpu.vector_store %arg8[%swap3A_767], %swap3A_770 {strides = array<i32>} : memref<128xi32, #tpu.memory_space<vmem>>, vector<16xi32>,
      %get3A_771 = arith.index_cast %add3A_698 : i32 to index
      %get3A_772 = arith.constant 64 : index
      %get3A_773 = tpu.vector_load %arg6[%get3A_771, %get3A_772] {strides = array<i32>} : memref<80x128xi32, #tpu.memory_space<vmem>>, vector<1x16xi32>,
      %get3A_774 = vector.shape_cast %get3A_773 : vector<1x16xi32> to vector<16xi32>
      %shift_right_logical3A_775 = arith.constant 16 : i32
      %shift_right_logical3A_776 = vector.broadcast %shift_right_logical3A_775 : i32 to vector<16xi32>
      %shift_right_logical3A_777 = arith.shrui %get3A_774, %shift_right_logical3A_776 : vector<16xi32>
      %swap3A_778 = arith.constant 64 : index
      %swap3A_779 = tpu.vector_load %arg7[%swap3A_778] {strides = array<i32>} : memref<128xi32, #tpu.memory_space<vmem>>, vector<16xi32>,
      %swap3A_780 = vector.shape_cast %swap3A_779 : vector<16xi32> to vector<16xi32>
      %swap3A_781 = vector.shape_cast %shift_right_logical3A_777 : vector<16xi32> to vector<16xi32>
      tpu.vector_store %arg7[%swap3A_778], %swap3A_781 {strides = array<i32>} : memref<128xi32, #tpu.memory_space<vmem>>, vector<16xi32>,
      %and3A_782 = arith.constant 65535 : i32
      %and3A_783 = vector.broadcast %and3A_782 : i32 to vector<16xi32>
      %and3A_784 = arith.andi %get3A_774, %and3A_783 : vector<16xi32>
      %swap3A_785 = arith.constant 64 : index
      %swap3A_786 = tpu.vector_load %arg8[%swap3A_785] {strides = array<i32>} : memref<128xi32, #tpu.memory_space<vmem>>, vector<16xi32>,
      %swap3A_787 = vector.shape_cast %swap3A_786 : vector<16xi32> to vector<16xi32>
      %swap3A_788 = vector.shape_cast %and3A_784 : vector<16xi32> to vector<16xi32>
      tpu.vector_store %arg8[%swap3A_785], %swap3A_788 {strides = array<i32>} : memref<128xi32, #tpu.memory_space<vmem>>, vector<16xi32>,
      %get3A_789 = arith.index_cast %add3A_698 : i32 to index
      %get3A_790 = arith.constant 80 : index
      %get3A_791 = tpu.vector_load %arg6[%get3A_789, %get3A_790] {strides = array<i32>} : memref<80x128xi32, #tpu.memory_space<vmem>>, vector<1x16xi32>,
      %get3A_792 = vector.shape_cast %get3A_791 : vector<1x16xi32> to vector<16xi32>
      %shift_right_logical3A_793 = arith.constant 16 : i32
      %shift_right_logical3A_794 = vector.broadcast %shift_right_logical3A_793 : i32 to vector<16xi32>
      %shift_right_logical3A_795 = arith.shrui %get3A_792, %shift_right_logical3A_794 : vector<16xi32>
      %swap3A_796 = arith.constant 80 : index
      %swap3A_797 = tpu.vector_load %arg7[%swap3A_796] {strides = array<i32>} : memref<128xi32, #tpu.memory_space<vmem>>, vector<16xi32>,
      %swap3A_798 = vector.shape_cast %swap3A_797 : vector<16xi32> to vector<16xi32>
      %swap3A_799 = vector.shape_cast %shift_right_logical3A_795 : vector<16xi32> to vector<16xi32>
      tpu.vector_store %arg7[%swap3A_796], %swap3A_799 {strides = array<i32>} : memref<128xi32, #tpu.memory_space<vmem>>, vector<16xi32>,
      %and3A_800 = arith.constant 65535 : i32
      %and3A_801 = vector.broadcast %and3A_800 : i32 to vector<16xi32>
      %and3A_802 = arith.andi %get3A_792, %and3A_801 : vector<16xi32>
      %swap3A_803 = arith.constant 80 : index
      %swap3A_804 = tpu.vector_load %arg8[%swap3A_803] {strides = array<i32>} : memref<128xi32, #tpu.memory_space<vmem>>, vector<16xi32>,
      %swap3A_805 = vector.shape_cast %swap3A_804 : vector<16xi32> to vector<16xi32>
      %swap3A_806 = vector.shape_cast %and3A_802 : vector<16xi32> to vector<16xi32>
      tpu.vector_store %arg8[%swap3A_803], %swap3A_806 {strides = array<i32>} : memref<128xi32, #tpu.memory_space<vmem>>, vector<16xi32>,
      %get3A_807 = arith.index_cast %add3A_698 : i32 to index
      %get3A_808 = arith.constant 96 : index
      %get3A_809 = tpu.vector_load %arg6[%get3A_807, %get3A_808] {strides = array<i32>} : memref<80x128xi32, #tpu.memory_space<vmem>>, vector<1x16xi32>,
      %get3A_810 = vector.shape_cast %get3A_809 : vector<1x16xi32> to vector<16xi32>
      %shift_right_logical3A_811 = arith.constant 16 : i32
      %shift_right_logical3A_812 = vector.broadcast %shift_right_logical3A_811 : i32 to vector<16xi32>
      %shift_right_logical3A_813 = arith.shrui %get3A_810, %shift_right_logical3A_812 : vector<16xi32>
      %swap3A_814 = arith.constant 96 : index
      %swap3A_815 = tpu.vector_load %arg7[%swap3A_814] {strides = array<i32>} : memref<128xi32, #tpu.memory_space<vmem>>, vector<16xi32>,
      %swap3A_816 = vector.shape_cast %swap3A_815 : vector<16xi32> to vector<16xi32>
      %swap3A_817 = vector.shape_cast %shift_right_logical3A_813 : vector<16xi32> to vector<16xi32>
      tpu.vector_store %arg7[%swap3A_814], %swap3A_817 {strides = array<i32>} : memref<128xi32, #tpu.memory_space<vmem>>, vector<16xi32>,
      %and3A_818 = arith.constant 65535 : i32
      %and3A_819 = vector.broadcast %and3A_818 : i32 to vector<16xi32>
      %and3A_820 = arith.andi %get3A_810, %and3A_819 : vector<16xi32>
      %swap3A_821 = arith.constant 96 : index
      %swap3A_822 = tpu.vector_load %arg8[%swap3A_821] {strides = array<i32>} : memref<128xi32, #tpu.memory_space<vmem>>, vector<16xi32>,
      %swap3A_823 = vector.shape_cast %swap3A_822 : vector<16xi32> to vector<16xi32>
      %swap3A_824 = vector.shape_cast %and3A_820 : vector<16xi32> to vector<16xi32>
      tpu.vector_store %arg8[%swap3A_821], %swap3A_824 {strides = array<i32>} : memref<128xi32, #tpu.memory_space<vmem>>, vector<16xi32>,
      %get3A_825 = arith.index_cast %add3A_698 : i32 to index
      %get3A_826 = arith.constant 112 : index
      %get3A_827 = tpu.vector_load %arg6[%get3A_825, %get3A_826] {strides = array<i32>} : memref<80x128xi32, #tpu.memory_space<vmem>>, vector<1x16xi32>,
      %get3A_828 = vector.shape_cast %get3A_827 : vector<1x16xi32> to vector<16xi32>
      %shift_right_logical3A_829 = arith.constant 16 : i32
      %shift_right_logical3A_830 = vector.broadcast %shift_right_logical3A_829 : i32 to vector<16xi32>
      %shift_right_logical3A_831 = arith.shrui %get3A_828, %shift_right_logical3A_830 : vector<16xi32>
      %swap3A_832 = arith.constant 112 : index
      %swap3A_833 = tpu.vector_load %arg7[%swap3A_832] {strides = array<i32>} : memref<128xi32, #tpu.memory_space<vmem>>, vector<16xi32>,
      %swap3A_834 = vector.shape_cast %swap3A_833 : vector<16xi32> to vector<16xi32>
      %swap3A_835 = vector.shape_cast %shift_right_logical3A_831 : vector<16xi32> to vector<16xi32>
      tpu.vector_store %arg7[%swap3A_832], %swap3A_835 {strides = array<i32>} : memref<128xi32, #tpu.memory_space<vmem>>, vector<16xi32>,
      %and3A_836 = arith.constant 65535 : i32
      %and3A_837 = vector.broadcast %and3A_836 : i32 to vector<16xi32>
      %and3A_838 = arith.andi %get3A_828, %and3A_837 : vector<16xi32>
      %swap3A_839 = arith.constant 112 : index
      %swap3A_840 = tpu.vector_load %arg8[%swap3A_839] {strides = array<i32>} : memref<128xi32, #tpu.memory_space<vmem>>, vector<16xi32>,
      %swap3A_841 = vector.shape_cast %swap3A_840 : vector<16xi32> to vector<16xi32>
      %swap3A_842 = vector.shape_cast %and3A_838 : vector<16xi32> to vector<16xi32>
      tpu.vector_store %arg8[%swap3A_839], %swap3A_842 {strides = array<i32>} : memref<128xi32, #tpu.memory_space<vmem>>, vector<16xi32>,
      %dma_start3A_843 = arith.constant 0 : i32
      %dma_start3A_844 = arith.constant 0 : i32
      %dma_start3A_845 = arith.constant 0 : i32
      %dma_start3A_846 = tpu.memref_slice %arg11[%dma_start3A_843, %dma_start3A_844, %dma_start3A_845] : memref<2x128x64xf32, #tpu.memory_space<vmem>> -> memref<1x128x64xf32, #tpu.memory_space<vmem>>
      %dma_start3A_847 = tpu.memref_squeeze %dma_start3A_846 : memref<1x128x64xf32, #tpu.memory_space<vmem>> -> memref<128x64xf32, #tpu.memory_space<vmem>>
      %dma_start3A_848 = arith.constant 0 : i32
      %dma_start3A_849 = arith.constant 0 : i32
      %dma_start3A_850 = tpu.memref_slice %arg16[%dma_start3A_848, %dma_start3A_849] : memref<10240x64xf32, #tpu.memory_space<vmem_shared>> -> memref<10240x64xf32, #tpu.memory_space<vmem_shared>>
      tpu.enqueue_indirect_dma source(%dma_start3A_850 : memref<10240x64xf32, #tpu.memory_space<vmem_shared>>) target(%dma_start3A_847 : memref<128x64xf32, #tpu.memory_space<vmem>>) offsets(%arg7 : memref<128xi32, #tpu.memory_space<vmem>>) semaphore(%arg12 : memref<!tpu.dma_semaphore, #tpu.memory_space<semaphore_mem>>)
      %dma_wait3A_851 = arith.constant 1 : i32
      %dma_wait3A_852 = arith.constant 0 : i32
      %dma_wait3A_853 = arith.constant 0 : i32
      %dma_wait3A_854 = tpu.memref_slice %arg11[%dma_wait3A_851, %dma_wait3A_852, %dma_wait3A_853] : memref<2x128x64xf32, #tpu.memory_space<vmem>> -> memref<1x128x64xf32, #tpu.memory_space<vmem>>
      %dma_wait3A_855 = tpu.memref_squeeze %dma_wait3A_854 : memref<1x128x64xf32, #tpu.memory_space<vmem>> -> memref<128x64xf32, #tpu.memory_space<vmem>>
      %dma_wait3A_856 = arith.constant 0 : i32
      %dma_wait3A_857 = arith.constant 0 : i32
      %dma_wait3A_858 = tpu.memref_slice %arg17[%dma_wait3A_856, %dma_wait3A_857] : memref<10240x64xf32, #tpu.memory_space<vmem_shared>> -> memref<10240x64xf32, #tpu.memory_space<vmem_shared>>
      tpu.wait_indirect_dma semaphore(%arg15 : memref<!tpu.dma_semaphore, #tpu.memory_space<semaphore_mem>>) src(%dma_wait3A_855 : memref<128x64xf32, #tpu.memory_space<vmem>>) dst(%dma_wait3A_858 : memref<10240x64xf32, #tpu.memory_space<vmem_shared>>)
      %add3A_859 = arith.constant 3 : i32
      %add3A_860 = arith.addi %mul3A_657, %add3A_859 : i32
      %get3A_861 = arith.index_cast %add3A_860 : i32 to index
      %get3A_862 = arith.constant 0 : index
      %get3A_863 = tpu.vector_load %arg6[%get3A_861, %get3A_862] {strides = array<i32>} : memref<80x128xi32, #tpu.memory_space<vmem>>, vector<1x16xi32>,
      %get3A_864 = vector.shape_cast %get3A_863 : vector<1x16xi32> to vector<16xi32>
      %shift_right_logical3A_865 = arith.constant 16 : i32
      %shift_right_logical3A_866 = vector.broadcast %shift_right_logical3A_865 : i32 to vector<16xi32>
      %shift_right_logical3A_867 = arith.shrui %get3A_864, %shift_right_logical3A_866 : vector<16xi32>
      %swap3A_868 = arith.constant 0 : index
      %swap3A_869 = tpu.vector_load %arg9[%swap3A_868] {strides = array<i32>} : memref<128xi32, #tpu.memory_space<vmem>>, vector<16xi32>,
      %swap3A_870 = vector.shape_cast %swap3A_869 : vector<16xi32> to vector<16xi32>
      %swap3A_871 = vector.shape_cast %shift_right_logical3A_867 : vector<16xi32> to vector<16xi32>
      tpu.vector_store %arg9[%swap3A_868], %swap3A_871 {strides = array<i32>} : memref<128xi32, #tpu.memory_space<vmem>>, vector<16xi32>,
      %and3A_872 = arith.constant 65535 : i32
      %and3A_873 = vector.broadcast %and3A_872 : i32 to vector<16xi32>
      %and3A_874 = arith.andi %get3A_864, %and3A_873 : vector<16xi32>
      %swap3A_875 = arith.constant 0 : index
      %swap3A_876 = tpu.vector_load %arg10[%swap3A_875] {strides = array<i32>} : memref<128xi32, #tpu.memory_space<vmem>>, vector<16xi32>,
      %swap3A_877 = vector.shape_cast %swap3A_876 : vector<16xi32> to vector<16xi32>
      %swap3A_878 = vector.shape_cast %and3A_874 : vector<16xi32> to vector<16xi32>
      tpu.vector_store %arg10[%swap3A_875], %swap3A_878 {strides = array<i32>} : memref<128xi32, #tpu.memory_space<vmem>>, vector<16xi32>,
      %get3A_879 = arith.index_cast %add3A_860 : i32 to index
      %get3A_880 = arith.constant 16 : index
      %get3A_881 = tpu.vector_load %arg6[%get3A_879, %get3A_880] {strides = array<i32>} : memref<80x128xi32, #tpu.memory_space<vmem>>, vector<1x16xi32>,
      %get3A_882 = vector.shape_cast %get3A_881 : vector<1x16xi32> to vector<16xi32>
      %shift_right_logical3A_883 = arith.constant 16 : i32
      %shift_right_logical3A_884 = vector.broadcast %shift_right_logical3A_883 : i32 to vector<16xi32>
      %shift_right_logical3A_885 = arith.shrui %get3A_882, %shift_right_logical3A_884 : vector<16xi32>
      %swap3A_886 = arith.constant 16 : index
      %swap3A_887 = tpu.vector_load %arg9[%swap3A_886] {strides = array<i32>} : memref<128xi32, #tpu.memory_space<vmem>>, vector<16xi32>,
      %swap3A_888 = vector.shape_cast %swap3A_887 : vector<16xi32> to vector<16xi32>
      %swap3A_889 = vector.shape_cast %shift_right_logical3A_885 : vector<16xi32> to vector<16xi32>
      tpu.vector_store %arg9[%swap3A_886], %swap3A_889 {strides = array<i32>} : memref<128xi32, #tpu.memory_space<vmem>>, vector<16xi32>,
      %and3A_890 = arith.constant 65535 : i32
      %and3A_891 = vector.broadcast %and3A_890 : i32 to vector<16xi32>
      %and3A_892 = arith.andi %get3A_882, %and3A_891 : vector<16xi32>
      %swap3A_893 = arith.constant 16 : index
      %swap3A_894 = tpu.vector_load %arg10[%swap3A_893] {strides = array<i32>} : memref<128xi32, #tpu.memory_space<vmem>>, vector<16xi32>,
      %swap3A_895 = vector.shape_cast %swap3A_894 : vector<16xi32> to vector<16xi32>
      %swap3A_896 = vector.shape_cast %and3A_892 : vector<16xi32> to vector<16xi32>
      tpu.vector_store %arg10[%swap3A_893], %swap3A_896 {strides = array<i32>} : memref<128xi32, #tpu.memory_space<vmem>>, vector<16xi32>,
      %get3A_897 = arith.index_cast %add3A_860 : i32 to index
      %get3A_898 = arith.constant 32 : index
      %get3A_899 = tpu.vector_load %arg6[%get3A_897, %get3A_898] {strides = array<i32>} : memref<80x128xi32, #tpu.memory_space<vmem>>, vector<1x16xi32>,
      %get3A_900 = vector.shape_cast %get3A_899 : vector<1x16xi32> to vector<16xi32>
      %shift_right_logical3A_901 = arith.constant 16 : i32
      %shift_right_logical3A_902 = vector.broadcast %shift_right_logical3A_901 : i32 to vector<16xi32>
      %shift_right_logical3A_903 = arith.shrui %get3A_900, %shift_right_logical3A_902 : vector<16xi32>
      %swap3A_904 = arith.constant 32 : index
      %swap3A_905 = tpu.vector_load %arg9[%swap3A_904] {strides = array<i32>} : memref<128xi32, #tpu.memory_space<vmem>>, vector<16xi32>,
      %swap3A_906 = vector.shape_cast %swap3A_905 : vector<16xi32> to vector<16xi32>
      %swap3A_907 = vector.shape_cast %shift_right_logical3A_903 : vector<16xi32> to vector<16xi32>
      tpu.vector_store %arg9[%swap3A_904], %swap3A_907 {strides = array<i32>} : memref<128xi32, #tpu.memory_space<vmem>>, vector<16xi32>,
      %and3A_908 = arith.constant 65535 : i32
      %and3A_909 = vector.broadcast %and3A_908 : i32 to vector<16xi32>
      %and3A_910 = arith.andi %get3A_900, %and3A_909 : vector<16xi32>
      %swap3A_911 = arith.constant 32 : index
      %swap3A_912 = tpu.vector_load %arg10[%swap3A_911] {strides = array<i32>} : memref<128xi32, #tpu.memory_space<vmem>>, vector<16xi32>,
      %swap3A_913 = vector.shape_cast %swap3A_912 : vector<16xi32> to vector<16xi32>
      %swap3A_914 = vector.shape_cast %and3A_910 : vector<16xi32> to vector<16xi32>
      tpu.vector_store %arg10[%swap3A_911], %swap3A_914 {strides = array<i32>} : memref<128xi32, #tpu.memory_space<vmem>>, vector<16xi32>,
      %get3A_915 = arith.index_cast %add3A_860 : i32 to index
      %get3A_916 = arith.constant 48 : index
      %get3A_917 = tpu.vector_load %arg6[%get3A_915, %get3A_916] {strides = array<i32>} : memref<80x128xi32, #tpu.memory_space<vmem>>, vector<1x16xi32>,
      %get3A_918 = vector.shape_cast %get3A_917 : vector<1x16xi32> to vector<16xi32>
      %shift_right_logical3A_919 = arith.constant 16 : i32
      %shift_right_logical3A_920 = vector.broadcast %shift_right_logical3A_919 : i32 to vector<16xi32>
      %shift_right_logical3A_921 = arith.shrui %get3A_918, %shift_right_logical3A_920 : vector<16xi32>
      %swap3A_922 = arith.constant 48 : index
      %swap3A_923 = tpu.vector_load %arg9[%swap3A_922] {strides = array<i32>} : memref<128xi32, #tpu.memory_space<vmem>>, vector<16xi32>,
      %swap3A_924 = vector.shape_cast %swap3A_923 : vector<16xi32> to vector<16xi32>
      %swap3A_925 = vector.shape_cast %shift_right_logical3A_921 : vector<16xi32> to vector<16xi32>
      tpu.vector_store %arg9[%swap3A_922], %swap3A_925 {strides = array<i32>} : memref<128xi32, #tpu.memory_space<vmem>>, vector<16xi32>,
      %and3A_926 = arith.constant 65535 : i32
      %and3A_927 = vector.broadcast %and3A_926 : i32 to vector<16xi32>
      %and3A_928 = arith.andi %get3A_918, %and3A_927 : vector<16xi32>
      %swap3A_929 = arith.constant 48 : index
      %swap3A_930 = tpu.vector_load %arg10[%swap3A_929] {strides = array<i32>} : memref<128xi32, #tpu.memory_space<vmem>>, vector<16xi32>,
      %swap3A_931 = vector.shape_cast %swap3A_930 : vector<16xi32> to vector<16xi32>
      %swap3A_932 = vector.shape_cast %and3A_928 : vector<16xi32> to vector<16xi32>
      tpu.vector_store %arg10[%swap3A_929], %swap3A_932 {strides = array<i32>} : memref<128xi32, #tpu.memory_space<vmem>>, vector<16xi32>,
      %get3A_933 = arith.index_cast %add3A_860 : i32 to index
      %get3A_934 = arith.constant 64 : index
      %get3A_935 = tpu.vector_load %arg6[%get3A_933, %get3A_934] {strides = array<i32>} : memref<80x128xi32, #tpu.memory_space<vmem>>, vector<1x16xi32>,
      %get3A_936 = vector.shape_cast %get3A_935 : vector<1x16xi32> to vector<16xi32>
      %shift_right_logical3A_937 = arith.constant 16 : i32
      %shift_right_logical3A_938 = vector.broadcast %shift_right_logical3A_937 : i32 to vector<16xi32>
      %shift_right_logical3A_939 = arith.shrui %get3A_936, %shift_right_logical3A_938 : vector<16xi32>
      %swap3A_940 = arith.constant 64 : index
      %swap3A_941 = tpu.vector_load %arg9[%swap3A_940] {strides = array<i32>} : memref<128xi32, #tpu.memory_space<vmem>>, vector<16xi32>,
      %swap3A_942 = vector.shape_cast %swap3A_941 : vector<16xi32> to vector<16xi32>
      %swap3A_943 = vector.shape_cast %shift_right_logical3A_939 : vector<16xi32> to vector<16xi32>
      tpu.vector_store %arg9[%swap3A_940], %swap3A_943 {strides = array<i32>} : memref<128xi32, #tpu.memory_space<vmem>>, vector<16xi32>,
      %and3A_944 = arith.constant 65535 : i32
      %and3A_945 = vector.broadcast %and3A_944 : i32 to vector<16xi32>
      %and3A_946 = arith.andi %get3A_936, %and3A_945 : vector<16xi32>
      %swap3A_947 = arith.constant 64 : index
      %swap3A_948 = tpu.vector_load %arg10[%swap3A_947] {strides = array<i32>} : memref<128xi32, #tpu.memory_space<vmem>>, vector<16xi32>,
      %swap3A_949 = vector.shape_cast %swap3A_948 : vector<16xi32> to vector<16xi32>
      %swap3A_950 = vector.shape_cast %and3A_946 : vector<16xi32> to vector<16xi32>
      tpu.vector_store %arg10[%swap3A_947], %swap3A_950 {strides = array<i32>} : memref<128xi32, #tpu.memory_space<vmem>>, vector<16xi32>,
      %get3A_951 = arith.index_cast %add3A_860 : i32 to index
      %get3A_952 = arith.constant 80 : index
      %get3A_953 = tpu.vector_load %arg6[%get3A_951, %get3A_952] {strides = array<i32>} : memref<80x128xi32, #tpu.memory_space<vmem>>, vector<1x16xi32>,
      %get3A_954 = vector.shape_cast %get3A_953 : vector<1x16xi32> to vector<16xi32>
      %shift_right_logical3A_955 = arith.constant 16 : i32
      %shift_right_logical3A_956 = vector.broadcast %shift_right_logical3A_955 : i32 to vector<16xi32>
      %shift_right_logical3A_957 = arith.shrui %get3A_954, %shift_right_logical3A_956 : vector<16xi32>
      %swap3A_958 = arith.constant 80 : index
      %swap3A_959 = tpu.vector_load %arg9[%swap3A_958] {strides = array<i32>} : memref<128xi32, #tpu.memory_space<vmem>>, vector<16xi32>,
      %swap3A_960 = vector.shape_cast %swap3A_959 : vector<16xi32> to vector<16xi32>
      %swap3A_961 = vector.shape_cast %shift_right_logical3A_957 : vector<16xi32> to vector<16xi32>
      tpu.vector_store %arg9[%swap3A_958], %swap3A_961 {strides = array<i32>} : memref<128xi32, #tpu.memory_space<vmem>>, vector<16xi32>,
      %and3A_962 = arith.constant 65535 : i32
      %and3A_963 = vector.broadcast %and3A_962 : i32 to vector<16xi32>
      %and3A_964 = arith.andi %get3A_954, %and3A_963 : vector<16xi32>
      %swap3A_965 = arith.constant 80 : index
      %swap3A_966 = tpu.vector_load %arg10[%swap3A_965] {strides = array<i32>} : memref<128xi32, #tpu.memory_space<vmem>>, vector<16xi32>,
      %swap3A_967 = vector.shape_cast %swap3A_966 : vector<16xi32> to vector<16xi32>
      %swap3A_968 = vector.shape_cast %and3A_964 : vector<16xi32> to vector<16xi32>
      tpu.vector_store %arg10[%swap3A_965], %swap3A_968 {strides = array<i32>} : memref<128xi32, #tpu.memory_space<vmem>>, vector<16xi32>,
      %get3A_969 = arith.index_cast %add3A_860 : i32 to index
      %get3A_970 = arith.constant 96 : index
      %get3A_971 = tpu.vector_load %arg6[%get3A_969, %get3A_970] {strides = array<i32>} : memref<80x128xi32, #tpu.memory_space<vmem>>, vector<1x16xi32>,
      %get3A_972 = vector.shape_cast %get3A_971 : vector<1x16xi32> to vector<16xi32>
      %shift_right_logical3A_973 = arith.constant 16 : i32
      %shift_right_logical3A_974 = vector.broadcast %shift_right_logical3A_973 : i32 to vector<16xi32>
      %shift_right_logical3A_975 = arith.shrui %get3A_972, %shift_right_logical3A_974 : vector<16xi32>
      %swap3A_976 = arith.constant 96 : index
      %swap3A_977 = tpu.vector_load %arg9[%swap3A_976] {strides = array<i32>} : memref<128xi32, #tpu.memory_space<vmem>>, vector<16xi32>,
      %swap3A_978 = vector.shape_cast %swap3A_977 : vector<16xi32> to vector<16xi32>
      %swap3A_979 = vector.shape_cast %shift_right_logical3A_975 : vector<16xi32> to vector<16xi32>
      tpu.vector_store %arg9[%swap3A_976], %swap3A_979 {strides = array<i32>} : memref<128xi32, #tpu.memory_space<vmem>>, vector<16xi32>,
      %and3A_980 = arith.constant 65535 : i32
      %and3A_981 = vector.broadcast %and3A_980 : i32 to vector<16xi32>
      %and3A_982 = arith.andi %get3A_972, %and3A_981 : vector<16xi32>
      %swap3A_983 = arith.constant 96 : index
      %swap3A_984 = tpu.vector_load %arg10[%swap3A_983] {strides = array<i32>} : memref<128xi32, #tpu.memory_space<vmem>>, vector<16xi32>,
      %swap3A_985 = vector.shape_cast %swap3A_984 : vector<16xi32> to vector<16xi32>
      %swap3A_986 = vector.shape_cast %and3A_982 : vector<16xi32> to vector<16xi32>
      tpu.vector_store %arg10[%swap3A_983], %swap3A_986 {strides = array<i32>} : memref<128xi32, #tpu.memory_space<vmem>>, vector<16xi32>,
      %get3A_987 = arith.index_cast %add3A_860 : i32 to index
      %get3A_988 = arith.constant 112 : index
      %get3A_989 = tpu.vector_load %arg6[%get3A_987, %get3A_988] {strides = array<i32>} : memref<80x128xi32, #tpu.memory_space<vmem>>, vector<1x16xi32>,
      %get3A_990 = vector.shape_cast %get3A_989 : vector<1x16xi32> to vector<16xi32>
      %shift_right_logical3A_991 = arith.constant 16 : i32
      %shift_right_logical3A_992 = vector.broadcast %shift_right_logical3A_991 : i32 to vector<16xi32>
      %shift_right_logical3A_993 = arith.shrui %get3A_990, %shift_right_logical3A_992 : vector<16xi32>
      %swap3A_994 = arith.constant 112 : index
      %swap3A_995 = tpu.vector_load %arg9[%swap3A_994] {strides = array<i32>} : memref<128xi32, #tpu.memory_space<vmem>>, vector<16xi32>,
      %swap3A_996 = vector.shape_cast %swap3A_995 : vector<16xi32> to vector<16xi32>
      %swap3A_997 = vector.shape_cast %shift_right_logical3A_993 : vector<16xi32> to vector<16xi32>
      tpu.vector_store %arg9[%swap3A_994], %swap3A_997 {strides = array<i32>} : memref<128xi32, #tpu.memory_space<vmem>>, vector<16xi32>,
      %and3A_998 = arith.constant 65535 : i32
      %and3A_999 = vector.broadcast %and3A_998 : i32 to vector<16xi32>
      %and3A_1000 = arith.andi %get3A_990, %and3A_999 : vector<16xi32>
      %swap3A_1001 = arith.constant 112 : index
      %swap3A_1002 = tpu.vector_load %arg10[%swap3A_1001] {strides = array<i32>} : memref<128xi32, #tpu.memory_space<vmem>>, vector<16xi32>,
      %swap3A_1003 = vector.shape_cast %swap3A_1002 : vector<16xi32> to vector<16xi32>
      %swap3A_1004 = vector.shape_cast %and3A_1000 : vector<16xi32> to vector<16xi32>
      tpu.vector_store %arg10[%swap3A_1001], %swap3A_1004 {strides = array<i32>} : memref<128xi32, #tpu.memory_space<vmem>>, vector<16xi32>,
      %dma_start3A_1005 = arith.constant 1 : i32
      %dma_start3A_1006 = arith.constant 0 : i32
      %dma_start3A_1007 = arith.constant 0 : i32
      %dma_start3A_1008 = tpu.memref_slice %arg11[%dma_start3A_1005, %dma_start3A_1006, %dma_start3A_1007] : memref<2x128x64xf32, #tpu.memory_space<vmem>> -> memref<1x128x64xf32, #tpu.memory_space<vmem>>
      %dma_start3A_1009 = tpu.memref_squeeze %dma_start3A_1008 : memref<1x128x64xf32, #tpu.memory_space<vmem>> -> memref<128x64xf32, #tpu.memory_space<vmem>>
      %dma_start3A_1010 = arith.constant 0 : i32
      %dma_start3A_1011 = arith.constant 0 : i32
      %dma_start3A_1012 = tpu.memref_slice %arg16[%dma_start3A_1010, %dma_start3A_1011] : memref<10240x64xf32, #tpu.memory_space<vmem_shared>> -> memref<10240x64xf32, #tpu.memory_space<vmem_shared>>
      tpu.enqueue_indirect_dma source(%dma_start3A_1012 : memref<10240x64xf32, #tpu.memory_space<vmem_shared>>) target(%dma_start3A_1009 : memref<128x64xf32, #tpu.memory_space<vmem>>) offsets(%arg9 : memref<128xi32, #tpu.memory_space<vmem>>) semaphore(%arg13 : memref<!tpu.dma_semaphore, #tpu.memory_space<semaphore_mem>>)
      %dma_wait3A_1013 = arith.constant 0 : i32
      %dma_wait3A_1014 = arith.constant 0 : i32
      %dma_wait3A_1015 = arith.constant 0 : i32
      %dma_wait3A_1016 = tpu.memref_slice %arg11[%dma_wait3A_1013, %dma_wait3A_1014, %dma_wait3A_1015] : memref<2x128x64xf32, #tpu.memory_space<vmem>> -> memref<1x128x64xf32, #tpu.memory_space<vmem>>
      %dma_wait3A_1017 = tpu.memref_squeeze %dma_wait3A_1016 : memref<1x128x64xf32, #tpu.memory_space<vmem>> -> memref<128x64xf32, #tpu.memory_space<vmem>>
      %dma_wait3A_1018 = arith.constant 0 : i32
      %dma_wait3A_1019 = arith.constant 0 : i32
      %dma_wait3A_1020 = tpu.memref_slice %arg16[%dma_wait3A_1018, %dma_wait3A_1019] : memref<10240x64xf32, #tpu.memory_space<vmem_shared>> -> memref<10240x64xf32, #tpu.memory_space<vmem_shared>>
      tpu.wait_indirect_dma semaphore(%arg12 : memref<!tpu.dma_semaphore, #tpu.memory_space<semaphore_mem>>) src(%dma_wait3A_1020 : memref<10240x64xf32, #tpu.memory_space<vmem_shared>>) dst(%dma_wait3A_1017 : memref<128x64xf32, #tpu.memory_space<vmem>>)
      %dma_start3A_1021 = arith.constant 0 : i32
      %dma_start3A_1022 = arith.constant 0 : i32
      %dma_start3A_1023 = arith.constant 0 : i32
      %dma_start3A_1024 = tpu.memref_slice %arg11[%dma_start3A_1021, %dma_start3A_1022, %dma_start3A_1023] : memref<2x128x64xf32, #tpu.memory_space<vmem>> -> memref<1x128x64xf32, #tpu.memory_space<vmem>>
      %dma_start3A_1025 = tpu.memref_squeeze %dma_start3A_1024 : memref<1x128x64xf32, #tpu.memory_space<vmem>> -> memref<128x64xf32, #tpu.memory_space<vmem>>
      %dma_start3A_1026 = arith.constant 0 : i32
      %dma_start3A_1027 = arith.constant 0 : i32
      %dma_start3A_1028 = tpu.memref_slice %arg17[%dma_start3A_1026, %dma_start3A_1027] : memref<10240x64xf32, #tpu.memory_space<vmem_shared>> -> memref<10240x64xf32, #tpu.memory_space<vmem_shared>>
      tpu.enqueue_indirect_dma source(%dma_start3A_1025 : memref<128x64xf32, #tpu.memory_space<vmem>>) target(%dma_start3A_1028 : memref<10240x64xf32, #tpu.memory_space<vmem_shared>>) offsets(%arg8 : memref<128xi32, #tpu.memory_space<vmem>>) semaphore(%arg14 : memref<!tpu.dma_semaphore, #tpu.memory_space<semaphore_mem>>) {add = true}
      %dma_wait3A_1029 = arith.constant 1 : i32
      %dma_wait3A_1030 = arith.constant 0 : i32
      %dma_wait3A_1031 = arith.constant 0 : i32
      %dma_wait3A_1032 = tpu.memref_slice %arg11[%dma_wait3A_1029, %dma_wait3A_1030, %dma_wait3A_1031] : memref<2x128x64xf32, #tpu.memory_space<vmem>> -> memref<1x128x64xf32, #tpu.memory_space<vmem>>
      %dma_wait3A_1033 = tpu.memref_squeeze %dma_wait3A_1032 : memref<1x128x64xf32, #tpu.memory_space<vmem>> -> memref<128x64xf32, #tpu.memory_space<vmem>>
      %dma_wait3A_1034 = arith.constant 0 : i32
      %dma_wait3A_1035 = arith.constant 0 : i32
      %dma_wait3A_1036 = tpu.memref_slice %arg16[%dma_wait3A_1034, %dma_wait3A_1035] : memref<10240x64xf32, #tpu.memory_space<vmem_shared>> -> memref<10240x64xf32, #tpu.memory_space<vmem_shared>>
      tpu.wait_indirect_dma semaphore(%arg13 : memref<!tpu.dma_semaphore, #tpu.memory_space<semaphore_mem>>) src(%dma_wait3A_1036 : memref<10240x64xf32, #tpu.memory_space<vmem_shared>>) dst(%dma_wait3A_1033 : memref<128x64xf32, #tpu.memory_space<vmem>>)
      %dma_start3A_1037 = arith.constant 1 : i32
      %dma_start3A_1038 = arith.constant 0 : i32
      %dma_start3A_1039 = arith.constant 0 : i32
      %dma_start3A_1040 = tpu.memref_slice %arg11[%dma_start3A_1037, %dma_start3A_1038, %dma_start3A_1039] : memref<2x128x64xf32, #tpu.memory_space<vmem>> -> memref<1x128x64xf32, #tpu.memory_space<vmem>>
      %dma_start3A_1041 = tpu.memref_squeeze %dma_start3A_1040 : memref<1x128x64xf32, #tpu.memory_space<vmem>> -> memref<128x64xf32, #tpu.memory_space<vmem>>
      %dma_start3A_1042 = arith.constant 0 : i32
      %dma_start3A_1043 = arith.constant 0 : i32
      %dma_start3A_1044 = tpu.memref_slice %arg17[%dma_start3A_1042, %dma_start3A_1043] : memref<10240x64xf32, #tpu.memory_space<vmem_shared>> -> memref<10240x64xf32, #tpu.memory_space<vmem_shared>>
      tpu.enqueue_indirect_dma source(%dma_start3A_1041 : memref<128x64xf32, #tpu.memory_space<vmem>>) target(%dma_start3A_1044 : memref<10240x64xf32, #tpu.memory_space<vmem_shared>>) offsets(%arg10 : memref<128xi32, #tpu.memory_space<vmem>>) semaphore(%arg15 : memref<!tpu.dma_semaphore, #tpu.memory_space<semaphore_mem>>) {add = true}
      %lt3A = arith.constant 19 : i32
      %lt3A_1045 = arith.cmpi slt, %scan3A_655, %lt3A : i32
      %convert_element_type3A = arith.extui %lt3A_1045 : i1 to i32
      %cond3A = arith.constant 0 : i32
      %cond3A_1046 = arith.cmpi ne, %convert_element_type3A, %cond3A : i32
      scf.if %cond3A_1046 {
        %dma_wait3A_1051 = arith.constant 0 : i32
        %dma_wait3A_1052 = arith.constant 0 : i32
        %dma_wait3A_1053 = arith.constant 0 : i32
        %dma_wait3A_1054 = tpu.memref_slice %arg11[%dma_wait3A_1051, %dma_wait3A_1052, %dma_wait3A_1053] : memref<2x128x64xf32, #tpu.memory_space<vmem>> -> memref<1x128x64xf32, #tpu.memory_space<vmem>>
        %dma_wait3A_1055 = tpu.memref_squeeze %dma_wait3A_1054 : memref<1x128x64xf32, #tpu.memory_space<vmem>> -> memref<128x64xf32, #tpu.memory_space<vmem>>
        %dma_wait3A_1056 = arith.constant 0 : i32
        %dma_wait3A_1057 = arith.constant 0 : i32
        %dma_wait3A_1058 = tpu.memref_slice %arg17[%dma_wait3A_1056, %dma_wait3A_1057] : memref<10240x64xf32, #tpu.memory_space<vmem_shared>> -> memref<10240x64xf32, #tpu.memory_space<vmem_shared>>
        tpu.wait_indirect_dma semaphore(%arg14 : memref<!tpu.dma_semaphore, #tpu.memory_space<semaphore_mem>>) src(%dma_wait3A_1055 : memref<128x64xf32, #tpu.memory_space<vmem>>) dst(%dma_wait3A_1058 : memref<10240x64xf32, #tpu.memory_space<vmem_shared>>)
        %add3A_1059 = arith.constant 4 : i32
        %add3A_1060 = arith.addi %mul3A_657, %add3A_1059 : i32
        %get3A_1061 = arith.index_cast %add3A_1060 : i32 to index
        %get3A_1062 = arith.constant 0 : index
        %get3A_1063 = tpu.vector_load %arg6[%get3A_1061, %get3A_1062] {strides = array<i32>} : memref<80x128xi32, #tpu.memory_space<vmem>>, vector<1x16xi32>,
        %get3A_1064 = vector.shape_cast %get3A_1063 : vector<1x16xi32> to vector<16xi32>
        %shift_right_logical3A_1065 = arith.constant 16 : i32
        %shift_right_logical3A_1066 = vector.broadcast %shift_right_logical3A_1065 : i32 to vector<16xi32>
        %shift_right_logical3A_1067 = arith.shrui %get3A_1064, %shift_right_logical3A_1066 : vector<16xi32>
        %swap3A_1068 = arith.constant 0 : index
        %swap3A_1069 = tpu.vector_load %arg7[%swap3A_1068] {strides = array<i32>} : memref<128xi32, #tpu.memory_space<vmem>>, vector<16xi32>,
        %swap3A_1070 = vector.shape_cast %swap3A_1069 : vector<16xi32> to vector<16xi32>
        %swap3A_1071 = vector.shape_cast %shift_right_logical3A_1067 : vector<16xi32> to vector<16xi32>
        tpu.vector_store %arg7[%swap3A_1068], %swap3A_1071 {strides = array<i32>} : memref<128xi32, #tpu.memory_space<vmem>>, vector<16xi32>,
        %and3A_1072 = arith.constant 65535 : i32
        %and3A_1073 = vector.broadcast %and3A_1072 : i32 to vector<16xi32>
        %and3A_1074 = arith.andi %get3A_1064, %and3A_1073 : vector<16xi32>
        %swap3A_1075 = arith.constant 0 : index
        %swap3A_1076 = tpu.vector_load %arg8[%swap3A_1075] {strides = array<i32>} : memref<128xi32, #tpu.memory_space<vmem>>, vector<16xi32>,
        %swap3A_1077 = vector.shape_cast %swap3A_1076 : vector<16xi32> to vector<16xi32>
        %swap3A_1078 = vector.shape_cast %and3A_1074 : vector<16xi32> to vector<16xi32>
        tpu.vector_store %arg8[%swap3A_1075], %swap3A_1078 {strides = array<i32>} : memref<128xi32, #tpu.memory_space<vmem>>, vector<16xi32>,
        %get3A_1079 = arith.index_cast %add3A_1060 : i32 to index
        %get3A_1080 = arith.constant 16 : index
        %get3A_1081 = tpu.vector_load %arg6[%get3A_1079, %get3A_1080] {strides = array<i32>} : memref<80x128xi32, #tpu.memory_space<vmem>>, vector<1x16xi32>,
        %get3A_1082 = vector.shape_cast %get3A_1081 : vector<1x16xi32> to vector<16xi32>
        %shift_right_logical3A_1083 = arith.constant 16 : i32
        %shift_right_logical3A_1084 = vector.broadcast %shift_right_logical3A_1083 : i32 to vector<16xi32>
        %shift_right_logical3A_1085 = arith.shrui %get3A_1082, %shift_right_logical3A_1084 : vector<16xi32>
        %swap3A_1086 = arith.constant 16 : index
        %swap3A_1087 = tpu.vector_load %arg7[%swap3A_1086] {strides = array<i32>} : memref<128xi32, #tpu.memory_space<vmem>>, vector<16xi32>,
        %swap3A_1088 = vector.shape_cast %swap3A_1087 : vector<16xi32> to vector<16xi32>
        %swap3A_1089 = vector.shape_cast %shift_right_logical3A_1085 : vector<16xi32> to vector<16xi32>
        tpu.vector_store %arg7[%swap3A_1086], %swap3A_1089 {strides = array<i32>} : memref<128xi32, #tpu.memory_space<vmem>>, vector<16xi32>,
        %and3A_1090 = arith.constant 65535 : i32
        %and3A_1091 = vector.broadcast %and3A_1090 : i32 to vector<16xi32>
        %and3A_1092 = arith.andi %get3A_1082, %and3A_1091 : vector<16xi32>
        %swap3A_1093 = arith.constant 16 : index
        %swap3A_1094 = tpu.vector_load %arg8[%swap3A_1093] {strides = array<i32>} : memref<128xi32, #tpu.memory_space<vmem>>, vector<16xi32>,
        %swap3A_1095 = vector.shape_cast %swap3A_1094 : vector<16xi32> to vector<16xi32>
        %swap3A_1096 = vector.shape_cast %and3A_1092 : vector<16xi32> to vector<16xi32>
        tpu.vector_store %arg8[%swap3A_1093], %swap3A_1096 {strides = array<i32>} : memref<128xi32, #tpu.memory_space<vmem>>, vector<16xi32>,
        %get3A_1097 = arith.index_cast %add3A_1060 : i32 to index
        %get3A_1098 = arith.constant 32 : index
        %get3A_1099 = tpu.vector_load %arg6[%get3A_1097, %get3A_1098] {strides = array<i32>} : memref<80x128xi32, #tpu.memory_space<vmem>>, vector<1x16xi32>,
        %get3A_1100 = vector.shape_cast %get3A_1099 : vector<1x16xi32> to vector<16xi32>
        %shift_right_logical3A_1101 = arith.constant 16 : i32
        %shift_right_logical3A_1102 = vector.broadcast %shift_right_logical3A_1101 : i32 to vector<16xi32>
        %shift_right_logical3A_1103 = arith.shrui %get3A_1100, %shift_right_logical3A_1102 : vector<16xi32>
        %swap3A_1104 = arith.constant 32 : index
        %swap3A_1105 = tpu.vector_load %arg7[%swap3A_1104] {strides = array<i32>} : memref<128xi32, #tpu.memory_space<vmem>>, vector<16xi32>,
        %swap3A_1106 = vector.shape_cast %swap3A_1105 : vector<16xi32> to vector<16xi32>
        %swap3A_1107 = vector.shape_cast %shift_right_logical3A_1103 : vector<16xi32> to vector<16xi32>
        tpu.vector_store %arg7[%swap3A_1104], %swap3A_1107 {strides = array<i32>} : memref<128xi32, #tpu.memory_space<vmem>>, vector<16xi32>,
        %and3A_1108 = arith.constant 65535 : i32
        %and3A_1109 = vector.broadcast %and3A_1108 : i32 to vector<16xi32>
        %and3A_1110 = arith.andi %get3A_1100, %and3A_1109 : vector<16xi32>
        %swap3A_1111 = arith.constant 32 : index
        %swap3A_1112 = tpu.vector_load %arg8[%swap3A_1111] {strides = array<i32>} : memref<128xi32, #tpu.memory_space<vmem>>, vector<16xi32>,
        %swap3A_1113 = vector.shape_cast %swap3A_1112 : vector<16xi32> to vector<16xi32>
        %swap3A_1114 = vector.shape_cast %and3A_1110 : vector<16xi32> to vector<16xi32>
        tpu.vector_store %arg8[%swap3A_1111], %swap3A_1114 {strides = array<i32>} : memref<128xi32, #tpu.memory_space<vmem>>, vector<16xi32>,
        %get3A_1115 = arith.index_cast %add3A_1060 : i32 to index
        %get3A_1116 = arith.constant 48 : index
        %get3A_1117 = tpu.vector_load %arg6[%get3A_1115, %get3A_1116] {strides = array<i32>} : memref<80x128xi32, #tpu.memory_space<vmem>>, vector<1x16xi32>,
        %get3A_1118 = vector.shape_cast %get3A_1117 : vector<1x16xi32> to vector<16xi32>
        %shift_right_logical3A_1119 = arith.constant 16 : i32
        %shift_right_logical3A_1120 = vector.broadcast %shift_right_logical3A_1119 : i32 to vector<16xi32>
        %shift_right_logical3A_1121 = arith.shrui %get3A_1118, %shift_right_logical3A_1120 : vector<16xi32>
        %swap3A_1122 = arith.constant 48 : index
        %swap3A_1123 = tpu.vector_load %arg7[%swap3A_1122] {strides = array<i32>} : memref<128xi32, #tpu.memory_space<vmem>>, vector<16xi32>,
        %swap3A_1124 = vector.shape_cast %swap3A_1123 : vector<16xi32> to vector<16xi32>
        %swap3A_1125 = vector.shape_cast %shift_right_logical3A_1121 : vector<16xi32> to vector<16xi32>
        tpu.vector_store %arg7[%swap3A_1122], %swap3A_1125 {strides = array<i32>} : memref<128xi32, #tpu.memory_space<vmem>>, vector<16xi32>,
        %and3A_1126 = arith.constant 65535 : i32
        %and3A_1127 = vector.broadcast %and3A_1126 : i32 to vector<16xi32>
        %and3A_1128 = arith.andi %get3A_1118, %and3A_1127 : vector<16xi32>
        %swap3A_1129 = arith.constant 48 : index
        %swap3A_1130 = tpu.vector_load %arg8[%swap3A_1129] {strides = array<i32>} : memref<128xi32, #tpu.memory_space<vmem>>, vector<16xi32>,
        %swap3A_1131 = vector.shape_cast %swap3A_1130 : vector<16xi32> to vector<16xi32>
        %swap3A_1132 = vector.shape_cast %and3A_1128 : vector<16xi32> to vector<16xi32>
        tpu.vector_store %arg8[%swap3A_1129], %swap3A_1132 {strides = array<i32>} : memref<128xi32, #tpu.memory_space<vmem>>, vector<16xi32>,
        %get3A_1133 = arith.index_cast %add3A_1060 : i32 to index
        %get3A_1134 = arith.constant 64 : index
        %get3A_1135 = tpu.vector_load %arg6[%get3A_1133, %get3A_1134] {strides = array<i32>} : memref<80x128xi32, #tpu.memory_space<vmem>>, vector<1x16xi32>,
        %get3A_1136 = vector.shape_cast %get3A_1135 : vector<1x16xi32> to vector<16xi32>
        %shift_right_logical3A_1137 = arith.constant 16 : i32
        %shift_right_logical3A_1138 = vector.broadcast %shift_right_logical3A_1137 : i32 to vector<16xi32>
        %shift_right_logical3A_1139 = arith.shrui %get3A_1136, %shift_right_logical3A_1138 : vector<16xi32>
        %swap3A_1140 = arith.constant 64 : index
        %swap3A_1141 = tpu.vector_load %arg7[%swap3A_1140] {strides = array<i32>} : memref<128xi32, #tpu.memory_space<vmem>>, vector<16xi32>,
        %swap3A_1142 = vector.shape_cast %swap3A_1141 : vector<16xi32> to vector<16xi32>
        %swap3A_1143 = vector.shape_cast %shift_right_logical3A_1139 : vector<16xi32> to vector<16xi32>
        tpu.vector_store %arg7[%swap3A_1140], %swap3A_1143 {strides = array<i32>} : memref<128xi32, #tpu.memory_space<vmem>>, vector<16xi32>,
        %and3A_1144 = arith.constant 65535 : i32
        %and3A_1145 = vector.broadcast %and3A_1144 : i32 to vector<16xi32>
        %and3A_1146 = arith.andi %get3A_1136, %and3A_1145 : vector<16xi32>
        %swap3A_1147 = arith.constant 64 : index
        %swap3A_1148 = tpu.vector_load %arg8[%swap3A_1147] {strides = array<i32>} : memref<128xi32, #tpu.memory_space<vmem>>, vector<16xi32>,
        %swap3A_1149 = vector.shape_cast %swap3A_1148 : vector<16xi32> to vector<16xi32>
        %swap3A_1150 = vector.shape_cast %and3A_1146 : vector<16xi32> to vector<16xi32>
        tpu.vector_store %arg8[%swap3A_1147], %swap3A_1150 {strides = array<i32>} : memref<128xi32, #tpu.memory_space<vmem>>, vector<16xi32>,
        %get3A_1151 = arith.index_cast %add3A_1060 : i32 to index
        %get3A_1152 = arith.constant 80 : index
        %get3A_1153 = tpu.vector_load %arg6[%get3A_1151, %get3A_1152] {strides = array<i32>} : memref<80x128xi32, #tpu.memory_space<vmem>>, vector<1x16xi32>,
        %get3A_1154 = vector.shape_cast %get3A_1153 : vector<1x16xi32> to vector<16xi32>
        %shift_right_logical3A_1155 = arith.constant 16 : i32
        %shift_right_logical3A_1156 = vector.broadcast %shift_right_logical3A_1155 : i32 to vector<16xi32>
        %shift_right_logical3A_1157 = arith.shrui %get3A_1154, %shift_right_logical3A_1156 : vector<16xi32>
        %swap3A_1158 = arith.constant 80 : index
        %swap3A_1159 = tpu.vector_load %arg7[%swap3A_1158] {strides = array<i32>} : memref<128xi32, #tpu.memory_space<vmem>>, vector<16xi32>,
        %swap3A_1160 = vector.shape_cast %swap3A_1159 : vector<16xi32> to vector<16xi32>
        %swap3A_1161 = vector.shape_cast %shift_right_logical3A_1157 : vector<16xi32> to vector<16xi32>
        tpu.vector_store %arg7[%swap3A_1158], %swap3A_1161 {strides = array<i32>} : memref<128xi32, #tpu.memory_space<vmem>>, vector<16xi32>,
        %and3A_1162 = arith.constant 65535 : i32
        %and3A_1163 = vector.broadcast %and3A_1162 : i32 to vector<16xi32>
        %and3A_1164 = arith.andi %get3A_1154, %and3A_1163 : vector<16xi32>
        %swap3A_1165 = arith.constant 80 : index
        %swap3A_1166 = tpu.vector_load %arg8[%swap3A_1165] {strides = array<i32>} : memref<128xi32, #tpu.memory_space<vmem>>, vector<16xi32>,
        %swap3A_1167 = vector.shape_cast %swap3A_1166 : vector<16xi32> to vector<16xi32>
        %swap3A_1168 = vector.shape_cast %and3A_1164 : vector<16xi32> to vector<16xi32>
        tpu.vector_store %arg8[%swap3A_1165], %swap3A_1168 {strides = array<i32>} : memref<128xi32, #tpu.memory_space<vmem>>, vector<16xi32>,
        %get3A_1169 = arith.index_cast %add3A_1060 : i32 to index
        %get3A_1170 = arith.constant 96 : index
        %get3A_1171 = tpu.vector_load %arg6[%get3A_1169, %get3A_1170] {strides = array<i32>} : memref<80x128xi32, #tpu.memory_space<vmem>>, vector<1x16xi32>,
        %get3A_1172 = vector.shape_cast %get3A_1171 : vector<1x16xi32> to vector<16xi32>
        %shift_right_logical3A_1173 = arith.constant 16 : i32
        %shift_right_logical3A_1174 = vector.broadcast %shift_right_logical3A_1173 : i32 to vector<16xi32>
        %shift_right_logical3A_1175 = arith.shrui %get3A_1172, %shift_right_logical3A_1174 : vector<16xi32>
        %swap3A_1176 = arith.constant 96 : index
        %swap3A_1177 = tpu.vector_load %arg7[%swap3A_1176] {strides = array<i32>} : memref<128xi32, #tpu.memory_space<vmem>>, vector<16xi32>,
        %swap3A_1178 = vector.shape_cast %swap3A_1177 : vector<16xi32> to vector<16xi32>
        %swap3A_1179 = vector.shape_cast %shift_right_logical3A_1175 : vector<16xi32> to vector<16xi32>
        tpu.vector_store %arg7[%swap3A_1176], %swap3A_1179 {strides = array<i32>} : memref<128xi32, #tpu.memory_space<vmem>>, vector<16xi32>,
        %and3A_1180 = arith.constant 65535 : i32
        %and3A_1181 = vector.broadcast %and3A_1180 : i32 to vector<16xi32>
        %and3A_1182 = arith.andi %get3A_1172, %and3A_1181 : vector<16xi32>
        %swap3A_1183 = arith.constant 96 : index
        %swap3A_1184 = tpu.vector_load %arg8[%swap3A_1183] {strides = array<i32>} : memref<128xi32, #tpu.memory_space<vmem>>, vector<16xi32>,
        %swap3A_1185 = vector.shape_cast %swap3A_1184 : vector<16xi32> to vector<16xi32>
        %swap3A_1186 = vector.shape_cast %and3A_1182 : vector<16xi32> to vector<16xi32>
        tpu.vector_store %arg8[%swap3A_1183], %swap3A_1186 {strides = array<i32>} : memref<128xi32, #tpu.memory_space<vmem>>, vector<16xi32>,
        %get3A_1187 = arith.index_cast %add3A_1060 : i32 to index
        %get3A_1188 = arith.constant 112 : index
        %get3A_1189 = tpu.vector_load %arg6[%get3A_1187, %get3A_1188] {strides = array<i32>} : memref<80x128xi32, #tpu.memory_space<vmem>>, vector<1x16xi32>,
        %get3A_1190 = vector.shape_cast %get3A_1189 : vector<1x16xi32> to vector<16xi32>
        %shift_right_logical3A_1191 = arith.constant 16 : i32
        %shift_right_logical3A_1192 = vector.broadcast %shift_right_logical3A_1191 : i32 to vector<16xi32>
        %shift_right_logical3A_1193 = arith.shrui %get3A_1190, %shift_right_logical3A_1192 : vector<16xi32>
        %swap3A_1194 = arith.constant 112 : index
        %swap3A_1195 = tpu.vector_load %arg7[%swap3A_1194] {strides = array<i32>} : memref<128xi32, #tpu.memory_space<vmem>>, vector<16xi32>,
        %swap3A_1196 = vector.shape_cast %swap3A_1195 : vector<16xi32> to vector<16xi32>
        %swap3A_1197 = vector.shape_cast %shift_right_logical3A_1193 : vector<16xi32> to vector<16xi32>
        tpu.vector_store %arg7[%swap3A_1194], %swap3A_1197 {strides = array<i32>} : memref<128xi32, #tpu.memory_space<vmem>>, vector<16xi32>,
        %and3A_1198 = arith.constant 65535 : i32
        %and3A_1199 = vector.broadcast %and3A_1198 : i32 to vector<16xi32>
        %and3A_1200 = arith.andi %get3A_1190, %and3A_1199 : vector<16xi32>
        %swap3A_1201 = arith.constant 112 : index
        %swap3A_1202 = tpu.vector_load %arg8[%swap3A_1201] {strides = array<i32>} : memref<128xi32, #tpu.memory_space<vmem>>, vector<16xi32>,
        %swap3A_1203 = vector.shape_cast %swap3A_1202 : vector<16xi32> to vector<16xi32>
        %swap3A_1204 = vector.shape_cast %and3A_1200 : vector<16xi32> to vector<16xi32>
        tpu.vector_store %arg8[%swap3A_1201], %swap3A_1204 {strides = array<i32>} : memref<128xi32, #tpu.memory_space<vmem>>, vector<16xi32>,
        %dma_start3A_1205 = arith.constant 0 : i32
        %dma_start3A_1206 = arith.constant 0 : i32
        %dma_start3A_1207 = arith.constant 0 : i32
        %dma_start3A_1208 = tpu.memref_slice %arg11[%dma_start3A_1205, %dma_start3A_1206, %dma_start3A_1207] : memref<2x128x64xf32, #tpu.memory_space<vmem>> -> memref<1x128x64xf32, #tpu.memory_space<vmem>>
        %dma_start3A_1209 = tpu.memref_squeeze %dma_start3A_1208 : memref<1x128x64xf32, #tpu.memory_space<vmem>> -> memref<128x64xf32, #tpu.memory_space<vmem>>
        %dma_start3A_1210 = arith.constant 0 : i32
        %dma_start3A_1211 = arith.constant 0 : i32
        %dma_start3A_1212 = tpu.memref_slice %arg16[%dma_start3A_1210, %dma_start3A_1211] : memref<10240x64xf32, #tpu.memory_space<vmem_shared>> -> memref<10240x64xf32, #tpu.memory_space<vmem_shared>>
        tpu.enqueue_indirect_dma source(%dma_start3A_1212 : memref<10240x64xf32, #tpu.memory_space<vmem_shared>>) target(%dma_start3A_1209 : memref<128x64xf32, #tpu.memory_space<vmem>>) offsets(%arg7 : memref<128xi32, #tpu.memory_space<vmem>>) semaphore(%arg12 : memref<!tpu.dma_semaphore, #tpu.memory_space<semaphore_mem>>)
        %dma_wait3A_1213 = arith.constant 1 : i32
        %dma_wait3A_1214 = arith.constant 0 : i32
        %dma_wait3A_1215 = arith.constant 0 : i32
        %dma_wait3A_1216 = tpu.memref_slice %arg11[%dma_wait3A_1213, %dma_wait3A_1214, %dma_wait3A_1215] : memref<2x128x64xf32, #tpu.memory_space<vmem>> -> memref<1x128x64xf32, #tpu.memory_space<vmem>>
        %dma_wait3A_1217 = tpu.memref_squeeze %dma_wait3A_1216 : memref<1x128x64xf32, #tpu.memory_space<vmem>> -> memref<128x64xf32, #tpu.memory_space<vmem>>
        %dma_wait3A_1218 = arith.constant 0 : i32
        %dma_wait3A_1219 = arith.constant 0 : i32
        %dma_wait3A_1220 = tpu.memref_slice %arg17[%dma_wait3A_1218, %dma_wait3A_1219] : memref<10240x64xf32, #tpu.memory_space<vmem_shared>> -> memref<10240x64xf32, #tpu.memory_space<vmem_shared>>
        tpu.wait_indirect_dma semaphore(%arg15 : memref<!tpu.dma_semaphore, #tpu.memory_space<semaphore_mem>>) src(%dma_wait3A_1217 : memref<128x64xf32, #tpu.memory_space<vmem>>) dst(%dma_wait3A_1220 : memref<10240x64xf32, #tpu.memory_space<vmem_shared>>)
        %add3A_1221 = arith.constant 5 : i32
        %add3A_1222 = arith.addi %mul3A_657, %add3A_1221 : i32
        %get3A_1223 = arith.index_cast %add3A_1222 : i32 to index
        %get3A_1224 = arith.constant 0 : index
        %get3A_1225 = tpu.vector_load %arg6[%get3A_1223, %get3A_1224] {strides = array<i32>} : memref<80x128xi32, #tpu.memory_space<vmem>>, vector<1x16xi32>,
        %get3A_1226 = vector.shape_cast %get3A_1225 : vector<1x16xi32> to vector<16xi32>
        %shift_right_logical3A_1227 = arith.constant 16 : i32
        %shift_right_logical3A_1228 = vector.broadcast %shift_right_logical3A_1227 : i32 to vector<16xi32>
        %shift_right_logical3A_1229 = arith.shrui %get3A_1226, %shift_right_logical3A_1228 : vector<16xi32>
        %swap3A_1230 = arith.constant 0 : index
        %swap3A_1231 = tpu.vector_load %arg9[%swap3A_1230] {strides = array<i32>} : memref<128xi32, #tpu.memory_space<vmem>>, vector<16xi32>,
        %swap3A_1232 = vector.shape_cast %swap3A_1231 : vector<16xi32> to vector<16xi32>
        %swap3A_1233 = vector.shape_cast %shift_right_logical3A_1229 : vector<16xi32> to vector<16xi32>
        tpu.vector_store %arg9[%swap3A_1230], %swap3A_1233 {strides = array<i32>} : memref<128xi32, #tpu.memory_space<vmem>>, vector<16xi32>,
        %and3A_1234 = arith.constant 65535 : i32
        %and3A_1235 = vector.broadcast %and3A_1234 : i32 to vector<16xi32>
        %and3A_1236 = arith.andi %get3A_1226, %and3A_1235 : vector<16xi32>
        %swap3A_1237 = arith.constant 0 : index
        %swap3A_1238 = tpu.vector_load %arg10[%swap3A_1237] {strides = array<i32>} : memref<128xi32, #tpu.memory_space<vmem>>, vector<16xi32>,
        %swap3A_1239 = vector.shape_cast %swap3A_1238 : vector<16xi32> to vector<16xi32>
        %swap3A_1240 = vector.shape_cast %and3A_1236 : vector<16xi32> to vector<16xi32>
        tpu.vector_store %arg10[%swap3A_1237], %swap3A_1240 {strides = array<i32>} : memref<128xi32, #tpu.memory_space<vmem>>, vector<16xi32>,
        %get3A_1241 = arith.index_cast %add3A_1222 : i32 to index
        %get3A_1242 = arith.constant 16 : index
        %get3A_1243 = tpu.vector_load %arg6[%get3A_1241, %get3A_1242] {strides = array<i32>} : memref<80x128xi32, #tpu.memory_space<vmem>>, vector<1x16xi32>,
        %get3A_1244 = vector.shape_cast %get3A_1243 : vector<1x16xi32> to vector<16xi32>
        %shift_right_logical3A_1245 = arith.constant 16 : i32
        %shift_right_logical3A_1246 = vector.broadcast %shift_right_logical3A_1245 : i32 to vector<16xi32>
        %shift_right_logical3A_1247 = arith.shrui %get3A_1244, %shift_right_logical3A_1246 : vector<16xi32>
        %swap3A_1248 = arith.constant 16 : index
        %swap3A_1249 = tpu.vector_load %arg9[%swap3A_1248] {strides = array<i32>} : memref<128xi32, #tpu.memory_space<vmem>>, vector<16xi32>,
        %swap3A_1250 = vector.shape_cast %swap3A_1249 : vector<16xi32> to vector<16xi32>
        %swap3A_1251 = vector.shape_cast %shift_right_logical3A_1247 : vector<16xi32> to vector<16xi32>
        tpu.vector_store %arg9[%swap3A_1248], %swap3A_1251 {strides = array<i32>} : memref<128xi32, #tpu.memory_space<vmem>>, vector<16xi32>,
        %and3A_1252 = arith.constant 65535 : i32
        %and3A_1253 = vector.broadcast %and3A_1252 : i32 to vector<16xi32>
        %and3A_1254 = arith.andi %get3A_1244, %and3A_1253 : vector<16xi32>
        %swap3A_1255 = arith.constant 16 : index
        %swap3A_1256 = tpu.vector_load %arg10[%swap3A_1255] {strides = array<i32>} : memref<128xi32, #tpu.memory_space<vmem>>, vector<16xi32>,
        %swap3A_1257 = vector.shape_cast %swap3A_1256 : vector<16xi32> to vector<16xi32>
        %swap3A_1258 = vector.shape_cast %and3A_1254 : vector<16xi32> to vector<16xi32>
        tpu.vector_store %arg10[%swap3A_1255], %swap3A_1258 {strides = array<i32>} : memref<128xi32, #tpu.memory_space<vmem>>, vector<16xi32>,
        %get3A_1259 = arith.index_cast %add3A_1222 : i32 to index
        %get3A_1260 = arith.constant 32 : index
        %get3A_1261 = tpu.vector_load %arg6[%get3A_1259, %get3A_1260] {strides = array<i32>} : memref<80x128xi32, #tpu.memory_space<vmem>>, vector<1x16xi32>,
        %get3A_1262 = vector.shape_cast %get3A_1261 : vector<1x16xi32> to vector<16xi32>
        %shift_right_logical3A_1263 = arith.constant 16 : i32
        %shift_right_logical3A_1264 = vector.broadcast %shift_right_logical3A_1263 : i32 to vector<16xi32>
        %shift_right_logical3A_1265 = arith.shrui %get3A_1262, %shift_right_logical3A_1264 : vector<16xi32>
        %swap3A_1266 = arith.constant 32 : index
        %swap3A_1267 = tpu.vector_load %arg9[%swap3A_1266] {strides = array<i32>} : memref<128xi32, #tpu.memory_space<vmem>>, vector<16xi32>,
        %swap3A_1268 = vector.shape_cast %swap3A_1267 : vector<16xi32> to vector<16xi32>
        %swap3A_1269 = vector.shape_cast %shift_right_logical3A_1265 : vector<16xi32> to vector<16xi32>
        tpu.vector_store %arg9[%swap3A_1266], %swap3A_1269 {strides = array<i32>} : memref<128xi32, #tpu.memory_space<vmem>>, vector<16xi32>,
        %and3A_1270 = arith.constant 65535 : i32
        %and3A_1271 = vector.broadcast %and3A_1270 : i32 to vector<16xi32>
        %and3A_1272 = arith.andi %get3A_1262, %and3A_1271 : vector<16xi32>
        %swap3A_1273 = arith.constant 32 : index
        %swap3A_1274 = tpu.vector_load %arg10[%swap3A_1273] {strides = array<i32>} : memref<128xi32, #tpu.memory_space<vmem>>, vector<16xi32>,
        %swap3A_1275 = vector.shape_cast %swap3A_1274 : vector<16xi32> to vector<16xi32>
        %swap3A_1276 = vector.shape_cast %and3A_1272 : vector<16xi32> to vector<16xi32>
        tpu.vector_store %arg10[%swap3A_1273], %swap3A_1276 {strides = array<i32>} : memref<128xi32, #tpu.memory_space<vmem>>, vector<16xi32>,
        %get3A_1277 = arith.index_cast %add3A_1222 : i32 to index
        %get3A_1278 = arith.constant 48 : index
        %get3A_1279 = tpu.vector_load %arg6[%get3A_1277, %get3A_1278] {strides = array<i32>} : memref<80x128xi32, #tpu.memory_space<vmem>>, vector<1x16xi32>,
        %get3A_1280 = vector.shape_cast %get3A_1279 : vector<1x16xi32> to vector<16xi32>
        %shift_right_logical3A_1281 = arith.constant 16 : i32
        %shift_right_logical3A_1282 = vector.broadcast %shift_right_logical3A_1281 : i32 to vector<16xi32>
        %shift_right_logical3A_1283 = arith.shrui %get3A_1280, %shift_right_logical3A_1282 : vector<16xi32>
        %swap3A_1284 = arith.constant 48 : index
        %swap3A_1285 = tpu.vector_load %arg9[%swap3A_1284] {strides = array<i32>} : memref<128xi32, #tpu.memory_space<vmem>>, vector<16xi32>,
        %swap3A_1286 = vector.shape_cast %swap3A_1285 : vector<16xi32> to vector<16xi32>
        %swap3A_1287 = vector.shape_cast %shift_right_logical3A_1283 : vector<16xi32> to vector<16xi32>
        tpu.vector_store %arg9[%swap3A_1284], %swap3A_1287 {strides = array<i32>} : memref<128xi32, #tpu.memory_space<vmem>>, vector<16xi32>,
        %and3A_1288 = arith.constant 65535 : i32
        %and3A_1289 = vector.broadcast %and3A_1288 : i32 to vector<16xi32>
        %and3A_1290 = arith.andi %get3A_1280, %and3A_1289 : vector<16xi32>
        %swap3A_1291 = arith.constant 48 : index
        %swap3A_1292 = tpu.vector_load %arg10[%swap3A_1291] {strides = array<i32>} : memref<128xi32, #tpu.memory_space<vmem>>, vector<16xi32>,
        %swap3A_1293 = vector.shape_cast %swap3A_1292 : vector<16xi32> to vector<16xi32>
        %swap3A_1294 = vector.shape_cast %and3A_1290 : vector<16xi32> to vector<16xi32>
        tpu.vector_store %arg10[%swap3A_1291], %swap3A_1294 {strides = array<i32>} : memref<128xi32, #tpu.memory_space<vmem>>, vector<16xi32>,
        %get3A_1295 = arith.index_cast %add3A_1222 : i32 to index
        %get3A_1296 = arith.constant 64 : index
        %get3A_1297 = tpu.vector_load %arg6[%get3A_1295, %get3A_1296] {strides = array<i32>} : memref<80x128xi32, #tpu.memory_space<vmem>>, vector<1x16xi32>,
        %get3A_1298 = vector.shape_cast %get3A_1297 : vector<1x16xi32> to vector<16xi32>
        %shift_right_logical3A_1299 = arith.constant 16 : i32
        %shift_right_logical3A_1300 = vector.broadcast %shift_right_logical3A_1299 : i32 to vector<16xi32>
        %shift_right_logical3A_1301 = arith.shrui %get3A_1298, %shift_right_logical3A_1300 : vector<16xi32>
        %swap3A_1302 = arith.constant 64 : index
        %swap3A_1303 = tpu.vector_load %arg9[%swap3A_1302] {strides = array<i32>} : memref<128xi32, #tpu.memory_space<vmem>>, vector<16xi32>,
        %swap3A_1304 = vector.shape_cast %swap3A_1303 : vector<16xi32> to vector<16xi32>
        %swap3A_1305 = vector.shape_cast %shift_right_logical3A_1301 : vector<16xi32> to vector<16xi32>
        tpu.vector_store %arg9[%swap3A_1302], %swap3A_1305 {strides = array<i32>} : memref<128xi32, #tpu.memory_space<vmem>>, vector<16xi32>,
        %and3A_1306 = arith.constant 65535 : i32
        %and3A_1307 = vector.broadcast %and3A_1306 : i32 to vector<16xi32>
        %and3A_1308 = arith.andi %get3A_1298, %and3A_1307 : vector<16xi32>
        %swap3A_1309 = arith.constant 64 : index
        %swap3A_1310 = tpu.vector_load %arg10[%swap3A_1309] {strides = array<i32>} : memref<128xi32, #tpu.memory_space<vmem>>, vector<16xi32>,
        %swap3A_1311 = vector.shape_cast %swap3A_1310 : vector<16xi32> to vector<16xi32>
        %swap3A_1312 = vector.shape_cast %and3A_1308 : vector<16xi32> to vector<16xi32>
        tpu.vector_store %arg10[%swap3A_1309], %swap3A_1312 {strides = array<i32>} : memref<128xi32, #tpu.memory_space<vmem>>, vector<16xi32>,
        %get3A_1313 = arith.index_cast %add3A_1222 : i32 to index
        %get3A_1314 = arith.constant 80 : index
        %get3A_1315 = tpu.vector_load %arg6[%get3A_1313, %get3A_1314] {strides = array<i32>} : memref<80x128xi32, #tpu.memory_space<vmem>>, vector<1x16xi32>,
        %get3A_1316 = vector.shape_cast %get3A_1315 : vector<1x16xi32> to vector<16xi32>
        %shift_right_logical3A_1317 = arith.constant 16 : i32
        %shift_right_logical3A_1318 = vector.broadcast %shift_right_logical3A_1317 : i32 to vector<16xi32>
        %shift_right_logical3A_1319 = arith.shrui %get3A_1316, %shift_right_logical3A_1318 : vector<16xi32>
        %swap3A_1320 = arith.constant 80 : index
        %swap3A_1321 = tpu.vector_load %arg9[%swap3A_1320] {strides = array<i32>} : memref<128xi32, #tpu.memory_space<vmem>>, vector<16xi32>,
        %swap3A_1322 = vector.shape_cast %swap3A_1321 : vector<16xi32> to vector<16xi32>
        %swap3A_1323 = vector.shape_cast %shift_right_logical3A_1319 : vector<16xi32> to vector<16xi32>
        tpu.vector_store %arg9[%swap3A_1320], %swap3A_1323 {strides = array<i32>} : memref<128xi32, #tpu.memory_space<vmem>>, vector<16xi32>,
        %and3A_1324 = arith.constant 65535 : i32
        %and3A_1325 = vector.broadcast %and3A_1324 : i32 to vector<16xi32>
        %and3A_1326 = arith.andi %get3A_1316, %and3A_1325 : vector<16xi32>
        %swap3A_1327 = arith.constant 80 : index
        %swap3A_1328 = tpu.vector_load %arg10[%swap3A_1327] {strides = array<i32>} : memref<128xi32, #tpu.memory_space<vmem>>, vector<16xi32>,
        %swap3A_1329 = vector.shape_cast %swap3A_1328 : vector<16xi32> to vector<16xi32>
        %swap3A_1330 = vector.shape_cast %and3A_1326 : vector<16xi32> to vector<16xi32>
        tpu.vector_store %arg10[%swap3A_1327], %swap3A_1330 {strides = array<i32>} : memref<128xi32, #tpu.memory_space<vmem>>, vector<16xi32>,
        %get3A_1331 = arith.index_cast %add3A_1222 : i32 to index
        %get3A_1332 = arith.constant 96 : index
        %get3A_1333 = tpu.vector_load %arg6[%get3A_1331, %get3A_1332] {strides = array<i32>} : memref<80x128xi32, #tpu.memory_space<vmem>>, vector<1x16xi32>,
        %get3A_1334 = vector.shape_cast %get3A_1333 : vector<1x16xi32> to vector<16xi32>
        %shift_right_logical3A_1335 = arith.constant 16 : i32
        %shift_right_logical3A_1336 = vector.broadcast %shift_right_logical3A_1335 : i32 to vector<16xi32>
        %shift_right_logical3A_1337 = arith.shrui %get3A_1334, %shift_right_logical3A_1336 : vector<16xi32>
        %swap3A_1338 = arith.constant 96 : index
        %swap3A_1339 = tpu.vector_load %arg9[%swap3A_1338] {strides = array<i32>} : memref<128xi32, #tpu.memory_space<vmem>>, vector<16xi32>,
        %swap3A_1340 = vector.shape_cast %swap3A_1339 : vector<16xi32> to vector<16xi32>
        %swap3A_1341 = vector.shape_cast %shift_right_logical3A_1337 : vector<16xi32> to vector<16xi32>
        tpu.vector_store %arg9[%swap3A_1338], %swap3A_1341 {strides = array<i32>} : memref<128xi32, #tpu.memory_space<vmem>>, vector<16xi32>,
        %and3A_1342 = arith.constant 65535 : i32
        %and3A_1343 = vector.broadcast %and3A_1342 : i32 to vector<16xi32>
        %and3A_1344 = arith.andi %get3A_1334, %and3A_1343 : vector<16xi32>
        %swap3A_1345 = arith.constant 96 : index
        %swap3A_1346 = tpu.vector_load %arg10[%swap3A_1345] {strides = array<i32>} : memref<128xi32, #tpu.memory_space<vmem>>, vector<16xi32>,
        %swap3A_1347 = vector.shape_cast %swap3A_1346 : vector<16xi32> to vector<16xi32>
        %swap3A_1348 = vector.shape_cast %and3A_1344 : vector<16xi32> to vector<16xi32>
        tpu.vector_store %arg10[%swap3A_1345], %swap3A_1348 {strides = array<i32>} : memref<128xi32, #tpu.memory_space<vmem>>, vector<16xi32>,
        %get3A_1349 = arith.index_cast %add3A_1222 : i32 to index
        %get3A_1350 = arith.constant 112 : index
        %get3A_1351 = tpu.vector_load %arg6[%get3A_1349, %get3A_1350] {strides = array<i32>} : memref<80x128xi32, #tpu.memory_space<vmem>>, vector<1x16xi32>,
        %get3A_1352 = vector.shape_cast %get3A_1351 : vector<1x16xi32> to vector<16xi32>
        %shift_right_logical3A_1353 = arith.constant 16 : i32
        %shift_right_logical3A_1354 = vector.broadcast %shift_right_logical3A_1353 : i32 to vector<16xi32>
        %shift_right_logical3A_1355 = arith.shrui %get3A_1352, %shift_right_logical3A_1354 : vector<16xi32>
        %swap3A_1356 = arith.constant 112 : index
        %swap3A_1357 = tpu.vector_load %arg9[%swap3A_1356] {strides = array<i32>} : memref<128xi32, #tpu.memory_space<vmem>>, vector<16xi32>,
        %swap3A_1358 = vector.shape_cast %swap3A_1357 : vector<16xi32> to vector<16xi32>
        %swap3A_1359 = vector.shape_cast %shift_right_logical3A_1355 : vector<16xi32> to vector<16xi32>
        tpu.vector_store %arg9[%swap3A_1356], %swap3A_1359 {strides = array<i32>} : memref<128xi32, #tpu.memory_space<vmem>>, vector<16xi32>,
        %and3A_1360 = arith.constant 65535 : i32
        %and3A_1361 = vector.broadcast %and3A_1360 : i32 to vector<16xi32>
        %and3A_1362 = arith.andi %get3A_1352, %and3A_1361 : vector<16xi32>
        %swap3A_1363 = arith.constant 112 : index
        %swap3A_1364 = tpu.vector_load %arg10[%swap3A_1363] {strides = array<i32>} : memref<128xi32, #tpu.memory_space<vmem>>, vector<16xi32>,
        %swap3A_1365 = vector.shape_cast %swap3A_1364 : vector<16xi32> to vector<16xi32>
        %swap3A_1366 = vector.shape_cast %and3A_1362 : vector<16xi32> to vector<16xi32>
        tpu.vector_store %arg10[%swap3A_1363], %swap3A_1366 {strides = array<i32>} : memref<128xi32, #tpu.memory_space<vmem>>, vector<16xi32>,
        %dma_start3A_1367 = arith.constant 1 : i32
        %dma_start3A_1368 = arith.constant 0 : i32
        %dma_start3A_1369 = arith.constant 0 : i32
        %dma_start3A_1370 = tpu.memref_slice %arg11[%dma_start3A_1367, %dma_start3A_1368, %dma_start3A_1369] : memref<2x128x64xf32, #tpu.memory_space<vmem>> -> memref<1x128x64xf32, #tpu.memory_space<vmem>>
        %dma_start3A_1371 = tpu.memref_squeeze %dma_start3A_1370 : memref<1x128x64xf32, #tpu.memory_space<vmem>> -> memref<128x64xf32, #tpu.memory_space<vmem>>
        %dma_start3A_1372 = arith.constant 0 : i32
        %dma_start3A_1373 = arith.constant 0 : i32
        %dma_start3A_1374 = tpu.memref_slice %arg16[%dma_start3A_1372, %dma_start3A_1373] : memref<10240x64xf32, #tpu.memory_space<vmem_shared>> -> memref<10240x64xf32, #tpu.memory_space<vmem_shared>>
        tpu.enqueue_indirect_dma source(%dma_start3A_1374 : memref<10240x64xf32, #tpu.memory_space<vmem_shared>>) target(%dma_start3A_1371 : memref<128x64xf32, #tpu.memory_space<vmem>>) offsets(%arg9 : memref<128xi32, #tpu.memory_space<vmem>>) semaphore(%arg13 : memref<!tpu.dma_semaphore, #tpu.memory_space<semaphore_mem>>)
      } else {
      }
      %eq3A = arith.constant 19 : i32
      %eq3A_1047 = arith.cmpi eq, %scan3A_655, %eq3A : i32
      %convert_element_type3A_1048 = arith.extui %eq3A_1047 : i1 to i32
      %cond3A_1049 = arith.constant 0 : i32
      %cond3A_1050 = arith.cmpi ne, %convert_element_type3A_1048, %cond3A_1049 : i32
      scf.if %cond3A_1050 {
        %dma_wait3A_1051 = arith.constant 0 : i32
        %dma_wait3A_1052 = arith.constant 0 : i32
        %dma_wait3A_1053 = arith.constant 0 : i32
        %dma_wait3A_1054 = tpu.memref_slice %arg11[%dma_wait3A_1051, %dma_wait3A_1052, %dma_wait3A_1053] : memref<2x128x64xf32, #tpu.memory_space<vmem>> -> memref<1x128x64xf32, #tpu.memory_space<vmem>>
        %dma_wait3A_1055 = tpu.memref_squeeze %dma_wait3A_1054 : memref<1x128x64xf32, #tpu.memory_space<vmem>> -> memref<128x64xf32, #tpu.memory_space<vmem>>
        %dma_wait3A_1056 = arith.constant 0 : i32
        %dma_wait3A_1057 = arith.constant 0 : i32
        %dma_wait3A_1058 = tpu.memref_slice %arg17[%dma_wait3A_1056, %dma_wait3A_1057] : memref<10240x64xf32, #tpu.memory_space<vmem_shared>> -> memref<10240x64xf32, #tpu.memory_space<vmem_shared>>
        tpu.wait_indirect_dma semaphore(%arg14 : memref<!tpu.dma_semaphore, #tpu.memory_space<semaphore_mem>>) src(%dma_wait3A_1055 : memref<128x64xf32, #tpu.memory_space<vmem>>) dst(%dma_wait3A_1058 : memref<10240x64xf32, #tpu.memory_space<vmem_shared>>)
        %dma_wait3A_1059 = arith.constant 1 : i32
        %dma_wait3A_1060 = arith.constant 0 : i32
        %dma_wait3A_1061 = arith.constant 0 : i32
        %dma_wait3A_1062 = tpu.memref_slice %arg11[%dma_wait3A_1059, %dma_wait3A_1060, %dma_wait3A_1061] : memref<2x128x64xf32, #tpu.memory_space<vmem>> -> memref<1x128x64xf32, #tpu.memory_space<vmem>>
        %dma_wait3A_1063 = tpu.memref_squeeze %dma_wait3A_1062 : memref<1x128x64xf32, #tpu.memory_space<vmem>> -> memref<128x64xf32, #tpu.memory_space<vmem>>
        %dma_wait3A_1064 = arith.constant 0 : i32
        %dma_wait3A_1065 = arith.constant 0 : i32
        %dma_wait3A_1066 = tpu.memref_slice %arg17[%dma_wait3A_1064, %dma_wait3A_1065] : memref<10240x64xf32, #tpu.memory_space<vmem_shared>> -> memref<10240x64xf32, #tpu.memory_space<vmem_shared>>
        tpu.wait_indirect_dma semaphore(%arg15 : memref<!tpu.dma_semaphore, #tpu.memory_space<semaphore_mem>>) src(%dma_wait3A_1063 : memref<128x64xf32, #tpu.memory_space<vmem>>) dst(%dma_wait3A_1066 : memref<10240x64xf32, #tpu.memory_space<vmem_shared>>)
      } else {
      }
    }
    %scan3A_652 = arith.constant 20 : i32
    %barrier3A_653 = arith.constant 0 : index
    tpu.barrier barrier_id(%barrier3A_653)
    %run_scoped3A_654 = arith.constant 1 : i32
    "tpu.region"() ({
      %run_scoped3A_655 = tpu.sem_alloc : memref<!tpu.dma_semaphore, #tpu.memory_space<semaphore_mem>>
      %dma_start3A_656 = arith.constant 0 : i32
      %dma_start3A_657 = tpu.memref_slice %arg5[%run_scoped3A_654, %arg0, %mul3A_2, %dma_start3A_656] : memref<2x2x10240x64xf32, #tpu.memory_space<hbm>> -> memref<1x1x640x64xf32, #tpu.memory_space<hbm>>
      %dma_start3A_658 = tpu.memref_squeeze %dma_start3A_657 : memref<1x1x640x64xf32, #tpu.memory_space<hbm>> -> memref<640x64xf32, #tpu.memory_space<hbm>>
      %dma_start3A_659 = arith.constant 0 : i32
      %dma_start3A_660 = tpu.memref_slice %arg17[%mul3A_2, %dma_start3A_659] : memref<10240x64xf32, #tpu.memory_space<vmem_shared>> -> memref<640x64xf32, #tpu.memory_space<vmem_shared>>
      tpu.enqueue_dma source(%dma_start3A_660 : memref<640x64xf32, #tpu.memory_space<vmem_shared>>) target(%dma_start3A_658 : memref<640x64xf32, #tpu.memory_space<hbm>>) target_semaphore(%run_scoped3A_655 : memref<!tpu.dma_semaphore, #tpu.memory_space<semaphore_mem>>)
      %dma_wait3A = arith.constant 0 : i32
      %dma_wait3A_661 = tpu.memref_slice %arg5[%run_scoped3A_654, %arg0, %mul3A_2, %dma_wait3A] : memref<2x2x10240x64xf32, #tpu.memory_space<hbm>> -> memref<1x1x640x64xf32, #tpu.memory_space<hbm>>
      %dma_wait3A_662 = tpu.memref_squeeze %dma_wait3A_661 : memref<1x1x640x64xf32, #tpu.memory_space<hbm>> -> memref<640x64xf32, #tpu.memory_space<hbm>>
      %dma_wait3A_663 = arith.constant 0 : i32
      %dma_wait3A_664 = tpu.memref_slice %arg17[%mul3A_2, %dma_wait3A_663] : memref<10240x64xf32, #tpu.memory_space<vmem_shared>> -> memref<640x64xf32, #tpu.memory_space<vmem_shared>>
      tpu.wait_dma2 semaphore(%run_scoped3A_655 : memref<!tpu.dma_semaphore, #tpu.memory_space<semaphore_mem>>) src(%dma_wait3A_664 : memref<640x64xf32, #tpu.memory_space<vmem_shared>>) dst(%dma_wait3A_662 : memref<640x64xf32, #tpu.memory_space<hbm>>)
      tpu.yield
    }) : () -> ()
    return
  }
}

module attributes {stable_mosaic.version = 14 : i64} {
  func.func @_tc_scale_body(%arg0: i32, %arg1: memref<1x2x1000x8xf32, #tpu.memory_space<vmem>>, %arg2: memref<1000x128xf32, #tpu.memory_space<vmem>>, %arg3: memref<1000x1xf32, #tpu.memory_space<vmem>>, %arg4: memref<2x1000x64xf32, #tpu.memory_space<vmem>>) attributes {dimension_semantics = [#tpu.dimension_semantics<arbitrary>], iteration_bounds = array<i64: 10>, scalar_prefetch = 0 : i64, scratch_operands = 0 : i64, tpu.core_type = #tpu.core_type<tc>, window_params = [{transform_indices = @transform_0, window_bounds = array<i64: 1, 2, 1000, 8>}, {transform_indices = @transform_1, window_bounds = array<i64: 1000, 128>}, {transform_indices = @transform_2, window_bounds = array<i64: 1000, 1>}, {transform_indices = @transform_3, window_bounds = array<i64: 2, 1000, 64>}]} {
    %get3A = arith.constant 0 : index
    %get3A_0 = arith.constant 0 : index
    %get3A_1 = arith.constant 0 : index
    %get3A_2 = arith.constant 0 : index
    %get3A_3 = vector.load %arg1[%get3A, %get3A_0, %get3A_1, %get3A_2] : memref<1x2x1000x8xf32, #tpu.memory_space<vmem>>, vector<1x1x1000x8xf32>
    %get3A_4 = vector.shape_cast %get3A_3 : vector<1x1x1000x8xf32> to vector<1000x8xf32>
    %slice3A = vector.extract_strided_slice %get3A_4 {offsets = [0, 0], sizes = [1000, 1], strides = [1, 1]} : vector<1000x8xf32> to vector<1000x1xf32>
    %get3A_5 = arith.constant 0 : index
    %get3A_6 = arith.constant 1 : index
    %get3A_7 = arith.constant 0 : index
    %get3A_8 = arith.constant 0 : index
    %get3A_9 = vector.load %arg1[%get3A_5, %get3A_6, %get3A_7, %get3A_8] : memref<1x2x1000x8xf32, #tpu.memory_space<vmem>>, vector<1x1x1000x8xf32>
    %get3A_10 = vector.shape_cast %get3A_9 : vector<1x1x1000x8xf32> to vector<1000x8xf32>
    %slice3A_11 = vector.extract_strided_slice %get3A_10 {offsets = [0, 0], sizes = [1000, 1], strides = [1, 1]} : vector<1000x8xf32> to vector<1000x1xf32>
    %add3A = arith.addf %slice3A, %slice3A_11 : vector<1000x1xf32>
    %add3A_12 = arith.constant 1.000000e+00 : f32
    %add3A_13 = vector.broadcast %add3A_12 : f32 to vector<1000x1xf32>
    %add3A_14 = arith.addf %add3A, %add3A_13 : vector<1000x1xf32>
    %rsqrt3A = math.rsqrt %add3A_14 : vector<1000x1xf32>
    %swap3A = arith.constant 0 : index
    %swap3A_15 = arith.constant 0 : index
    %swap3A_16 = vector.load %arg3[%swap3A, %swap3A_15] : memref<1000x1xf32, #tpu.memory_space<vmem>>, vector<1000x1xf32>
    tpu.vector_store %arg3[%swap3A, %swap3A_15], %rsqrt3A {strides = array<i32>} : memref<1000x1xf32, #tpu.memory_space<vmem>>, vector<1000x1xf32>,
    %get3A_17 = arith.constant 0 : index
    %get3A_18 = arith.constant 0 : index
    %get3A_19 = vector.load %arg2[%get3A_17, %get3A_18] : memref<1000x128xf32, #tpu.memory_space<vmem>>, vector<1000x128xf32>
    %mul3A = vector.broadcast %rsqrt3A : vector<1000x1xf32> to vector<1000x128xf32>
    %mul3A_20 = arith.mulf %get3A_19, %mul3A : vector<1000x128xf32>
    %slice3A_21 = vector.extract_strided_slice %mul3A_20 {offsets = [0, 0], sizes = [1000, 64], strides = [1, 1]} : vector<1000x128xf32> to vector<1000x64xf32>
    %swap3A_22 = arith.constant 0 : index
    %swap3A_23 = arith.constant 0 : index
    %swap3A_24 = arith.constant 0 : index
    %swap3A_25 = vector.load %arg4[%swap3A_22, %swap3A_23, %swap3A_24] : memref<2x1000x64xf32, #tpu.memory_space<vmem>>, vector<1x1000x64xf32>
    %swap3A_26 = vector.shape_cast %swap3A_25 : vector<1x1000x64xf32> to vector<1000x64xf32>
    %swap3A_27 = vector.shape_cast %slice3A_21 : vector<1000x64xf32> to vector<1x1000x64xf32>
    tpu.vector_store %arg4[%swap3A_22, %swap3A_23, %swap3A_24], %swap3A_27 {strides = array<i32>} : memref<2x1000x64xf32, #tpu.memory_space<vmem>>, vector<1x1000x64xf32>,
    %slice3A_28 = vector.extract_strided_slice %mul3A_20 {offsets = [0, 64], sizes = [1000, 64], strides = [1, 1]} : vector<1000x128xf32> to vector<1000x64xf32>
    %swap3A_29 = arith.constant 1 : index
    %swap3A_30 = arith.constant 0 : index
    %swap3A_31 = arith.constant 0 : index
    %swap3A_32 = vector.load %arg4[%swap3A_29, %swap3A_30, %swap3A_31] : memref<2x1000x64xf32, #tpu.memory_space<vmem>>, vector<1x1000x64xf32>
    %swap3A_33 = vector.shape_cast %swap3A_32 : vector<1x1000x64xf32> to vector<1000x64xf32>
    %swap3A_34 = vector.shape_cast %slice3A_28 : vector<1000x64xf32> to vector<1x1000x64xf32>
    tpu.vector_store %arg4[%swap3A_29, %swap3A_30, %swap3A_31], %swap3A_34 {strides = array<i32>} : memref<2x1000x64xf32, #tpu.memory_space<vmem>>, vector<1x1000x64xf32>,
    return
  }
  func.func @transform_0(%arg0: i32) -> (i32, i32, i32, i32) {
    %c0_i32 = arith.constant 0 : i32
    %c0_i32_0 = arith.constant 0 : i32
    %c0_i32_1 = arith.constant 0 : i32
    %c0_i32_2 = arith.constant 0 : i32
    return %c0_i32, %c0_i32_0, %arg0, %c0_i32_1 : i32, i32, i32, i32
  }
  func.func @transform_1(%arg0: i32) -> (i32, i32) {
    %c0_i32 = arith.constant 0 : i32
    %c0_i32_0 = arith.constant 0 : i32
    return %arg0, %c0_i32 : i32, i32
  }
  func.func @transform_2(%arg0: i32) -> (i32, i32) {
    %c0_i32 = arith.constant 0 : i32
    %c0_i32_0 = arith.constant 0 : i32
    return %arg0, %c0_i32 : i32, i32
  }
  func.func @transform_3(%arg0: i32) -> (i32, i32, i32) {
    %c0_i32 = arith.constant 0 : i32
    %c0_i32_0 = arith.constant 0 : i32
    %c0_i32_1 = arith.constant 0 : i32
    return %c0_i32, %arg0, %c0_i32_0 : i32, i32, i32
  }
}

module attributes {stable_mosaic.version = 14 : i64} {
  func.func @_tc_mlp_body(%arg0: i32, %arg1: memref<2x2x1024x64xf32, #tpu.memory_space<vmem>>, %arg2: memref<2x1024x64xf32, #tpu.memory_space<vmem>>, %arg3: memref<1024x1xf32, #tpu.memory_space<vmem>>, %arg4: memref<128x256xf32, #tpu.memory_space<vmem>>, %arg5: memref<1x256xf32, #tpu.memory_space<vmem>>, %arg6: memref<256x128xf32, #tpu.memory_space<vmem>>, %arg7: memref<128x1xf32, #tpu.memory_space<vmem>>, %arg8: memref<1x1024x8xf32, #tpu.memory_space<vmem>>) attributes {dimension_semantics = [#tpu.dimension_semantics<arbitrary>], iteration_bounds = array<i64: 10>, scalar_prefetch = 0 : i64, scratch_operands = 0 : i64, tpu.core_type = #tpu.core_type<tc>, window_params = [{transform_indices = @transform_0, window_bounds = array<i64: 2, 2, 1024, 64>}, {transform_indices = @transform_1, window_bounds = array<i64: 2, 1024, 64>}, {transform_indices = @transform_2, window_bounds = array<i64: 1024, 1>}, {pipeline_mode = #tpu.pipeline_mode<synchronous>, transform_indices = @transform_3, window_bounds = array<i64: 128, 256>}, {pipeline_mode = #tpu.pipeline_mode<synchronous>, transform_indices = @transform_4, window_bounds = array<i64: 1, 256>}, {pipeline_mode = #tpu.pipeline_mode<synchronous>, transform_indices = @transform_5, window_bounds = array<i64: 256, 128>}, {pipeline_mode = #tpu.pipeline_mode<synchronous>, transform_indices = @transform_6, window_bounds = array<i64: 128, 1>}, {transform_indices = @transform_7, window_bounds = array<i64: 1, 1024, 8>}]} {
    %get3A = arith.constant 0 : index
    %get3A_0 = arith.constant 0 : index
    %get3A_1 = vector.load %arg3[%get3A, %get3A_0] : memref<1024x1xf32, #tpu.memory_space<vmem>>, vector<1024x1xf32>
    %get3A_2 = arith.constant 0 : index
    %get3A_3 = arith.constant 0 : index
    %get3A_4 = arith.constant 0 : index
    %get3A_5 = arith.constant 0 : index
    %get3A_6 = vector.load %arg1[%get3A_2, %get3A_3, %get3A_4, %get3A_5] : memref<2x2x1024x64xf32, #tpu.memory_space<vmem>>, vector<1x1x1024x64xf32>
    %get3A_7 = vector.shape_cast %get3A_6 : vector<1x1x1024x64xf32> to vector<1024x64xf32>
    %get3A_8 = arith.constant 0 : index
    %get3A_9 = arith.constant 1 : index
    %get3A_10 = arith.constant 0 : index
    %get3A_11 = arith.constant 0 : index
    %get3A_12 = vector.load %arg1[%get3A_8, %get3A_9, %get3A_10, %get3A_11] : memref<2x2x1024x64xf32, #tpu.memory_space<vmem>>, vector<1x1x1024x64xf32>
    %get3A_13 = vector.shape_cast %get3A_12 : vector<1x1x1024x64xf32> to vector<1024x64xf32>
    %add3A = arith.addf %get3A_7, %get3A_13 : vector<1024x64xf32>
    %get3A_14 = arith.constant 0 : index
    %get3A_15 = arith.constant 0 : index
    %get3A_16 = arith.constant 0 : index
    %get3A_17 = vector.load %arg2[%get3A_14, %get3A_15, %get3A_16] : memref<2x1024x64xf32, #tpu.memory_space<vmem>>, vector<1x1024x64xf32>
    %get3A_18 = vector.shape_cast %get3A_17 : vector<1x1024x64xf32> to vector<1024x64xf32>
    %add3A_19 = arith.addf %add3A, %get3A_18 : vector<1024x64xf32>
    %get3A_20 = arith.constant 1 : index
    %get3A_21 = arith.constant 0 : index
    %get3A_22 = arith.constant 0 : index
    %get3A_23 = arith.constant 0 : index
    %get3A_24 = vector.load %arg1[%get3A_20, %get3A_21, %get3A_22, %get3A_23] : memref<2x2x1024x64xf32, #tpu.memory_space<vmem>>, vector<1x1x1024x64xf32>
    %get3A_25 = vector.shape_cast %get3A_24 : vector<1x1x1024x64xf32> to vector<1024x64xf32>
    %get3A_26 = arith.constant 1 : index
    %get3A_27 = arith.constant 1 : index
    %get3A_28 = arith.constant 0 : index
    %get3A_29 = arith.constant 0 : index
    %get3A_30 = vector.load %arg1[%get3A_26, %get3A_27, %get3A_28, %get3A_29] : memref<2x2x1024x64xf32, #tpu.memory_space<vmem>>, vector<1x1x1024x64xf32>
    %get3A_31 = vector.shape_cast %get3A_30 : vector<1x1x1024x64xf32> to vector<1024x64xf32>
    %add3A_32 = arith.addf %get3A_25, %get3A_31 : vector<1024x64xf32>
    %get3A_33 = arith.constant 1 : index
    %get3A_34 = arith.constant 0 : index
    %get3A_35 = arith.constant 0 : index
    %get3A_36 = vector.load %arg2[%get3A_33, %get3A_34, %get3A_35] : memref<2x1024x64xf32, #tpu.memory_space<vmem>>, vector<1x1024x64xf32>
    %get3A_37 = vector.shape_cast %get3A_36 : vector<1x1024x64xf32> to vector<1024x64xf32>
    %add3A_38 = arith.addf %add3A_32, %get3A_37 : vector<1024x64xf32>
    %concatenate3A = tpu.concatenate %add3A_19, %add3A_38 in 1 : vector<1024x64xf32>, vector<1024x64xf32> -> vector<1024x128xf32>
    %mul3A = vector.broadcast %get3A_1 : vector<1024x1xf32> to vector<1024x128xf32>
    %mul3A_39 = arith.mulf %mul3A, %concatenate3A : vector<1024x128xf32>
    %get3A_40 = arith.constant 0 : index
    %get3A_41 = arith.constant 0 : index
    %get3A_42 = vector.load %arg4[%get3A_40, %get3A_41] : memref<128x256xf32, #tpu.memory_space<vmem>>, vector<128x256xf32>
    %dot_general3A = arith.constant dense<0.000000e+00> : vector<1024x256xf32>
    %dot_general3A_43 = tpu.matmul %mul3A_39, %get3A_42, %dot_general3A {dimension_numbers = #tpu.dot_dimension_numbers<[1], [0], [0], [1], [0, 0, 1, 1], [], []>, transpose_lhs_hint = false} : vector<1024x128xf32>, vector<128x256xf32>, vector<1024x256xf32> -> vector<1024x256xf32>
    %get3A_44 = arith.constant 0 : index
    %get3A_45 = arith.constant 0 : index
    %get3A_46 = vector.load %arg5[%get3A_44, %get3A_45] : memref<1x256xf32, #tpu.memory_space<vmem>>, vector<1x256xf32>
    %add3A_47 = vector.broadcast %get3A_46 : vector<1x256xf32> to vector<1024x256xf32>
    %add3A_48 = arith.addf %dot_general3A_43, %add3A_47 : vector<1024x256xf32>
    %max3A = arith.constant 0.000000e+00 : f32
    %max3A_49 = vector.broadcast %max3A : f32 to vector<1024x256xf32>
    %max3A_50 = arith.maximumf %add3A_48, %max3A_49 : vector<1024x256xf32>
    %get3A_51 = arith.constant 0 : index
    %get3A_52 = arith.constant 0 : index
    %get3A_53 = vector.load %arg6[%get3A_51, %get3A_52] : memref<256x128xf32, #tpu.memory_space<vmem>>, vector<256x128xf32>
    %get3A_54 = arith.constant 0 : index
    %get3A_55 = arith.constant 0 : index
    %get3A_56 = vector.load %arg7[%get3A_54, %get3A_55] : memref<128x1xf32, #tpu.memory_space<vmem>>, vector<128x1xf32>
    %dot_general3A_57 = arith.constant dense<0.000000e+00> : vector<256x1xf32>
    %dot_general3A_58 = tpu.matmul %get3A_53, %get3A_56, %dot_general3A_57 {dimension_numbers = #tpu.dot_dimension_numbers<[1], [0], [0], [1], [0, 0, 1, 1], [], []>, transpose_lhs_hint = false} : vector<256x128xf32>, vector<128x1xf32>, vector<256x1xf32> -> vector<256x1xf32>
    %dot_general3A_59 = arith.constant dense<0.000000e+00> : vector<1024x1xf32>
    %dot_general3A_60 = tpu.matmul %max3A_50, %dot_general3A_58, %dot_general3A_59 {dimension_numbers = #tpu.dot_dimension_numbers<[1], [0], [0], [1], [0, 0, 1, 1], [], []>, transpose_lhs_hint = false} : vector<1024x256xf32>, vector<256x1xf32>, vector<1024x1xf32> -> vector<1024x1xf32>
    %mul3A_61 = arith.mulf %get3A_1, %dot_general3A_60 : vector<1024x1xf32>
    %broadcast_in_dim3A = vector.shape_cast %mul3A_61 : vector<1024x1xf32> to vector<1024x1xf32>
    %broadcast_in_dim3A_62 = vector.broadcast %broadcast_in_dim3A : vector<1024x1xf32> to vector<1024x8xf32>
    %swap3A = arith.constant 0 : index
    %swap3A_63 = arith.constant 0 : index
    %swap3A_64 = arith.constant 0 : index
    %swap3A_65 = vector.load %arg8[%swap3A, %swap3A_63, %swap3A_64] : memref<1x1024x8xf32, #tpu.memory_space<vmem>>, vector<1x1024x8xf32>
    %swap3A_66 = vector.shape_cast %swap3A_65 : vector<1x1024x8xf32> to vector<1024x8xf32>
    %swap3A_67 = vector.shape_cast %broadcast_in_dim3A_62 : vector<1024x8xf32> to vector<1x1024x8xf32>
    tpu.vector_store %arg8[%swap3A, %swap3A_63, %swap3A_64], %swap3A_67 {strides = array<i32>} : memref<1x1024x8xf32, #tpu.memory_space<vmem>>, vector<1x1024x8xf32>,
    return
  }
  func.func @transform_0(%arg0: i32) -> (i32, i32, i32, i32) {
    %c0_i32 = arith.constant 0 : i32
    %c0_i32_0 = arith.constant 0 : i32
    %c0_i32_1 = arith.constant 0 : i32
    %c0_i32_2 = arith.constant 0 : i32
    return %c0_i32, %c0_i32_0, %arg0, %c0_i32_1 : i32, i32, i32, i32
  }
  func.func @transform_1(%arg0: i32) -> (i32, i32, i32) {
    %c0_i32 = arith.constant 0 : i32
    %c0_i32_0 = arith.constant 0 : i32
    %c0_i32_1 = arith.constant 0 : i32
    return %c0_i32, %arg0, %c0_i32_0 : i32, i32, i32
  }
  func.func @transform_2(%arg0: i32) -> (i32, i32) {
    %c0_i32 = arith.constant 0 : i32
    %c0_i32_0 = arith.constant 0 : i32
    return %arg0, %c0_i32 : i32, i32
  }
  func.func @transform_3(%arg0: i32) -> (i32, i32) {
    %c0_i32 = arith.constant 0 : i32
    %c0_i32_0 = arith.constant 0 : i32
    %c0_i32_1 = arith.constant 0 : i32
    return %c0_i32, %c0_i32_0 : i32, i32
  }
  func.func @transform_4(%arg0: i32) -> (i32, i32) {
    %c0_i32 = arith.constant 0 : i32
    %c0_i32_0 = arith.constant 0 : i32
    %c0_i32_1 = arith.constant 0 : i32
    return %c0_i32, %c0_i32_0 : i32, i32
  }
  func.func @transform_5(%arg0: i32) -> (i32, i32) {
    %c0_i32 = arith.constant 0 : i32
    %c0_i32_0 = arith.constant 0 : i32
    %c0_i32_1 = arith.constant 0 : i32
    return %c0_i32, %c0_i32_0 : i32, i32
  }
  func.func @transform_6(%arg0: i32) -> (i32, i32) {
    %c0_i32 = arith.constant 0 : i32
    %c0_i32_0 = arith.constant 0 : i32
    %c0_i32_1 = arith.constant 0 : i32
    return %c0_i32, %c0_i32_0 : i32, i32
  }
  func.func @transform_7(%arg0: i32) -> (i32, i32, i32) {
    %c0_i32 = arith.constant 0 : i32
    %c0_i32_0 = arith.constant 0 : i32
    %c0_i32_1 = arith.constant 0 : i32
    return %c0_i32, %arg0, %c0_i32_0 : i32, i32, i32
  }
}

module attributes {stable_mosaic.version = 14 : i64} {
  func.func @_tc_loss_body(%arg0: i32, %arg1: memref<1x2x1000x8xf32, #tpu.memory_space<vmem>>, %arg2: memref<1x1000x8xf32, #tpu.memory_space<vmem>>, %arg3: memref<1000x1xf32, #tpu.memory_space<vmem>>, %arg4: memref<1000x1xf32, #tpu.memory_space<vmem>>, %arg5: memref<1000x1xf32, #tpu.memory_space<vmem>>, %arg6: memref<1x128xf32, #tpu.memory_space<vmem>>, %arg7: memref<128x1xf32, #tpu.memory_space<vmem>>, %arg8: memref<1x1xf32, #tpu.memory_space<vmem>>, %arg9: memref<1x1xf32, #tpu.memory_space<vmem>>, %arg10: memref<2xf32, #tpu.memory_space<smem>>) attributes {dimension_semantics = [#tpu.dimension_semantics<arbitrary>], iteration_bounds = array<i64: 10>, scalar_prefetch = 0 : i64, scratch_operands = 1 : i64, tpu.core_type = #tpu.core_type<tc>, window_params = [{transform_indices = @transform_0, window_bounds = array<i64: 1, 2, 1000, 8>}, {transform_indices = @transform_1, window_bounds = array<i64: 1, 1000, 8>}, {transform_indices = @transform_2, window_bounds = array<i64: 1000, 1>}, {transform_indices = @transform_3, window_bounds = array<i64: 1000, 1>}, {transform_indices = @transform_4, window_bounds = array<i64: 1000, 1>}, {pipeline_mode = #tpu.pipeline_mode<synchronous>, transform_indices = @transform_5, window_bounds = array<i64: 1, 128>}, {pipeline_mode = #tpu.pipeline_mode<synchronous>, transform_indices = @transform_6, window_bounds = array<i64: 128, 1>}, {pipeline_mode = #tpu.pipeline_mode<synchronous>, transform_indices = @transform_7, window_bounds = array<i64: 1, 1>}, {pipeline_mode = #tpu.pipeline_mode<synchronous>, transform_indices = @transform_8, window_bounds = array<i64: 1, 1>}]} {
    %get3A = arith.constant 0 : index
    %get3A_0 = arith.constant 0 : index
    %get3A_1 = vector.load %arg6[%get3A, %get3A_0] : memref<1x128xf32, #tpu.memory_space<vmem>>, vector<1x128xf32>
    %get3A_2 = arith.constant 0 : index
    %get3A_3 = arith.constant 0 : index
    %get3A_4 = vector.load %arg7[%get3A_2, %get3A_3] : memref<128x1xf32, #tpu.memory_space<vmem>>, vector<128x1xf32>
    %dot_general3A = arith.constant dense<0.000000e+00> : vector<1x1xf32>
    %dot_general3A_5 = tpu.matmul %get3A_1, %get3A_4, %dot_general3A {dimension_numbers = #tpu.dot_dimension_numbers<[1], [0], [0], [1], [0, 0, 1, 1], [], []>, transpose_lhs_hint = false} : vector<1x128xf32>, vector<128x1xf32>, vector<1x1xf32> -> vector<1x1xf32>
    %get3A_6 = arith.constant 0 : index
    %get3A_7 = arith.constant 0 : index
    %get3A_8 = vector.load %arg8[%get3A_6, %get3A_7] : memref<1x1xf32, #tpu.memory_space<vmem>>, vector<1x1xf32>
    %add3A = arith.addf %dot_general3A_5, %get3A_8 : vector<1x1xf32>
    %get3A_9 = arith.constant 0 : index
    %get3A_10 = arith.constant 0 : index
    %get3A_11 = vector.load %arg3[%get3A_9, %get3A_10] : memref<1000x1xf32, #tpu.memory_space<vmem>>, vector<1000x1xf32>
    %get3A_12 = arith.constant 0 : index
    %get3A_13 = arith.constant 0 : index
    %get3A_14 = arith.constant 0 : index
    %get3A_15 = arith.constant 0 : index
    %get3A_16 = vector.load %arg1[%get3A_12, %get3A_13, %get3A_14, %get3A_15] : memref<1x2x1000x8xf32, #tpu.memory_space<vmem>>, vector<1x1x1000x8xf32>
    %get3A_17 = vector.shape_cast %get3A_16 : vector<1x1x1000x8xf32> to vector<1000x8xf32>
    %slice3A = vector.extract_strided_slice %get3A_17 {offsets = [0, 0], sizes = [1000, 1], strides = [1, 1]} : vector<1000x8xf32> to vector<1000x1xf32>
    %get3A_18 = arith.constant 0 : index
    %get3A_19 = arith.constant 1 : index
    %get3A_20 = arith.constant 0 : index
    %get3A_21 = arith.constant 0 : index
    %get3A_22 = vector.load %arg1[%get3A_18, %get3A_19, %get3A_20, %get3A_21] : memref<1x2x1000x8xf32, #tpu.memory_space<vmem>>, vector<1x1x1000x8xf32>
    %get3A_23 = vector.shape_cast %get3A_22 : vector<1x1x1000x8xf32> to vector<1000x8xf32>
    %slice3A_24 = vector.extract_strided_slice %get3A_23 {offsets = [0, 0], sizes = [1000, 1], strides = [1, 1]} : vector<1000x8xf32> to vector<1000x1xf32>
    %add3A_25 = arith.addf %slice3A, %slice3A_24 : vector<1000x1xf32>
    %get3A_26 = arith.constant 0 : index
    %get3A_27 = arith.constant 0 : index
    %get3A_28 = arith.constant 0 : index
    %get3A_29 = vector.load %arg2[%get3A_26, %get3A_27, %get3A_28] : memref<1x1000x8xf32, #tpu.memory_space<vmem>>, vector<1x1000x8xf32>
    %get3A_30 = vector.shape_cast %get3A_29 : vector<1x1000x8xf32> to vector<1000x8xf32>
    %slice3A_31 = vector.extract_strided_slice %get3A_30 {offsets = [0, 0], sizes = [1000, 1], strides = [1, 1]} : vector<1000x8xf32> to vector<1000x1xf32>
    %add3A_32 = arith.addf %add3A_25, %slice3A_31 : vector<1000x1xf32>
    %mul3A = arith.mulf %get3A_11, %add3A_32 : vector<1000x1xf32>
    %add3A_33 = vector.broadcast %add3A : vector<1x1xf32> to vector<1000x1xf32>
    %add3A_34 = arith.addf %mul3A, %add3A_33 : vector<1000x1xf32>
    %get3A_35 = arith.constant 0 : index
    %get3A_36 = arith.constant 0 : index
    %get3A_37 = vector.load %arg4[%get3A_35, %get3A_36] : memref<1000x1xf32, #tpu.memory_space<vmem>>, vector<1000x1xf32>
    %max3A = arith.constant 0.000000e+00 : f32
    %max3A_38 = vector.broadcast %max3A : f32 to vector<1000x1xf32>
    %max3A_39 = arith.maximumf %add3A_34, %max3A_38 : vector<1000x1xf32>
    %mul3A_40 = arith.mulf %add3A_34, %get3A_37 : vector<1000x1xf32>
    %sub3A = arith.subf %max3A_39, %mul3A_40 : vector<1000x1xf32>
    %abs3A = math.absf %add3A_34 : vector<1000x1xf32>
    %neg3A = arith.constant 0.000000e+00 : f32
    %neg3A_41 = vector.broadcast %neg3A : f32 to vector<1000x1xf32>
    %neg3A_42 = arith.subf %neg3A_41, %abs3A : vector<1000x1xf32>
    %exp3A = math.exp %neg3A_42 : vector<1000x1xf32>
    %log1p3A = math.log1p %exp3A : vector<1000x1xf32>
    %add3A_43 = arith.addf %sub3A, %log1p3A : vector<1000x1xf32>
    %get3A_44 = arith.constant 0 : index
    %get3A_45 = arith.constant 0 : index
    %get3A_46 = vector.load %arg5[%get3A_44, %get3A_45] : memref<1000x1xf32, #tpu.memory_space<vmem>>, vector<1000x1xf32>
    %gt3A = arith.constant 0.000000e+00 : f32
    %gt3A_47 = vector.broadcast %gt3A : f32 to vector<1000x1xf32>
    %gt3A_48 = arith.cmpf ogt, %get3A_46, %gt3A_47 : vector<1000x1xf32>
    %jit3A = arith.constant 0.000000e+00 : f32
    %broadcast_in_dim3A = vector.broadcast %jit3A : f32 to vector<1000x1xf32>
    %select_n3A = arith.select %gt3A_48, %add3A_43, %broadcast_in_dim3A : vector<1000x1xi1>, vector<1000x1xf32>
    %reduce_sum3A = vector.shape_cast %select_n3A : vector<1000x1xf32> to vector<1x1000x1xf32>
    %reduce_sum3A_49 = arith.constant dense<0.000000e+00> : vector<1xf32>
    %reduce_sum3A_50 = vector.multi_reduction <add>, %reduce_sum3A, %reduce_sum3A_49 [1, 2] : vector<1x1000x1xf32> to vector<1xf32>
    %reduce_sum3A_51 = vector.shape_cast %reduce_sum3A_50 : vector<1xf32> to vector<1x1x1xf32>
    %reduce_sum3A_52 = vector.extract %reduce_sum3A_51[0, 0, 0] : f32 from vector<1x1x1xf32>
    %reduce_sum3A_53 = vector.shape_cast %get3A_46 : vector<1000x1xf32> to vector<1x1000x1xf32>
    %reduce_sum3A_54 = arith.constant dense<0.000000e+00> : vector<1xf32>
    %reduce_sum3A_55 = vector.multi_reduction <add>, %reduce_sum3A_53, %reduce_sum3A_54 [1, 2] : vector<1x1000x1xf32> to vector<1xf32>
    %reduce_sum3A_56 = vector.shape_cast %reduce_sum3A_55 : vector<1xf32> to vector<1x1x1xf32>
    %reduce_sum3A_57 = vector.extract %reduce_sum3A_56[0, 0, 0] : f32 from vector<1x1x1xf32>
    %eq3A = arith.constant 0 : i32
    %eq3A_58 = arith.cmpi eq, %arg0, %eq3A : i32
    %convert_element_type3A = arith.extui %eq3A_58 : i1 to i32
    %cond3A = arith.constant 0 : i32
    %cond3A_59 = arith.cmpi ne, %convert_element_type3A, %cond3A : i32
    scf.if %cond3A_59 {
      %swap3A = arith.constant 0 : index
      %swap3A_70 = memref.load %arg10[%swap3A] : memref<2xf32, #tpu.memory_space<smem>>
      memref.store %reduce_sum3A_52, %arg10[%swap3A] : memref<2xf32, #tpu.memory_space<smem>>
      %swap3A_71 = arith.constant 1 : index
      %swap3A_72 = memref.load %arg10[%swap3A_71] : memref<2xf32, #tpu.memory_space<smem>>
      memref.store %reduce_sum3A_57, %arg10[%swap3A_71] : memref<2xf32, #tpu.memory_space<smem>>
    } else {
    }
    %gt3A_60 = arith.constant 0 : i32
    %gt3A_61 = arith.cmpi sgt, %arg0, %gt3A_60 : i32
    %convert_element_type3A_62 = arith.extui %gt3A_61 : i1 to i32
    %cond3A_63 = arith.constant 0 : i32
    %cond3A_64 = arith.cmpi ne, %convert_element_type3A_62, %cond3A_63 : i32
    scf.if %cond3A_64 {
      %get3A_70 = arith.constant 0 : index
      %get3A_71 = memref.load %arg10[%get3A_70] : memref<2xf32, #tpu.memory_space<smem>>
      %add3A_72 = arith.addf %get3A_71, %reduce_sum3A_52 : f32
      %swap3A = arith.constant 0 : index
      %swap3A_73 = memref.load %arg10[%swap3A] : memref<2xf32, #tpu.memory_space<smem>>
      memref.store %add3A_72, %arg10[%swap3A] : memref<2xf32, #tpu.memory_space<smem>>
      %get3A_74 = arith.constant 1 : index
      %get3A_75 = memref.load %arg10[%get3A_74] : memref<2xf32, #tpu.memory_space<smem>>
      %add3A_76 = arith.addf %get3A_75, %reduce_sum3A_57 : f32
      %swap3A_77 = arith.constant 1 : index
      %swap3A_78 = memref.load %arg10[%swap3A_77] : memref<2xf32, #tpu.memory_space<smem>>
      memref.store %add3A_76, %arg10[%swap3A_77] : memref<2xf32, #tpu.memory_space<smem>>
    } else {
    }
    %eq3A_65 = arith.constant 9 : i32
    %eq3A_66 = arith.cmpi eq, %arg0, %eq3A_65 : i32
    %convert_element_type3A_67 = arith.extui %eq3A_66 : i1 to i32
    %cond3A_68 = arith.constant 0 : i32
    %cond3A_69 = arith.cmpi ne, %convert_element_type3A_67, %cond3A_68 : i32
    scf.if %cond3A_69 {
      %get3A_70 = arith.constant 0 : index
      %get3A_71 = memref.load %arg10[%get3A_70] : memref<2xf32, #tpu.memory_space<smem>>
      %get3A_72 = arith.constant 1 : index
      %get3A_73 = memref.load %arg10[%get3A_72] : memref<2xf32, #tpu.memory_space<smem>>
      %div3A = arith.divf %get3A_71, %get3A_73 : f32
      %reshape3A = vector.broadcast %div3A : f32 to vector<1x1xf32>
      %swap3A = arith.constant 0 : index
      %swap3A_74 = arith.constant 0 : index
      %swap3A_75 = vector.load %arg9[%swap3A, %swap3A_74] : memref<1x1xf32, #tpu.memory_space<vmem>>, vector<1x1xf32>
      tpu.vector_store %arg9[%swap3A, %swap3A_74], %reshape3A {strides = array<i32>} : memref<1x1xf32, #tpu.memory_space<vmem>>, vector<1x1xf32>,
    } else {
    }
    return
  }
  func.func @transform_0(%arg0: i32) -> (i32, i32, i32, i32) {
    %c0_i32 = arith.constant 0 : i32
    %c0_i32_0 = arith.constant 0 : i32
    %c0_i32_1 = arith.constant 0 : i32
    %c0_i32_2 = arith.constant 0 : i32
    return %c0_i32, %c0_i32_0, %arg0, %c0_i32_1 : i32, i32, i32, i32
  }
  func.func @transform_1(%arg0: i32) -> (i32, i32, i32) {
    %c0_i32 = arith.constant 0 : i32
    %c0_i32_0 = arith.constant 0 : i32
    %c0_i32_1 = arith.constant 0 : i32
    return %c0_i32, %arg0, %c0_i32_0 : i32, i32, i32
  }
  func.func @transform_2(%arg0: i32) -> (i32, i32) {
    %c0_i32 = arith.constant 0 : i32
    %c0_i32_0 = arith.constant 0 : i32
    return %arg0, %c0_i32 : i32, i32
  }
  func.func @transform_3(%arg0: i32) -> (i32, i32) {
    %c0_i32 = arith.constant 0 : i32
    %c0_i32_0 = arith.constant 0 : i32
    return %arg0, %c0_i32 : i32, i32
  }
  func.func @transform_4(%arg0: i32) -> (i32, i32) {
    %c0_i32 = arith.constant 0 : i32
    %c0_i32_0 = arith.constant 0 : i32
    return %arg0, %c0_i32 : i32, i32
  }
  func.func @transform_5(%arg0: i32) -> (i32, i32) {
    %c0_i32 = arith.constant 0 : i32
    %c0_i32_0 = arith.constant 0 : i32
    %c0_i32_1 = arith.constant 0 : i32
    return %c0_i32, %c0_i32_0 : i32, i32
  }
  func.func @transform_6(%arg0: i32) -> (i32, i32) {
    %c0_i32 = arith.constant 0 : i32
    %c0_i32_0 = arith.constant 0 : i32
    %c0_i32_1 = arith.constant 0 : i32
    return %c0_i32, %c0_i32_0 : i32, i32
  }
  func.func @transform_7(%arg0: i32) -> (i32, i32) {
    %c0_i32 = arith.constant 0 : i32
    %c0_i32_0 = arith.constant 0 : i32
    %c0_i32_1 = arith.constant 0 : i32
    return %c0_i32, %c0_i32_0 : i32, i32
  }
  func.func @transform_8(%arg0: i32) -> (i32, i32) {
    %c0_i32 = arith.constant 0 : i32
    %c0_i32_0 = arith.constant 0 : i32
    %c0_i32_1 = arith.constant 0 : i32
    return %c0_i32, %c0_i32_0 : i32, i32
  }
}

</mosaic_0001>

<sc_bundles>
// kernel: kernel.11.cloned.1.call-start
scs
__scs_entry_jumppad:
0x0: {  	(pc) =	sbr.rel $0x88, $3  }
0x1: {  	(tag) =	ssettag $0x0;
	lr =	simm.s32 $0x1  }
0x2: {  	[smem:$0x3F97] =	sst lr;
	_ =	strace $0xD0000000  }
0x3: {  	_ = 	snop  }
0x4: {  	_ = 	snop  }
0x5: {  	_ = 	snop  }
0x6: {  	_ = 	snop  }
0x7: {  	_ = 	snop  }
__scs_overlays_trampoline_lowered:
0x8: {  	[smem:$0x3FA6] =	sst s0  }
0x9: {  	[smem:$0x3FA7] =	sst s1  }
0xa: {  	[smem:$0x3FA8] =	sst s2  }
0xb: {  	[smem:$0x3FA9] =	sst s3  }
0xc: {  	[smem:$0x3FAA] =	sst s4  }
0xd: {  	[smem:$0x3FAB] =	sst s5  }
0xe: {  	[smem:$0x3FAC] =	sst s6  }
0xf: {  	[smem:$0x3FAD] =	sst s7  }
0x10: {  	[smem:$0x3FAE] =	sst s8  }
0x11: {  	[smem:$0x3FAF] =	sst s9;
	s0 =	simm.s32 @!p0 $0x0  }
0x12: {  	s1 =	sld [smem:$0x3F95];
	s0 =	simm.s32 @p0 $0x1  }
0x13: {  	[smem:$0x3FB0] =	sst s0;
	s0 =	simm.s32 @!p1 $0x0  }
0x14: {  	s2 =	sld [smem:$0x3F94];
	s0 =	simm.s32 @p1 $0x1  }
0x15: {  	[smem:$0x3FB1] =	sst s0;
	s0 =	simm.s32 @!p2 $0x0  }
0x16: {  	s3 =	sld [smem:$0x3FDB];
	s0 =	simm.s32 @p2 $0x1  }
0x17: {  	s4 =	simm.s32 $0x1BF5;
	[smem:$0x3FB3] =	sst s0  }
0x18: {  	s0 =	sld [smem:$0x3F96];
	_ =	swait.ge [sflag:s4], $0x0  }
0x19: {  	s7 =	sld [smem:$0x3F97]  }
0x1a: {  	s8 =	sadd.s32 $0xFFFFE003, lr  }
0x1b: {  	s9 =	sadd.s32 $0xFFFFFEF7, lr;
	s5 =	simm.s32 $0xFFFFFFFF;
	p2 =	slt.u32 s8, $0xFFFFF086  }
0x1c: {  	p1 =	slt.u32 s9, $0xF7A;
	s5 =	simm.s32 @!p2 $0x0  }
0x1d: {  	s5 =	simm.s32 @p1 $0x1;
	p0 =	seq.s32 s7, s2  }
0x1e: {  	s7 =	smul.u32 @!p0 $0xF7A, s2;
	p2 =	seq.s32 @!p0 s5, $0x0  }
0x1f: {  	s9 =	smul.u32 $0xF7A, s1;
	s8 =	simm.s32 @!p0 $0x1BF5;
	p2 =	por !p2, p0  }
0x20: {  	[sflag:s8] =	ssyncset.s32 @!p0 $0xFFFFF086;
	s6 =	sadd.s32 @!p0 s3, s7;
	s7 =	simm.s32 @!p0 $0x108  }
0x21: {  	s3 =	sadd.s32 s3, s9;
	s6 =	sadd.s32 @!p0 $0x88, s6;
	s7 =	simm.s32 @p2 $0x1082  }
0x22: {  	[simem:s7], [sflag:s8] =	dma.local @!p0 [hbm:s6], $0xF7A  }
0x23: {  	s9 =	sor.u32 $0xD0000000, s2;
	s6 =	simm.s32 $0x108;
	_ =	swait.ge @!p0 [sflag:s8], $0x0  }
0x24: {  	s3 =	sadd.s32 $0x88, s3;
	s6 =	simm.s32 @!p1 $0x1082;
	[sflag:s4] =	ssyncset.s32 $0xFFFFF086  }
0x25: {  	[simem:s6], [sflag:s4] =	dma.local [hbm:s3], $0xF7A  }
0x26: {  	[smem:$0x3F97] =	sst s1;
	(tag) =	ssettag s2;
	_ =	strace s9  }
0x27: {  	s1 =	sld [smem:$0x3FA7]  }
0x28: {  	s2 =	sld [smem:$0x3FA8]  }
0x29: {  	s4 =	sld [smem:$0x3FAA]  }
0x2a: {  	p0 =	seq.s32 s5, $0x0;
	s5 =	sld [smem:$0x3FAB]  }
0x2b: {  	s6 =	sld [smem:$0x3FAC]  }
0x2c: {  	s7 =	sld [smem:$0x3FAD]  }
0x2d: {  	s3 =	simm.s32 $0x108;
	s8 =	sld [smem:$0x3FAE]  }
0x2e: {  	s3 =	simm.s32 @!p0 $0x1082;
	s9 =	sld [smem:$0x3FAF]  }
0x2f: {  	lr =	sadd.s32 s0, s3;
	s0 =	sld [smem:$0x3FA6]  }
0x30: {  	s3 =	sld [smem:$0x3FA9]  }
0x31: {  	[smem:$0x3FB2] =	sst s10  }
0x32: {  	s10 =	sld [smem:$0x3FB0];
	_ =	sdelay $0x3  }
0x33: {  	p0 =	seq.s32 s10, $0x1;
	s10 =	sld [smem:$0x3FB2];
	_ =	sdelay $0x3  }
0x34: {  	[smem:$0x3FB2] =	sst s10  }
0x35: {  	s10 =	sld [smem:$0x3FB1];
	_ =	sdelay $0x3  }
0x36: {  	p1 =	seq.s32 s10, $0x1;
	s10 =	sld [smem:$0x3FB2];
	_ =	sdelay $0x3  }
0x37: {  	[smem:$0x3FB2] =	sst s10  }
0x38: {  	s10 =	sld [smem:$0x3FB3]  }
0x39: {  	_ = 	snop;
	(pc) =	sbr.ind lr, $3  }
0x3a: {  	_ = 	snop  }
0x3b: {  	_ = 	snop  }
0x3c: {  	p2 =	seq.s32 s10, $0x1;
	s10 =	sld [smem:$0x3FB2]  }
0x3d: {  	_ =	shalt  }
0x3e: {  	_ =	shalt  }
0x3f: {  	_ =	shalt  }
0x40: {  	_ =	shalt  }
0x41: {  	_ =	shalt  }
0x42: {  	_ =	shalt  }
0x43: {  	_ =	shalt  }
0x44: {  	_ =	shalt  }
0x45: {  	_ =	shalt  }
0x46: {  	_ =	shalt  }
0x47: {  	_ =	shalt  }
0x48: {  	_ =	shalt  }
0x49: {  	_ =	shalt  }
0x4a: {  	_ =	shalt  }
0x4b: {  	_ =	shalt  }
0x4c: {  	_ =	shalt  }
0x4d: {  	_ =	shalt  }
0x4e: {  	_ =	shalt  }
0x4f: {  	_ =	shalt  }
0x50: {  	_ =	shalt  }
0x51: {  	_ =	shalt  }
0x52: {  	_ =	shalt  }
0x53: {  	_ =	shalt  }
0x54: {  	_ =	shalt  }
0x55: {  	_ =	shalt  }
0x56: {  	_ =	shalt  }
0x57: {  	_ =	shalt  }
0x58: {  	_ =	shalt  }
0x59: {  	_ =	shalt  }
0x5a: {  	_ =	shalt  }
0x5b: {  	_ =	shalt  }
0x5c: {  	_ =	shalt  }
0x5d: {  	_ =	shalt  }
0x5e: {  	_ =	shalt  }
0x5f: {  	_ =	shalt  }
0x60: {  	_ =	shalt  }
0x61: {  	_ =	shalt  }
0x62: {  	_ =	shalt  }
0x63: {  	_ =	shalt  }
0x64: {  	_ =	shalt  }
0x65: {  	_ =	shalt  }
0x66: {  	_ =	shalt  }
0x67: {  	_ =	shalt  }
0x68: {  	_ =	shalt  }
0x69: {  	_ =	shalt  }
0x6a: {  	_ =	shalt  }
0x6b: {  	_ =	shalt  }
0x6c: {  	_ =	shalt  }
0x6d: {  	_ =	shalt  }
0x6e: {  	_ =	shalt  }
0x6f: {  	_ =	shalt  }
0x70: {  	_ =	shalt  }
0x71: {  	_ =	shalt  }
0x72: {  	_ =	shalt  }
0x73: {  	_ =	shalt  }
0x74: {  	_ =	shalt  }
0x75: {  	_ =	shalt  }
0x76: {  	_ =	shalt  }
0x77: {  	_ =	shalt  }
0x78: {  	_ =	shalt  }
0x79: {  	_ =	shalt  }
0x7a: {  	_ =	shalt  }
0x7b: {  	_ =	shalt  }
0x7c: {  	_ =	shalt  }
0x7d: {  	_ =	shalt  }
0x7e: {  	_ =	shalt  }
0x7f: {  	_ =	shalt  }
0x80: {  	_ =	shalt  }
0x81: {  	_ =	shalt  }
0x82: {  	_ =	shalt  }
0x83: {  	_ =	shalt  }
0x84: {  	_ =	shalt  }
0x85: {  	_ =	shalt  }
0x86: {  	_ =	shalt  }
0x87: {  	_ =	shalt  }
.Lfunc_end0:
.L_simem_size_0:
called_computation.1_lowered:
.L_overlay_start_0:
0x88: {  	s2 =	sld [smem:$0x3FD9]  }
0x89: {  	s3 =	sld [smem:$0x3FFE];
	_ =	sdelay $0x1  }
0x8a: {  	s1 =	srdreg.scid  }
0x8b: {  	s0 =	sand.u32 $0x1, s1  }
0x8c: {  	s16 =	sshll.u32 s0, $0xA;
	s2 =	sadd.s32 s3, s2  }
0x8d: {  	s2 =	sadd.s32 s2, s16  }
0x8e: {  	[smem:$0x3FBE] =	sst s2  }
0x8f: {  	_ = 	snop  }
0x90: {  	(tm) =	ssettm $0x1  }
0x91: {  	s17 =	sld [smem:$0x3FFB];
	_ =	sdelay $0x3  }
0x92: {  	_ =	strace s17  }
0x93: {  	s2 =	sld [smem:$0x3FFC];
	_ =	sdelay $0x3  }
0x94: {  	_ =	strace s2  }
0x95: {  	s2 =	sld [smem:$0x3FFD];
	_ =	sdelay $0x3  }
0x96: {  	_ =	strace s2  }
0x97: {  	_ =	strace $0x8FFFFFFF  }
0x98: {  	s18 =	sld [smem:$0x3FDB];
	_ =	sdelay $0x1  }
0x99: {  	s19 =	simm.s32 $_scs_section_size  }
0x9a: {  	s4 =	simm.s32 $_size__tile_overlayer_lowered;
	s5 =	simm.s32 $_tile_overlayer_lowered  }
0x9b: {  	s22 =	simm.s32 $0x1BFF;
	s21 =	sshll.u32 s5, $0x1;
	s2 =	sadd.s32 s19, s18  }
0x9c: {  	s6 =	simm.s32 $0x0;
	s20 =	sshll.u32 s4, $0x1;
	s4 =	sadd.s32 s21, s2  }
0x9d: {  	[timem:s6], [sflag:s22] =	dma.local [hbm:s4], s20  }
0x9e: {  	_ =	swait.ge [sflag:s22], s20  }
0x9f: {  	s3 =	ssub.s32 $0x0, s20;
	[sflag:s22] =	ssyncset.done $0x0  }
0xa0: {  	[sflag:s22] =	ssyncadd.s32 s3;
	_ =	sdelay $0x1  }
0xa1: {  	s23 =	simm.s32 $0x1B8B  }
0xa2: {  	_ =	swait.ge [sflag:s23], $0x1  }
0xa3: {  	[sflag:s23] =	ssyncset.done $0x0  }
0xa4: {  	s25 =	simm.s32 $0x1B8E;
	s24 =	sld [smem:$0x3FFE];
	[sflag:s23] =	ssyncadd.s32 $0xFFFFFFFF  }
0xa5: {  	s26 =	simm.s32 $execute0_lowered;
	[smem:$0x3FD2] =	sst s25  }
0xa6: {  	s4 =	sshll.u32 s26, $0x1;
	_ =	strace $0x80000049;
	[dreg:$0x1] =	wrdreg $0xFFFFFFFF  }
0xa7: {  	s28 =	simm.s32 $_size_execute0_lowered;
	s2 =	sadd.s32 s2, s4;
	[dreg:$0x0] =	wrdreg $0x0  }
0xa8: {  	s4 =	sshll.u32 s28, $0x1;
	[dreg:$0x2] =	wrdreg s2  }
0xa9: {  	[dreg:$0x3] =	wrdreg s4  }
0xaa: {  	[dreg:$0x4] =	wrdreg $0xC0  }
0xab: {  	_ =	task [dreg:s6], $0x5FFFF  }
0xac: {  	[dreg:$0x1] =	wrdreg $0xFFFFFFFF  }
0xad: {  	[dreg:$0x0] =	wrdreg $0x60  }
0xae: {  	[dreg:$0x2] =	wrdreg s24  }
0xaf: {  	[dreg:$0x3] =	wrdreg $0x10A000  }
0xb0: {  	[dreg:$0x4] =	wrdreg $0x6A000  }
0xb1: {  	[dreg:$0x5] =	wrdreg $0x9  }
0xb2: {  	_ =	task.clear_ibuf [dreg:s6], $0x6FFFF;
	_ =	strace $0x90000049  }
0xb3: {  	s29 =	simm.s32 $0x9;
	_ =	strace $0x8000004B  }
0xb4: {  	_ =	swait.ge [sflag:s29], $0x1  }
0xb5: {  	[sflag:s29] =	ssyncadd.s32 $0xFFFFFFFF  }
0xb6: {  	_ =	strace $0x9000004B  }
0xb7: {  	_ =	sfence  }
0xb8: {  	s30 =	sld [smem:$0x0];
	_ =	sdelay $0x2  }
0xb9: {  	s31 =	sshll.u32 s1, $0xD;
	s1 =	sshrl.u32 s1, $0x2  }
0xba: {  	s3 =	sand.u32 $0x4000, s31;
	s1 =	sadd.s32 s1, s30  }
0xbb: {  	s0 =	sor.u32 s3, s0;
	s1 =	sshll.u32 s1, $0x11  }
0xbc: {  	s0 =	sor.u32 s1, s0  }
0xbd: {  	s0 =	sadd.s32 $0x8F2B, s0  }
0xbe: {  	[sflag:s0] =	ssyncadd.remote.s32 $0x1  }
0xbf: {  	_ =	sfence.sel $0xFFFF  }
0xc0: {  	[dreg:$0x0] =	wrdreg $0xFFFFFFFF;
	(pc) =	sbr.abs _section_cstart, $3  }
0xc1: {  	[dreg:$0x1] =	wrdreg $0xFFFFFFFF  }
0xc2: {  	_ =	task.clear_ibuf [dreg:s6], $0x2FFFF;
	_ =	strace $0x9FFFFFFF  }
0xc3: {  	(tm) =	ssettm $0x7FFFFFFF  }
tec
execute0_lowered:
.L_overlay_start_1:
0x0: {  	(tag) =	ssettag $0x1  }
0x1: {  	s6 =	rddreg [dreg:$0x0]  }
0x2: {  	s1 =	srdreg.scid;
	s2 =	rddreg [dreg:$0x1]  }
0x3: {  	s0 =	stileid.u32;
	s3 =	rddreg [dreg:$0x2];
	s4 =	simm.s32 $0x0  }
0x4: {  	s16 =	simm.s32 $0x80;
	s17 =	simm.s32 $0x2800;
	s18 =	simm.s32 $0x2A00  }
0x5: {  	s19 =	simm.s32 $0x2900;
	s20 =	simm.s32 $0x4A00;
	s21 =	simm.s32 $0x1  }
0x6: {  	s22 =	simm.s32 $0x2880;
	s23 =	simm.s32 $0x2;
	s24 =	simm.s32 $0x2980  }
0x7: {  	s25 =	simm.s32 $0x3;
	s26 =	simm.s32 $0x4;
	s28 =	simm.s32 $0x0  }
0x8: {  	s5 =	sand.u32 $0x1, s1;
	s30 =	sshll.u32 s0, $0x1;
	s8 =	smul.u32 $0xA000, s0  }
0x9: {  	[smem:$0x7FF] =	sst s4;
	s31 =	sshll.u32 s0, $0x6;
	s1 =	sor.u32 s5, s30  }
0xa: {  	s9 =	smul.u32 $0xA0000, s5;
	s11 =	ssub.s32 $0x2, s5;
	s5 =	sadd.s32 $0x2C00, s6  }
0xb: {  	s7 =	smul.u32 $0x500, s1;
	s1 =	rddreg [dreg:$0x3];
	_ =	strace $0x8000004A  }
0xc: {  	s10 =	sshrl.u32 s8, $0x3;
	s12 =	sshrl.u32 s11, $0x1;
	s14 =	sadd.s32 s8, s2  }
0xd: {  	s15 =	sadd.s32 s8, s3;
	s10 =	sadd.s32 s10, s6;
	s9 =	sadd.s32 s8, s9  }
.Ltmp0:
0xe: {  	s11 =	ssub.s32 s11, s12;
	s12 =	simm.s32 $0x5;
	(pc) =	sbr.rel .LBB2_1-.Ltmp0, $4  }
0xf: {  	s14 =	sshrl.u32 s14, $0x3;
	s15 =	sshrl.u32 s15, $0x3;
	s9 =	sshrl.u32 s9, $0x3  }
0x10: {  	s7 =	sadd.s32 s7, s6;
	s11 =	smax.u32 s11, $0x1;
	s13 =	sadd.s32 s9, s6  }
0x11: {  	s6 =	sadd.s32 $0xCC00, s7;
	s7 =	sadd.s32 $0x67000, s10;
	s9 =	sadd.s32 $0x7B000, s10  }
0x12: {  	s8 =	sadd.s32 $0x8F000, s13;
	s10 =	sadd.s32 $0xB7000, s13;
	s13 =	sor.u32 $0x1C05, s31  }
.LBB2_7:
0x13: {  	_ =	swait.ge [sflag:s26], $0x2000  }
0x14: {  	s28 =	sadd.s32 $0x1, s28;
	[sflag:s26] =	ssyncset.done $0x0  }
0x15: {  	p0 =	sne.s32 s28, s11;
	[sflag:s26] =	ssyncadd.s32 $0xFFFFE000  }
.Ltmp1:
0x16: {  	[bflag:$0x0] =	sbarrier.arrive $0xFFFF;
	(pc) =	sbr.rel @!p0 .LBB2_8-.Ltmp1, $4  }
0x17: {  	[hbm:s10], [sflag:s13] =	dma.local [spmem:s14], $0x1400  }
0x18: {  	_ =	swait.ge [sflag:s12], $0x1400  }
0x19: {  	[sflag:s12] =	ssyncset.done $0x0  }
0x1a: {  	[sflag:s12] =	ssyncadd.s32 $0xFFFFEC00  }
.LBB2_1:
0x1b: {  	[tilespmem:s4], [sflag:$0x5] =	stream.linear.gather [hbm4b:s6+s4], $0x2800, $0x38;
	[tilespmem:$0x1AA00] =	vst v63  }
0x1c: {  	_ =	swait.ge [sflag:s12], $0x2800  }
0x1d: {  	[sflag:s12] =	ssyncset.done $0x0  }
0x1e: {  	[sflag:s12] =	ssyncadd.s32 $0xFFFFD800  }
0x1f: {  	[spmem:s14], [sflag:s13] =	dma.local [hbm:s5], $0x1400  }
0x20: {  	_ =	swait.ge [sflag:s12], $0x1400  }
0x21: {  	[sflag:s12] =	ssyncset.done $0x0  }
0x22: {  	[sflag:s12] =	ssyncadd.s32 $0xFFFFEC00  }
0x23: {  	[spmem:s15], [sflag:s13] =	dma.local [hbm:s7], $0x1400  }
0x24: {  	_ =	swait.ge [sflag:s12], $0x1400  }
0x25: {  	[sflag:s12] =	ssyncset.done $0x0  }
0x26: {  	[sflag:s12] =	ssyncadd.s32 $0xFFFFEC00  }
0x27: {  	[bflag:$0x0] =	sbarrier.arrive $0xFFFF  }
0x28: {  	v0 =	vld [tilespmem:$0x0];
	_ =	sdelay $0x1  }
0x29: {  	v1 =	vld [tilespmem:$0x10];
	_ =	sdelay $0x1  }
0x2a: {  	v2 =	vld [tilespmem:$0x20]  }
0x2b: {  	v3 =	vshrl.u32 v0, $0x10  }
0x2c: {  	v21 =	vld [tilespmem:$0x30];
	v0 =	vand.u32 $0xFFFF, v0;
	[tilespmem:$0x2800] =	vst v3  }
0x2d: {  	v22 =	vshrl.u32 v1, $0x10;
	[tilespmem:$0x2880] =	vst v0  }
0x2e: {  	v24 =	vld [tilespmem:$0x40];
	v23 =	vand.u32 $0xFFFF, v1;
	[tilespmem:$0x2810] =	vst v22  }
0x2f: {  	v25 =	vshrl.u32 v2, $0x10;
	[tilespmem:$0x2890] =	vst v23  }
0x30: {  	v27 =	vld [tilespmem:$0x50];
	v26 =	vand.u32 $0xFFFF, v2;
	[tilespmem:$0x2820] =	vst v25  }
0x31: {  	v28 =	vshrl.u32 v21, $0x10;
	[tilespmem:$0x28A0] =	vst v26  }
0x32: {  	v30 =	vld [tilespmem:$0x60];
	v29 =	vand.u32 $0xFFFF, v21;
	[tilespmem:$0x2830] =	vst v28  }
0x33: {  	v31 =	vshrl.u32 v24, $0x10;
	[tilespmem:$0x28B0] =	vst v29  }
0x34: {  	v33 =	vld [tilespmem:$0x70];
	v32 =	vand.u32 $0xFFFF, v24;
	[tilespmem:$0x2840] =	vst v31  }
0x35: {  	v34 =	vshrl.u32 v27, $0x10;
	[tilespmem:$0x28C0] =	vst v32  }
0x36: {  	v36 =	vld [tilespmem:$0x80];
	v35 =	vand.u32 $0xFFFF, v27;
	[tilespmem:$0x2850] =	vst v34  }
0x37: {  	v37 =	vshrl.u32 v30, $0x10;
	[tilespmem:$0x28D0] =	vst v35  }
0x38: {  	v39 =	vld [tilespmem:$0x90];
	v38 =	vand.u32 $0xFFFF, v30;
	[tilespmem:$0x2860] =	vst v37  }
0x39: {  	v40 =	vshrl.u32 v33, $0x10;
	[tilespmem:$0x28E0] =	vst v38  }
0x3a: {  	v42 =	vld [tilespmem:$0xA0];
	v41 =	vand.u32 $0xFFFF, v33;
	[tilespmem:$0x2870] =	vst v40  }
0x3b: {  	v43 =	vshrl.u32 v36, $0x10;
	[tilespmem:$0x28F0] =	vst v41  }
0x3c: {  	v45 =	vld [tilespmem:$0xB0];
	v44 =	vand.u32 $0xFFFF, v36;
	[tilespmem:$0x2900] =	vst v43  }
0x3d: {  	v46 =	vshrl.u32 v39, $0x10;
	[tilespmem:$0x2980] =	vst v44  }
0x3e: {  	v48 =	vld [tilespmem:$0xC0];
	v47 =	vand.u32 $0xFFFF, v39;
	[tilespmem:$0x2910] =	vst v46  }
0x3f: {  	v49 =	vshrl.u32 v42, $0x10;
	[tilespmem:$0x2990] =	vst v47  }
0x40: {  	v51 =	vld [tilespmem:$0xD0];
	v50 =	vand.u32 $0xFFFF, v42;
	[tilespmem:$0x2920] =	vst v49  }
0x41: {  	v52 =	vshrl.u32 v45, $0x10;
	[tilespmem:$0x29A0] =	vst v50  }
0x42: {  	v54 =	vld [tilespmem:$0xE0];
	v53 =	vand.u32 $0xFFFF, v45;
	[tilespmem:$0x2930] =	vst v52  }
0x43: {  	v55 =	vshrl.u32 v48, $0x10;
	[tilespmem:$0x29B0] =	vst v53  }
0x44: {  	v57 =	vld [tilespmem:$0xF0];
	v56 =	vand.u32 $0xFFFF, v48;
	[tilespmem:$0x2940] =	vst v55  }
0x45: {  	v58 =	vshrl.u32 v51, $0x10;
	[tilespmem:$0x29C0] =	vst v56  }
0x46: {  	v59 =	vand.u32 $0xFFFF, v51;
	[tilespmem:$0x2950] =	vst v58  }
0x47: {  	v60 =	vshrl.u32 v54, $0x10;
	[tilespmem:$0x29D0] =	vst v59  }
0x48: {  	v61 =	vand.u32 $0xFFFF, v54;
	[tilespmem:$0x2960] =	vst v60  }
0x49: {  	v62 =	vshrl.u32 v57, $0x10;
	[tilespmem:$0x29E0] =	vst v61  }
0x4a: {  	v63 =	vand.u32 $0xFFFF, v57;
	[tilespmem:$0x2970] =	vst v62  }
0x4b: {  	[tilespmem:$0x29F0] =	vst v63  }
0x4c: {  	[tilespmem:s18], [sflag:$0x1] =	stream.indirect.gather [spmem:s3], $0x40, s17, s16, $0xb8;
	[tilespmem:$0x1AA00] =	vst v63  }
0x4d: {  	s29 =	simm.s32 $0x0  }
0x4e: {  	[tilespmem:s20], [sflag:$0x2] =	stream.indirect.gather [spmem:s3], $0x40, s19, s16, $0xb8;
	[tilespmem:$0x1AA00] =	vst v63  }
.LBB2_2:
0x4f: {  	_ =	swait.ge [sflag:s21], $0x2000  }
0x50: {  	[sflag:s21] =	ssyncset.done $0x0  }
0x51: {  	[sflag:s21] =	ssyncadd.s32 $0xFFFFE000  }
0x52: {  	[spmem:s2] =	stream.indirect.scatter.add.f32 [tilespmem:s18], [sflag:$0x3], $0x40, s22, s16, $0xb8;
	[tilespmem:$0x1AA00] =	vst v63  }
0x53: {  	_ =	swait.ge [sflag:s23], $0x2000  }
0x54: {  	[sflag:s23] =	ssyncset.done $0x0  }
0x55: {  	[sflag:s23] =	ssyncadd.s32 $0xFFFFE000  }
0x56: {  	[spmem:s2] =	stream.indirect.scatter.add.f32 [tilespmem:s20], [sflag:$0x4], $0x40, s24, s16, $0xb8;
	[tilespmem:$0x1AA00] =	vst v63  }
0x57: {  	_ =	swait.ge [sflag:s25], $0x2000  }
0x58: {  	[sflag:s25] =	ssyncset.done $0x0  }
0x59: {  	s30 =	sshra.s32 s29, $0x2;
	[sflag:s25] =	ssyncadd.s32 $0xFFFFE000  }
0x5a: {  	v0 =	vld [tilespmem:s30+$0x100];
	_ =	sdelay $0x4  }
0x5b: {  	v1 =	vshrl.u32 v0, $0x10  }
0x5c: {  	v0 =	vand.u32 $0xFFFF, v0;
	[tilespmem:$0x2800] =	vst v1  }
0x5d: {  	[tilespmem:$0x2880] =	vst v0  }
0x5e: {  	v0 =	vld [tilespmem:s30+$0x110];
	_ =	sdelay $0x4  }
0x5f: {  	v48 =	vshrl.u32 v0, $0x10  }
0x60: {  	v0 =	vand.u32 $0xFFFF, v0;
	[tilespmem:$0x2810] =	vst v48  }
0x61: {  	[tilespmem:$0x2890] =	vst v0  }
0x62: {  	v0 =	vld [tilespmem:s30+$0x120];
	_ =	sdelay $0x4  }
0x63: {  	v49 =	vshrl.u32 v0, $0x10  }
0x64: {  	v0 =	vand.u32 $0xFFFF, v0;
	[tilespmem:$0x2820] =	vst v49  }
0x65: {  	[tilespmem:$0x28A0] =	vst v0  }
0x66: {  	v0 =	vld [tilespmem:s30+$0x130];
	_ =	sdelay $0x4  }
0x67: {  	v50 =	vshrl.u32 v0, $0x10  }
0x68: {  	v0 =	vand.u32 $0xFFFF, v0;
	[tilespmem:$0x2830] =	vst v50  }
0x69: {  	[tilespmem:$0x28B0] =	vst v0  }
0x6a: {  	v0 =	vld [tilespmem:s30+$0x140];
	_ =	sdelay $0x4  }
0x6b: {  	v51 =	vshrl.u32 v0, $0x10  }
0x6c: {  	v0 =	vand.u32 $0xFFFF, v0;
	[tilespmem:$0x2840] =	vst v51  }
0x6d: {  	[tilespmem:$0x28C0] =	vst v0  }
0x6e: {  	v0 =	vld [tilespmem:s30+$0x150];
	_ =	sdelay $0x4  }
0x6f: {  	v52 =	vshrl.u32 v0, $0x10  }
0x70: {  	v0 =	vand.u32 $0xFFFF, v0;
	[tilespmem:$0x2850] =	vst v52  }
0x71: {  	[tilespmem:$0x28D0] =	vst v0  }
0x72: {  	v0 =	vld [tilespmem:s30+$0x160];
	_ =	sdelay $0x4  }
0x73: {  	v53 =	vshrl.u32 v0, $0x10  }
0x74: {  	v0 =	vand.u32 $0xFFFF, v0;
	[tilespmem:$0x2860] =	vst v53  }
0x75: {  	[tilespmem:$0x28E0] =	vst v0  }
0x76: {  	v0 =	vld [tilespmem:s30+$0x170];
	_ =	sdelay $0x4  }
0x77: {  	v54 =	vshrl.u32 v0, $0x10  }
0x78: {  	v0 =	vand.u32 $0xFFFF, v0;
	[tilespmem:$0x2870] =	vst v54  }
0x79: {  	[tilespmem:$0x28F0] =	vst v0  }
0x7a: {  	[tilespmem:s18], [sflag:$0x1] =	stream.indirect.gather [spmem:s3], $0x40, s17, s16, $0xb8;
	[tilespmem:$0x1AA00] =	vst v63  }
0x7b: {  	_ =	swait.ge [sflag:s26], $0x2000  }
0x7c: {  	[sflag:s26] =	ssyncset.done $0x0  }
0x7d: {  	[sflag:s26] =	ssyncadd.s32 $0xFFFFE000  }
0x7e: {  	v55 =	vld [tilespmem:s30+$0x180];
	_ =	sdelay $0x4  }
0x7f: {  	v56 =	vshrl.u32 v55, $0x10  }
0x80: {  	v0 =	vand.u32 $0xFFFF, v55;
	[tilespmem:$0x2900] =	vst v56  }
0x81: {  	[tilespmem:$0x2980] =	vst v0  }
0x82: {  	v0 =	vld [tilespmem:s30+$0x190];
	_ =	sdelay $0x4  }
0x83: {  	v57 =	vshrl.u32 v0, $0x10  }
0x84: {  	v0 =	vand.u32 $0xFFFF, v0;
	[tilespmem:$0x2910] =	vst v57  }
0x85: {  	[tilespmem:$0x2990] =	vst v0  }
0x86: {  	v0 =	vld [tilespmem:s30+$0x1A0];
	_ =	sdelay $0x4  }
0x87: {  	v58 =	vshrl.u32 v0, $0x10  }
0x88: {  	v0 =	vand.u32 $0xFFFF, v0;
	[tilespmem:$0x2920] =	vst v58  }
0x89: {  	[tilespmem:$0x29A0] =	vst v0  }
0x8a: {  	v0 =	vld [tilespmem:s30+$0x1B0];
	_ =	sdelay $0x4  }
0x8b: {  	v59 =	vshrl.u32 v0, $0x10  }
0x8c: {  	v0 =	vand.u32 $0xFFFF, v0;
	[tilespmem:$0x2930] =	vst v59  }
0x8d: {  	[tilespmem:$0x29B0] =	vst v0  }
0x8e: {  	v0 =	vld [tilespmem:s30+$0x1C0];
	_ =	sdelay $0x4  }
0x8f: {  	v60 =	vshrl.u32 v0, $0x10  }
0x90: {  	v0 =	vand.u32 $0xFFFF, v0;
	[tilespmem:$0x2940] =	vst v60  }
0x91: {  	[tilespmem:$0x29C0] =	vst v0  }
0x92: {  	v0 =	vld [tilespmem:s30+$0x1D0];
	_ =	sdelay $0x4  }
0x93: {  	v61 =	vshrl.u32 v0, $0x10  }
0x94: {  	v0 =	vand.u32 $0xFFFF, v0;
	[tilespmem:$0x2950] =	vst v61  }
0x95: {  	[tilespmem:$0x29D0] =	vst v0  }
0x96: {  	v0 =	vld [tilespmem:s30+$0x1E0];
	_ =	sdelay $0x4  }
0x97: {  	v62 =	vshrl.u32 v0, $0x10  }
0x98: {  	v0 =	vand.u32 $0xFFFF, v0;
	[tilespmem:$0x2960] =	vst v62  }
0x99: {  	[tilespmem:$0x29E0] =	vst v0  }
0x9a: {  	v0 =	vld [tilespmem:s30+$0x1F0];
	_ =	sdelay $0x4  }
0x9b: {  	v63 =	vshrl.u32 v0, $0x10  }
0x9c: {  	v0 =	vand.u32 $0xFFFF, v0;
	[tilespmem:$0x2970] =	vst v63  }
0x9d: {  	[tilespmem:$0x29F0] =	vst v0  }
0x9e: {  	[tilespmem:s20], [sflag:$0x2] =	stream.indirect.gather [spmem:s3], $0x40, s19, s16, $0xb8;
	[tilespmem:$0x1AA00] =	vst v63  }
0x9f: {  	_ =	swait.ge [sflag:s21], $0x2000  }
0xa0: {  	[sflag:s21] =	ssyncset.done $0x0  }
0xa1: {  	[sflag:s21] =	ssyncadd.s32 $0xFFFFE000  }
0xa2: {  	[spmem:s2] =	stream.indirect.scatter.add.f32 [tilespmem:s18], [sflag:$0x3], $0x40, s22, s16, $0xb8;
	[tilespmem:$0x1AA00] =	vst v63  }
0xa3: {  	_ =	swait.ge [sflag:s23], $0x2000  }
0xa4: {  	p0 =	seq.s32 s29, $0x9800;
	[sflag:s23] =	ssyncset.done $0x0  }
.Ltmp2:
0xa5: {  	[sflag:s23] =	ssyncadd.s32 $0xFFFFE000;
	(pc) =	sbr.rel @p0 .LBB2_4-.Ltmp2, $4  }
0xa6: {  	[spmem:s2] =	stream.indirect.scatter.add.f32 [tilespmem:s20], [sflag:$0x4], $0x40, s24, s16, $0xb8;
	[tilespmem:$0x1AA00] =	vst v63  }
0xa7: {  	_ =	swait.ge [sflag:s25], $0x2000  }
0xa8: {  	[sflag:s25] =	ssyncset.done $0x0  }
0xa9: {  	[sflag:s25] =	ssyncadd.s32 $0xFFFFE000  }
0xaa: {  	v0 =	vld [tilespmem:s30+$0x200];
	_ =	sdelay $0x4  }
0xab: {  	v1 =	vshrl.u32 v0, $0x10  }
0xac: {  	v0 =	vand.u32 $0xFFFF, v0;
	[tilespmem:$0x2800] =	vst v1  }
0xad: {  	[tilespmem:$0x2880] =	vst v0  }
0xae: {  	v0 =	vld [tilespmem:s30+$0x210];
	_ =	sdelay $0x4  }
0xaf: {  	v48 =	vshrl.u32 v0, $0x10  }
0xb0: {  	v0 =	vand.u32 $0xFFFF, v0;
	[tilespmem:$0x2810] =	vst v48  }
0xb1: {  	[tilespmem:$0x2890] =	vst v0  }
0xb2: {  	v0 =	vld [tilespmem:s30+$0x220];
	_ =	sdelay $0x4  }
0xb3: {  	v49 =	vshrl.u32 v0, $0x10  }
0xb4: {  	v0 =	vand.u32 $0xFFFF, v0;
	[tilespmem:$0x2820] =	vst v49  }
0xb5: {  	[tilespmem:$0x28A0] =	vst v0  }
0xb6: {  	v0 =	vld [tilespmem:s30+$0x230];
	_ =	sdelay $0x4  }
0xb7: {  	v50 =	vshrl.u32 v0, $0x10  }
0xb8: {  	v0 =	vand.u32 $0xFFFF, v0;
	[tilespmem:$0x2830] =	vst v50  }
0xb9: {  	[tilespmem:$0x28B0] =	vst v0  }
0xba: {  	v0 =	vld [tilespmem:s30+$0x240];
	_ =	sdelay $0x4  }
0xbb: {  	v51 =	vshrl.u32 v0, $0x10  }
0xbc: {  	v0 =	vand.u32 $0xFFFF, v0;
	[tilespmem:$0x2840] =	vst v51  }
0xbd: {  	[tilespmem:$0x28C0] =	vst v0  }
0xbe: {  	v0 =	vld [tilespmem:s30+$0x250];
	_ =	sdelay $0x4  }
0xbf: {  	v52 =	vshrl.u32 v0, $0x10  }
0xc0: {  	v0 =	vand.u32 $0xFFFF, v0;
	[tilespmem:$0x2850] =	vst v52  }
0xc1: {  	[tilespmem:$0x28D0] =	vst v0  }
0xc2: {  	v0 =	vld [tilespmem:s30+$0x260];
	_ =	sdelay $0x4  }
0xc3: {  	v53 =	vshrl.u32 v0, $0x10  }
0xc4: {  	v0 =	vand.u32 $0xFFFF, v0;
	[tilespmem:$0x2860] =	vst v53  }
0xc5: {  	[tilespmem:$0x28E0] =	vst v0  }
0xc6: {  	v0 =	vld [tilespmem:s30+$0x270];
	_ =	sdelay $0x4  }
0xc7: {  	v54 =	vshrl.u32 v0, $0x10  }
0xc8: {  	v0 =	vand.u32 $0xFFFF, v0;
	[tilespmem:$0x2870] =	vst v54  }
0xc9: {  	[tilespmem:$0x28F0] =	vst v0  }
0xca: {  	[tilespmem:s18], [sflag:$0x1] =	stream.indirect.gather [spmem:s3], $0x40, s17, s16, $0xb8;
	[tilespmem:$0x1AA00] =	vst v63  }
0xcb: {  	_ =	swait.ge [sflag:s26], $0x2000  }
0xcc: {  	[sflag:s26] =	ssyncset.done $0x0  }
0xcd: {  	[sflag:s26] =	ssyncadd.s32 $0xFFFFE000  }
0xce: {  	v55 =	vld [tilespmem:s30+$0x280];
	_ =	sdelay $0x4  }
0xcf: {  	v56 =	vshrl.u32 v55, $0x10  }
0xd0: {  	v0 =	vand.u32 $0xFFFF, v55;
	[tilespmem:$0x2900] =	vst v56  }
0xd1: {  	[tilespmem:$0x2980] =	vst v0  }
0xd2: {  	v0 =	vld [tilespmem:s30+$0x290];
	_ =	sdelay $0x4  }
0xd3: {  	v57 =	vshrl.u32 v0, $0x10  }
0xd4: {  	v0 =	vand.u32 $0xFFFF, v0;
	[tilespmem:$0x2910] =	vst v57  }
0xd5: {  	[tilespmem:$0x2990] =	vst v0  }
0xd6: {  	v0 =	vld [tilespmem:s30+$0x2A0];
	_ =	sdelay $0x4  }
0xd7: {  	v58 =	vshrl.u32 v0, $0x10  }
0xd8: {  	v0 =	vand.u32 $0xFFFF, v0;
	[tilespmem:$0x2920] =	vst v58  }
0xd9: {  	[tilespmem:$0x29A0] =	vst v0  }
0xda: {  	v0 =	vld [tilespmem:s30+$0x2B0];
	_ =	sdelay $0x4  }
0xdb: {  	v59 =	vshrl.u32 v0, $0x10  }
0xdc: {  	v0 =	vand.u32 $0xFFFF, v0;
	[tilespmem:$0x2930] =	vst v59  }
0xdd: {  	[tilespmem:$0x29B0] =	vst v0  }
0xde: {  	v0 =	vld [tilespmem:s30+$0x2C0];
	_ =	sdelay $0x4  }
0xdf: {  	v60 =	vshrl.u32 v0, $0x10  }
0xe0: {  	v0 =	vand.u32 $0xFFFF, v0;
	[tilespmem:$0x2940] =	vst v60  }
0xe1: {  	[tilespmem:$0x29C0] =	vst v0  }
0xe2: {  	v0 =	vld [tilespmem:s30+$0x2D0];
	_ =	sdelay $0x4  }
0xe3: {  	v61 =	vshrl.u32 v0, $0x10  }
0xe4: {  	v0 =	vand.u32 $0xFFFF, v0;
	[tilespmem:$0x2950] =	vst v61  }
0xe5: {  	[tilespmem:$0x29D0] =	vst v0  }
0xe6: {  	v0 =	vld [tilespmem:s30+$0x2E0];
	_ =	sdelay $0x4  }
0xe7: {  	v62 =	vshrl.u32 v0, $0x10  }
0xe8: {  	v0 =	vand.u32 $0xFFFF, v0;
	[tilespmem:$0x2960] =	vst v62  }
0xe9: {  	[tilespmem:$0x29E0] =	vst v0  }
0xea: {  	v0 =	vld [tilespmem:s30+$0x2F0];
	_ =	sdelay $0x3  }
.Ltmp3:
0xeb: {  	_ = 	snop;
	(pc) =	sbr.rel .LBB2_2-.Ltmp3, $4  }
0xec: {  	v63 =	vshrl.u32 v0, $0x10  }
0xed: {  	v0 =	vand.u32 $0xFFFF, v0;
	[tilespmem:$0x2970] =	vst v63  }
0xee: {  	s29 =	sadd.s32 $0x800, s29;
	[tilespmem:$0x29F0] =	vst v0  }
0xef: {  	[tilespmem:s20], [sflag:$0x2] =	stream.indirect.gather [spmem:s3], $0x40, s19, s16, $0xb8;
	[tilespmem:$0x1AA00] =	vst v63  }
.LBB2_4:
0xf0: {  	_ =	swait.ge [sflag:s26], $0x2000  }
0xf1: {  	[sflag:s26] =	ssyncset.done $0x0  }
0xf2: {  	[sflag:s26] =	ssyncadd.s32 $0xFFFFE000  }
0xf3: {  	[bflag:$0x0] =	sbarrier.arrive $0xFFFF  }
0xf4: {  	[hbm:s8], [sflag:s13] =	dma.local [spmem:s14], $0x1400  }
0xf5: {  	_ =	swait.ge [sflag:s12], $0x1400  }
0xf6: {  	[sflag:s12] =	ssyncset.done $0x0  }
0xf7: {  	[sflag:s12] =	ssyncadd.s32 $0xFFFFEC00  }
0xf8: {  	[spmem:s14], [sflag:s13] =	dma.local [hbm:s5], $0x1400  }
0xf9: {  	_ =	swait.ge [sflag:s12], $0x1400  }
0xfa: {  	[sflag:s12] =	ssyncset.done $0x0  }
0xfb: {  	[sflag:s12] =	ssyncadd.s32 $0xFFFFEC00  }
0xfc: {  	[spmem:s15], [sflag:s13] =	dma.local [hbm:s9], $0x1400  }
0xfd: {  	_ =	swait.ge [sflag:s12], $0x1400  }
0xfe: {  	[sflag:s12] =	ssyncset.done $0x0  }
0xff: {  	[sflag:s12] =	ssyncadd.s32 $0xFFFFEC00  }
0x100: {  	[bflag:$0x0] =	sbarrier.arrive $0xFFFF  }
0x101: {  	v0 =	vld [tilespmem:$0x0];
	_ =	sdelay $0x1  }
0x102: {  	v1 =	vld [tilespmem:$0x10];
	_ =	sdelay $0x1  }
0x103: {  	v2 =	vld [tilespmem:$0x20]  }
0x104: {  	v3 =	vshrl.u32 v0, $0x10  }
0x105: {  	v21 =	vld [tilespmem:$0x30];
	v0 =	vand.u32 $0xFFFF, v0;
	[tilespmem:$0x2800] =	vst v3  }
0x106: {  	v22 =	vshrl.u32 v1, $0x10;
	[tilespmem:$0x2880] =	vst v0  }
0x107: {  	v24 =	vld [tilespmem:$0x40];
	v23 =	vand.u32 $0xFFFF, v1;
	[tilespmem:$0x2810] =	vst v22  }
0x108: {  	v25 =	vshrl.u32 v2, $0x10;
	[tilespmem:$0x2890] =	vst v23  }
0x109: {  	v27 =	vld [tilespmem:$0x50];
	v26 =	vand.u32 $0xFFFF, v2;
	[tilespmem:$0x2820] =	vst v25  }
0x10a: {  	v28 =	vshrl.u32 v21, $0x10;
	[tilespmem:$0x28A0] =	vst v26  }
0x10b: {  	v30 =	vld [tilespmem:$0x60];
	v29 =	vand.u32 $0xFFFF, v21;
	[tilespmem:$0x2830] =	vst v28  }
0x10c: {  	v31 =	vshrl.u32 v24, $0x10;
	[tilespmem:$0x28B0] =	vst v29  }
0x10d: {  	v33 =	vld [tilespmem:$0x70];
	v32 =	vand.u32 $0xFFFF, v24;
	[tilespmem:$0x2840] =	vst v31  }
0x10e: {  	v34 =	vshrl.u32 v27, $0x10;
	[tilespmem:$0x28C0] =	vst v32  }
0x10f: {  	v36 =	vld [tilespmem:$0x80];
	v35 =	vand.u32 $0xFFFF, v27;
	[tilespmem:$0x2850] =	vst v34  }
0x110: {  	v37 =	vshrl.u32 v30, $0x10;
	[tilespmem:$0x28D0] =	vst v35  }
0x111: {  	v39 =	vld [tilespmem:$0x90];
	v38 =	vand.u32 $0xFFFF, v30;
	[tilespmem:$0x2860] =	vst v37  }
0x112: {  	v40 =	vshrl.u32 v33, $0x10;
	[tilespmem:$0x28E0] =	vst v38  }
0x113: {  	v42 =	vld [tilespmem:$0xA0];
	v41 =	vand.u32 $0xFFFF, v33;
	[tilespmem:$0x2870] =	vst v40  }
0x114: {  	v43 =	vshrl.u32 v36, $0x10;
	[tilespmem:$0x28F0] =	vst v41  }
0x115: {  	v45 =	vld [tilespmem:$0xB0];
	v44 =	vand.u32 $0xFFFF, v36;
	[tilespmem:$0x2900] =	vst v43  }
0x116: {  	v46 =	vshrl.u32 v39, $0x10;
	[tilespmem:$0x2980] =	vst v44  }
0x117: {  	v48 =	vld [tilespmem:$0xC0];
	v47 =	vand.u32 $0xFFFF, v39;
	[tilespmem:$0x2910] =	vst v46  }
0x118: {  	v49 =	vshrl.u32 v42, $0x10;
	[tilespmem:$0x2990] =	vst v47  }
0x119: {  	v51 =	vld [tilespmem:$0xD0];
	v50 =	vand.u32 $0xFFFF, v42;
	[tilespmem:$0x2920] =	vst v49  }
0x11a: {  	v52 =	vshrl.u32 v45, $0x10;
	[tilespmem:$0x29A0] =	vst v50  }
0x11b: {  	v54 =	vld [tilespmem:$0xE0];
	v53 =	vand.u32 $0xFFFF, v45;
	[tilespmem:$0x2930] =	vst v52  }
0x11c: {  	v55 =	vshrl.u32 v48, $0x10;
	[tilespmem:$0x29B0] =	vst v53  }
0x11d: {  	v57 =	vld [tilespmem:$0xF0];
	v56 =	vand.u32 $0xFFFF, v48;
	[tilespmem:$0x2940] =	vst v55  }
0x11e: {  	v58 =	vshrl.u32 v51, $0x10;
	[tilespmem:$0x29C0] =	vst v56  }
0x11f: {  	v59 =	vand.u32 $0xFFFF, v51;
	[tilespmem:$0x2950] =	vst v58  }
0x120: {  	v60 =	vshrl.u32 v54, $0x10;
	[tilespmem:$0x29D0] =	vst v59  }
0x121: {  	v61 =	vand.u32 $0xFFFF, v54;
	[tilespmem:$0x2960] =	vst v60  }
0x122: {  	v62 =	vshrl.u32 v57, $0x10;
	[tilespmem:$0x29E0] =	vst v61  }
0x123: {  	v63 =	vand.u32 $0xFFFF, v57;
	[tilespmem:$0x2970] =	vst v62  }
0x124: {  	[tilespmem:$0x29F0] =	vst v63  }
0x125: {  	[tilespmem:s18], [sflag:$0x1] =	stream.indirect.gather [spmem:s3], $0x40, s17, s16, $0xb8;
	[tilespmem:$0x1AA00] =	vst v63  }
0x126: {  	s29 =	simm.s32 $0x0  }
0x127: {  	[tilespmem:s20], [sflag:$0x2] =	stream.indirect.gather [spmem:s3], $0x40, s19, s16, $0xb8;
	[tilespmem:$0x1AA00] =	vst v63  }
.LBB2_5:
0x128: {  	_ =	swait.ge [sflag:s21], $0x2000  }
0x129: {  	[sflag:s21] =	ssyncset.done $0x0  }
0x12a: {  	[sflag:s21] =	ssyncadd.s32 $0xFFFFE000  }
0x12b: {  	[spmem:s2] =	stream.indirect.scatter.add.f32 [tilespmem:s18], [sflag:$0x3], $0x40, s22, s16, $0xb8;
	[tilespmem:$0x1AA00] =	vst v63  }
0x12c: {  	_ =	swait.ge [sflag:s23], $0x2000  }
0x12d: {  	[sflag:s23] =	ssyncset.done $0x0  }
0x12e: {  	[sflag:s23] =	ssyncadd.s32 $0xFFFFE000  }
0x12f: {  	[spmem:s2] =	stream.indirect.scatter.add.f32 [tilespmem:s20], [sflag:$0x4], $0x40, s24, s16, $0xb8;
	[tilespmem:$0x1AA00] =	vst v63  }
0x130: {  	_ =	swait.ge [sflag:s25], $0x2000  }
0x131: {  	[sflag:s25] =	ssyncset.done $0x0  }
0x132: {  	s30 =	sshra.s32 s29, $0x2;
	[sflag:s25] =	ssyncadd.s32 $0xFFFFE000  }
0x133: {  	v0 =	vld [tilespmem:s30+$0x100];
	_ =	sdelay $0x4  }
0x134: {  	v1 =	vshrl.u32 v0, $0x10  }
0x135: {  	v0 =	vand.u32 $0xFFFF, v0;
	[tilespmem:$0x2800] =	vst v1  }
0x136: {  	[tilespmem:$0x2880] =	vst v0  }
0x137: {  	v0 =	vld [tilespmem:s30+$0x110];
	_ =	sdelay $0x4  }
0x138: {  	v48 =	vshrl.u32 v0, $0x10  }
0x139: {  	v0 =	vand.u32 $0xFFFF, v0;
	[tilespmem:$0x2810] =	vst v48  }
0x13a: {  	[tilespmem:$0x2890] =	vst v0  }
0x13b: {  	v0 =	vld [tilespmem:s30+$0x120];
	_ =	sdelay $0x4  }
0x13c: {  	v49 =	vshrl.u32 v0, $0x10  }
0x13d: {  	v0 =	vand.u32 $0xFFFF, v0;
	[tilespmem:$0x2820] =	vst v49  }
0x13e: {  	[tilespmem:$0x28A0] =	vst v0  }
0x13f: {  	v0 =	vld [tilespmem:s30+$0x130];
	_ =	sdelay $0x4  }
0x140: {  	v50 =	vshrl.u32 v0, $0x10  }
0x141: {  	v0 =	vand.u32 $0xFFFF, v0;
	[tilespmem:$0x2830] =	vst v50  }
0x142: {  	[tilespmem:$0x28B0] =	vst v0  }
0x143: {  	v0 =	vld [tilespmem:s30+$0x140];
	_ =	sdelay $0x4  }
0x144: {  	v51 =	vshrl.u32 v0, $0x10  }
0x145: {  	v0 =	vand.u32 $0xFFFF, v0;
	[tilespmem:$0x2840] =	vst v51  }
0x146: {  	[tilespmem:$0x28C0] =	vst v0  }
0x147: {  	v0 =	vld [tilespmem:s30+$0x150];
	_ =	sdelay $0x4  }
0x148: {  	v52 =	vshrl.u32 v0, $0x10  }
0x149: {  	v0 =	vand.u32 $0xFFFF, v0;
	[tilespmem:$0x2850] =	vst v52  }
0x14a: {  	[tilespmem:$0x28D0] =	vst v0  }
0x14b: {  	v0 =	vld [tilespmem:s30+$0x160];
	_ =	sdelay $0x4  }
0x14c: {  	v53 =	vshrl.u32 v0, $0x10  }
0x14d: {  	v0 =	vand.u32 $0xFFFF, v0;
	[tilespmem:$0x2860] =	vst v53  }
0x14e: {  	[tilespmem:$0x28E0] =	vst v0  }
0x14f: {  	v0 =	vld [tilespmem:s30+$0x170];
	_ =	sdelay $0x4  }
0x150: {  	v54 =	vshrl.u32 v0, $0x10  }
0x151: {  	v0 =	vand.u32 $0xFFFF, v0;
	[tilespmem:$0x2870] =	vst v54  }
0x152: {  	[tilespmem:$0x28F0] =	vst v0  }
0x153: {  	[tilespmem:s18], [sflag:$0x1] =	stream.indirect.gather [spmem:s3], $0x40, s17, s16, $0xb8;
	[tilespmem:$0x1AA00] =	vst v63  }
0x154: {  	_ =	swait.ge [sflag:s26], $0x2000  }
0x155: {  	[sflag:s26] =	ssyncset.done $0x0  }
0x156: {  	[sflag:s26] =	ssyncadd.s32 $0xFFFFE000  }
0x157: {  	v55 =	vld [tilespmem:s30+$0x180];
	_ =	sdelay $0x4  }
0x158: {  	v56 =	vshrl.u32 v55, $0x10  }
0x159: {  	v0 =	vand.u32 $0xFFFF, v55;
	[tilespmem:$0x2900] =	vst v56  }
0x15a: {  	[tilespmem:$0x2980] =	vst v0  }
0x15b: {  	v0 =	vld [tilespmem:s30+$0x190];
	_ =	sdelay $0x4  }
0x15c: {  	v57 =	vshrl.u32 v0, $0x10  }
0x15d: {  	v0 =	vand.u32 $0xFFFF, v0;
	[tilespmem:$0x2910] =	vst v57  }
0x15e: {  	[tilespmem:$0x2990] =	vst v0  }
0x15f: {  	v0 =	vld [tilespmem:s30+$0x1A0];
	_ =	sdelay $0x4  }
0x160: {  	v58 =	vshrl.u32 v0, $0x10  }
0x161: {  	v0 =	vand.u32 $0xFFFF, v0;
	[tilespmem:$0x2920] =	vst v58  }
0x162: {  	[tilespmem:$0x29A0] =	vst v0  }
0x163: {  	v0 =	vld [tilespmem:s30+$0x1B0];
	_ =	sdelay $0x4  }
0x164: {  	v59 =	vshrl.u32 v0, $0x10  }
0x165: {  	v0 =	vand.u32 $0xFFFF, v0;
	[tilespmem:$0x2930] =	vst v59  }
0x166: {  	[tilespmem:$0x29B0] =	vst v0  }
0x167: {  	v0 =	vld [tilespmem:s30+$0x1C0];
	_ =	sdelay $0x4  }
0x168: {  	v60 =	vshrl.u32 v0, $0x10  }
0x169: {  	v0 =	vand.u32 $0xFFFF, v0;
	[tilespmem:$0x2940] =	vst v60  }
0x16a: {  	[tilespmem:$0x29C0] =	vst v0  }
0x16b: {  	v0 =	vld [tilespmem:s30+$0x1D0];
	_ =	sdelay $0x4  }
0x16c: {  	v61 =	vshrl.u32 v0, $0x10  }
0x16d: {  	v0 =	vand.u32 $0xFFFF, v0;
	[tilespmem:$0x2950] =	vst v61  }
0x16e: {  	[tilespmem:$0x29D0] =	vst v0  }
0x16f: {  	v0 =	vld [tilespmem:s30+$0x1E0];
	_ =	sdelay $0x4  }
0x170: {  	v62 =	vshrl.u32 v0, $0x10  }
0x171: {  	v0 =	vand.u32 $0xFFFF, v0;
	[tilespmem:$0x2960] =	vst v62  }
0x172: {  	[tilespmem:$0x29E0] =	vst v0  }
0x173: {  	v0 =	vld [tilespmem:s30+$0x1F0];
	_ =	sdelay $0x4  }
0x174: {  	v63 =	vshrl.u32 v0, $0x10  }
0x175: {  	v0 =	vand.u32 $0xFFFF, v0;
	[tilespmem:$0x2970] =	vst v63  }
0x176: {  	[tilespmem:$0x29F0] =	vst v0  }
0x177: {  	[tilespmem:s20], [sflag:$0x2] =	stream.indirect.gather [spmem:s3], $0x40, s19, s16, $0xb8;
	[tilespmem:$0x1AA00] =	vst v63  }
0x178: {  	_ =	swait.ge [sflag:s21], $0x2000  }
0x179: {  	[sflag:s21] =	ssyncset.done $0x0  }
0x17a: {  	[sflag:s21] =	ssyncadd.s32 $0xFFFFE000  }
0x17b: {  	[spmem:s2] =	stream.indirect.scatter.add.f32 [tilespmem:s18], [sflag:$0x3], $0x40, s22, s16, $0xb8;
	[tilespmem:$0x1AA00] =	vst v63  }
0x17c: {  	_ =	swait.ge [sflag:s23], $0x2000  }
0x17d: {  	p0 =	seq.s32 s29, $0x9800;
	[sflag:s23] =	ssyncset.done $0x0  }
.Ltmp4:
0x17e: {  	[sflag:s23] =	ssyncadd.s32 $0xFFFFE000;
	(pc) =	sbr.rel @p0 .LBB2_7-.Ltmp4, $4  }
0x17f: {  	[spmem:s2] =	stream.indirect.scatter.add.f32 [tilespmem:s20], [sflag:$0x4], $0x40, s24, s16, $0xb8;
	[tilespmem:$0x1AA00] =	vst v63  }
0x180: {  	_ =	swait.ge [sflag:s25], $0x2000  }
0x181: {  	[sflag:s25] =	ssyncset.done $0x0  }
0x182: {  	[sflag:s25] =	ssyncadd.s32 $0xFFFFE000  }
0x183: {  	v0 =	vld [tilespmem:s30+$0x200];
	_ =	sdelay $0x4  }
0x184: {  	v1 =	vshrl.u32 v0, $0x10  }
0x185: {  	v0 =	vand.u32 $0xFFFF, v0;
	[tilespmem:$0x2800] =	vst v1  }
0x186: {  	[tilespmem:$0x2880] =	vst v0  }
0x187: {  	v0 =	vld [tilespmem:s30+$0x210];
	_ =	sdelay $0x4  }
0x188: {  	v48 =	vshrl.u32 v0, $0x10  }
0x189: {  	v0 =	vand.u32 $0xFFFF, v0;
	[tilespmem:$0x2810] =	vst v48  }
0x18a: {  	[tilespmem:$0x2890] =	vst v0  }
0x18b: {  	v0 =	vld [tilespmem:s30+$0x220];
	_ =	sdelay $0x4  }
0x18c: {  	v49 =	vshrl.u32 v0, $0x10  }
0x18d: {  	v0 =	vand.u32 $0xFFFF, v0;
	[tilespmem:$0x2820] =	vst v49  }
0x18e: {  	[tilespmem:$0x28A0] =	vst v0  }
0x18f: {  	v0 =	vld [tilespmem:s30+$0x230];
	_ =	sdelay $0x4  }
0x190: {  	v50 =	vshrl.u32 v0, $0x10  }
0x191: {  	v0 =	vand.u32 $0xFFFF, v0;
	[tilespmem:$0x2830] =	vst v50  }
0x192: {  	[tilespmem:$0x28B0] =	vst v0  }
0x193: {  	v0 =	vld [tilespmem:s30+$0x240];
	_ =	sdelay $0x4  }
0x194: {  	v51 =	vshrl.u32 v0, $0x10  }
0x195: {  	v0 =	vand.u32 $0xFFFF, v0;
	[tilespmem:$0x2840] =	vst v51  }
0x196: {  	[tilespmem:$0x28C0] =	vst v0  }
0x197: {  	v0 =	vld [tilespmem:s30+$0x250];
	_ =	sdelay $0x4  }
0x198: {  	v52 =	vshrl.u32 v0, $0x10  }
0x199: {  	v0 =	vand.u32 $0xFFFF, v0;
	[tilespmem:$0x2850] =	vst v52  }
0x19a: {  	[tilespmem:$0x28D0] =	vst v0  }
0x19b: {  	v0 =	vld [tilespmem:s30+$0x260];
	_ =	sdelay $0x4  }
0x19c: {  	v53 =	vshrl.u32 v0, $0x10  }
0x19d: {  	v0 =	vand.u32 $0xFFFF, v0;
	[tilespmem:$0x2860] =	vst v53  }
0x19e: {  	[tilespmem:$0x28E0] =	vst v0  }
0x19f: {  	v0 =	vld [tilespmem:s30+$0x270];
	_ =	sdelay $0x4  }
0x1a0: {  	v54 =	vshrl.u32 v0, $0x10  }
0x1a1: {  	v0 =	vand.u32 $0xFFFF, v0;
	[tilespmem:$0x2870] =	vst v54  }
0x1a2: {  	[tilespmem:$0x28F0] =	vst v0  }
0x1a3: {  	[tilespmem:s18], [sflag:$0x1] =	stream.indirect.gather [spmem:s3], $0x40, s17, s16, $0xb8;
	[tilespmem:$0x1AA00] =	vst v63  }
0x1a4: {  	_ =	swait.ge [sflag:s26], $0x2000  }
0x1a5: {  	[sflag:s26] =	ssyncset.done $0x0  }
0x1a6: {  	[sflag:s26] =	ssyncadd.s32 $0xFFFFE000  }
0x1a7: {  	v55 =	vld [tilespmem:s30+$0x280];
	_ =	sdelay $0x4  }
0x1a8: {  	v56 =	vshrl.u32 v55, $0x10  }
0x1a9: {  	v0 =	vand.u32 $0xFFFF, v55;
	[tilespmem:$0x2900] =	vst v56  }
0x1aa: {  	[tilespmem:$0x2980] =	vst v0  }
0x1ab: {  	v0 =	vld [tilespmem:s30+$0x290];
	_ =	sdelay $0x4  }
0x1ac: {  	v57 =	vshrl.u32 v0, $0x10  }
0x1ad: {  	v0 =	vand.u32 $0xFFFF, v0;
	[tilespmem:$0x2910] =	vst v57  }
0x1ae: {  	[tilespmem:$0x2990] =	vst v0  }
0x1af: {  	v0 =	vld [tilespmem:s30+$0x2A0];
	_ =	sdelay $0x4  }
0x1b0: {  	v58 =	vshrl.u32 v0, $0x10  }
0x1b1: {  	v0 =	vand.u32 $0xFFFF, v0;
	[tilespmem:$0x2920] =	vst v58  }
0x1b2: {  	[tilespmem:$0x29A0] =	vst v0  }
0x1b3: {  	v0 =	vld [tilespmem:s30+$0x2B0];
	_ =	sdelay $0x4  }
0x1b4: {  	v59 =	vshrl.u32 v0, $0x10  }
0x1b5: {  	v0 =	vand.u32 $0xFFFF, v0;
	[tilespmem:$0x2930] =	vst v59  }
0x1b6: {  	[tilespmem:$0x29B0] =	vst v0  }
0x1b7: {  	v0 =	vld [tilespmem:s30+$0x2C0];
	_ =	sdelay $0x4  }
0x1b8: {  	v60 =	vshrl.u32 v0, $0x10  }
0x1b9: {  	v0 =	vand.u32 $0xFFFF, v0;
	[tilespmem:$0x2940] =	vst v60  }
0x1ba: {  	[tilespmem:$0x29C0] =	vst v0  }
0x1bb: {  	v0 =	vld [tilespmem:s30+$0x2D0];
	_ =	sdelay $0x4  }
0x1bc: {  	v61 =	vshrl.u32 v0, $0x10  }
0x1bd: {  	v0 =	vand.u32 $0xFFFF, v0;
	[tilespmem:$0x2950] =	vst v61  }
0x1be: {  	[tilespmem:$0x29D0] =	vst v0  }
0x1bf: {  	v0 =	vld [tilespmem:s30+$0x2E0];
	_ =	sdelay $0x4  }
0x1c0: {  	v62 =	vshrl.u32 v0, $0x10  }
0x1c1: {  	v0 =	vand.u32 $0xFFFF, v0;
	[tilespmem:$0x2960] =	vst v62  }
0x1c2: {  	[tilespmem:$0x29E0] =	vst v0  }
0x1c3: {  	v0 =	vld [tilespmem:s30+$0x2F0];
	_ =	sdelay $0x3  }
.Ltmp5:
0x1c4: {  	_ = 	snop;
	(pc) =	sbr.rel .LBB2_5-.Ltmp5, $4  }
0x1c5: {  	v63 =	vshrl.u32 v0, $0x10  }
0x1c6: {  	v0 =	vand.u32 $0xFFFF, v0;
	[tilespmem:$0x2970] =	vst v63  }
0x1c7: {  	s29 =	sadd.s32 $0x800, s29;
	[tilespmem:$0x29F0] =	vst v0  }
0x1c8: {  	[tilespmem:s20], [sflag:$0x2] =	stream.indirect.gather [spmem:s3], $0x40, s19, s16, $0xb8;
	[tilespmem:$0x1AA00] =	vst v63  }
.LBB2_8:
0x1c9: {  	_ =	sfence.sel $0x180000  }
0x1ca: {  	[bflag:$0x0] =	sbarrier.arrive $0xFFFF  }
0x1cb: {  	p0 =	sne.s32 s0, $0x0;
	_ =	strace $0x9000004A  }
0x1cc: {  	s0 =	sadd.s32 @!p0 $0x100000, s1;
	[bflag:$0x2] =	sbarrier.arrive $0xFFFF  }
0x1cd: {  	[sflag:s0] =	ssyncadd.tile.s32 @!p0 $0x1;
	_ =	shalt  }
.Lfunc_end2:
_tile_overlayer_lowered:
.L_overlay_start_2:
0x1ce: {  	(tag) =	ssettag $0x2  }
0x1cf: {  	s0 =	rddreg [dreg:$0x0];
	s2 =	stileid.u32  }
0x1d0: {  	s1 =	rddreg [dreg:$0x1];
	p0 =	sne.s32 s2, $0x0  }
0x1d1: {  	s3 =	rddreg [dreg:$0x2];
	[bflag:$0x3] =	sbarrier.arrive $0xFFFF;
	s2 =	simm.s32 @!p0 $0x1C05  }
0x1d2: {  	[timem:s3], [sflag:s2] =	dma.local @!p0 [hbm:s0], s1  }
0x1d3: {  	s0 =	simm.s32 @!p0 $0x5  }
0x1d4: {  	_ =	swait.ge @!p0 [sflag:s0], s1  }
0x1d5: {  	s1 =	ssub.s32 @!p0 $0x0, s1;
	[sflag:s0] =	ssyncset.done @!p0 $0x0  }
0x1d6: {  	[sflag:s0] =	ssyncadd.s32 @!p0 s1  }
0x1d7: {  	[bflag:$0x3] =	sbarrier.arrive $0xFFFF  }
0x1d8: {  	_ =	shalt  }

// kernel: kernel.14.cloned.1.call-start
scs
__scs_entry_jumppad:
0x0: {  	(pc) =	sbr.rel $0x88, $3  }
0x1: {  	(tag) =	ssettag $0x0;
	lr =	simm.s32 $0x1  }
0x2: {  	[smem:$0x3F97] =	sst lr;
	_ =	strace $0xD0000000  }
0x3: {  	_ = 	snop  }
0x4: {  	_ = 	snop  }
0x5: {  	_ = 	snop  }
0x6: {  	_ = 	snop  }
0x7: {  	_ = 	snop  }
__scs_overlays_trampoline_lowered:
0x8: {  	[smem:$0x3FA6] =	sst s0  }
0x9: {  	[smem:$0x3FA7] =	sst s1  }
0xa: {  	[smem:$0x3FA8] =	sst s2  }
0xb: {  	[smem:$0x3FA9] =	sst s3  }
0xc: {  	[smem:$0x3FAA] =	sst s4  }
0xd: {  	[smem:$0x3FAB] =	sst s5  }
0xe: {  	[smem:$0x3FAC] =	sst s6  }
0xf: {  	[smem:$0x3FAD] =	sst s7  }
0x10: {  	[smem:$0x3FAE] =	sst s8  }
0x11: {  	[smem:$0x3FAF] =	sst s9;
	s0 =	simm.s32 @!p0 $0x0  }
0x12: {  	s1 =	sld [smem:$0x3F95];
	s0 =	simm.s32 @p0 $0x1  }
0x13: {  	[smem:$0x3FB0] =	sst s0;
	s0 =	simm.s32 @!p1 $0x0  }
0x14: {  	s2 =	sld [smem:$0x3F94];
	s0 =	simm.s32 @p1 $0x1  }
0x15: {  	[smem:$0x3FB1] =	sst s0;
	s0 =	simm.s32 @!p2 $0x0  }
0x16: {  	s3 =	sld [smem:$0x3FDB];
	s0 =	simm.s32 @p2 $0x1  }
0x17: {  	s4 =	simm.s32 $0x1BF5;
	[smem:$0x3FB3] =	sst s0  }
0x18: {  	s0 =	sld [smem:$0x3F96];
	_ =	swait.ge [sflag:s4], $0x0  }
0x19: {  	s7 =	sld [smem:$0x3F97]  }
0x1a: {  	s8 =	sadd.s32 $0xFFFFE003, lr  }
0x1b: {  	s9 =	sadd.s32 $0xFFFFFEF7, lr;
	s5 =	simm.s32 $0xFFFFFFFF;
	p2 =	slt.u32 s8, $0xFFFFF086  }
0x1c: {  	p1 =	slt.u32 s9, $0xF7A;
	s5 =	simm.s32 @!p2 $0x0  }
0x1d: {  	s5 =	simm.s32 @p1 $0x1;
	p0 =	seq.s32 s7, s2  }
0x1e: {  	s7 =	smul.u32 @!p0 $0xF7A, s2;
	p2 =	seq.s32 @!p0 s5, $0x0  }
0x1f: {  	s9 =	smul.u32 $0xF7A, s1;
	s8 =	simm.s32 @!p0 $0x1BF5;
	p2 =	por !p2, p0  }
0x20: {  	[sflag:s8] =	ssyncset.s32 @!p0 $0xFFFFF086;
	s6 =	sadd.s32 @!p0 s3, s7;
	s7 =	simm.s32 @!p0 $0x108  }
0x21: {  	s3 =	sadd.s32 s3, s9;
	s6 =	sadd.s32 @!p0 $0x88, s6;
	s7 =	simm.s32 @p2 $0x1082  }
0x22: {  	[simem:s7], [sflag:s8] =	dma.local @!p0 [hbm:s6], $0xF7A  }
0x23: {  	s9 =	sor.u32 $0xD0000000, s2;
	s6 =	simm.s32 $0x108;
	_ =	swait.ge @!p0 [sflag:s8], $0x0  }
0x24: {  	s3 =	sadd.s32 $0x88, s3;
	s6 =	simm.s32 @!p1 $0x1082;
	[sflag:s4] =	ssyncset.s32 $0xFFFFF086  }
0x25: {  	[simem:s6], [sflag:s4] =	dma.local [hbm:s3], $0xF7A  }
0x26: {  	[smem:$0x3F97] =	sst s1;
	(tag) =	ssettag s2;
	_ =	strace s9  }
0x27: {  	s1 =	sld [smem:$0x3FA7]  }
0x28: {  	s2 =	sld [smem:$0x3FA8]  }
0x29: {  	s4 =	sld [smem:$0x3FAA]  }
0x2a: {  	p0 =	seq.s32 s5, $0x0;
	s5 =	sld [smem:$0x3FAB]  }
0x2b: {  	s6 =	sld [smem:$0x3FAC]  }
0x2c: {  	s7 =	sld [smem:$0x3FAD]  }
0x2d: {  	s3 =	simm.s32 $0x108;
	s8 =	sld [smem:$0x3FAE]  }
0x2e: {  	s3 =	simm.s32 @!p0 $0x1082;
	s9 =	sld [smem:$0x3FAF]  }
0x2f: {  	lr =	sadd.s32 s0, s3;
	s0 =	sld [smem:$0x3FA6]  }
0x30: {  	s3 =	sld [smem:$0x3FA9]  }
0x31: {  	[smem:$0x3FB2] =	sst s10  }
0x32: {  	s10 =	sld [smem:$0x3FB0];
	_ =	sdelay $0x3  }
0x33: {  	p0 =	seq.s32 s10, $0x1;
	s10 =	sld [smem:$0x3FB2];
	_ =	sdelay $0x3  }
0x34: {  	[smem:$0x3FB2] =	sst s10  }
0x35: {  	s10 =	sld [smem:$0x3FB1];
	_ =	sdelay $0x3  }
0x36: {  	p1 =	seq.s32 s10, $0x1;
	s10 =	sld [smem:$0x3FB2];
	_ =	sdelay $0x3  }
0x37: {  	[smem:$0x3FB2] =	sst s10  }
0x38: {  	s10 =	sld [smem:$0x3FB3]  }
0x39: {  	_ = 	snop;
	(pc) =	sbr.ind lr, $3  }
0x3a: {  	_ = 	snop  }
0x3b: {  	_ = 	snop  }
0x3c: {  	p2 =	seq.s32 s10, $0x1;
	s10 =	sld [smem:$0x3FB2]  }
0x3d: {  	_ =	shalt  }
0x3e: {  	_ =	shalt  }
0x3f: {  	_ =	shalt  }
0x40: {  	_ =	shalt  }
0x41: {  	_ =	shalt  }
0x42: {  	_ =	shalt  }
0x43: {  	_ =	shalt  }
0x44: {  	_ =	shalt  }
0x45: {  	_ =	shalt  }
0x46: {  	_ =	shalt  }
0x47: {  	_ =	shalt  }
0x48: {  	_ =	shalt  }
0x49: {  	_ =	shalt  }
0x4a: {  	_ =	shalt  }
0x4b: {  	_ =	shalt  }
0x4c: {  	_ =	shalt  }
0x4d: {  	_ =	shalt  }
0x4e: {  	_ =	shalt  }
0x4f: {  	_ =	shalt  }
0x50: {  	_ =	shalt  }
0x51: {  	_ =	shalt  }
0x52: {  	_ =	shalt  }
0x53: {  	_ =	shalt  }
0x54: {  	_ =	shalt  }
0x55: {  	_ =	shalt  }
0x56: {  	_ =	shalt  }
0x57: {  	_ =	shalt  }
0x58: {  	_ =	shalt  }
0x59: {  	_ =	shalt  }
0x5a: {  	_ =	shalt  }
0x5b: {  	_ =	shalt  }
0x5c: {  	_ =	shalt  }
0x5d: {  	_ =	shalt  }
0x5e: {  	_ =	shalt  }
0x5f: {  	_ =	shalt  }
0x60: {  	_ =	shalt  }
0x61: {  	_ =	shalt  }
0x62: {  	_ =	shalt  }
0x63: {  	_ =	shalt  }
0x64: {  	_ =	shalt  }
0x65: {  	_ =	shalt  }
0x66: {  	_ =	shalt  }
0x67: {  	_ =	shalt  }
0x68: {  	_ =	shalt  }
0x69: {  	_ =	shalt  }
0x6a: {  	_ =	shalt  }
0x6b: {  	_ =	shalt  }
0x6c: {  	_ =	shalt  }
0x6d: {  	_ =	shalt  }
0x6e: {  	_ =	shalt  }
0x6f: {  	_ =	shalt  }
0x70: {  	_ =	shalt  }
0x71: {  	_ =	shalt  }
0x72: {  	_ =	shalt  }
0x73: {  	_ =	shalt  }
0x74: {  	_ =	shalt  }
0x75: {  	_ =	shalt  }
0x76: {  	_ =	shalt  }
0x77: {  	_ =	shalt  }
0x78: {  	_ =	shalt  }
0x79: {  	_ =	shalt  }
0x7a: {  	_ =	shalt  }
0x7b: {  	_ =	shalt  }
0x7c: {  	_ =	shalt  }
0x7d: {  	_ =	shalt  }
0x7e: {  	_ =	shalt  }
0x7f: {  	_ =	shalt  }
0x80: {  	_ =	shalt  }
0x81: {  	_ =	shalt  }
0x82: {  	_ =	shalt  }
0x83: {  	_ =	shalt  }
0x84: {  	_ =	shalt  }
0x85: {  	_ =	shalt  }
0x86: {  	_ =	shalt  }
0x87: {  	_ =	shalt  }
.Lfunc_end0:
.L_simem_size_0:
called_computation.2_lowered:
.L_overlay_start_0:
0x88: {  	s2 =	sld [smem:$0x3FD9]  }
0x89: {  	s3 =	sld [smem:$0x3FFE];
	_ =	sdelay $0x1  }
0x8a: {  	s1 =	srdreg.scid  }
0x8b: {  	s0 =	sand.u32 $0x1, s1  }
0x8c: {  	s16 =	sshll.u32 s0, $0xA;
	s2 =	sadd.s32 s3, s2  }
0x8d: {  	s2 =	sadd.s32 s2, s16  }
0x8e: {  	[smem:$0x3FBE] =	sst s2  }
0x8f: {  	_ = 	snop  }
0x90: {  	(tm) =	ssettm $0x1  }
0x91: {  	s17 =	sld [smem:$0x3FFB];
	_ =	sdelay $0x3  }
0x92: {  	_ =	strace s17  }
0x93: {  	s2 =	sld [smem:$0x3FFC];
	_ =	sdelay $0x3  }
0x94: {  	_ =	strace s2  }
0x95: {  	s2 =	sld [smem:$0x3FFD];
	_ =	sdelay $0x3  }
0x96: {  	_ =	strace s2  }
0x97: {  	_ =	strace $0x8FFFFFFF  }
0x98: {  	s18 =	sld [smem:$0x3FDB];
	_ =	sdelay $0x1  }
0x99: {  	s19 =	simm.s32 $_scs_section_size  }
0x9a: {  	s4 =	simm.s32 $_size__tile_overlayer_lowered;
	s5 =	simm.s32 $_tile_overlayer_lowered  }
0x9b: {  	s22 =	simm.s32 $0x1BFF;
	s21 =	sshll.u32 s5, $0x1;
	s2 =	sadd.s32 s19, s18  }
0x9c: {  	s6 =	simm.s32 $0x0;
	s20 =	sshll.u32 s4, $0x1;
	s4 =	sadd.s32 s21, s2  }
0x9d: {  	[timem:s6], [sflag:s22] =	dma.local [hbm:s4], s20  }
0x9e: {  	_ =	swait.ge [sflag:s22], s20  }
0x9f: {  	s3 =	ssub.s32 $0x0, s20;
	[sflag:s22] =	ssyncset.done $0x0  }
0xa0: {  	[sflag:s22] =	ssyncadd.s32 s3;
	_ =	sdelay $0x1  }
0xa1: {  	s23 =	simm.s32 $0x1B8B  }
0xa2: {  	_ =	swait.ge [sflag:s23], $0x1  }
0xa3: {  	[sflag:s23] =	ssyncset.done $0x0  }
0xa4: {  	s25 =	simm.s32 $0x1B8E;
	s24 =	sld [smem:$0x3FFE];
	[sflag:s23] =	ssyncadd.s32 $0xFFFFFFFF  }
0xa5: {  	s26 =	simm.s32 $execute0_lowered;
	[smem:$0x3FD2] =	sst s25  }
0xa6: {  	s4 =	sshll.u32 s26, $0x1;
	_ =	strace $0x8000004C;
	[dreg:$0x1] =	wrdreg $0xFFFFFFFF  }
0xa7: {  	s28 =	simm.s32 $_size_execute0_lowered;
	s2 =	sadd.s32 s2, s4;
	[dreg:$0x0] =	wrdreg $0x0  }
0xa8: {  	s4 =	sshll.u32 s28, $0x1;
	[dreg:$0x2] =	wrdreg s2  }
0xa9: {  	[dreg:$0x3] =	wrdreg s4  }
0xaa: {  	[dreg:$0x4] =	wrdreg $0xC0  }
0xab: {  	_ =	task [dreg:s6], $0x5FFFF  }
0xac: {  	[dreg:$0x1] =	wrdreg $0xFFFFFFFF  }
0xad: {  	[dreg:$0x0] =	wrdreg $0x60  }
0xae: {  	[dreg:$0x2] =	wrdreg s24  }
0xaf: {  	[dreg:$0x3] =	wrdreg $0x46000  }
0xb0: {  	[dreg:$0x4] =	wrdreg $0x32000  }
0xb1: {  	[dreg:$0x5] =	wrdreg $0x9  }
0xb2: {  	_ =	task.clear_ibuf [dreg:s6], $0x6FFFF;
	_ =	strace $0x9000004C  }
0xb3: {  	s29 =	simm.s32 $0x9;
	_ =	strace $0x8000004E  }
0xb4: {  	_ =	swait.ge [sflag:s29], $0x1  }
0xb5: {  	[sflag:s29] =	ssyncadd.s32 $0xFFFFFFFF  }
0xb6: {  	_ =	strace $0x9000004E  }
0xb7: {  	_ =	sfence  }
0xb8: {  	s30 =	sld [smem:$0x0];
	_ =	sdelay $0x2  }
0xb9: {  	s31 =	sshll.u32 s1, $0xD;
	s1 =	sshrl.u32 s1, $0x2  }
0xba: {  	s3 =	sand.u32 $0x4000, s31;
	s1 =	sadd.s32 s1, s30  }
0xbb: {  	s0 =	sor.u32 s3, s0;
	s1 =	sshll.u32 s1, $0x11  }
0xbc: {  	s0 =	sor.u32 s1, s0  }
0xbd: {  	s0 =	sadd.s32 $0x8F2B, s0  }
0xbe: {  	[sflag:s0] =	ssyncadd.remote.s32 $0x1  }
0xbf: {  	_ =	sfence.sel $0xFFFF  }
0xc0: {  	[dreg:$0x0] =	wrdreg $0xFFFFFFFF;
	(pc) =	sbr.abs _section_cstart, $3  }
0xc1: {  	[dreg:$0x1] =	wrdreg $0xFFFFFFFF  }
0xc2: {  	_ =	task.clear_ibuf [dreg:s6], $0x2FFFF;
	_ =	strace $0x9FFFFFFF  }
0xc3: {  	(tm) =	ssettm $0x7FFFFFFF  }
tec
execute0_lowered:
.L_overlay_start_1:
0x0: {  	(tag) =	ssettag $0x1  }
0x1: {  	s1 =	srdreg.scid;
	s6 =	rddreg [dreg:$0x0]  }
0x2: {  	s0 =	stileid.u32;
	s2 =	rddreg [dreg:$0x1]  }
0x3: {  	s3 =	rddreg [dreg:$0x2];
	s4 =	simm.s32 $0x0;
	s14 =	simm.s32 $0x80  }
0x4: {  	s15 =	simm.s32 $0x2800;
	s16 =	simm.s32 $0x2A00;
	s17 =	simm.s32 $0x2900  }
0x5: {  	s18 =	simm.s32 $0x2E00;
	s19 =	simm.s32 $0x1;
	s20 =	simm.s32 $0x2880  }
0x6: {  	s21 =	simm.s32 $0x2;
	s22 =	simm.s32 $0x2980;
	s23 =	simm.s32 $0x3  }
0x7: {  	s24 =	simm.s32 $0x4;
	s25 =	simm.s32 $0x0;
	s5 =	sand.u32 $0x1, s1  }
0x8: {  	s29 =	sshll.u32 s0, $0x1;
	s8 =	smul.u32 $0x1400, s0;
	[smem:$0x7FF] =	sst s4  }
0x9: {  	s31 =	sshll.u32 s0, $0x6;
	s1 =	sor.u32 s5, s29;
	s9 =	smul.u32 $0x14000, s5  }
0xa: {  	s11 =	ssub.s32 $0x2, s5;
	s5 =	sadd.s32 $0x16C00, s6;
	s7 =	smul.u32 $0x500, s1  }
0xb: {  	s1 =	rddreg [dreg:$0x3];
	_ =	strace $0x8000004D;
	s10 =	sshrl.u32 s8, $0x3  }
0xc: {  	s30 =	sshrl.u32 s11, $0x1;
	s12 =	sadd.s32 s8, s2;
	s13 =	sadd.s32 s8, s3  }
.Ltmp0:
0xd: {  	s9 =	sadd.s32 s8, s9;
	s10 =	sadd.s32 s10, s6;
	(pc) =	sbr.rel .LBB2_1-.Ltmp0, $4  }
0xe: {  	s11 =	ssub.s32 s11, s30;
	s12 =	sshrl.u32 s12, $0x3;
	s9 =	sshrl.u32 s9, $0x3  }
0xf: {  	s13 =	sshrl.u32 s13, $0x3;
	s7 =	sadd.s32 s7, s6;
	s9 =	sadd.s32 s9, s6  }
0x10: {  	s6 =	sadd.s32 $0xCC00, s7;
	s7 =	sadd.s32 $0x2C00, s10;
	s10 =	simm.s32 $0x5  }
0x11: {  	s8 =	sadd.s32 $0x5400, s9;
	s9 =	smax.u32 s11, $0x1;
	s11 =	sor.u32 $0x1C05, s31  }
.LBB2_4:
0x12: {  	_ =	swait.ge [sflag:s24], $0x400  }
0x13: {  	s25 =	sadd.s32 $0x1, s25;
	[sflag:s24] =	ssyncset.done $0x0  }
0x14: {  	p0 =	sne.s32 s25, s9;
	[sflag:s24] =	ssyncadd.s32 $0xFFFFFC00  }
.Ltmp1:
0x15: {  	[bflag:$0x0] =	sbarrier.arrive $0xFFFF;
	(pc) =	sbr.rel @!p0 .LBB2_5-.Ltmp1, $4  }
0x16: {  	[hbm:s8], [sflag:s11] =	dma.local [spmem:s12], $0x280  }
0x17: {  	_ =	swait.ge [sflag:s10], $0x280  }
0x18: {  	[sflag:s10] =	ssyncset.done $0x0  }
0x19: {  	[sflag:s10] =	ssyncadd.s32 $0xFFFFFD80  }
.LBB2_1:
0x1a: {  	[tilespmem:s4], [sflag:$0x5] =	stream.linear.gather [hbm4b:s6+s4], $0x2800, $0x38;
	[tilespmem:$0x5A00] =	vst v63  }
0x1b: {  	_ =	swait.ge [sflag:s10], $0x2800  }
0x1c: {  	[sflag:s10] =	ssyncset.done $0x0  }
0x1d: {  	[sflag:s10] =	ssyncadd.s32 $0xFFFFD800  }
0x1e: {  	[spmem:s12], [sflag:s11] =	dma.local [hbm:s5], $0x280  }
0x1f: {  	_ =	swait.ge [sflag:s10], $0x280  }
0x20: {  	[sflag:s10] =	ssyncset.done $0x0  }
0x21: {  	[sflag:s10] =	ssyncadd.s32 $0xFFFFFD80  }
0x22: {  	[spmem:s13], [sflag:s11] =	dma.local [hbm:s7], $0x280  }
0x23: {  	_ =	swait.ge [sflag:s10], $0x280  }
0x24: {  	[sflag:s10] =	ssyncset.done $0x0  }
0x25: {  	[sflag:s10] =	ssyncadd.s32 $0xFFFFFD80  }
0x26: {  	[bflag:$0x0] =	sbarrier.arrive $0xFFFF  }
0x27: {  	v0 =	vld [tilespmem:$0x0];
	_ =	sdelay $0x1  }
0x28: {  	v1 =	vld [tilespmem:$0x10];
	_ =	sdelay $0x1  }
0x29: {  	v2 =	vld [tilespmem:$0x20]  }
0x2a: {  	v3 =	vshrl.u32 v0, $0x10  }
0x2b: {  	v21 =	vld [tilespmem:$0x30];
	v0 =	vand.u32 $0xFFFF, v0;
	[tilespmem:$0x2800] =	vst v3  }
0x2c: {  	v22 =	vshrl.u32 v1, $0x10;
	[tilespmem:$0x2880] =	vst v0  }
0x2d: {  	v24 =	vld [tilespmem:$0x40];
	v23 =	vand.u32 $0xFFFF, v1;
	[tilespmem:$0x2810] =	vst v22  }
0x2e: {  	v25 =	vshrl.u32 v2, $0x10;
	[tilespmem:$0x2890] =	vst v23  }
0x2f: {  	v27 =	vld [tilespmem:$0x50];
	v26 =	vand.u32 $0xFFFF, v2;
	[tilespmem:$0x2820] =	vst v25  }
0x30: {  	v28 =	vshrl.u32 v21, $0x10;
	[tilespmem:$0x28A0] =	vst v26  }
0x31: {  	v30 =	vld [tilespmem:$0x60];
	v29 =	vand.u32 $0xFFFF, v21;
	[tilespmem:$0x2830] =	vst v28  }
0x32: {  	v31 =	vshrl.u32 v24, $0x10;
	[tilespmem:$0x28B0] =	vst v29  }
0x33: {  	v33 =	vld [tilespmem:$0x70];
	v32 =	vand.u32 $0xFFFF, v24;
	[tilespmem:$0x2840] =	vst v31  }
0x34: {  	v34 =	vshrl.u32 v27, $0x10;
	[tilespmem:$0x28C0] =	vst v32  }
0x35: {  	v36 =	vld [tilespmem:$0x80];
	v35 =	vand.u32 $0xFFFF, v27;
	[tilespmem:$0x2850] =	vst v34  }
0x36: {  	v37 =	vshrl.u32 v30, $0x10;
	[tilespmem:$0x28D0] =	vst v35  }
0x37: {  	v39 =	vld [tilespmem:$0x90];
	v38 =	vand.u32 $0xFFFF, v30;
	[tilespmem:$0x2860] =	vst v37  }
0x38: {  	v40 =	vshrl.u32 v33, $0x10;
	[tilespmem:$0x28E0] =	vst v38  }
0x39: {  	v42 =	vld [tilespmem:$0xA0];
	v41 =	vand.u32 $0xFFFF, v33;
	[tilespmem:$0x2870] =	vst v40  }
0x3a: {  	v43 =	vshrl.u32 v36, $0x10;
	[tilespmem:$0x28F0] =	vst v41  }
0x3b: {  	v45 =	vld [tilespmem:$0xB0];
	v44 =	vand.u32 $0xFFFF, v36;
	[tilespmem:$0x2900] =	vst v43  }
0x3c: {  	v46 =	vshrl.u32 v39, $0x10;
	[tilespmem:$0x2980] =	vst v44  }
0x3d: {  	v48 =	vld [tilespmem:$0xC0];
	v47 =	vand.u32 $0xFFFF, v39;
	[tilespmem:$0x2910] =	vst v46  }
0x3e: {  	v49 =	vshrl.u32 v42, $0x10;
	[tilespmem:$0x2990] =	vst v47  }
0x3f: {  	v51 =	vld [tilespmem:$0xD0];
	v50 =	vand.u32 $0xFFFF, v42;
	[tilespmem:$0x2920] =	vst v49  }
0x40: {  	v52 =	vshrl.u32 v45, $0x10;
	[tilespmem:$0x29A0] =	vst v50  }
0x41: {  	v54 =	vld [tilespmem:$0xE0];
	v53 =	vand.u32 $0xFFFF, v45;
	[tilespmem:$0x2930] =	vst v52  }
0x42: {  	v55 =	vshrl.u32 v48, $0x10;
	[tilespmem:$0x29B0] =	vst v53  }
0x43: {  	v57 =	vld [tilespmem:$0xF0];
	v56 =	vand.u32 $0xFFFF, v48;
	[tilespmem:$0x2940] =	vst v55  }
0x44: {  	v58 =	vshrl.u32 v51, $0x10;
	[tilespmem:$0x29C0] =	vst v56  }
0x45: {  	v59 =	vand.u32 $0xFFFF, v51;
	[tilespmem:$0x2950] =	vst v58  }
0x46: {  	v60 =	vshrl.u32 v54, $0x10;
	[tilespmem:$0x29D0] =	vst v59  }
0x47: {  	v61 =	vand.u32 $0xFFFF, v54;
	[tilespmem:$0x2960] =	vst v60  }
0x48: {  	v62 =	vshrl.u32 v57, $0x10;
	[tilespmem:$0x29E0] =	vst v61  }
0x49: {  	v63 =	vand.u32 $0xFFFF, v57;
	[tilespmem:$0x2970] =	vst v62  }
0x4a: {  	[tilespmem:$0x29F0] =	vst v63  }
0x4b: {  	[tilespmem:s16], [sflag:$0x1] =	stream.indirect.gather [spmem:s3], $0x8, s15, s14, $0xb8;
	[tilespmem:$0x5A00] =	vst v63  }
0x4c: {  	s26 =	simm.s32 $0x0  }
0x4d: {  	[tilespmem:s18], [sflag:$0x2] =	stream.indirect.gather [spmem:s3], $0x8, s17, s14, $0xb8;
	[tilespmem:$0x5A00] =	vst v63  }
.LBB2_2:
0x4e: {  	_ =	swait.ge [sflag:s19], $0x400  }
0x4f: {  	[sflag:s19] =	ssyncset.done $0x0  }
0x50: {  	[sflag:s19] =	ssyncadd.s32 $0xFFFFFC00  }
0x51: {  	[spmem:s2] =	stream.indirect.scatter.add.f32 [tilespmem:s16], [sflag:$0x3], $0x8, s20, s14, $0xb8;
	[tilespmem:$0x5A00] =	vst v63  }
0x52: {  	_ =	swait.ge [sflag:s21], $0x400  }
0x53: {  	[sflag:s21] =	ssyncset.done $0x0  }
0x54: {  	[sflag:s21] =	ssyncadd.s32 $0xFFFFFC00  }
0x55: {  	[spmem:s2] =	stream.indirect.scatter.add.f32 [tilespmem:s18], [sflag:$0x4], $0x8, s22, s14, $0xb8;
	[tilespmem:$0x5A00] =	vst v63  }
0x56: {  	_ =	swait.ge [sflag:s23], $0x400  }
0x57: {  	[sflag:s23] =	ssyncset.done $0x0  }
0x58: {  	s28 =	sshra.s32 s26, $0x2;
	[sflag:s23] =	ssyncadd.s32 $0xFFFFFC00  }
0x59: {  	v0 =	vld [tilespmem:s28+$0x100];
	_ =	sdelay $0x4  }
0x5a: {  	v1 =	vshrl.u32 v0, $0x10  }
0x5b: {  	v0 =	vand.u32 $0xFFFF, v0;
	[tilespmem:$0x2800] =	vst v1  }
0x5c: {  	[tilespmem:$0x2880] =	vst v0  }
0x5d: {  	v0 =	vld [tilespmem:s28+$0x110];
	_ =	sdelay $0x4  }
0x5e: {  	v48 =	vshrl.u32 v0, $0x10  }
0x5f: {  	v0 =	vand.u32 $0xFFFF, v0;
	[tilespmem:$0x2810] =	vst v48  }
0x60: {  	[tilespmem:$0x2890] =	vst v0  }
0x61: {  	v0 =	vld [tilespmem:s28+$0x120];
	_ =	sdelay $0x4  }
0x62: {  	v49 =	vshrl.u32 v0, $0x10  }
0x63: {  	v0 =	vand.u32 $0xFFFF, v0;
	[tilespmem:$0x2820] =	vst v49  }
0x64: {  	[tilespmem:$0x28A0] =	vst v0  }
0x65: {  	v0 =	vld [tilespmem:s28+$0x130];
	_ =	sdelay $0x4  }
0x66: {  	v50 =	vshrl.u32 v0, $0x10  }
0x67: {  	v0 =	vand.u32 $0xFFFF, v0;
	[tilespmem:$0x2830] =	vst v50  }
0x68: {  	[tilespmem:$0x28B0] =	vst v0  }
0x69: {  	v0 =	vld [tilespmem:s28+$0x140];
	_ =	sdelay $0x4  }
0x6a: {  	v51 =	vshrl.u32 v0, $0x10  }
0x6b: {  	v0 =	vand.u32 $0xFFFF, v0;
	[tilespmem:$0x2840] =	vst v51  }
0x6c: {  	[tilespmem:$0x28C0] =	vst v0  }
0x6d: {  	v0 =	vld [tilespmem:s28+$0x150];
	_ =	sdelay $0x4  }
0x6e: {  	v52 =	vshrl.u32 v0, $0x10  }
0x6f: {  	v0 =	vand.u32 $0xFFFF, v0;
	[tilespmem:$0x2850] =	vst v52  }
0x70: {  	[tilespmem:$0x28D0] =	vst v0  }
0x71: {  	v0 =	vld [tilespmem:s28+$0x160];
	_ =	sdelay $0x4  }
0x72: {  	v53 =	vshrl.u32 v0, $0x10  }
0x73: {  	v0 =	vand.u32 $0xFFFF, v0;
	[tilespmem:$0x2860] =	vst v53  }
0x74: {  	[tilespmem:$0x28E0] =	vst v0  }
0x75: {  	v0 =	vld [tilespmem:s28+$0x170];
	_ =	sdelay $0x4  }
0x76: {  	v54 =	vshrl.u32 v0, $0x10  }
0x77: {  	v0 =	vand.u32 $0xFFFF, v0;
	[tilespmem:$0x2870] =	vst v54  }
0x78: {  	[tilespmem:$0x28F0] =	vst v0  }
0x79: {  	[tilespmem:s16], [sflag:$0x1] =	stream.indirect.gather [spmem:s3], $0x8, s15, s14, $0xb8;
	[tilespmem:$0x5A00] =	vst v63  }
0x7a: {  	_ =	swait.ge [sflag:s24], $0x400  }
0x7b: {  	[sflag:s24] =	ssyncset.done $0x0  }
0x7c: {  	[sflag:s24] =	ssyncadd.s32 $0xFFFFFC00  }
0x7d: {  	v55 =	vld [tilespmem:s28+$0x180];
	_ =	sdelay $0x4  }
0x7e: {  	v56 =	vshrl.u32 v55, $0x10  }
0x7f: {  	v0 =	vand.u32 $0xFFFF, v55;
	[tilespmem:$0x2900] =	vst v56  }
0x80: {  	[tilespmem:$0x2980] =	vst v0  }
0x81: {  	v0 =	vld [tilespmem:s28+$0x190];
	_ =	sdelay $0x4  }
0x82: {  	v57 =	vshrl.u32 v0, $0x10  }
0x83: {  	v0 =	vand.u32 $0xFFFF, v0;
	[tilespmem:$0x2910] =	vst v57  }
0x84: {  	[tilespmem:$0x2990] =	vst v0  }
0x85: {  	v0 =	vld [tilespmem:s28+$0x1A0];
	_ =	sdelay $0x4  }
0x86: {  	v58 =	vshrl.u32 v0, $0x10  }
0x87: {  	v0 =	vand.u32 $0xFFFF, v0;
	[tilespmem:$0x2920] =	vst v58  }
0x88: {  	[tilespmem:$0x29A0] =	vst v0  }
0x89: {  	v0 =	vld [tilespmem:s28+$0x1B0];
	_ =	sdelay $0x4  }
0x8a: {  	v59 =	vshrl.u32 v0, $0x10  }
0x8b: {  	v0 =	vand.u32 $0xFFFF, v0;
	[tilespmem:$0x2930] =	vst v59  }
0x8c: {  	[tilespmem:$0x29B0] =	vst v0  }
0x8d: {  	v0 =	vld [tilespmem:s28+$0x1C0];
	_ =	sdelay $0x4  }
0x8e: {  	v60 =	vshrl.u32 v0, $0x10  }
0x8f: {  	v0 =	vand.u32 $0xFFFF, v0;
	[tilespmem:$0x2940] =	vst v60  }
0x90: {  	[tilespmem:$0x29C0] =	vst v0  }
0x91: {  	v0 =	vld [tilespmem:s28+$0x1D0];
	_ =	sdelay $0x4  }
0x92: {  	v61 =	vshrl.u32 v0, $0x10  }
0x93: {  	v0 =	vand.u32 $0xFFFF, v0;
	[tilespmem:$0x2950] =	vst v61  }
0x94: {  	[tilespmem:$0x29D0] =	vst v0  }
0x95: {  	v0 =	vld [tilespmem:s28+$0x1E0];
	_ =	sdelay $0x4  }
0x96: {  	v62 =	vshrl.u32 v0, $0x10  }
0x97: {  	v0 =	vand.u32 $0xFFFF, v0;
	[tilespmem:$0x2960] =	vst v62  }
0x98: {  	[tilespmem:$0x29E0] =	vst v0  }
0x99: {  	v0 =	vld [tilespmem:s28+$0x1F0];
	_ =	sdelay $0x4  }
0x9a: {  	v63 =	vshrl.u32 v0, $0x10  }
0x9b: {  	v0 =	vand.u32 $0xFFFF, v0;
	[tilespmem:$0x2970] =	vst v63  }
0x9c: {  	[tilespmem:$0x29F0] =	vst v0  }
0x9d: {  	[tilespmem:s18], [sflag:$0x2] =	stream.indirect.gather [spmem:s3], $0x8, s17, s14, $0xb8;
	[tilespmem:$0x5A00] =	vst v63  }
0x9e: {  	_ =	swait.ge [sflag:s19], $0x400  }
0x9f: {  	[sflag:s19] =	ssyncset.done $0x0  }
0xa0: {  	[sflag:s19] =	ssyncadd.s32 $0xFFFFFC00  }
0xa1: {  	[spmem:s2] =	stream.indirect.scatter.add.f32 [tilespmem:s16], [sflag:$0x3], $0x8, s20, s14, $0xb8;
	[tilespmem:$0x5A00] =	vst v63  }
0xa2: {  	_ =	swait.ge [sflag:s21], $0x400  }
0xa3: {  	p0 =	seq.s32 s26, $0x9800;
	[sflag:s21] =	ssyncset.done $0x0  }
.Ltmp2:
0xa4: {  	[sflag:s21] =	ssyncadd.s32 $0xFFFFFC00;
	(pc) =	sbr.rel @p0 .LBB2_4-.Ltmp2, $4  }
0xa5: {  	[spmem:s2] =	stream.indirect.scatter.add.f32 [tilespmem:s18], [sflag:$0x4], $0x8, s22, s14, $0xb8;
	[tilespmem:$0x5A00] =	vst v63  }
0xa6: {  	_ =	swait.ge [sflag:s23], $0x400  }
0xa7: {  	[sflag:s23] =	ssyncset.done $0x0  }
0xa8: {  	[sflag:s23] =	ssyncadd.s32 $0xFFFFFC00  }
0xa9: {  	v0 =	vld [tilespmem:s28+$0x200];
	_ =	sdelay $0x4  }
0xaa: {  	v1 =	vshrl.u32 v0, $0x10  }
0xab: {  	v0 =	vand.u32 $0xFFFF, v0;
	[tilespmem:$0x2800] =	vst v1  }
0xac: {  	[tilespmem:$0x2880] =	vst v0  }
0xad: {  	v0 =	vld [tilespmem:s28+$0x210];
	_ =	sdelay $0x4  }
0xae: {  	v48 =	vshrl.u32 v0, $0x10  }
0xaf: {  	v0 =	vand.u32 $0xFFFF, v0;
	[tilespmem:$0x2810] =	vst v48  }
0xb0: {  	[tilespmem:$0x2890] =	vst v0  }
0xb1: {  	v0 =	vld [tilespmem:s28+$0x220];
	_ =	sdelay $0x4  }
0xb2: {  	v49 =	vshrl.u32 v0, $0x10  }
0xb3: {  	v0 =	vand.u32 $0xFFFF, v0;
	[tilespmem:$0x2820] =	vst v49  }
0xb4: {  	[tilespmem:$0x28A0] =	vst v0  }
0xb5: {  	v0 =	vld [tilespmem:s28+$0x230];
	_ =	sdelay $0x4  }
0xb6: {  	v50 =	vshrl.u32 v0, $0x10  }
0xb7: {  	v0 =	vand.u32 $0xFFFF, v0;
	[tilespmem:$0x2830] =	vst v50  }
0xb8: {  	[tilespmem:$0x28B0] =	vst v0  }
0xb9: {  	v0 =	vld [tilespmem:s28+$0x240];
	_ =	sdelay $0x4  }
0xba: {  	v51 =	vshrl.u32 v0, $0x10  }
0xbb: {  	v0 =	vand.u32 $0xFFFF, v0;
	[tilespmem:$0x2840] =	vst v51  }
0xbc: {  	[tilespmem:$0x28C0] =	vst v0  }
0xbd: {  	v0 =	vld [tilespmem:s28+$0x250];
	_ =	sdelay $0x4  }
0xbe: {  	v52 =	vshrl.u32 v0, $0x10  }
0xbf: {  	v0 =	vand.u32 $0xFFFF, v0;
	[tilespmem:$0x2850] =	vst v52  }
0xc0: {  	[tilespmem:$0x28D0] =	vst v0  }
0xc1: {  	v0 =	vld [tilespmem:s28+$0x260];
	_ =	sdelay $0x4  }
0xc2: {  	v53 =	vshrl.u32 v0, $0x10  }
0xc3: {  	v0 =	vand.u32 $0xFFFF, v0;
	[tilespmem:$0x2860] =	vst v53  }
0xc4: {  	[tilespmem:$0x28E0] =	vst v0  }
0xc5: {  	v0 =	vld [tilespmem:s28+$0x270];
	_ =	sdelay $0x4  }
0xc6: {  	v54 =	vshrl.u32 v0, $0x10  }
0xc7: {  	v0 =	vand.u32 $0xFFFF, v0;
	[tilespmem:$0x2870] =	vst v54  }
0xc8: {  	[tilespmem:$0x28F0] =	vst v0  }
0xc9: {  	[tilespmem:s16], [sflag:$0x1] =	stream.indirect.gather [spmem:s3], $0x8, s15, s14, $0xb8;
	[tilespmem:$0x5A00] =	vst v63  }
0xca: {  	_ =	swait.ge [sflag:s24], $0x400  }
0xcb: {  	[sflag:s24] =	ssyncset.done $0x0  }
0xcc: {  	[sflag:s24] =	ssyncadd.s32 $0xFFFFFC00  }
0xcd: {  	v55 =	vld [tilespmem:s28+$0x280];
	_ =	sdelay $0x4  }
0xce: {  	v56 =	vshrl.u32 v55, $0x10  }
0xcf: {  	v0 =	vand.u32 $0xFFFF, v55;
	[tilespmem:$0x2900] =	vst v56  }
0xd0: {  	[tilespmem:$0x2980] =	vst v0  }
0xd1: {  	v0 =	vld [tilespmem:s28+$0x290];
	_ =	sdelay $0x4  }
0xd2: {  	v57 =	vshrl.u32 v0, $0x10  }
0xd3: {  	v0 =	vand.u32 $0xFFFF, v0;
	[tilespmem:$0x2910] =	vst v57  }
0xd4: {  	[tilespmem:$0x2990] =	vst v0  }
0xd5: {  	v0 =	vld [tilespmem:s28+$0x2A0];
	_ =	sdelay $0x4  }
0xd6: {  	v58 =	vshrl.u32 v0, $0x10  }
0xd7: {  	v0 =	vand.u32 $0xFFFF, v0;
	[tilespmem:$0x2920] =	vst v58  }
0xd8: {  	[tilespmem:$0x29A0] =	vst v0  }
0xd9: {  	v0 =	vld [tilespmem:s28+$0x2B0];
	_ =	sdelay $0x4  }
0xda: {  	v59 =	vshrl.u32 v0, $0x10  }
0xdb: {  	v0 =	vand.u32 $0xFFFF, v0;
	[tilespmem:$0x2930] =	vst v59  }
0xdc: {  	[tilespmem:$0x29B0] =	vst v0  }
0xdd: {  	v0 =	vld [tilespmem:s28+$0x2C0];
	_ =	sdelay $0x4  }
0xde: {  	v60 =	vshrl.u32 v0, $0x10  }
0xdf: {  	v0 =	vand.u32 $0xFFFF, v0;
	[tilespmem:$0x2940] =	vst v60  }
0xe0: {  	[tilespmem:$0x29C0] =	vst v0  }
0xe1: {  	v0 =	vld [tilespmem:s28+$0x2D0];
	_ =	sdelay $0x4  }
0xe2: {  	v61 =	vshrl.u32 v0, $0x10  }
0xe3: {  	v0 =	vand.u32 $0xFFFF, v0;
	[tilespmem:$0x2950] =	vst v61  }
0xe4: {  	[tilespmem:$0x29D0] =	vst v0  }
0xe5: {  	v0 =	vld [tilespmem:s28+$0x2E0];
	_ =	sdelay $0x4  }
0xe6: {  	v62 =	vshrl.u32 v0, $0x10  }
0xe7: {  	v0 =	vand.u32 $0xFFFF, v0;
	[tilespmem:$0x2960] =	vst v62  }
0xe8: {  	[tilespmem:$0x29E0] =	vst v0  }
0xe9: {  	v0 =	vld [tilespmem:s28+$0x2F0];
	_ =	sdelay $0x3  }
.Ltmp3:
0xea: {  	_ = 	snop;
	(pc) =	sbr.rel .LBB2_2-.Ltmp3, $4  }
0xeb: {  	v63 =	vshrl.u32 v0, $0x10  }
0xec: {  	v0 =	vand.u32 $0xFFFF, v0;
	[tilespmem:$0x2970] =	vst v63  }
0xed: {  	s26 =	sadd.s32 $0x800, s26;
	[tilespmem:$0x29F0] =	vst v0  }
0xee: {  	[tilespmem:s18], [sflag:$0x2] =	stream.indirect.gather [spmem:s3], $0x8, s17, s14, $0xb8;
	[tilespmem:$0x5A00] =	vst v63  }
.LBB2_5:
0xef: {  	_ =	sfence.sel $0x180000  }
0xf0: {  	[bflag:$0x0] =	sbarrier.arrive $0xFFFF  }
0xf1: {  	p0 =	sne.s32 s0, $0x0;
	_ =	strace $0x9000004D  }
0xf2: {  	s0 =	sadd.s32 @!p0 $0x100000, s1;
	[bflag:$0x2] =	sbarrier.arrive $0xFFFF  }
0xf3: {  	[sflag:s0] =	ssyncadd.tile.s32 @!p0 $0x1;
	_ =	shalt  }
.Lfunc_end2:
_tile_overlayer_lowered:
.L_overlay_start_2:
0xf4: {  	(tag) =	ssettag $0x2  }
0xf5: {  	s0 =	rddreg [dreg:$0x0];
	s2 =	stileid.u32  }
0xf6: {  	s1 =	rddreg [dreg:$0x1];
	p0 =	sne.s32 s2, $0x0  }
0xf7: {  	s3 =	rddreg [dreg:$0x2];
	[bflag:$0x3] =	sbarrier.arrive $0xFFFF;
	s2 =	simm.s32 @!p0 $0x1C05  }
0xf8: {  	[timem:s3], [sflag:s2] =	dma.local @!p0 [hbm:s0], s1  }
0xf9: {  	s0 =	simm.s32 @!p0 $0x5  }
0xfa: {  	_ =	swait.ge @!p0 [sflag:s0], s1  }
0xfb: {  	s1 =	ssub.s32 @!p0 $0x0, s1;
	[sflag:s0] =	ssyncset.done @!p0 $0x0  }
0xfc: {  	[sflag:s0] =	ssyncadd.s32 @!p0 s1  }
0xfd: {  	[bflag:$0x3] =	sbarrier.arrive $0xFFFF  }
0xfe: {  	_ =	shalt  }

// kernel: kernel.8.cloned.1.call-start
scs
__scs_entry_jumppad:
0x0: {  	(pc) =	sbr.rel $0x88, $3  }
0x1: {  	(tag) =	ssettag $0x0;
	lr =	simm.s32 $0x1  }
0x2: {  	[smem:$0x3F97] =	sst lr;
	_ =	strace $0xD0000000  }
0x3: {  	_ = 	snop  }
0x4: {  	_ = 	snop  }
0x5: {  	_ = 	snop  }
0x6: {  	_ = 	snop  }
0x7: {  	_ = 	snop  }
__scs_overlays_trampoline_lowered:
0x8: {  	[smem:$0x3FA6] =	sst s0  }
0x9: {  	[smem:$0x3FA7] =	sst s1  }
0xa: {  	[smem:$0x3FA8] =	sst s2  }
0xb: {  	[smem:$0x3FA9] =	sst s3  }
0xc: {  	[smem:$0x3FAA] =	sst s4  }
0xd: {  	[smem:$0x3FAB] =	sst s5  }
0xe: {  	[smem:$0x3FAC] =	sst s6  }
0xf: {  	[smem:$0x3FAD] =	sst s7  }
0x10: {  	[smem:$0x3FAE] =	sst s8  }
0x11: {  	[smem:$0x3FAF] =	sst s9;
	s0 =	simm.s32 @!p0 $0x0  }
0x12: {  	s1 =	sld [smem:$0x3F95];
	s0 =	simm.s32 @p0 $0x1  }
0x13: {  	[smem:$0x3FB0] =	sst s0;
	s0 =	simm.s32 @!p1 $0x0  }
0x14: {  	s2 =	sld [smem:$0x3F94];
	s0 =	simm.s32 @p1 $0x1  }
0x15: {  	[smem:$0x3FB1] =	sst s0;
	s0 =	simm.s32 @!p2 $0x0  }
0x16: {  	s3 =	sld [smem:$0x3FDB];
	s0 =	simm.s32 @p2 $0x1  }
0x17: {  	s4 =	simm.s32 $0x1BF5;
	[smem:$0x3FB3] =	sst s0  }
0x18: {  	s0 =	sld [smem:$0x3F96];
	_ =	swait.ge [sflag:s4], $0x0  }
0x19: {  	s7 =	sld [smem:$0x3F97]  }
0x1a: {  	s8 =	sadd.s32 $0xFFFFE003, lr  }
0x1b: {  	s9 =	sadd.s32 $0xFFFFFEF7, lr;
	s5 =	simm.s32 $0xFFFFFFFF;
	p2 =	slt.u32 s8, $0xFFFFF086  }
0x1c: {  	p1 =	slt.u32 s9, $0xF7A;
	s5 =	simm.s32 @!p2 $0x0  }
0x1d: {  	s5 =	simm.s32 @p1 $0x1;
	p0 =	seq.s32 s7, s2  }
0x1e: {  	s7 =	smul.u32 @!p0 $0xF7A, s2;
	p2 =	seq.s32 @!p0 s5, $0x0  }
0x1f: {  	s9 =	smul.u32 $0xF7A, s1;
	s8 =	simm.s32 @!p0 $0x1BF5;
	p2 =	por !p2, p0  }
0x20: {  	[sflag:s8] =	ssyncset.s32 @!p0 $0xFFFFF086;
	s6 =	sadd.s32 @!p0 s3, s7;
	s7 =	simm.s32 @!p0 $0x108  }
0x21: {  	s3 =	sadd.s32 s3, s9;
	s6 =	sadd.s32 @!p0 $0x88, s6;
	s7 =	simm.s32 @p2 $0x1082  }
0x22: {  	[simem:s7], [sflag:s8] =	dma.local @!p0 [hbm:s6], $0xF7A  }
0x23: {  	s9 =	sor.u32 $0xD0000000, s2;
	s6 =	simm.s32 $0x108;
	_ =	swait.ge @!p0 [sflag:s8], $0x0  }
0x24: {  	s3 =	sadd.s32 $0x88, s3;
	s6 =	simm.s32 @!p1 $0x1082;
	[sflag:s4] =	ssyncset.s32 $0xFFFFF086  }
0x25: {  	[simem:s6], [sflag:s4] =	dma.local [hbm:s3], $0xF7A  }
0x26: {  	[smem:$0x3F97] =	sst s1;
	(tag) =	ssettag s2;
	_ =	strace s9  }
0x27: {  	s1 =	sld [smem:$0x3FA7]  }
0x28: {  	s2 =	sld [smem:$0x3FA8]  }
0x29: {  	s4 =	sld [smem:$0x3FAA]  }
0x2a: {  	p0 =	seq.s32 s5, $0x0;
	s5 =	sld [smem:$0x3FAB]  }
0x2b: {  	s6 =	sld [smem:$0x3FAC]  }
0x2c: {  	s7 =	sld [smem:$0x3FAD]  }
0x2d: {  	s3 =	simm.s32 $0x108;
	s8 =	sld [smem:$0x3FAE]  }
0x2e: {  	s3 =	simm.s32 @!p0 $0x1082;
	s9 =	sld [smem:$0x3FAF]  }
0x2f: {  	lr =	sadd.s32 s0, s3;
	s0 =	sld [smem:$0x3FA6]  }
0x30: {  	s3 =	sld [smem:$0x3FA9]  }
0x31: {  	[smem:$0x3FB2] =	sst s10  }
0x32: {  	s10 =	sld [smem:$0x3FB0];
	_ =	sdelay $0x3  }
0x33: {  	p0 =	seq.s32 s10, $0x1;
	s10 =	sld [smem:$0x3FB2];
	_ =	sdelay $0x3  }
0x34: {  	[smem:$0x3FB2] =	sst s10  }
0x35: {  	s10 =	sld [smem:$0x3FB1];
	_ =	sdelay $0x3  }
0x36: {  	p1 =	seq.s32 s10, $0x1;
	s10 =	sld [smem:$0x3FB2];
	_ =	sdelay $0x3  }
0x37: {  	[smem:$0x3FB2] =	sst s10  }
0x38: {  	s10 =	sld [smem:$0x3FB3]  }
0x39: {  	_ = 	snop;
	(pc) =	sbr.ind lr, $3  }
0x3a: {  	_ = 	snop  }
0x3b: {  	_ = 	snop  }
0x3c: {  	p2 =	seq.s32 s10, $0x1;
	s10 =	sld [smem:$0x3FB2]  }
0x3d: {  	_ =	shalt  }
0x3e: {  	_ =	shalt  }
0x3f: {  	_ =	shalt  }
0x40: {  	_ =	shalt  }
0x41: {  	_ =	shalt  }
0x42: {  	_ =	shalt  }
0x43: {  	_ =	shalt  }
0x44: {  	_ =	shalt  }
0x45: {  	_ =	shalt  }
0x46: {  	_ =	shalt  }
0x47: {  	_ =	shalt  }
0x48: {  	_ =	shalt  }
0x49: {  	_ =	shalt  }
0x4a: {  	_ =	shalt  }
0x4b: {  	_ =	shalt  }
0x4c: {  	_ =	shalt  }
0x4d: {  	_ =	shalt  }
0x4e: {  	_ =	shalt  }
0x4f: {  	_ =	shalt  }
0x50: {  	_ =	shalt  }
0x51: {  	_ =	shalt  }
0x52: {  	_ =	shalt  }
0x53: {  	_ =	shalt  }
0x54: {  	_ =	shalt  }
0x55: {  	_ =	shalt  }
0x56: {  	_ =	shalt  }
0x57: {  	_ =	shalt  }
0x58: {  	_ =	shalt  }
0x59: {  	_ =	shalt  }
0x5a: {  	_ =	shalt  }
0x5b: {  	_ =	shalt  }
0x5c: {  	_ =	shalt  }
0x5d: {  	_ =	shalt  }
0x5e: {  	_ =	shalt  }
0x5f: {  	_ =	shalt  }
0x60: {  	_ =	shalt  }
0x61: {  	_ =	shalt  }
0x62: {  	_ =	shalt  }
0x63: {  	_ =	shalt  }
0x64: {  	_ =	shalt  }
0x65: {  	_ =	shalt  }
0x66: {  	_ =	shalt  }
0x67: {  	_ =	shalt  }
0x68: {  	_ =	shalt  }
0x69: {  	_ =	shalt  }
0x6a: {  	_ =	shalt  }
0x6b: {  	_ =	shalt  }
0x6c: {  	_ =	shalt  }
0x6d: {  	_ =	shalt  }
0x6e: {  	_ =	shalt  }
0x6f: {  	_ =	shalt  }
0x70: {  	_ =	shalt  }
0x71: {  	_ =	shalt  }
0x72: {  	_ =	shalt  }
0x73: {  	_ =	shalt  }
0x74: {  	_ =	shalt  }
0x75: {  	_ =	shalt  }
0x76: {  	_ =	shalt  }
0x77: {  	_ =	shalt  }
0x78: {  	_ =	shalt  }
0x79: {  	_ =	shalt  }
0x7a: {  	_ =	shalt  }
0x7b: {  	_ =	shalt  }
0x7c: {  	_ =	shalt  }
0x7d: {  	_ =	shalt  }
0x7e: {  	_ =	shalt  }
0x7f: {  	_ =	shalt  }
0x80: {  	_ =	shalt  }
0x81: {  	_ =	shalt  }
0x82: {  	_ =	shalt  }
0x83: {  	_ =	shalt  }
0x84: {  	_ =	shalt  }
0x85: {  	_ =	shalt  }
0x86: {  	_ =	shalt  }
0x87: {  	_ =	shalt  }
.Lfunc_end0:
.L_simem_size_0:
called_computation_lowered:
.L_overlay_start_0:
0x88: {  	s2 =	sld [smem:$0x3FD9]  }
0x89: {  	s3 =	sld [smem:$0x3FFE];
	_ =	sdelay $0x1  }
0x8a: {  	s1 =	srdreg.scid  }
0x8b: {  	s0 =	sand.u32 $0x1, s1  }
0x8c: {  	s16 =	sshll.u32 s0, $0xA;
	s2 =	sadd.s32 s3, s2  }
0x8d: {  	s2 =	sadd.s32 s2, s16  }
0x8e: {  	[smem:$0x3FBE] =	sst s2  }
0x8f: {  	_ = 	snop  }
0x90: {  	(tm) =	ssettm $0x1  }
0x91: {  	s17 =	sld [smem:$0x3FFB];
	_ =	sdelay $0x3  }
0x92: {  	_ =	strace s17  }
0x93: {  	s2 =	sld [smem:$0x3FFC];
	_ =	sdelay $0x3  }
0x94: {  	_ =	strace s2  }
0x95: {  	s2 =	sld [smem:$0x3FFD];
	_ =	sdelay $0x3  }
0x96: {  	_ =	strace s2  }
0x97: {  	_ =	strace $0x8FFFFFFF  }
0x98: {  	s18 =	sld [smem:$0x3FDB];
	_ =	sdelay $0x1  }
0x99: {  	s19 =	simm.s32 $_scs_section_size  }
0x9a: {  	s4 =	simm.s32 $_size__tile_overlayer_lowered;
	s5 =	simm.s32 $_tile_overlayer_lowered  }
0x9b: {  	s22 =	simm.s32 $0x1BFF;
	s21 =	sshll.u32 s5, $0x1;
	s2 =	sadd.s32 s19, s18  }
0x9c: {  	s6 =	simm.s32 $0x0;
	s20 =	sshll.u32 s4, $0x1;
	s4 =	sadd.s32 s21, s2  }
0x9d: {  	[timem:s6], [sflag:s22] =	dma.local [hbm:s4], s20  }
0x9e: {  	_ =	swait.ge [sflag:s22], s20  }
0x9f: {  	s3 =	ssub.s32 $0x0, s20;
	[sflag:s22] =	ssyncset.done $0x0  }
0xa0: {  	[sflag:s22] =	ssyncadd.s32 s3;
	_ =	sdelay $0x1  }
0xa1: {  	s23 =	simm.s32 $0x1B8B  }
0xa2: {  	_ =	swait.ge [sflag:s23], $0x1  }
0xa3: {  	[sflag:s23] =	ssyncset.done $0x0  }
0xa4: {  	s25 =	simm.s32 $0x1B8E;
	s24 =	sld [smem:$0x3FFE];
	[sflag:s23] =	ssyncadd.s32 $0xFFFFFFFF  }
0xa5: {  	s26 =	simm.s32 $execute0_lowered;
	[smem:$0x3FD2] =	sst s25  }
0xa6: {  	s4 =	sshll.u32 s26, $0x1;
	_ =	strace $0x80000046;
	[dreg:$0x1] =	wrdreg $0xFFFFFFFF  }
0xa7: {  	s28 =	simm.s32 $_size_execute0_lowered;
	s2 =	sadd.s32 s2, s4;
	[dreg:$0x0] =	wrdreg $0x0  }
0xa8: {  	s4 =	sshll.u32 s28, $0x1;
	[dreg:$0x2] =	wrdreg s2  }
0xa9: {  	[dreg:$0x3] =	wrdreg s4  }
0xaa: {  	[dreg:$0x4] =	wrdreg $0xC0  }
0xab: {  	_ =	task [dreg:s6], $0x5FFFF  }
0xac: {  	[dreg:$0x1] =	wrdreg $0xFFFFFFFF  }
0xad: {  	[dreg:$0x0] =	wrdreg $0x60  }
0xae: {  	[dreg:$0x2] =	wrdreg s24  }
0xaf: {  	[dreg:$0x3] =	wrdreg $0x2C000  }
0xb0: {  	[dreg:$0x4] =	wrdreg $0x9  }
0xb1: {  	_ =	task.clear_ibuf [dreg:s6], $0x5FFFF;
	_ =	strace $0x90000046  }
0xb2: {  	s29 =	simm.s32 $0x9;
	_ =	strace $0x80000048  }
0xb3: {  	_ =	swait.ge [sflag:s29], $0x1  }
0xb4: {  	[sflag:s29] =	ssyncadd.s32 $0xFFFFFFFF  }
0xb5: {  	_ =	strace $0x90000048  }
0xb6: {  	_ =	sfence  }
0xb7: {  	s30 =	sld [smem:$0x0];
	_ =	sdelay $0x2  }
0xb8: {  	s31 =	sshll.u32 s1, $0xD;
	s1 =	sshrl.u32 s1, $0x2  }
0xb9: {  	s3 =	sand.u32 $0x4000, s31;
	s1 =	sadd.s32 s1, s30  }
0xba: {  	s0 =	sor.u32 s3, s0;
	s1 =	sshll.u32 s1, $0x11  }
0xbb: {  	s0 =	sor.u32 s1, s0  }
0xbc: {  	s0 =	sadd.s32 $0x8F2B, s0  }
0xbd: {  	[sflag:s0] =	ssyncadd.remote.s32 $0x1  }
0xbe: {  	_ =	sfence.sel $0xFFFF  }
0xbf: {  	[dreg:$0x0] =	wrdreg $0xFFFFFFFF;
	(pc) =	sbr.abs _section_cstart, $3  }
0xc0: {  	[dreg:$0x1] =	wrdreg $0xFFFFFFFF  }
0xc1: {  	_ =	task.clear_ibuf [dreg:s6], $0x2FFFF;
	_ =	strace $0x9FFFFFFF  }
0xc2: {  	(tm) =	ssettm $0x7FFFFFFF  }
0xc3: {  	_ =	shalt  }
tec
execute0_lowered:
.L_overlay_start_1:
0x0: {  	(tag) =	ssettag $0x1  }
0x1: {  	s1 =	srdreg.scid;
	s7 =	rddreg [dreg:$0x0]  }
0x2: {  	s0 =	stileid.u32;
	s2 =	rddreg [dreg:$0x1];
	s3 =	simm.s32 $0x0  }
0x3: {  	s14 =	simm.s32 $0x1;
	s15 =	simm.s32 $0x0;
	s6 =	sand.u32 $0x1, s1  }
0x4: {  	s30 =	sshll.u32 s0, $0x1;
	s8 =	smul.u32 $0x1400, s0;
	[smem:$0x7FF] =	sst s3  }
0x5: {  	s11 =	sshll.u32 s0, $0x6;
	s1 =	sor.u32 s6, s30;
	s5 =	smul.u32 $0x14000, s6  }
0x6: {  	s6 =	ssub.s32 $0x2, s6;
	s4 =	smul.u32 $0x500, s1;
	s1 =	rddreg [dreg:$0x2]  }
0x7: {  	_ =	strace $0x80000047;
	s31 =	sshrl.u32 s6, $0x1;
	s13 =	sadd.s32 s8, s2  }
0x8: {  	s10 =	sadd.s32 s8, s5;
	s5 =	sadd.s32 $0x16C00, s7;
	s12 =	ssub.s32 s6, s31  }
0x9: {  	s6 =	sor.u32 $0x1C02, s11;
	s11 =	simm.s32 $0x2;
	s10 =	sshrl.u32 s10, $0x3  }
0xa: {  	s9 =	sadd.s32 s4, s7;
	s4 =	sadd.s32 $0x17000, s7;
	s10 =	sadd.s32 s10, s7  }
0xb: {  	s7 =	sadd.s32 $0x2C00, s9;
	s9 =	smax.u32 s12, $0x1;
	s12 =	simm.s32 $0x2800  }
0xc: {  	s8 =	sadd.s32 $0x17200, s10;
	s10 =	sshrl.u32 s13, $0x3;
	s13 =	simm.s32 $0x80  }
.LBB2_1:
0xd: {  	[spmem:s10], [sflag:s6] =	dma.local [hbm:s5], $0x280  }
0xe: {  	_ =	swait.ge [sflag:s11], $0x280  }
0xf: {  	[sflag:s11] =	ssyncset.done $0x0  }
0x10: {  	[sflag:s11] =	ssyncadd.s32 $0xFFFFFD80  }
0x11: {  	[tilespmem:s12], [sflag:$0x2] =	stream.linear.gather [hbm4b:s4+s3], $0x400, $0x38;
	[tilespmem:$0x4000] =	vst v63  }
0x12: {  	_ =	swait.ge [sflag:s11], $0x400  }
0x13: {  	[sflag:s11] =	ssyncset.done $0x0  }
0x14: {  	[sflag:s11] =	ssyncadd.s32 $0xFFFFFC00  }
0x15: {  	[tilespmem:s3], [sflag:$0x2] =	stream.linear.gather [hbm4b:s7+s3], $0x2800, $0x38;
	[tilespmem:$0x4000] =	vst v63  }
0x16: {  	_ =	swait.ge [sflag:s11], $0x2800  }
0x17: {  	[sflag:s11] =	ssyncset.done $0x0  }
0x18: {  	[sflag:s11] =	ssyncadd.s32 $0xFFFFD800  }
0x19: {  	s16 =	simm.s32 $0x0;
	[bflag:$0x0] =	sbarrier.arrive $0xFFFF  }
0x1a: {  	[spmem:s2] =	stream.indirect.scatter.add.f32 [tilespmem:s12], [sflag:$0x1], $0x8, s16, s13, $0xb8;
	[tilespmem:$0x4000] =	vst v63  }
0x1b: {  	s24 =	simm.s32 $0x80  }
0x1c: {  	[spmem:s2] =	stream.indirect.scatter.add.f32 [tilespmem:s12], [sflag:$0x1], $0x8, s24, s13, $0xb8;
	[tilespmem:$0x4000] =	vst v63  }
0x1d: {  	s25 =	simm.s32 $0x100  }
0x1e: {  	[spmem:s2] =	stream.indirect.scatter.add.f32 [tilespmem:s12], [sflag:$0x1], $0x8, s25, s13, $0xb8;
	[tilespmem:$0x4000] =	vst v63  }
0x1f: {  	s26 =	simm.s32 $0x180  }
0x20: {  	[spmem:s2] =	stream.indirect.scatter.add.f32 [tilespmem:s12], [sflag:$0x1], $0x8, s26, s13, $0xb8;
	[tilespmem:$0x4000] =	vst v63  }
0x21: {  	s28 =	simm.s32 $0x200  }
0x22: {  	[spmem:s2] =	stream.indirect.scatter.add.f32 [tilespmem:s12], [sflag:$0x1], $0x8, s28, s13, $0xb8;
	[tilespmem:$0x4000] =	vst v63  }
0x23: {  	s29 =	simm.s32 $0x280  }
0x24: {  	[spmem:s2] =	stream.indirect.scatter.add.f32 [tilespmem:s12], [sflag:$0x1], $0x8, s29, s13, $0xb8;
	[tilespmem:$0x4000] =	vst v63  }
0x25: {  	s30 =	simm.s32 $0x300  }
0x26: {  	[spmem:s2] =	stream.indirect.scatter.add.f32 [tilespmem:s12], [sflag:$0x1], $0x8, s30, s13, $0xb8;
	[tilespmem:$0x4000] =	vst v63  }
0x27: {  	s31 =	simm.s32 $0x380  }
0x28: {  	[spmem:s2] =	stream.indirect.scatter.add.f32 [tilespmem:s12], [sflag:$0x1], $0x8, s31, s13, $0xb8;
	[tilespmem:$0x4000] =	vst v63  }
0x29: {  	_ =	swait.ge [sflag:s14], $0x400  }
0x2a: {  	[sflag:s14] =	ssyncset.done $0x0  }
0x2b: {  	[sflag:s14] =	ssyncadd.s32 $0xFFFFFC00  }
0x2c: {  	_ =	swait.ge [sflag:s14], $0x400  }
0x2d: {  	[sflag:s14] =	ssyncset.done $0x0  }
0x2e: {  	[sflag:s14] =	ssyncadd.s32 $0xFFFFFC00  }
0x2f: {  	_ =	swait.ge [sflag:s14], $0x400  }
0x30: {  	[sflag:s14] =	ssyncset.done $0x0  }
0x31: {  	[sflag:s14] =	ssyncadd.s32 $0xFFFFFC00  }
0x32: {  	_ =	swait.ge [sflag:s14], $0x400  }
0x33: {  	[sflag:s14] =	ssyncset.done $0x0  }
0x34: {  	[sflag:s14] =	ssyncadd.s32 $0xFFFFFC00  }
0x35: {  	_ =	swait.ge [sflag:s14], $0x400  }
0x36: {  	[sflag:s14] =	ssyncset.done $0x0  }
0x37: {  	[sflag:s14] =	ssyncadd.s32 $0xFFFFFC00  }
0x38: {  	_ =	swait.ge [sflag:s14], $0x400  }
0x39: {  	[sflag:s14] =	ssyncset.done $0x0  }
0x3a: {  	[sflag:s14] =	ssyncadd.s32 $0xFFFFFC00  }
0x3b: {  	_ =	swait.ge [sflag:s14], $0x400  }
0x3c: {  	[sflag:s14] =	ssyncset.done $0x0  }
0x3d: {  	[sflag:s14] =	ssyncadd.s32 $0xFFFFFC00  }
0x3e: {  	_ =	swait.ge [sflag:s14], $0x400  }
0x3f: {  	s18 =	simm.s32 $0x2000;
	s16 =	simm.s32 $0x1000;
	[sflag:s14] =	ssyncset.done $0x0  }
.LBB2_2:
0x40: {  	s19 =	sshra.s32 s16, $0x2  }
0x41: {  	[sflag:s14] =	ssyncadd.s32 $0xFFFFFC00;
	s16 =	smov.u32 s18;
	s17 =	sadd.s32 $0x1000, s18  }
0x42: {  	[spmem:s2] =	stream.indirect.scatter.add.f32 [tilespmem:s12], [sflag:$0x1], $0x8, s19, s13, $0xb8;
	[tilespmem:$0x4000] =	vst v63  }
0x43: {  	p0 =	sne.s32 s18, $0x9000;
	s18 =	sadd.s32 $0x80, s19  }
0x44: {  	[spmem:s2] =	stream.indirect.scatter.add.f32 [tilespmem:s12], [sflag:$0x1], $0x8, s18, s13, $0xb8;
	[tilespmem:$0x4000] =	vst v63  }
0x45: {  	s18 =	sadd.s32 $0x100, s19  }
0x46: {  	[spmem:s2] =	stream.indirect.scatter.add.f32 [tilespmem:s12], [sflag:$0x1], $0x8, s18, s13, $0xb8;
	[tilespmem:$0x4000] =	vst v63  }
0x47: {  	s18 =	sadd.s32 $0x180, s19  }
0x48: {  	[spmem:s2] =	stream.indirect.scatter.add.f32 [tilespmem:s12], [sflag:$0x1], $0x8, s18, s13, $0xb8;
	[tilespmem:$0x4000] =	vst v63  }
0x49: {  	s18 =	sadd.s32 $0x200, s19  }
0x4a: {  	[spmem:s2] =	stream.indirect.scatter.add.f32 [tilespmem:s12], [sflag:$0x1], $0x8, s18, s13, $0xb8;
	[tilespmem:$0x4000] =	vst v63  }
0x4b: {  	s18 =	sadd.s32 $0x280, s19  }
0x4c: {  	[spmem:s2] =	stream.indirect.scatter.add.f32 [tilespmem:s12], [sflag:$0x1], $0x8, s18, s13, $0xb8;
	[tilespmem:$0x4000] =	vst v63  }
0x4d: {  	s18 =	sadd.s32 $0x300, s19  }
0x4e: {  	[spmem:s2] =	stream.indirect.scatter.add.f32 [tilespmem:s12], [sflag:$0x1], $0x8, s18, s13, $0xb8;
	[tilespmem:$0x4000] =	vst v63  }
0x4f: {  	s18 =	sadd.s32 $0x380, s19  }
0x50: {  	[spmem:s2] =	stream.indirect.scatter.add.f32 [tilespmem:s12], [sflag:$0x1], $0x8, s18, s13, $0xb8;
	[tilespmem:$0x4000] =	vst v63  }
0x51: {  	_ =	swait.ge [sflag:s14], $0x400  }
0x52: {  	[sflag:s14] =	ssyncset.done $0x0  }
0x53: {  	[sflag:s14] =	ssyncadd.s32 $0xFFFFFC00  }
0x54: {  	_ =	swait.ge [sflag:s14], $0x400  }
0x55: {  	[sflag:s14] =	ssyncset.done $0x0  }
0x56: {  	[sflag:s14] =	ssyncadd.s32 $0xFFFFFC00  }
0x57: {  	_ =	swait.ge [sflag:s14], $0x400  }
0x58: {  	[sflag:s14] =	ssyncset.done $0x0  }
0x59: {  	[sflag:s14] =	ssyncadd.s32 $0xFFFFFC00  }
0x5a: {  	_ =	swait.ge [sflag:s14], $0x400  }
0x5b: {  	[sflag:s14] =	ssyncset.done $0x0  }
0x5c: {  	[sflag:s14] =	ssyncadd.s32 $0xFFFFFC00  }
0x5d: {  	_ =	swait.ge [sflag:s14], $0x400  }
0x5e: {  	[sflag:s14] =	ssyncset.done $0x0  }
0x5f: {  	[sflag:s14] =	ssyncadd.s32 $0xFFFFFC00  }
0x60: {  	_ =	swait.ge [sflag:s14], $0x400  }
0x61: {  	[sflag:s14] =	ssyncset.done $0x0  }
0x62: {  	[sflag:s14] =	ssyncadd.s32 $0xFFFFFC00  }
.Ltmp0:
0x63: {  	_ =	swait.ge [sflag:s14], $0x400;
	(pc) =	sbr.rel @p0 .LBB2_2-.Ltmp0, $4  }
0x64: {  	[sflag:s14] =	ssyncset.done $0x0  }
0x65: {  	[sflag:s14] =	ssyncadd.s32 $0xFFFFFC00  }
0x66: {  	_ =	swait.ge [sflag:s14], $0x400  }
0x67: {  	s18 =	smov.u32 s17;
	[sflag:s14] =	ssyncset.done $0x0  }
0x68: {  	s16 =	sshra.s32 s16, $0x2;
	[sflag:s14] =	ssyncadd.s32 $0xFFFFFC00  }
0x69: {  	[spmem:s2] =	stream.indirect.scatter.add.f32 [tilespmem:s12], [sflag:$0x1], $0x8, s16, s13, $0xb8;
	[tilespmem:$0x4000] =	vst v63  }
0x6a: {  	s17 =	sadd.s32 $0x80, s16  }
0x6b: {  	[spmem:s2] =	stream.indirect.scatter.add.f32 [tilespmem:s12], [sflag:$0x1], $0x8, s17, s13, $0xb8;
	[tilespmem:$0x4000] =	vst v63  }
0x6c: {  	s26 =	sadd.s32 $0x100, s16  }
0x6d: {  	[spmem:s2] =	stream.indirect.scatter.add.f32 [tilespmem:s12], [sflag:$0x1], $0x8, s26, s13, $0xb8;
	[tilespmem:$0x4000] =	vst v63  }
0x6e: {  	s28 =	sadd.s32 $0x180, s16  }
0x6f: {  	[spmem:s2] =	stream.indirect.scatter.add.f32 [tilespmem:s12], [sflag:$0x1], $0x8, s28, s13, $0xb8;
	[tilespmem:$0x4000] =	vst v63  }
0x70: {  	s29 =	sadd.s32 $0x200, s16  }
0x71: {  	[spmem:s2] =	stream.indirect.scatter.add.f32 [tilespmem:s12], [sflag:$0x1], $0x8, s29, s13, $0xb8;
	[tilespmem:$0x4000] =	vst v63  }
0x72: {  	s30 =	sadd.s32 $0x280, s16  }
0x73: {  	[spmem:s2] =	stream.indirect.scatter.add.f32 [tilespmem:s12], [sflag:$0x1], $0x8, s30, s13, $0xb8;
	[tilespmem:$0x4000] =	vst v63  }
0x74: {  	s31 =	sadd.s32 $0x300, s16  }
0x75: {  	[spmem:s2] =	stream.indirect.scatter.add.f32 [tilespmem:s12], [sflag:$0x1], $0x8, s31, s13, $0xb8;
	[tilespmem:$0x4000] =	vst v63  }
0x76: {  	s16 =	sadd.s32 $0x380, s16  }
0x77: {  	[spmem:s2] =	stream.indirect.scatter.add.f32 [tilespmem:s12], [sflag:$0x1], $0x8, s16, s13, $0xb8;
	[tilespmem:$0x4000] =	vst v63  }
0x78: {  	_ =	swait.ge [sflag:s14], $0x400  }
0x79: {  	[sflag:s14] =	ssyncset.done $0x0  }
0x7a: {  	[sflag:s14] =	ssyncadd.s32 $0xFFFFFC00  }
0x7b: {  	_ =	swait.ge [sflag:s14], $0x400  }
0x7c: {  	[sflag:s14] =	ssyncset.done $0x0  }
0x7d: {  	[sflag:s14] =	ssyncadd.s32 $0xFFFFFC00  }
0x7e: {  	_ =	swait.ge [sflag:s14], $0x400  }
0x7f: {  	[sflag:s14] =	ssyncset.done $0x0  }
0x80: {  	[sflag:s14] =	ssyncadd.s32 $0xFFFFFC00  }
0x81: {  	_ =	swait.ge [sflag:s14], $0x400  }
0x82: {  	[sflag:s14] =	ssyncset.done $0x0  }
0x83: {  	[sflag:s14] =	ssyncadd.s32 $0xFFFFFC00  }
0x84: {  	_ =	swait.ge [sflag:s14], $0x400  }
0x85: {  	[sflag:s14] =	ssyncset.done $0x0  }
0x86: {  	[sflag:s14] =	ssyncadd.s32 $0xFFFFFC00  }
0x87: {  	_ =	swait.ge [sflag:s14], $0x400  }
0x88: {  	[sflag:s14] =	ssyncset.done $0x0  }
0x89: {  	[sflag:s14] =	ssyncadd.s32 $0xFFFFFC00  }
0x8a: {  	_ =	swait.ge [sflag:s14], $0x400  }
0x8b: {  	[sflag:s14] =	ssyncset.done $0x0  }
0x8c: {  	[sflag:s14] =	ssyncadd.s32 $0xFFFFFC00  }
0x8d: {  	_ =	swait.ge [sflag:s14], $0x400  }
0x8e: {  	s15 =	sadd.s32 $0x1, s15;
	[sflag:s14] =	ssyncset.done $0x0  }
0x8f: {  	p0 =	sne.s32 s15, s9;
	[sflag:s14] =	ssyncadd.s32 $0xFFFFFC00  }
.Ltmp1:
0x90: {  	[bflag:$0x0] =	sbarrier.arrive $0xFFFF;
	(pc) =	sbr.rel @p0 .LBB2_1-.Ltmp1, $4  }
0x91: {  	[hbm:s8], [sflag:s6] =	dma.local [spmem:s10], $0x280  }
0x92: {  	_ =	swait.ge [sflag:s11], $0x280  }
0x93: {  	[sflag:s11] =	ssyncset.done $0x0  }
0x94: {  	[sflag:s11] =	ssyncadd.s32 $0xFFFFFD80  }
0x95: {  	_ =	sfence.sel $0x180000  }
0x96: {  	[bflag:$0x0] =	sbarrier.arrive $0xFFFF  }
0x97: {  	p0 =	sne.s32 s0, $0x0;
	_ =	strace $0x90000047  }
0x98: {  	s0 =	sadd.s32 @!p0 $0x100000, s1;
	[bflag:$0x2] =	sbarrier.arrive $0xFFFF  }
0x99: {  	[sflag:s0] =	ssyncadd.tile.s32 @!p0 $0x1;
	_ =	shalt  }
.Lfunc_end2:
_tile_overlayer_lowered:
.L_overlay_start_2:
0x9a: {  	(tag) =	ssettag $0x2  }
0x9b: {  	s0 =	rddreg [dreg:$0x0];
	s2 =	stileid.u32  }
0x9c: {  	s1 =	rddreg [dreg:$0x1];
	p0 =	sne.s32 s2, $0x0  }
0x9d: {  	s3 =	rddreg [dreg:$0x2];
	[bflag:$0x3] =	sbarrier.arrive $0xFFFF;
	s2 =	simm.s32 @!p0 $0x1C02  }
0x9e: {  	[timem:s3], [sflag:s2] =	dma.local @!p0 [hbm:s0], s1  }
0x9f: {  	s0 =	simm.s32 @!p0 $0x2  }
0xa0: {  	_ =	swait.ge @!p0 [sflag:s0], s1  }
0xa1: {  	s1 =	ssub.s32 @!p0 $0x0, s1;
	[sflag:s0] =	ssyncset.done @!p0 $0x0  }
0xa2: {  	[sflag:s0] =	ssyncadd.s32 @!p0 s1  }
0xa3: {  	[bflag:$0x3] =	sbarrier.arrive $0xFFFF  }
0xa4: {  	_ =	shalt  }

</sc_bundles>
